<compile_context>
chip_gen: v7x
topology: tpu7x:2x2x1
jax: 0.10.2.dev20260603
libtpu: 0.0.44.dev20260713+nightly
codegen_flags: <defaults>
</compile_context>

<pallas_src>
import functools

import jax
import jax.numpy as jnp
from jax import lax
from jax.experimental import pallas as pl
from jax.experimental.pallas import tpu as pltpu
from jax.experimental.pallas import tpu_sc as plsc

N = 10000
E = 320000
D_IN = 128
D_H = 256
C = 16
R = 8

LN = 16
NPAD = 10400
ROWS = R * NPAD
NS = 16
NCORE = 2
RPT = ROWS // NS
SUB = 8
EBLK = SUB * 128
EPAD = 327680
EPT = EPAD // NS
NBLK = EPT // EBLK
ZB = 200


def _make_agg(nchunk):
    items_max = (nchunk + NCORE - 1) // NCORE
    mesh = plsc.VectorSubcoreMesh(core_axis_name="c", subcore_axis_name="s")

    @functools.partial(
        pl.kernel,
        out_type=jax.ShapeDtypeStruct((nchunk * ROWS, LN), jnp.float32),
        mesh=mesh,
        scratch_types=[
            pltpu.VMEM((SUB, 256), jnp.int32),
            pltpu.VMEM((SUB, 256), jnp.int32),
            pltpu.VMEM((SUB, 128), jnp.int32),
            pltpu.VMEM((SUB, 128), jnp.int32),
            pltpu.VMEM((SUB, 128), jnp.int32),
            pltpu.VMEM((SUB, 128), jnp.int32),
            pltpu.VMEM((SUB, 128, LN), jnp.float32),
            pltpu.VMEM((SUB, 128, LN), jnp.float32),
            pltpu.VMEM((ZB, LN), jnp.float32),
            pltpu.VMEM_SHARED((ROWS, LN), jnp.float32),
            pltpu.SemaphoreType.DMA,
            pltpu.SemaphoreType.DMA,
            pltpu.SemaphoreType.DMA,
            pltpu.SemaphoreType.DMA,
        ],
        compiler_params=pltpu.CompilerParams(use_tc_tiling_on_sc=False),
    )
    def agg(table, edges, out,
            eidx_a, eidx_b, gid_a, gid_b, bkt_a, bkt_b, rows_a, rows_b,
            zero_v, buckets, sem_ga, sem_gb, sem_sa, sem_sb):
        bufa = (eidx_a, gid_a, bkt_a, rows_a, sem_ga, sem_sa)
        bufb = (eidx_b, gid_b, bkt_b, rows_b, sem_gb, sem_sb)
        cid = lax.axis_index("c")
        sid = lax.axis_index("s")

        def zfill(i, c0):
            zero_v[i, :] = jnp.zeros((LN,), jnp.float32)
            return c0

        lax.fori_loop(0, ZB, zfill, 0)

        def drain_scatters(buf):
            _, _, bkt_v, rows_v, _, sem_s = buf
            for j2 in range(SUB):
                pltpu.make_async_copy(
                    rows_v.at[j2], buckets.at[bkt_v.at[j2]], sem_s).wait()

        def load_fire(b, item, buf):
            eidx_v, gid_v, bkt_v, rows_v, sem_g, _ = buf
            brow = (sid * NBLK + b) * SUB
            pltpu.sync_copy(edges.at[pl.ds(brow, SUB)], eidx_v)

            def row16(i, c3):
                jj = i // 8
                sl = pl.ds((i % 8) * LN, LN)
                bkt_v[jj, sl] = eidx_v[jj, pl.ds(128 + (i % 8) * LN, LN)]
                gid_v[jj, sl] = eidx_v[jj, pl.ds((i % 8) * LN, LN)] + item * N
                return c3

            lax.fori_loop(0, SUB * 8, row16, 0)
            for j2 in range(SUB):
                pltpu.async_copy(table.at[gid_v.at[j2]], rows_v.at[j2], sem_g)

        def phase(b, item, cur, nxt):
            @pl.when(b + 1 < NBLK)
            def _():
                @pl.when(b > 0)
                def _():
                    drain_scatters(nxt)
                load_fire(b + 1, item, nxt)

            eidx_v, gid_v, bkt_v, rows_v, sem_g, sem_s = cur
            for j2 in range(SUB):
                pltpu.make_async_copy(
                    table.at[gid_v.at[j2]], rows_v.at[j2], sem_g).wait()
            for j2 in range(SUB):
                pltpu.async_copy(rows_v.at[j2], buckets.at[bkt_v.at[j2]],
                                 sem_s, add=True)

        def do_item(j, carry):
            item = cid + NCORE * j

            @pl.when(item < nchunk)
            def _():
                def zclear(z, c1):
                    pltpu.sync_copy(
                        zero_v, buckets.at[pl.ds(sid * RPT + z * ZB, ZB)])
                    return c1

                lax.fori_loop(0, RPT // ZB, zclear, 0)
                plsc.subcore_barrier()

                load_fire(0, item, bufa)

                def do_pair(i2, c2):
                    b0 = 2 * i2
                    phase(b0, item, bufa, bufb)
                    phase(b0 + 1, item, bufb, bufa)
                    return c2

                lax.fori_loop(0, NBLK // 2, do_pair, 0)
                drain_scatters(bufa)
                drain_scatters(bufb)
                plsc.subcore_barrier()
                pltpu.sync_copy(
                    buckets.at[pl.ds(sid * RPT, RPT)],
                    out.at[pl.ds(item * ROWS + sid * RPT, RPT)])

            return carry

        lax.fori_loop(0, items_max, do_item, 0)

    return agg


def _tc_layer(x, root, bias, W, aggv, invT, relu):
    n, d_in = x.shape
    d_out = W.shape[2]
    nchunk = d_in // LN
    RB = 400
    nb = n // RB
    NBP = NPAD // RB

    def body(x_ref, root_ref, b_ref, w_ref, agg_ref, inv_ref, out_ref):
        r = pl.program_id(1)

        @pl.when(r == 0)
        def _():
            out_ref[...] = jnp.dot(
                x_ref[...], root_ref[...],
                preferred_element_type=jnp.float32) + b_ref[...]

        sel = (lax.broadcasted_iota(jnp.int32, (1, R), 1) == r)
        inv_col = jnp.sum(inv_ref[...] * sel.astype(jnp.float32),
                          axis=1, keepdims=True)
        agg_blk = jnp.concatenate(
            [agg_ref[c, 0] for c in range(nchunk)], axis=1)
        out_ref[...] = out_ref[...] + jnp.dot(
            agg_blk * inv_col, w_ref[0],
            preferred_element_type=jnp.float32)

        if relu:
            @pl.when(r == R - 1)
            def _():
                out_ref[...] = jnp.maximum(out_ref[...], 0.0)

    return pl.pallas_call(
        body,
        grid=(nb, R),
        in_specs=[
            pl.BlockSpec((RB, d_in), lambda i, r: (i, 0)),
            pl.BlockSpec((d_in, d_out), lambda i, r: (0, 0)),
            pl.BlockSpec((1, d_out), lambda i, r: (0, 0)),
            pl.BlockSpec((1, d_in, d_out), lambda i, r: (r, 0, 0)),
            pl.BlockSpec((nchunk, 1, RB, LN),
                         lambda i, r: (0, r * NBP + i, 0, 0)),
            pl.BlockSpec((RB, R), lambda i, r: (i, 0)),
        ],
        out_specs=pl.BlockSpec((RB, d_out), lambda i, r: (i, 0)),
        out_shape=jax.ShapeDtypeStruct((n, d_out), jnp.float32),
    )(x, root, bias, W, aggv, invT)


@jax.jit
def kernel(x, edge_index, edge_type, W1, root1, b1, W2, root2, b2):
    src = edge_index[0]
    dst = edge_index[1]
    pad = EPAD - E
    srcs = jnp.concatenate([src, jnp.zeros((pad,), jnp.int32)]).reshape(-1, 128)
    bkt = edge_type * NPAD + dst
    bkts = jnp.concatenate([bkt, jnp.full((pad,), N, jnp.int32)]).reshape(-1, 128)
    edges = jnp.concatenate([srcs, bkts], axis=1)

    nch1 = D_IN // LN + 1
    t1 = jnp.concatenate(
        [x.reshape(N, D_IN // LN, LN).transpose(1, 0, 2).reshape(-1, LN),
         jnp.ones((N, LN), jnp.float32)], axis=0)
    a1raw = _make_agg(nch1)(t1, edges)
    a1v = a1raw.reshape(nch1, R * (NPAD // 400), 400, LN)
    cnt = a1raw.reshape(nch1, ROWS, LN)[D_IN // LN, :, 0].reshape(R, NPAD)
    invT = (1.0 / jnp.maximum(cnt, 1.0)).T

    h = _tc_layer(x, root1, b1.reshape(1, -1), W1, a1v, invT, relu=True)

    nch2 = D_H // LN
    t2 = h.reshape(N, nch2, LN).transpose(1, 0, 2).reshape(-1, LN)
    a2v = _make_agg(nch2)(t2, edges).reshape(nch2, R * (NPAD // 400), 400, LN)

    return _tc_layer(h, root2, b2.reshape(1, -1), W2, a2v, invT, relu=False)

# --- scband reference (transcript-rebuilt; emitter-appended) ---
"""Pipeline reference for scband-rgcn-38680475468491 (READ-ONLY COPY).

The authoritative reference and input builder live on the scoring server;
editing this copy changes nothing except your own understanding.
"""

import jax, jax.numpy as jnp
import numpy as np

N = 10000
E = 320000
D_IN = 128
D_H = 256
C = 16
R = 8


def setup_inputs(seed: int = 0) -> dict:
    key = jax.random.key(seed)
    ks = jax.random.split(key, 10)
    x = jax.random.normal(ks[0], (N, D_IN), dtype=jnp.float32)
    edge_index = jax.random.randint(ks[1], (2, E), 0, N, dtype=jnp.int32)
    edge_type = jax.random.randint(ks[2], (E,), 0, R, dtype=jnp.int32)
    W1 = jax.random.normal(ks[3], (R, D_IN, D_H), dtype=jnp.float32) * (1.0 / np.sqrt(D_IN))
    root1 = jax.random.normal(ks[4], (D_IN, D_H), dtype=jnp.float32) * (1.0 / np.sqrt(D_IN))
    b1 = jnp.zeros((D_H,), dtype=jnp.float32)
    W2 = jax.random.normal(ks[5], (R, D_H, C), dtype=jnp.float32) * (1.0 / np.sqrt(D_H))
    root2 = jax.random.normal(ks[6], (D_H, C), dtype=jnp.float32) * (1.0 / np.sqrt(D_H))
    b2 = jnp.zeros((C,), dtype=jnp.float32)
    return {"x": x, "edge_index": edge_index, "edge_type": edge_type,
            "W1": W1, "root1": root1, "b1": b1,
            "W2": W2, "root2": root2, "b2": b2}


def _rgcn_conv(x, edge_index, edge_type, W, root, b):
    # Faithful to PyG RGCNConv defaults: per-relation mean aggregation
    # over incoming edges, plus root (self) transform and bias.
    src = edge_index[0]
    dst = edge_index[1]
    n = x.shape[0]
    d_out = W.shape[2]
    out = x @ root + b
    xs = x[src]  # gather source node features [E, d_in]
    for r in range(R):
        mask = (edge_type == r).astype(x.dtype)  # [E]
        msg = (xs @ W[r]) * mask[:, None]  # [E, d_out]
        summed = jnp.zeros((n, d_out), dtype=x.dtype).at[dst].add(msg)
        cnt = jnp.zeros((n,), dtype=x.dtype).at[dst].add(mask)
        out = out + summed / jnp.maximum(cnt, 1.0)[:, None]
    return out


def reference(x, edge_index, edge_type, W1, root1, b1, W2, root2, b2):
    h = jax.nn.relu(_rgcn_conv(x, edge_index, edge_type, W1, root1, b1))
    # dropout p=0.5 is identity in eval/inference mode
    out = _rgcn_conv(h, edge_index, edge_type, W2, root2, b2)
    return out

if __name__ == "__main__":
    import jax
    _d = setup_inputs()
    print(jax.jit(kernel)(*tuple(_d.values())))

</pallas_src>

<mosaic_0001>
#map = affine_map<(d0, d1) -> (0, 0)>
module attributes {stable_mosaic.version = 14 : i64} {
  func.func @agg(%arg0: i32, %arg1: i32, %arg2: memref<90000x16xf32, #tpu.memory_space<hbm>>, %arg3: memref<2560x256xi32, #tpu.memory_space<hbm>>, %arg4: memref<748800x16xf32, #tpu.memory_space<hbm>>, %arg5: memref<8x256xi32, #tpu.memory_space<vmem>>, %arg6: memref<8x256xi32, #tpu.memory_space<vmem>>, %arg7: memref<8x128xi32, #tpu.memory_space<vmem>>, %arg8: memref<8x128xi32, #tpu.memory_space<vmem>>, %arg9: memref<8x128xi32, #tpu.memory_space<vmem>>, %arg10: memref<8x128xi32, #tpu.memory_space<vmem>>, %arg11: memref<8x128x16xf32, #tpu.memory_space<vmem>>, %arg12: memref<8x128x16xf32, #tpu.memory_space<vmem>>, %arg13: memref<200x16xf32, #tpu.memory_space<vmem>>, %arg14: memref<83200x16xf32, #tpu.memory_space<vmem_shared>>, %arg15: memref<!tpu.dma_semaphore, #tpu.memory_space<semaphore_mem>>, %arg16: memref<!tpu.dma_semaphore, #tpu.memory_space<semaphore_mem>>, %arg17: memref<!tpu.dma_semaphore, #tpu.memory_space<semaphore_mem>>, %arg18: memref<!tpu.dma_semaphore, #tpu.memory_space<semaphore_mem>>) attributes {dimension_semantics = [#tpu.dimension_semantics<core_parallel>, #tpu.dimension_semantics<subcore_parallel>], iteration_bounds = array<i64: 2, 16>, scalar_prefetch = 0 : i64, scratch_operands = 14 : i64, tpu.core_type = #tpu.core_type<sc_vector_subcore>, window_params = [{transform_indices = #map}, {transform_indices = #map}, {transform_indices = #map}]} {
    %scan3A = arith.constant 0 : i32
    %scan3A_0 = arith.constant 0 : i32
    %scan3A_1 = arith.constant 200 : i32
    %scan3A_2 = arith.addi %scan3A_0, %scan3A_1 : i32
    %scan3A_3 = arith.constant 1 : i32
    scf.for %scan3A_11 = %scan3A_0 to %scan3A_2 step %scan3A_3  : i32 {
      %broadcast_in_dim3A = arith.constant 0.000000e+00 : f32
      %broadcast_in_dim3A_12 = vector.broadcast %broadcast_in_dim3A : f32 to vector<16xf32>
      %swap3A = arith.index_cast %scan3A_11 : i32 to index
      %swap3A_13 = arith.constant 0 : index
      %swap3A_14 = tpu.vector_load %arg13[%swap3A, %swap3A_13] {strides = array<i32>} : memref<200x16xf32, #tpu.memory_space<vmem>>, vector<1x16xf32>,
      %swap3A_15 = vector.shape_cast %swap3A_14 : vector<1x16xf32> to vector<16xf32>
      %swap3A_16 = vector.shape_cast %broadcast_in_dim3A_12 : vector<16xf32> to vector<1x16xf32>
      tpu.vector_store %arg13[%swap3A, %swap3A_13], %swap3A_16 {strides = array<i32>} : memref<200x16xf32, #tpu.memory_space<vmem>>, vector<1x16xf32>,
    }
    %scan3A_4 = arith.constant 200 : i32
    %scan3A_5 = arith.constant 0 : i32
    %scan3A_6 = arith.constant 0 : i32
    %scan3A_7 = arith.constant 5 : i32
    %scan3A_8 = arith.addi %scan3A_6, %scan3A_7 : i32
    %scan3A_9 = arith.constant 1 : i32
    scf.for %scan3A_11 = %scan3A_6 to %scan3A_8 step %scan3A_9  : i32 {
      %mul3A = arith.constant 2 : i32
      %mul3A_12 = arith.muli %mul3A, %scan3A_11 : i32
      %add3A = arith.addi %arg0, %mul3A_12 : i32
      %lt3A = arith.constant 9 : i32
      %lt3A_13 = arith.cmpi slt, %add3A, %lt3A : i32
      %convert_element_type3A = arith.extui %lt3A_13 : i1 to i32
      %cond3A = arith.constant 0 : i32
      %cond3A_14 = arith.cmpi ne, %convert_element_type3A, %cond3A : i32
      scf.if %cond3A_14 {
        %scan3A_15 = arith.constant 0 : i32
        %scan3A_16 = arith.constant 0 : i32
        %scan3A_17 = arith.constant 26 : i32
        %scan3A_18 = arith.addi %scan3A_16, %scan3A_17 : i32
        %scan3A_19 = arith.constant 1 : i32
        scf.for %scan3A_333 = %scan3A_16 to %scan3A_18 step %scan3A_19  : i32 {
          %mul3A_334 = arith.constant 5200 : i32
          %mul3A_335 = arith.muli %arg1, %mul3A_334 : i32
          %mul3A_336 = arith.constant 200 : i32
          %mul3A_337 = arith.muli %scan3A_333, %mul3A_336 : i32
          %add3A_338 = arith.addi %mul3A_335, %mul3A_337 : i32
          "tpu.region"() ({
            %run_scoped3A = tpu.sem_alloc : memref<!tpu.dma_semaphore, #tpu.memory_space<semaphore_mem>>
            %dma_start3A_339 = arith.constant 0 : i32
            %dma_start3A_340 = tpu.memref_slice %arg14[%add3A_338, %dma_start3A_339] : memref<83200x16xf32, #tpu.memory_space<vmem_shared>> -> memref<200x16xf32, #tpu.memory_space<vmem_shared>>
            %dma_start3A_341 = arith.constant 0 : i32
            %dma_start3A_342 = tpu.memref_slice %arg14[%add3A_338, %dma_start3A_341] : memref<83200x16xf32, #tpu.memory_space<vmem_shared>> -> memref<200x16xf32, #tpu.memory_space<vmem_shared>>
            tpu.enqueue_dma source(%arg13 : memref<200x16xf32, #tpu.memory_space<vmem>>) target(%dma_start3A_342 : memref<200x16xf32, #tpu.memory_space<vmem_shared>>) target_semaphore(%run_scoped3A : memref<!tpu.dma_semaphore, #tpu.memory_space<semaphore_mem>>)
            %dma_wait3A_343 = arith.constant 0 : i32
            %dma_wait3A_344 = tpu.memref_slice %arg14[%add3A_338, %dma_wait3A_343] : memref<83200x16xf32, #tpu.memory_space<vmem_shared>> -> memref<200x16xf32, #tpu.memory_space<vmem_shared>>
            %dma_wait3A_345 = arith.constant 0 : i32
            %dma_wait3A_346 = tpu.memref_slice %arg14[%add3A_338, %dma_wait3A_345] : memref<83200x16xf32, #tpu.memory_space<vmem_shared>> -> memref<200x16xf32, #tpu.memory_space<vmem_shared>>
            tpu.wait_dma2 semaphore(%run_scoped3A : memref<!tpu.dma_semaphore, #tpu.memory_space<semaphore_mem>>) src(%arg13 : memref<200x16xf32, #tpu.memory_space<vmem>>) dst(%dma_wait3A_346 : memref<200x16xf32, #tpu.memory_space<vmem_shared>>)
            tpu.yield
          }) : () -> ()
        }
        %scan3A_20 = arith.constant 26 : i32
        %barrier3A = arith.constant 0 : index
        tpu.barrier barrier_id(%barrier3A)
        %mul3A_21 = arith.constant 20 : i32
        %mul3A_22 = arith.muli %arg1, %mul3A_21 : i32
        %add3A_23 = arith.constant 0 : i32
        %add3A_24 = arith.addi %mul3A_22, %add3A_23 : i32
        %mul3A_25 = arith.constant 8 : i32
        %mul3A_26 = arith.muli %add3A_24, %mul3A_25 : i32
        "tpu.region"() ({
          %run_scoped3A = tpu.sem_alloc : memref<!tpu.dma_semaphore, #tpu.memory_space<semaphore_mem>>
          %dma_start3A_333 = arith.constant 0 : i32
          %dma_start3A_334 = tpu.memref_slice %arg3[%mul3A_26, %dma_start3A_333] : memref<2560x256xi32, #tpu.memory_space<hbm>> -> memref<8x256xi32, #tpu.memory_space<hbm>>
          %dma_start3A_335 = arith.constant 0 : i32
          %dma_start3A_336 = tpu.memref_slice %arg3[%mul3A_26, %dma_start3A_335] : memref<2560x256xi32, #tpu.memory_space<hbm>> -> memref<8x256xi32, #tpu.memory_space<hbm>>
          tpu.enqueue_dma source(%dma_start3A_336 : memref<8x256xi32, #tpu.memory_space<hbm>>) target(%arg5 : memref<8x256xi32, #tpu.memory_space<vmem>>) target_semaphore(%run_scoped3A : memref<!tpu.dma_semaphore, #tpu.memory_space<semaphore_mem>>)
          %dma_wait3A_337 = arith.constant 0 : i32
          %dma_wait3A_338 = tpu.memref_slice %arg3[%mul3A_26, %dma_wait3A_337] : memref<2560x256xi32, #tpu.memory_space<hbm>> -> memref<8x256xi32, #tpu.memory_space<hbm>>
          %dma_wait3A_339 = arith.constant 0 : i32
          %dma_wait3A_340 = tpu.memref_slice %arg3[%mul3A_26, %dma_wait3A_339] : memref<2560x256xi32, #tpu.memory_space<hbm>> -> memref<8x256xi32, #tpu.memory_space<hbm>>
          tpu.wait_dma2 semaphore(%run_scoped3A : memref<!tpu.dma_semaphore, #tpu.memory_space<semaphore_mem>>) src(%dma_wait3A_340 : memref<8x256xi32, #tpu.memory_space<hbm>>) dst(%arg5 : memref<8x256xi32, #tpu.memory_space<vmem>>)
          tpu.yield
        }) : () -> ()
        %scan3A_27 = arith.constant 0 : i32
        %scan3A_28 = arith.constant 0 : i32
        %scan3A_29 = arith.constant 64 : i32
        %scan3A_30 = arith.addi %scan3A_28, %scan3A_29 : i32
        %scan3A_31 = arith.constant 1 : i32
        scf.for %scan3A_333 = %scan3A_28 to %scan3A_30 step %scan3A_31  : i32 {
          %jit3A = arith.constant 8 : i32
          %div3A = arith.divsi %scan3A_333, %jit3A : i32
          %sign3A = arith.constant 0 : i32
          %sign3A_334 = arith.cmpi sgt, %scan3A_333, %sign3A : i32
          %sign3A_335 = arith.extui %sign3A_334 : i1 to i32
          %sign3A_336 = arith.constant 0 : i32
          %sign3A_337 = arith.cmpi slt, %scan3A_333, %sign3A_336 : i32
          %sign3A_338 = arith.extui %sign3A_337 : i1 to i32
          %sign3A_339 = arith.subi %sign3A_335, %sign3A_338 : i32
          %sign3A_340 = arith.constant 0 : i32
          %sign3A_341 = arith.cmpi sgt, %jit3A, %sign3A_340 : i32
          %sign3A_342 = arith.extui %sign3A_341 : i1 to i32
          %sign3A_343 = arith.constant 0 : i32
          %sign3A_344 = arith.cmpi slt, %jit3A, %sign3A_343 : i32
          %sign3A_345 = arith.extui %sign3A_344 : i1 to i32
          %sign3A_346 = arith.subi %sign3A_342, %sign3A_345 : i32
          %ne3A = arith.cmpi ne, %sign3A_339, %sign3A_346 : i32
          %rem3A = arith.remsi %scan3A_333, %jit3A : i32
          %ne3A_347 = arith.constant 0 : i32
          %ne3A_348 = arith.cmpi ne, %rem3A, %ne3A_347 : i32
          %and3A = arith.andi %ne3A, %ne3A_348 : i1
          %sub3A = arith.constant 1 : i32
          %sub3A_349 = arith.subi %div3A, %sub3A : i32
          %select_n3A = arith.select %and3A, %sub3A_349, %div3A : i32
          %jit3A_350 = arith.constant 8 : i32
          %eq3A = arith.constant 0 : i32
          %eq3A_351 = arith.cmpi eq, %jit3A_350, %eq3A : i32
          %jit3A_352 = arith.constant 1 : i32
          %select_n3A_353 = arith.select %eq3A_351, %jit3A_352, %jit3A_350 : i32
          %rem3A_354 = arith.remsi %scan3A_333, %select_n3A_353 : i32
          %ne3A_355 = arith.constant 0 : i32
          %ne3A_356 = arith.cmpi ne, %rem3A_354, %ne3A_355 : i32
          %lt3A_357 = arith.constant 0 : i32
          %lt3A_358 = arith.cmpi slt, %rem3A_354, %lt3A_357 : i32
          %lt3A_359 = arith.constant 0 : i32
          %lt3A_360 = arith.cmpi slt, %select_n3A_353, %lt3A_359 : i32
          %ne3A_361 = arith.xori %lt3A_358, %lt3A_360 : i1
          %and3A_362 = arith.andi %ne3A_361, %ne3A_356 : i1
          %add3A_363 = arith.addi %rem3A_354, %select_n3A_353 : i32
          %select_n3A_364 = arith.select %and3A_362, %add3A_363, %rem3A_354 : i32
          %mul3A_365 = arith.constant 16 : i32
          %mul3A_366 = arith.muli %select_n3A_364, %mul3A_365 : i32
          %jit3A_367 = arith.constant 8 : i32
          %eq3A_368 = arith.constant 0 : i32
          %eq3A_369 = arith.cmpi eq, %jit3A_367, %eq3A_368 : i32
          %jit3A_370 = arith.constant 1 : i32
          %select_n3A_371 = arith.select %eq3A_369, %jit3A_370, %jit3A_367 : i32
          %rem3A_372 = arith.remsi %scan3A_333, %select_n3A_371 : i32
          %ne3A_373 = arith.constant 0 : i32
          %ne3A_374 = arith.cmpi ne, %rem3A_372, %ne3A_373 : i32
          %lt3A_375 = arith.constant 0 : i32
          %lt3A_376 = arith.cmpi slt, %rem3A_372, %lt3A_375 : i32
          %lt3A_377 = arith.constant 0 : i32
          %lt3A_378 = arith.cmpi slt, %select_n3A_371, %lt3A_377 : i32
          %ne3A_379 = arith.xori %lt3A_376, %lt3A_378 : i1
          %and3A_380 = arith.andi %ne3A_379, %ne3A_374 : i1
          %add3A_381 = arith.addi %rem3A_372, %select_n3A_371 : i32
          %select_n3A_382 = arith.select %and3A_380, %add3A_381, %rem3A_372 : i32
          %mul3A_383 = arith.constant 16 : i32
          %mul3A_384 = arith.muli %select_n3A_382, %mul3A_383 : i32
          %add3A_385 = arith.constant 128 : i32
          %add3A_386 = arith.addi %add3A_385, %mul3A_384 : i32
          %get3A = arith.index_cast %select_n3A : i32 to index
          %get3A_387 = arith.index_cast %add3A_386 : i32 to index
          %get3A_388 = tpu.vector_load %arg5[%get3A, %get3A_387] {strides = array<i32>} : memref<8x256xi32, #tpu.memory_space<vmem>>, vector<1x16xi32>,
          %get3A_389 = vector.shape_cast %get3A_388 : vector<1x16xi32> to vector<16xi32>
          %swap3A = arith.index_cast %select_n3A : i32 to index
          %swap3A_390 = arith.index_cast %mul3A_366 : i32 to index
          %swap3A_391 = tpu.vector_load %arg9[%swap3A, %swap3A_390] {strides = array<i32>} : memref<8x128xi32, #tpu.memory_space<vmem>>, vector<1x16xi32>,
          %swap3A_392 = vector.shape_cast %swap3A_391 : vector<1x16xi32> to vector<16xi32>
          %swap3A_393 = vector.shape_cast %get3A_389 : vector<16xi32> to vector<1x16xi32>
          tpu.vector_store %arg9[%swap3A, %swap3A_390], %swap3A_393 {strides = array<i32>} : memref<8x128xi32, #tpu.memory_space<vmem>>, vector<1x16xi32>,
          %jit3A_394 = arith.constant 8 : i32
          %eq3A_395 = arith.constant 0 : i32
          %eq3A_396 = arith.cmpi eq, %jit3A_394, %eq3A_395 : i32
          %jit3A_397 = arith.constant 1 : i32
          %select_n3A_398 = arith.select %eq3A_396, %jit3A_397, %jit3A_394 : i32
          %rem3A_399 = arith.remsi %scan3A_333, %select_n3A_398 : i32
          %ne3A_400 = arith.constant 0 : i32
          %ne3A_401 = arith.cmpi ne, %rem3A_399, %ne3A_400 : i32
          %lt3A_402 = arith.constant 0 : i32
          %lt3A_403 = arith.cmpi slt, %rem3A_399, %lt3A_402 : i32
          %lt3A_404 = arith.constant 0 : i32
          %lt3A_405 = arith.cmpi slt, %select_n3A_398, %lt3A_404 : i32
          %ne3A_406 = arith.xori %lt3A_403, %lt3A_405 : i1
          %and3A_407 = arith.andi %ne3A_406, %ne3A_401 : i1
          %add3A_408 = arith.addi %rem3A_399, %select_n3A_398 : i32
          %select_n3A_409 = arith.select %and3A_407, %add3A_408, %rem3A_399 : i32
          %mul3A_410 = arith.constant 16 : i32
          %mul3A_411 = arith.muli %select_n3A_409, %mul3A_410 : i32
          %get3A_412 = arith.index_cast %select_n3A : i32 to index
          %get3A_413 = arith.index_cast %mul3A_411 : i32 to index
          %get3A_414 = tpu.vector_load %arg5[%get3A_412, %get3A_413] {strides = array<i32>} : memref<8x256xi32, #tpu.memory_space<vmem>>, vector<1x16xi32>,
          %get3A_415 = vector.shape_cast %get3A_414 : vector<1x16xi32> to vector<16xi32>
          %mul3A_416 = arith.constant 10000 : i32
          %mul3A_417 = arith.muli %add3A, %mul3A_416 : i32
          %add3A_418 = vector.broadcast %mul3A_417 : i32 to vector<16xi32>
          %add3A_419 = arith.addi %get3A_415, %add3A_418 : vector<16xi32>
          %swap3A_420 = arith.index_cast %select_n3A : i32 to index
          %swap3A_421 = arith.index_cast %mul3A_366 : i32 to index
          %swap3A_422 = tpu.vector_load %arg7[%swap3A_420, %swap3A_421] {strides = array<i32>} : memref<8x128xi32, #tpu.memory_space<vmem>>, vector<1x16xi32>,
          %swap3A_423 = vector.shape_cast %swap3A_422 : vector<1x16xi32> to vector<16xi32>
          %swap3A_424 = vector.shape_cast %add3A_419 : vector<16xi32> to vector<1x16xi32>
          tpu.vector_store %arg7[%swap3A_420, %swap3A_421], %swap3A_424 {strides = array<i32>} : memref<8x128xi32, #tpu.memory_space<vmem>>, vector<1x16xi32>,
        }
        %scan3A_32 = arith.constant 64 : i32
        %dma_start3A = arith.constant 0 : i32
        %dma_start3A_33 = arith.constant 0 : i32
        %dma_start3A_34 = arith.constant 0 : i32
        %dma_start3A_35 = arith.constant 0 : i32
        %dma_start3A_36 = tpu.memref_slice %arg11[%dma_start3A_33, %dma_start3A_34, %dma_start3A_35] : memref<8x128x16xf32, #tpu.memory_space<vmem>> -> memref<1x128x16xf32, #tpu.memory_space<vmem>>
        %dma_start3A_37 = tpu.memref_squeeze %dma_start3A_36 : memref<1x128x16xf32, #tpu.memory_space<vmem>> -> memref<128x16xf32, #tpu.memory_space<vmem>>
        %dma_start3A_38 = arith.constant 0 : i32
        %dma_start3A_39 = tpu.memref_slice %arg7[%dma_start3A, %dma_start3A_38] : memref<8x128xi32, #tpu.memory_space<vmem>> -> memref<1x128xi32, #tpu.memory_space<vmem>>
        %dma_start3A_40 = tpu.memref_squeeze %dma_start3A_39 : memref<1x128xi32, #tpu.memory_space<vmem>> -> memref<128xi32, #tpu.memory_space<vmem>>
        %dma_start3A_41 = arith.constant 0 : i32
        %dma_start3A_42 = arith.constant 0 : i32
        %dma_start3A_43 = tpu.memref_slice %arg2[%dma_start3A_41, %dma_start3A_42] : memref<90000x16xf32, #tpu.memory_space<hbm>> -> memref<90000x16xf32, #tpu.memory_space<hbm>>
        tpu.enqueue_indirect_dma source(%dma_start3A_43 : memref<90000x16xf32, #tpu.memory_space<hbm>>) target(%dma_start3A_37 : memref<128x16xf32, #tpu.memory_space<vmem>>) offsets(%dma_start3A_40 : memref<128xi32, #tpu.memory_space<vmem>>) semaphore(%arg15 : memref<!tpu.dma_semaphore, #tpu.memory_space<semaphore_mem>>)
        %dma_start3A_44 = arith.constant 1 : i32
        %dma_start3A_45 = arith.constant 1 : i32
        %dma_start3A_46 = arith.constant 0 : i32
        %dma_start3A_47 = arith.constant 0 : i32
        %dma_start3A_48 = tpu.memref_slice %arg11[%dma_start3A_45, %dma_start3A_46, %dma_start3A_47] : memref<8x128x16xf32, #tpu.memory_space<vmem>> -> memref<1x128x16xf32, #tpu.memory_space<vmem>>
        %dma_start3A_49 = tpu.memref_squeeze %dma_start3A_48 : memref<1x128x16xf32, #tpu.memory_space<vmem>> -> memref<128x16xf32, #tpu.memory_space<vmem>>
        %dma_start3A_50 = arith.constant 0 : i32
        %dma_start3A_51 = tpu.memref_slice %arg7[%dma_start3A_44, %dma_start3A_50] : memref<8x128xi32, #tpu.memory_space<vmem>> -> memref<1x128xi32, #tpu.memory_space<vmem>>
        %dma_start3A_52 = tpu.memref_squeeze %dma_start3A_51 : memref<1x128xi32, #tpu.memory_space<vmem>> -> memref<128xi32, #tpu.memory_space<vmem>>
        %dma_start3A_53 = arith.constant 0 : i32
        %dma_start3A_54 = arith.constant 0 : i32
        %dma_start3A_55 = tpu.memref_slice %arg2[%dma_start3A_53, %dma_start3A_54] : memref<90000x16xf32, #tpu.memory_space<hbm>> -> memref<90000x16xf32, #tpu.memory_space<hbm>>
        tpu.enqueue_indirect_dma source(%dma_start3A_55 : memref<90000x16xf32, #tpu.memory_space<hbm>>) target(%dma_start3A_49 : memref<128x16xf32, #tpu.memory_space<vmem>>) offsets(%dma_start3A_52 : memref<128xi32, #tpu.memory_space<vmem>>) semaphore(%arg15 : memref<!tpu.dma_semaphore, #tpu.memory_space<semaphore_mem>>)
        %dma_start3A_56 = arith.constant 2 : i32
        %dma_start3A_57 = arith.constant 2 : i32
        %dma_start3A_58 = arith.constant 0 : i32
        %dma_start3A_59 = arith.constant 0 : i32
        %dma_start3A_60 = tpu.memref_slice %arg11[%dma_start3A_57, %dma_start3A_58, %dma_start3A_59] : memref<8x128x16xf32, #tpu.memory_space<vmem>> -> memref<1x128x16xf32, #tpu.memory_space<vmem>>
        %dma_start3A_61 = tpu.memref_squeeze %dma_start3A_60 : memref<1x128x16xf32, #tpu.memory_space<vmem>> -> memref<128x16xf32, #tpu.memory_space<vmem>>
        %dma_start3A_62 = arith.constant 0 : i32
        %dma_start3A_63 = tpu.memref_slice %arg7[%dma_start3A_56, %dma_start3A_62] : memref<8x128xi32, #tpu.memory_space<vmem>> -> memref<1x128xi32, #tpu.memory_space<vmem>>
        %dma_start3A_64 = tpu.memref_squeeze %dma_start3A_63 : memref<1x128xi32, #tpu.memory_space<vmem>> -> memref<128xi32, #tpu.memory_space<vmem>>
        %dma_start3A_65 = arith.constant 0 : i32
        %dma_start3A_66 = arith.constant 0 : i32
        %dma_start3A_67 = tpu.memref_slice %arg2[%dma_start3A_65, %dma_start3A_66] : memref<90000x16xf32, #tpu.memory_space<hbm>> -> memref<90000x16xf32, #tpu.memory_space<hbm>>
        tpu.enqueue_indirect_dma source(%dma_start3A_67 : memref<90000x16xf32, #tpu.memory_space<hbm>>) target(%dma_start3A_61 : memref<128x16xf32, #tpu.memory_space<vmem>>) offsets(%dma_start3A_64 : memref<128xi32, #tpu.memory_space<vmem>>) semaphore(%arg15 : memref<!tpu.dma_semaphore, #tpu.memory_space<semaphore_mem>>)
        %dma_start3A_68 = arith.constant 3 : i32
        %dma_start3A_69 = arith.constant 3 : i32
        %dma_start3A_70 = arith.constant 0 : i32
        %dma_start3A_71 = arith.constant 0 : i32
        %dma_start3A_72 = tpu.memref_slice %arg11[%dma_start3A_69, %dma_start3A_70, %dma_start3A_71] : memref<8x128x16xf32, #tpu.memory_space<vmem>> -> memref<1x128x16xf32, #tpu.memory_space<vmem>>
        %dma_start3A_73 = tpu.memref_squeeze %dma_start3A_72 : memref<1x128x16xf32, #tpu.memory_space<vmem>> -> memref<128x16xf32, #tpu.memory_space<vmem>>
        %dma_start3A_74 = arith.constant 0 : i32
        %dma_start3A_75 = tpu.memref_slice %arg7[%dma_start3A_68, %dma_start3A_74] : memref<8x128xi32, #tpu.memory_space<vmem>> -> memref<1x128xi32, #tpu.memory_space<vmem>>
        %dma_start3A_76 = tpu.memref_squeeze %dma_start3A_75 : memref<1x128xi32, #tpu.memory_space<vmem>> -> memref<128xi32, #tpu.memory_space<vmem>>
        %dma_start3A_77 = arith.constant 0 : i32
        %dma_start3A_78 = arith.constant 0 : i32
        %dma_start3A_79 = tpu.memref_slice %arg2[%dma_start3A_77, %dma_start3A_78] : memref<90000x16xf32, #tpu.memory_space<hbm>> -> memref<90000x16xf32, #tpu.memory_space<hbm>>
        tpu.enqueue_indirect_dma source(%dma_start3A_79 : memref<90000x16xf32, #tpu.memory_space<hbm>>) target(%dma_start3A_73 : memref<128x16xf32, #tpu.memory_space<vmem>>) offsets(%dma_start3A_76 : memref<128xi32, #tpu.memory_space<vmem>>) semaphore(%arg15 : memref<!tpu.dma_semaphore, #tpu.memory_space<semaphore_mem>>)
        %dma_start3A_80 = arith.constant 4 : i32
        %dma_start3A_81 = arith.constant 4 : i32
        %dma_start3A_82 = arith.constant 0 : i32
        %dma_start3A_83 = arith.constant 0 : i32
        %dma_start3A_84 = tpu.memref_slice %arg11[%dma_start3A_81, %dma_start3A_82, %dma_start3A_83] : memref<8x128x16xf32, #tpu.memory_space<vmem>> -> memref<1x128x16xf32, #tpu.memory_space<vmem>>
        %dma_start3A_85 = tpu.memref_squeeze %dma_start3A_84 : memref<1x128x16xf32, #tpu.memory_space<vmem>> -> memref<128x16xf32, #tpu.memory_space<vmem>>
        %dma_start3A_86 = arith.constant 0 : i32
        %dma_start3A_87 = tpu.memref_slice %arg7[%dma_start3A_80, %dma_start3A_86] : memref<8x128xi32, #tpu.memory_space<vmem>> -> memref<1x128xi32, #tpu.memory_space<vmem>>
        %dma_start3A_88 = tpu.memref_squeeze %dma_start3A_87 : memref<1x128xi32, #tpu.memory_space<vmem>> -> memref<128xi32, #tpu.memory_space<vmem>>
        %dma_start3A_89 = arith.constant 0 : i32
        %dma_start3A_90 = arith.constant 0 : i32
        %dma_start3A_91 = tpu.memref_slice %arg2[%dma_start3A_89, %dma_start3A_90] : memref<90000x16xf32, #tpu.memory_space<hbm>> -> memref<90000x16xf32, #tpu.memory_space<hbm>>
        tpu.enqueue_indirect_dma source(%dma_start3A_91 : memref<90000x16xf32, #tpu.memory_space<hbm>>) target(%dma_start3A_85 : memref<128x16xf32, #tpu.memory_space<vmem>>) offsets(%dma_start3A_88 : memref<128xi32, #tpu.memory_space<vmem>>) semaphore(%arg15 : memref<!tpu.dma_semaphore, #tpu.memory_space<semaphore_mem>>)
        %dma_start3A_92 = arith.constant 5 : i32
        %dma_start3A_93 = arith.constant 5 : i32
        %dma_start3A_94 = arith.constant 0 : i32
        %dma_start3A_95 = arith.constant 0 : i32
        %dma_start3A_96 = tpu.memref_slice %arg11[%dma_start3A_93, %dma_start3A_94, %dma_start3A_95] : memref<8x128x16xf32, #tpu.memory_space<vmem>> -> memref<1x128x16xf32, #tpu.memory_space<vmem>>
        %dma_start3A_97 = tpu.memref_squeeze %dma_start3A_96 : memref<1x128x16xf32, #tpu.memory_space<vmem>> -> memref<128x16xf32, #tpu.memory_space<vmem>>
        %dma_start3A_98 = arith.constant 0 : i32
        %dma_start3A_99 = tpu.memref_slice %arg7[%dma_start3A_92, %dma_start3A_98] : memref<8x128xi32, #tpu.memory_space<vmem>> -> memref<1x128xi32, #tpu.memory_space<vmem>>
        %dma_start3A_100 = tpu.memref_squeeze %dma_start3A_99 : memref<1x128xi32, #tpu.memory_space<vmem>> -> memref<128xi32, #tpu.memory_space<vmem>>
        %dma_start3A_101 = arith.constant 0 : i32
        %dma_start3A_102 = arith.constant 0 : i32
        %dma_start3A_103 = tpu.memref_slice %arg2[%dma_start3A_101, %dma_start3A_102] : memref<90000x16xf32, #tpu.memory_space<hbm>> -> memref<90000x16xf32, #tpu.memory_space<hbm>>
        tpu.enqueue_indirect_dma source(%dma_start3A_103 : memref<90000x16xf32, #tpu.memory_space<hbm>>) target(%dma_start3A_97 : memref<128x16xf32, #tpu.memory_space<vmem>>) offsets(%dma_start3A_100 : memref<128xi32, #tpu.memory_space<vmem>>) semaphore(%arg15 : memref<!tpu.dma_semaphore, #tpu.memory_space<semaphore_mem>>)
        %dma_start3A_104 = arith.constant 6 : i32
        %dma_start3A_105 = arith.constant 6 : i32
        %dma_start3A_106 = arith.constant 0 : i32
        %dma_start3A_107 = arith.constant 0 : i32
        %dma_start3A_108 = tpu.memref_slice %arg11[%dma_start3A_105, %dma_start3A_106, %dma_start3A_107] : memref<8x128x16xf32, #tpu.memory_space<vmem>> -> memref<1x128x16xf32, #tpu.memory_space<vmem>>
        %dma_start3A_109 = tpu.memref_squeeze %dma_start3A_108 : memref<1x128x16xf32, #tpu.memory_space<vmem>> -> memref<128x16xf32, #tpu.memory_space<vmem>>
        %dma_start3A_110 = arith.constant 0 : i32
        %dma_start3A_111 = tpu.memref_slice %arg7[%dma_start3A_104, %dma_start3A_110] : memref<8x128xi32, #tpu.memory_space<vmem>> -> memref<1x128xi32, #tpu.memory_space<vmem>>
        %dma_start3A_112 = tpu.memref_squeeze %dma_start3A_111 : memref<1x128xi32, #tpu.memory_space<vmem>> -> memref<128xi32, #tpu.memory_space<vmem>>
        %dma_start3A_113 = arith.constant 0 : i32
        %dma_start3A_114 = arith.constant 0 : i32
        %dma_start3A_115 = tpu.memref_slice %arg2[%dma_start3A_113, %dma_start3A_114] : memref<90000x16xf32, #tpu.memory_space<hbm>> -> memref<90000x16xf32, #tpu.memory_space<hbm>>
        tpu.enqueue_indirect_dma source(%dma_start3A_115 : memref<90000x16xf32, #tpu.memory_space<hbm>>) target(%dma_start3A_109 : memref<128x16xf32, #tpu.memory_space<vmem>>) offsets(%dma_start3A_112 : memref<128xi32, #tpu.memory_space<vmem>>) semaphore(%arg15 : memref<!tpu.dma_semaphore, #tpu.memory_space<semaphore_mem>>)
        %dma_start3A_116 = arith.constant 7 : i32
        %dma_start3A_117 = arith.constant 7 : i32
        %dma_start3A_118 = arith.constant 0 : i32
        %dma_start3A_119 = arith.constant 0 : i32
        %dma_start3A_120 = tpu.memref_slice %arg11[%dma_start3A_117, %dma_start3A_118, %dma_start3A_119] : memref<8x128x16xf32, #tpu.memory_space<vmem>> -> memref<1x128x16xf32, #tpu.memory_space<vmem>>
        %dma_start3A_121 = tpu.memref_squeeze %dma_start3A_120 : memref<1x128x16xf32, #tpu.memory_space<vmem>> -> memref<128x16xf32, #tpu.memory_space<vmem>>
        %dma_start3A_122 = arith.constant 0 : i32
        %dma_start3A_123 = tpu.memref_slice %arg7[%dma_start3A_116, %dma_start3A_122] : memref<8x128xi32, #tpu.memory_space<vmem>> -> memref<1x128xi32, #tpu.memory_space<vmem>>
        %dma_start3A_124 = tpu.memref_squeeze %dma_start3A_123 : memref<1x128xi32, #tpu.memory_space<vmem>> -> memref<128xi32, #tpu.memory_space<vmem>>
        %dma_start3A_125 = arith.constant 0 : i32
        %dma_start3A_126 = arith.constant 0 : i32
        %dma_start3A_127 = tpu.memref_slice %arg2[%dma_start3A_125, %dma_start3A_126] : memref<90000x16xf32, #tpu.memory_space<hbm>> -> memref<90000x16xf32, #tpu.memory_space<hbm>>
        tpu.enqueue_indirect_dma source(%dma_start3A_127 : memref<90000x16xf32, #tpu.memory_space<hbm>>) target(%dma_start3A_121 : memref<128x16xf32, #tpu.memory_space<vmem>>) offsets(%dma_start3A_124 : memref<128xi32, #tpu.memory_space<vmem>>) semaphore(%arg15 : memref<!tpu.dma_semaphore, #tpu.memory_space<semaphore_mem>>)
        %scan3A_128 = arith.constant 0 : i32
        %scan3A_129 = arith.constant 0 : i32
        %scan3A_130 = arith.constant 10 : i32
        %scan3A_131 = arith.addi %scan3A_129, %scan3A_130 : i32
        %scan3A_132 = arith.constant 1 : i32
        scf.for %scan3A_333 = %scan3A_129 to %scan3A_131 step %scan3A_132  : i32 {
          %mul3A_334 = arith.constant 2 : i32
          %mul3A_335 = arith.muli %mul3A_334, %scan3A_333 : i32
          %add3A_336 = arith.constant 1 : i32
          %add3A_337 = arith.addi %mul3A_335, %add3A_336 : i32
          %lt3A_338 = arith.constant 20 : i32
          %lt3A_339 = arith.cmpi slt, %add3A_337, %lt3A_338 : i32
          %convert_element_type3A_340 = arith.extui %lt3A_339 : i1 to i32
          %cond3A_341 = arith.constant 0 : i32
          %cond3A_342 = arith.cmpi ne, %convert_element_type3A_340, %cond3A_341 : i32
          scf.if %cond3A_342 {
            %gt3A = arith.constant 0 : i32
            %gt3A_736 = arith.cmpi sgt, %mul3A_335, %gt3A : i32
            %convert_element_type3A_737 = arith.extui %gt3A_736 : i1 to i32
            %cond3A_738 = arith.constant 0 : i32
            %cond3A_739 = arith.cmpi ne, %convert_element_type3A_737, %cond3A_738 : i32
            scf.if %cond3A_739 {
              %dma_wait3A_849 = arith.constant 0 : i32
              %dma_wait3A_850 = arith.constant 0 : i32
              %dma_wait3A_851 = arith.constant 0 : i32
              %dma_wait3A_852 = arith.constant 0 : i32
              %dma_wait3A_853 = tpu.memref_slice %arg12[%dma_wait3A_849, %dma_wait3A_851, %dma_wait3A_852] : memref<8x128x16xf32, #tpu.memory_space<vmem>> -> memref<1x128x16xf32, #tpu.memory_space<vmem>>
              %dma_wait3A_854 = tpu.memref_squeeze %dma_wait3A_853 : memref<1x128x16xf32, #tpu.memory_space<vmem>> -> memref<128x16xf32, #tpu.memory_space<vmem>>
              %dma_wait3A_855 = arith.constant 0 : i32
              %dma_wait3A_856 = tpu.memref_slice %arg10[%dma_wait3A_850, %dma_wait3A_855] : memref<8x128xi32, #tpu.memory_space<vmem>> -> memref<1x128xi32, #tpu.memory_space<vmem>>
              %dma_wait3A_857 = tpu.memref_squeeze %dma_wait3A_856 : memref<1x128xi32, #tpu.memory_space<vmem>> -> memref<128xi32, #tpu.memory_space<vmem>>
              %dma_wait3A_858 = arith.constant 0 : i32
              %dma_wait3A_859 = arith.constant 0 : i32
              %dma_wait3A_860 = tpu.memref_slice %arg14[%dma_wait3A_858, %dma_wait3A_859] : memref<83200x16xf32, #tpu.memory_space<vmem_shared>> -> memref<83200x16xf32, #tpu.memory_space<vmem_shared>>
              tpu.wait_indirect_dma semaphore(%arg18 : memref<!tpu.dma_semaphore, #tpu.memory_space<semaphore_mem>>) src(%dma_wait3A_854 : memref<128x16xf32, #tpu.memory_space<vmem>>) dst(%dma_wait3A_860 : memref<83200x16xf32, #tpu.memory_space<vmem_shared>>)
              %dma_wait3A_861 = arith.constant 1 : i32
              %dma_wait3A_862 = arith.constant 1 : i32
              %dma_wait3A_863 = arith.constant 0 : i32
              %dma_wait3A_864 = arith.constant 0 : i32
              %dma_wait3A_865 = tpu.memref_slice %arg12[%dma_wait3A_861, %dma_wait3A_863, %dma_wait3A_864] : memref<8x128x16xf32, #tpu.memory_space<vmem>> -> memref<1x128x16xf32, #tpu.memory_space<vmem>>
              %dma_wait3A_866 = tpu.memref_squeeze %dma_wait3A_865 : memref<1x128x16xf32, #tpu.memory_space<vmem>> -> memref<128x16xf32, #tpu.memory_space<vmem>>
              %dma_wait3A_867 = arith.constant 0 : i32
              %dma_wait3A_868 = tpu.memref_slice %arg10[%dma_wait3A_862, %dma_wait3A_867] : memref<8x128xi32, #tpu.memory_space<vmem>> -> memref<1x128xi32, #tpu.memory_space<vmem>>
              %dma_wait3A_869 = tpu.memref_squeeze %dma_wait3A_868 : memref<1x128xi32, #tpu.memory_space<vmem>> -> memref<128xi32, #tpu.memory_space<vmem>>
              %dma_wait3A_870 = arith.constant 0 : i32
              %dma_wait3A_871 = arith.constant 0 : i32
              %dma_wait3A_872 = tpu.memref_slice %arg14[%dma_wait3A_870, %dma_wait3A_871] : memref<83200x16xf32, #tpu.memory_space<vmem_shared>> -> memref<83200x16xf32, #tpu.memory_space<vmem_shared>>
              tpu.wait_indirect_dma semaphore(%arg18 : memref<!tpu.dma_semaphore, #tpu.memory_space<semaphore_mem>>) src(%dma_wait3A_866 : memref<128x16xf32, #tpu.memory_space<vmem>>) dst(%dma_wait3A_872 : memref<83200x16xf32, #tpu.memory_space<vmem_shared>>)
              %dma_wait3A_873 = arith.constant 2 : i32
              %dma_wait3A_874 = arith.constant 2 : i32
              %dma_wait3A_875 = arith.constant 0 : i32
              %dma_wait3A_876 = arith.constant 0 : i32
              %dma_wait3A_877 = tpu.memref_slice %arg12[%dma_wait3A_873, %dma_wait3A_875, %dma_wait3A_876] : memref<8x128x16xf32, #tpu.memory_space<vmem>> -> memref<1x128x16xf32, #tpu.memory_space<vmem>>
              %dma_wait3A_878 = tpu.memref_squeeze %dma_wait3A_877 : memref<1x128x16xf32, #tpu.memory_space<vmem>> -> memref<128x16xf32, #tpu.memory_space<vmem>>
              %dma_wait3A_879 = arith.constant 0 : i32
              %dma_wait3A_880 = tpu.memref_slice %arg10[%dma_wait3A_874, %dma_wait3A_879] : memref<8x128xi32, #tpu.memory_space<vmem>> -> memref<1x128xi32, #tpu.memory_space<vmem>>
              %dma_wait3A_881 = tpu.memref_squeeze %dma_wait3A_880 : memref<1x128xi32, #tpu.memory_space<vmem>> -> memref<128xi32, #tpu.memory_space<vmem>>
              %dma_wait3A_882 = arith.constant 0 : i32
              %dma_wait3A_883 = arith.constant 0 : i32
              %dma_wait3A_884 = tpu.memref_slice %arg14[%dma_wait3A_882, %dma_wait3A_883] : memref<83200x16xf32, #tpu.memory_space<vmem_shared>> -> memref<83200x16xf32, #tpu.memory_space<vmem_shared>>
              tpu.wait_indirect_dma semaphore(%arg18 : memref<!tpu.dma_semaphore, #tpu.memory_space<semaphore_mem>>) src(%dma_wait3A_878 : memref<128x16xf32, #tpu.memory_space<vmem>>) dst(%dma_wait3A_884 : memref<83200x16xf32, #tpu.memory_space<vmem_shared>>)
              %dma_wait3A_885 = arith.constant 3 : i32
              %dma_wait3A_886 = arith.constant 3 : i32
              %dma_wait3A_887 = arith.constant 0 : i32
              %dma_wait3A_888 = arith.constant 0 : i32
              %dma_wait3A_889 = tpu.memref_slice %arg12[%dma_wait3A_885, %dma_wait3A_887, %dma_wait3A_888] : memref<8x128x16xf32, #tpu.memory_space<vmem>> -> memref<1x128x16xf32, #tpu.memory_space<vmem>>
              %dma_wait3A_890 = tpu.memref_squeeze %dma_wait3A_889 : memref<1x128x16xf32, #tpu.memory_space<vmem>> -> memref<128x16xf32, #tpu.memory_space<vmem>>
              %dma_wait3A_891 = arith.constant 0 : i32
              %dma_wait3A_892 = tpu.memref_slice %arg10[%dma_wait3A_886, %dma_wait3A_891] : memref<8x128xi32, #tpu.memory_space<vmem>> -> memref<1x128xi32, #tpu.memory_space<vmem>>
              %dma_wait3A_893 = tpu.memref_squeeze %dma_wait3A_892 : memref<1x128xi32, #tpu.memory_space<vmem>> -> memref<128xi32, #tpu.memory_space<vmem>>
              %dma_wait3A_894 = arith.constant 0 : i32
              %dma_wait3A_895 = arith.constant 0 : i32
              %dma_wait3A_896 = tpu.memref_slice %arg14[%dma_wait3A_894, %dma_wait3A_895] : memref<83200x16xf32, #tpu.memory_space<vmem_shared>> -> memref<83200x16xf32, #tpu.memory_space<vmem_shared>>
              tpu.wait_indirect_dma semaphore(%arg18 : memref<!tpu.dma_semaphore, #tpu.memory_space<semaphore_mem>>) src(%dma_wait3A_890 : memref<128x16xf32, #tpu.memory_space<vmem>>) dst(%dma_wait3A_896 : memref<83200x16xf32, #tpu.memory_space<vmem_shared>>)
              %dma_wait3A_897 = arith.constant 4 : i32
              %dma_wait3A_898 = arith.constant 4 : i32
              %dma_wait3A_899 = arith.constant 0 : i32
              %dma_wait3A_900 = arith.constant 0 : i32
              %dma_wait3A_901 = tpu.memref_slice %arg12[%dma_wait3A_897, %dma_wait3A_899, %dma_wait3A_900] : memref<8x128x16xf32, #tpu.memory_space<vmem>> -> memref<1x128x16xf32, #tpu.memory_space<vmem>>
              %dma_wait3A_902 = tpu.memref_squeeze %dma_wait3A_901 : memref<1x128x16xf32, #tpu.memory_space<vmem>> -> memref<128x16xf32, #tpu.memory_space<vmem>>
              %dma_wait3A_903 = arith.constant 0 : i32
              %dma_wait3A_904 = tpu.memref_slice %arg10[%dma_wait3A_898, %dma_wait3A_903] : memref<8x128xi32, #tpu.memory_space<vmem>> -> memref<1x128xi32, #tpu.memory_space<vmem>>
              %dma_wait3A_905 = tpu.memref_squeeze %dma_wait3A_904 : memref<1x128xi32, #tpu.memory_space<vmem>> -> memref<128xi32, #tpu.memory_space<vmem>>
              %dma_wait3A_906 = arith.constant 0 : i32
              %dma_wait3A_907 = arith.constant 0 : i32
              %dma_wait3A_908 = tpu.memref_slice %arg14[%dma_wait3A_906, %dma_wait3A_907] : memref<83200x16xf32, #tpu.memory_space<vmem_shared>> -> memref<83200x16xf32, #tpu.memory_space<vmem_shared>>
              tpu.wait_indirect_dma semaphore(%arg18 : memref<!tpu.dma_semaphore, #tpu.memory_space<semaphore_mem>>) src(%dma_wait3A_902 : memref<128x16xf32, #tpu.memory_space<vmem>>) dst(%dma_wait3A_908 : memref<83200x16xf32, #tpu.memory_space<vmem_shared>>)
              %dma_wait3A_909 = arith.constant 5 : i32
              %dma_wait3A_910 = arith.constant 5 : i32
              %dma_wait3A_911 = arith.constant 0 : i32
              %dma_wait3A_912 = arith.constant 0 : i32
              %dma_wait3A_913 = tpu.memref_slice %arg12[%dma_wait3A_909, %dma_wait3A_911, %dma_wait3A_912] : memref<8x128x16xf32, #tpu.memory_space<vmem>> -> memref<1x128x16xf32, #tpu.memory_space<vmem>>
              %dma_wait3A_914 = tpu.memref_squeeze %dma_wait3A_913 : memref<1x128x16xf32, #tpu.memory_space<vmem>> -> memref<128x16xf32, #tpu.memory_space<vmem>>
              %dma_wait3A_915 = arith.constant 0 : i32
              %dma_wait3A_916 = tpu.memref_slice %arg10[%dma_wait3A_910, %dma_wait3A_915] : memref<8x128xi32, #tpu.memory_space<vmem>> -> memref<1x128xi32, #tpu.memory_space<vmem>>
              %dma_wait3A_917 = tpu.memref_squeeze %dma_wait3A_916 : memref<1x128xi32, #tpu.memory_space<vmem>> -> memref<128xi32, #tpu.memory_space<vmem>>
              %dma_wait3A_918 = arith.constant 0 : i32
              %dma_wait3A_919 = arith.constant 0 : i32
              %dma_wait3A_920 = tpu.memref_slice %arg14[%dma_wait3A_918, %dma_wait3A_919] : memref<83200x16xf32, #tpu.memory_space<vmem_shared>> -> memref<83200x16xf32, #tpu.memory_space<vmem_shared>>
              tpu.wait_indirect_dma semaphore(%arg18 : memref<!tpu.dma_semaphore, #tpu.memory_space<semaphore_mem>>) src(%dma_wait3A_914 : memref<128x16xf32, #tpu.memory_space<vmem>>) dst(%dma_wait3A_920 : memref<83200x16xf32, #tpu.memory_space<vmem_shared>>)
              %dma_wait3A_921 = arith.constant 6 : i32
              %dma_wait3A_922 = arith.constant 6 : i32
              %dma_wait3A_923 = arith.constant 0 : i32
              %dma_wait3A_924 = arith.constant 0 : i32
              %dma_wait3A_925 = tpu.memref_slice %arg12[%dma_wait3A_921, %dma_wait3A_923, %dma_wait3A_924] : memref<8x128x16xf32, #tpu.memory_space<vmem>> -> memref<1x128x16xf32, #tpu.memory_space<vmem>>
              %dma_wait3A_926 = tpu.memref_squeeze %dma_wait3A_925 : memref<1x128x16xf32, #tpu.memory_space<vmem>> -> memref<128x16xf32, #tpu.memory_space<vmem>>
              %dma_wait3A_927 = arith.constant 0 : i32
              %dma_wait3A_928 = tpu.memref_slice %arg10[%dma_wait3A_922, %dma_wait3A_927] : memref<8x128xi32, #tpu.memory_space<vmem>> -> memref<1x128xi32, #tpu.memory_space<vmem>>
              %dma_wait3A_929 = tpu.memref_squeeze %dma_wait3A_928 : memref<1x128xi32, #tpu.memory_space<vmem>> -> memref<128xi32, #tpu.memory_space<vmem>>
              %dma_wait3A_930 = arith.constant 0 : i32
              %dma_wait3A_931 = arith.constant 0 : i32
              %dma_wait3A_932 = tpu.memref_slice %arg14[%dma_wait3A_930, %dma_wait3A_931] : memref<83200x16xf32, #tpu.memory_space<vmem_shared>> -> memref<83200x16xf32, #tpu.memory_space<vmem_shared>>
              tpu.wait_indirect_dma semaphore(%arg18 : memref<!tpu.dma_semaphore, #tpu.memory_space<semaphore_mem>>) src(%dma_wait3A_926 : memref<128x16xf32, #tpu.memory_space<vmem>>) dst(%dma_wait3A_932 : memref<83200x16xf32, #tpu.memory_space<vmem_shared>>)
              %dma_wait3A_933 = arith.constant 7 : i32
              %dma_wait3A_934 = arith.constant 7 : i32
              %dma_wait3A_935 = arith.constant 0 : i32
              %dma_wait3A_936 = arith.constant 0 : i32
              %dma_wait3A_937 = tpu.memref_slice %arg12[%dma_wait3A_933, %dma_wait3A_935, %dma_wait3A_936] : memref<8x128x16xf32, #tpu.memory_space<vmem>> -> memref<1x128x16xf32, #tpu.memory_space<vmem>>
              %dma_wait3A_938 = tpu.memref_squeeze %dma_wait3A_937 : memref<1x128x16xf32, #tpu.memory_space<vmem>> -> memref<128x16xf32, #tpu.memory_space<vmem>>
              %dma_wait3A_939 = arith.constant 0 : i32
              %dma_wait3A_940 = tpu.memref_slice %arg10[%dma_wait3A_934, %dma_wait3A_939] : memref<8x128xi32, #tpu.memory_space<vmem>> -> memref<1x128xi32, #tpu.memory_space<vmem>>
              %dma_wait3A_941 = tpu.memref_squeeze %dma_wait3A_940 : memref<1x128xi32, #tpu.memory_space<vmem>> -> memref<128xi32, #tpu.memory_space<vmem>>
              %dma_wait3A_942 = arith.constant 0 : i32
              %dma_wait3A_943 = arith.constant 0 : i32
              %dma_wait3A_944 = tpu.memref_slice %arg14[%dma_wait3A_942, %dma_wait3A_943] : memref<83200x16xf32, #tpu.memory_space<vmem_shared>> -> memref<83200x16xf32, #tpu.memory_space<vmem_shared>>
              tpu.wait_indirect_dma semaphore(%arg18 : memref<!tpu.dma_semaphore, #tpu.memory_space<semaphore_mem>>) src(%dma_wait3A_938 : memref<128x16xf32, #tpu.memory_space<vmem>>) dst(%dma_wait3A_944 : memref<83200x16xf32, #tpu.memory_space<vmem_shared>>)
            } else {
            }
            %add3A_740 = arith.constant 1 : i32
            %add3A_741 = arith.addi %mul3A_335, %add3A_740 : i32
            %mul3A_742 = arith.constant 20 : i32
            %mul3A_743 = arith.muli %arg1, %mul3A_742 : i32
            %add3A_744 = arith.addi %mul3A_743, %add3A_741 : i32
            %mul3A_745 = arith.constant 8 : i32
            %mul3A_746 = arith.muli %add3A_744, %mul3A_745 : i32
            "tpu.region"() ({
              %run_scoped3A = tpu.sem_alloc : memref<!tpu.dma_semaphore, #tpu.memory_space<semaphore_mem>>
              %dma_start3A_849 = arith.constant 0 : i32
              %dma_start3A_850 = tpu.memref_slice %arg3[%mul3A_746, %dma_start3A_849] : memref<2560x256xi32, #tpu.memory_space<hbm>> -> memref<8x256xi32, #tpu.memory_space<hbm>>
              %dma_start3A_851 = arith.constant 0 : i32
              %dma_start3A_852 = tpu.memref_slice %arg3[%mul3A_746, %dma_start3A_851] : memref<2560x256xi32, #tpu.memory_space<hbm>> -> memref<8x256xi32, #tpu.memory_space<hbm>>
              tpu.enqueue_dma source(%dma_start3A_852 : memref<8x256xi32, #tpu.memory_space<hbm>>) target(%arg6 : memref<8x256xi32, #tpu.memory_space<vmem>>) target_semaphore(%run_scoped3A : memref<!tpu.dma_semaphore, #tpu.memory_space<semaphore_mem>>)
              %dma_wait3A_853 = arith.constant 0 : i32
              %dma_wait3A_854 = tpu.memref_slice %arg3[%mul3A_746, %dma_wait3A_853] : memref<2560x256xi32, #tpu.memory_space<hbm>> -> memref<8x256xi32, #tpu.memory_space<hbm>>
              %dma_wait3A_855 = arith.constant 0 : i32
              %dma_wait3A_856 = tpu.memref_slice %arg3[%mul3A_746, %dma_wait3A_855] : memref<2560x256xi32, #tpu.memory_space<hbm>> -> memref<8x256xi32, #tpu.memory_space<hbm>>
              tpu.wait_dma2 semaphore(%run_scoped3A : memref<!tpu.dma_semaphore, #tpu.memory_space<semaphore_mem>>) src(%dma_wait3A_856 : memref<8x256xi32, #tpu.memory_space<hbm>>) dst(%arg6 : memref<8x256xi32, #tpu.memory_space<vmem>>)
              tpu.yield
            }) : () -> ()
            %scan3A_747 = arith.constant 0 : i32
            %scan3A_748 = arith.constant 0 : i32
            %scan3A_749 = arith.constant 64 : i32
            %scan3A_750 = arith.addi %scan3A_748, %scan3A_749 : i32
            %scan3A_751 = arith.constant 1 : i32
            scf.for %scan3A_849 = %scan3A_748 to %scan3A_750 step %scan3A_751  : i32 {
              %jit3A = arith.constant 8 : i32
              %div3A = arith.divsi %scan3A_849, %jit3A : i32
              %sign3A = arith.constant 0 : i32
              %sign3A_850 = arith.cmpi sgt, %scan3A_849, %sign3A : i32
              %sign3A_851 = arith.extui %sign3A_850 : i1 to i32
              %sign3A_852 = arith.constant 0 : i32
              %sign3A_853 = arith.cmpi slt, %scan3A_849, %sign3A_852 : i32
              %sign3A_854 = arith.extui %sign3A_853 : i1 to i32
              %sign3A_855 = arith.subi %sign3A_851, %sign3A_854 : i32
              %sign3A_856 = arith.constant 0 : i32
              %sign3A_857 = arith.cmpi sgt, %jit3A, %sign3A_856 : i32
              %sign3A_858 = arith.extui %sign3A_857 : i1 to i32
              %sign3A_859 = arith.constant 0 : i32
              %sign3A_860 = arith.cmpi slt, %jit3A, %sign3A_859 : i32
              %sign3A_861 = arith.extui %sign3A_860 : i1 to i32
              %sign3A_862 = arith.subi %sign3A_858, %sign3A_861 : i32
              %ne3A = arith.cmpi ne, %sign3A_855, %sign3A_862 : i32
              %rem3A = arith.remsi %scan3A_849, %jit3A : i32
              %ne3A_863 = arith.constant 0 : i32
              %ne3A_864 = arith.cmpi ne, %rem3A, %ne3A_863 : i32
              %and3A = arith.andi %ne3A, %ne3A_864 : i1
              %sub3A = arith.constant 1 : i32
              %sub3A_865 = arith.subi %div3A, %sub3A : i32
              %select_n3A = arith.select %and3A, %sub3A_865, %div3A : i32
              %jit3A_866 = arith.constant 8 : i32
              %eq3A = arith.constant 0 : i32
              %eq3A_867 = arith.cmpi eq, %jit3A_866, %eq3A : i32
              %jit3A_868 = arith.constant 1 : i32
              %select_n3A_869 = arith.select %eq3A_867, %jit3A_868, %jit3A_866 : i32
              %rem3A_870 = arith.remsi %scan3A_849, %select_n3A_869 : i32
              %ne3A_871 = arith.constant 0 : i32
              %ne3A_872 = arith.cmpi ne, %rem3A_870, %ne3A_871 : i32
              %lt3A_873 = arith.constant 0 : i32
              %lt3A_874 = arith.cmpi slt, %rem3A_870, %lt3A_873 : i32
              %lt3A_875 = arith.constant 0 : i32
              %lt3A_876 = arith.cmpi slt, %select_n3A_869, %lt3A_875 : i32
              %ne3A_877 = arith.xori %lt3A_874, %lt3A_876 : i1
              %and3A_878 = arith.andi %ne3A_877, %ne3A_872 : i1
              %add3A_879 = arith.addi %rem3A_870, %select_n3A_869 : i32
              %select_n3A_880 = arith.select %and3A_878, %add3A_879, %rem3A_870 : i32
              %mul3A_881 = arith.constant 16 : i32
              %mul3A_882 = arith.muli %select_n3A_880, %mul3A_881 : i32
              %jit3A_883 = arith.constant 8 : i32
              %eq3A_884 = arith.constant 0 : i32
              %eq3A_885 = arith.cmpi eq, %jit3A_883, %eq3A_884 : i32
              %jit3A_886 = arith.constant 1 : i32
              %select_n3A_887 = arith.select %eq3A_885, %jit3A_886, %jit3A_883 : i32
              %rem3A_888 = arith.remsi %scan3A_849, %select_n3A_887 : i32
              %ne3A_889 = arith.constant 0 : i32
              %ne3A_890 = arith.cmpi ne, %rem3A_888, %ne3A_889 : i32
              %lt3A_891 = arith.constant 0 : i32
              %lt3A_892 = arith.cmpi slt, %rem3A_888, %lt3A_891 : i32
              %lt3A_893 = arith.constant 0 : i32
              %lt3A_894 = arith.cmpi slt, %select_n3A_887, %lt3A_893 : i32
              %ne3A_895 = arith.xori %lt3A_892, %lt3A_894 : i1
              %and3A_896 = arith.andi %ne3A_895, %ne3A_890 : i1
              %add3A_897 = arith.addi %rem3A_888, %select_n3A_887 : i32
              %select_n3A_898 = arith.select %and3A_896, %add3A_897, %rem3A_888 : i32
              %mul3A_899 = arith.constant 16 : i32
              %mul3A_900 = arith.muli %select_n3A_898, %mul3A_899 : i32
              %add3A_901 = arith.constant 128 : i32
              %add3A_902 = arith.addi %add3A_901, %mul3A_900 : i32
              %get3A = arith.index_cast %select_n3A : i32 to index
              %get3A_903 = arith.index_cast %add3A_902 : i32 to index
              %get3A_904 = tpu.vector_load %arg6[%get3A, %get3A_903] {strides = array<i32>} : memref<8x256xi32, #tpu.memory_space<vmem>>, vector<1x16xi32>,
              %get3A_905 = vector.shape_cast %get3A_904 : vector<1x16xi32> to vector<16xi32>
              %swap3A = arith.index_cast %select_n3A : i32 to index
              %swap3A_906 = arith.index_cast %mul3A_882 : i32 to index
              %swap3A_907 = tpu.vector_load %arg10[%swap3A, %swap3A_906] {strides = array<i32>} : memref<8x128xi32, #tpu.memory_space<vmem>>, vector<1x16xi32>,
              %swap3A_908 = vector.shape_cast %swap3A_907 : vector<1x16xi32> to vector<16xi32>
              %swap3A_909 = vector.shape_cast %get3A_905 : vector<16xi32> to vector<1x16xi32>
              tpu.vector_store %arg10[%swap3A, %swap3A_906], %swap3A_909 {strides = array<i32>} : memref<8x128xi32, #tpu.memory_space<vmem>>, vector<1x16xi32>,
              %jit3A_910 = arith.constant 8 : i32
              %eq3A_911 = arith.constant 0 : i32
              %eq3A_912 = arith.cmpi eq, %jit3A_910, %eq3A_911 : i32
              %jit3A_913 = arith.constant 1 : i32
              %select_n3A_914 = arith.select %eq3A_912, %jit3A_913, %jit3A_910 : i32
              %rem3A_915 = arith.remsi %scan3A_849, %select_n3A_914 : i32
              %ne3A_916 = arith.constant 0 : i32
              %ne3A_917 = arith.cmpi ne, %rem3A_915, %ne3A_916 : i32
              %lt3A_918 = arith.constant 0 : i32
              %lt3A_919 = arith.cmpi slt, %rem3A_915, %lt3A_918 : i32
              %lt3A_920 = arith.constant 0 : i32
              %lt3A_921 = arith.cmpi slt, %select_n3A_914, %lt3A_920 : i32
              %ne3A_922 = arith.xori %lt3A_919, %lt3A_921 : i1
              %and3A_923 = arith.andi %ne3A_922, %ne3A_917 : i1
              %add3A_924 = arith.addi %rem3A_915, %select_n3A_914 : i32
              %select_n3A_925 = arith.select %and3A_923, %add3A_924, %rem3A_915 : i32
              %mul3A_926 = arith.constant 16 : i32
              %mul3A_927 = arith.muli %select_n3A_925, %mul3A_926 : i32
              %get3A_928 = arith.index_cast %select_n3A : i32 to index
              %get3A_929 = arith.index_cast %mul3A_927 : i32 to index
              %get3A_930 = tpu.vector_load %arg6[%get3A_928, %get3A_929] {strides = array<i32>} : memref<8x256xi32, #tpu.memory_space<vmem>>, vector<1x16xi32>,
              %get3A_931 = vector.shape_cast %get3A_930 : vector<1x16xi32> to vector<16xi32>
              %mul3A_932 = arith.constant 10000 : i32
              %mul3A_933 = arith.muli %add3A, %mul3A_932 : i32
              %add3A_934 = vector.broadcast %mul3A_933 : i32 to vector<16xi32>
              %add3A_935 = arith.addi %get3A_931, %add3A_934 : vector<16xi32>
              %swap3A_936 = arith.index_cast %select_n3A : i32 to index
              %swap3A_937 = arith.index_cast %mul3A_882 : i32 to index
              %swap3A_938 = tpu.vector_load %arg8[%swap3A_936, %swap3A_937] {strides = array<i32>} : memref<8x128xi32, #tpu.memory_space<vmem>>, vector<1x16xi32>,
              %swap3A_939 = vector.shape_cast %swap3A_938 : vector<1x16xi32> to vector<16xi32>
              %swap3A_940 = vector.shape_cast %add3A_935 : vector<16xi32> to vector<1x16xi32>
              tpu.vector_store %arg8[%swap3A_936, %swap3A_937], %swap3A_940 {strides = array<i32>} : memref<8x128xi32, #tpu.memory_space<vmem>>, vector<1x16xi32>,
            }
            %scan3A_752 = arith.constant 64 : i32
            %dma_start3A_753 = arith.constant 0 : i32
            %dma_start3A_754 = arith.constant 0 : i32
            %dma_start3A_755 = arith.constant 0 : i32
            %dma_start3A_756 = arith.constant 0 : i32
            %dma_start3A_757 = tpu.memref_slice %arg12[%dma_start3A_754, %dma_start3A_755, %dma_start3A_756] : memref<8x128x16xf32, #tpu.memory_space<vmem>> -> memref<1x128x16xf32, #tpu.memory_space<vmem>>
            %dma_start3A_758 = tpu.memref_squeeze %dma_start3A_757 : memref<1x128x16xf32, #tpu.memory_space<vmem>> -> memref<128x16xf32, #tpu.memory_space<vmem>>
            %dma_start3A_759 = arith.constant 0 : i32
            %dma_start3A_760 = tpu.memref_slice %arg8[%dma_start3A_753, %dma_start3A_759] : memref<8x128xi32, #tpu.memory_space<vmem>> -> memref<1x128xi32, #tpu.memory_space<vmem>>
            %dma_start3A_761 = tpu.memref_squeeze %dma_start3A_760 : memref<1x128xi32, #tpu.memory_space<vmem>> -> memref<128xi32, #tpu.memory_space<vmem>>
            %dma_start3A_762 = arith.constant 0 : i32
            %dma_start3A_763 = arith.constant 0 : i32
            %dma_start3A_764 = tpu.memref_slice %arg2[%dma_start3A_762, %dma_start3A_763] : memref<90000x16xf32, #tpu.memory_space<hbm>> -> memref<90000x16xf32, #tpu.memory_space<hbm>>
            tpu.enqueue_indirect_dma source(%dma_start3A_764 : memref<90000x16xf32, #tpu.memory_space<hbm>>) target(%dma_start3A_758 : memref<128x16xf32, #tpu.memory_space<vmem>>) offsets(%dma_start3A_761 : memref<128xi32, #tpu.memory_space<vmem>>) semaphore(%arg16 : memref<!tpu.dma_semaphore, #tpu.memory_space<semaphore_mem>>)
            %dma_start3A_765 = arith.constant 1 : i32
            %dma_start3A_766 = arith.constant 1 : i32
            %dma_start3A_767 = arith.constant 0 : i32
            %dma_start3A_768 = arith.constant 0 : i32
            %dma_start3A_769 = tpu.memref_slice %arg12[%dma_start3A_766, %dma_start3A_767, %dma_start3A_768] : memref<8x128x16xf32, #tpu.memory_space<vmem>> -> memref<1x128x16xf32, #tpu.memory_space<vmem>>
            %dma_start3A_770 = tpu.memref_squeeze %dma_start3A_769 : memref<1x128x16xf32, #tpu.memory_space<vmem>> -> memref<128x16xf32, #tpu.memory_space<vmem>>
            %dma_start3A_771 = arith.constant 0 : i32
            %dma_start3A_772 = tpu.memref_slice %arg8[%dma_start3A_765, %dma_start3A_771] : memref<8x128xi32, #tpu.memory_space<vmem>> -> memref<1x128xi32, #tpu.memory_space<vmem>>
            %dma_start3A_773 = tpu.memref_squeeze %dma_start3A_772 : memref<1x128xi32, #tpu.memory_space<vmem>> -> memref<128xi32, #tpu.memory_space<vmem>>
            %dma_start3A_774 = arith.constant 0 : i32
            %dma_start3A_775 = arith.constant 0 : i32
            %dma_start3A_776 = tpu.memref_slice %arg2[%dma_start3A_774, %dma_start3A_775] : memref<90000x16xf32, #tpu.memory_space<hbm>> -> memref<90000x16xf32, #tpu.memory_space<hbm>>
            tpu.enqueue_indirect_dma source(%dma_start3A_776 : memref<90000x16xf32, #tpu.memory_space<hbm>>) target(%dma_start3A_770 : memref<128x16xf32, #tpu.memory_space<vmem>>) offsets(%dma_start3A_773 : memref<128xi32, #tpu.memory_space<vmem>>) semaphore(%arg16 : memref<!tpu.dma_semaphore, #tpu.memory_space<semaphore_mem>>)
            %dma_start3A_777 = arith.constant 2 : i32
            %dma_start3A_778 = arith.constant 2 : i32
            %dma_start3A_779 = arith.constant 0 : i32
            %dma_start3A_780 = arith.constant 0 : i32
            %dma_start3A_781 = tpu.memref_slice %arg12[%dma_start3A_778, %dma_start3A_779, %dma_start3A_780] : memref<8x128x16xf32, #tpu.memory_space<vmem>> -> memref<1x128x16xf32, #tpu.memory_space<vmem>>
            %dma_start3A_782 = tpu.memref_squeeze %dma_start3A_781 : memref<1x128x16xf32, #tpu.memory_space<vmem>> -> memref<128x16xf32, #tpu.memory_space<vmem>>
            %dma_start3A_783 = arith.constant 0 : i32
            %dma_start3A_784 = tpu.memref_slice %arg8[%dma_start3A_777, %dma_start3A_783] : memref<8x128xi32, #tpu.memory_space<vmem>> -> memref<1x128xi32, #tpu.memory_space<vmem>>
            %dma_start3A_785 = tpu.memref_squeeze %dma_start3A_784 : memref<1x128xi32, #tpu.memory_space<vmem>> -> memref<128xi32, #tpu.memory_space<vmem>>
            %dma_start3A_786 = arith.constant 0 : i32
            %dma_start3A_787 = arith.constant 0 : i32
            %dma_start3A_788 = tpu.memref_slice %arg2[%dma_start3A_786, %dma_start3A_787] : memref<90000x16xf32, #tpu.memory_space<hbm>> -> memref<90000x16xf32, #tpu.memory_space<hbm>>
            tpu.enqueue_indirect_dma source(%dma_start3A_788 : memref<90000x16xf32, #tpu.memory_space<hbm>>) target(%dma_start3A_782 : memref<128x16xf32, #tpu.memory_space<vmem>>) offsets(%dma_start3A_785 : memref<128xi32, #tpu.memory_space<vmem>>) semaphore(%arg16 : memref<!tpu.dma_semaphore, #tpu.memory_space<semaphore_mem>>)
            %dma_start3A_789 = arith.constant 3 : i32
            %dma_start3A_790 = arith.constant 3 : i32
            %dma_start3A_791 = arith.constant 0 : i32
            %dma_start3A_792 = arith.constant 0 : i32
            %dma_start3A_793 = tpu.memref_slice %arg12[%dma_start3A_790, %dma_start3A_791, %dma_start3A_792] : memref<8x128x16xf32, #tpu.memory_space<vmem>> -> memref<1x128x16xf32, #tpu.memory_space<vmem>>
            %dma_start3A_794 = tpu.memref_squeeze %dma_start3A_793 : memref<1x128x16xf32, #tpu.memory_space<vmem>> -> memref<128x16xf32, #tpu.memory_space<vmem>>
            %dma_start3A_795 = arith.constant 0 : i32
            %dma_start3A_796 = tpu.memref_slice %arg8[%dma_start3A_789, %dma_start3A_795] : memref<8x128xi32, #tpu.memory_space<vmem>> -> memref<1x128xi32, #tpu.memory_space<vmem>>
            %dma_start3A_797 = tpu.memref_squeeze %dma_start3A_796 : memref<1x128xi32, #tpu.memory_space<vmem>> -> memref<128xi32, #tpu.memory_space<vmem>>
            %dma_start3A_798 = arith.constant 0 : i32
            %dma_start3A_799 = arith.constant 0 : i32
            %dma_start3A_800 = tpu.memref_slice %arg2[%dma_start3A_798, %dma_start3A_799] : memref<90000x16xf32, #tpu.memory_space<hbm>> -> memref<90000x16xf32, #tpu.memory_space<hbm>>
            tpu.enqueue_indirect_dma source(%dma_start3A_800 : memref<90000x16xf32, #tpu.memory_space<hbm>>) target(%dma_start3A_794 : memref<128x16xf32, #tpu.memory_space<vmem>>) offsets(%dma_start3A_797 : memref<128xi32, #tpu.memory_space<vmem>>) semaphore(%arg16 : memref<!tpu.dma_semaphore, #tpu.memory_space<semaphore_mem>>)
            %dma_start3A_801 = arith.constant 4 : i32
            %dma_start3A_802 = arith.constant 4 : i32
            %dma_start3A_803 = arith.constant 0 : i32
            %dma_start3A_804 = arith.constant 0 : i32
            %dma_start3A_805 = tpu.memref_slice %arg12[%dma_start3A_802, %dma_start3A_803, %dma_start3A_804] : memref<8x128x16xf32, #tpu.memory_space<vmem>> -> memref<1x128x16xf32, #tpu.memory_space<vmem>>
            %dma_start3A_806 = tpu.memref_squeeze %dma_start3A_805 : memref<1x128x16xf32, #tpu.memory_space<vmem>> -> memref<128x16xf32, #tpu.memory_space<vmem>>
            %dma_start3A_807 = arith.constant 0 : i32
            %dma_start3A_808 = tpu.memref_slice %arg8[%dma_start3A_801, %dma_start3A_807] : memref<8x128xi32, #tpu.memory_space<vmem>> -> memref<1x128xi32, #tpu.memory_space<vmem>>
            %dma_start3A_809 = tpu.memref_squeeze %dma_start3A_808 : memref<1x128xi32, #tpu.memory_space<vmem>> -> memref<128xi32, #tpu.memory_space<vmem>>
            %dma_start3A_810 = arith.constant 0 : i32
            %dma_start3A_811 = arith.constant 0 : i32
            %dma_start3A_812 = tpu.memref_slice %arg2[%dma_start3A_810, %dma_start3A_811] : memref<90000x16xf32, #tpu.memory_space<hbm>> -> memref<90000x16xf32, #tpu.memory_space<hbm>>
            tpu.enqueue_indirect_dma source(%dma_start3A_812 : memref<90000x16xf32, #tpu.memory_space<hbm>>) target(%dma_start3A_806 : memref<128x16xf32, #tpu.memory_space<vmem>>) offsets(%dma_start3A_809 : memref<128xi32, #tpu.memory_space<vmem>>) semaphore(%arg16 : memref<!tpu.dma_semaphore, #tpu.memory_space<semaphore_mem>>)
            %dma_start3A_813 = arith.constant 5 : i32
            %dma_start3A_814 = arith.constant 5 : i32
            %dma_start3A_815 = arith.constant 0 : i32
            %dma_start3A_816 = arith.constant 0 : i32
            %dma_start3A_817 = tpu.memref_slice %arg12[%dma_start3A_814, %dma_start3A_815, %dma_start3A_816] : memref<8x128x16xf32, #tpu.memory_space<vmem>> -> memref<1x128x16xf32, #tpu.memory_space<vmem>>
            %dma_start3A_818 = tpu.memref_squeeze %dma_start3A_817 : memref<1x128x16xf32, #tpu.memory_space<vmem>> -> memref<128x16xf32, #tpu.memory_space<vmem>>
            %dma_start3A_819 = arith.constant 0 : i32
            %dma_start3A_820 = tpu.memref_slice %arg8[%dma_start3A_813, %dma_start3A_819] : memref<8x128xi32, #tpu.memory_space<vmem>> -> memref<1x128xi32, #tpu.memory_space<vmem>>
            %dma_start3A_821 = tpu.memref_squeeze %dma_start3A_820 : memref<1x128xi32, #tpu.memory_space<vmem>> -> memref<128xi32, #tpu.memory_space<vmem>>
            %dma_start3A_822 = arith.constant 0 : i32
            %dma_start3A_823 = arith.constant 0 : i32
            %dma_start3A_824 = tpu.memref_slice %arg2[%dma_start3A_822, %dma_start3A_823] : memref<90000x16xf32, #tpu.memory_space<hbm>> -> memref<90000x16xf32, #tpu.memory_space<hbm>>
            tpu.enqueue_indirect_dma source(%dma_start3A_824 : memref<90000x16xf32, #tpu.memory_space<hbm>>) target(%dma_start3A_818 : memref<128x16xf32, #tpu.memory_space<vmem>>) offsets(%dma_start3A_821 : memref<128xi32, #tpu.memory_space<vmem>>) semaphore(%arg16 : memref<!tpu.dma_semaphore, #tpu.memory_space<semaphore_mem>>)
            %dma_start3A_825 = arith.constant 6 : i32
            %dma_start3A_826 = arith.constant 6 : i32
            %dma_start3A_827 = arith.constant 0 : i32
            %dma_start3A_828 = arith.constant 0 : i32
            %dma_start3A_829 = tpu.memref_slice %arg12[%dma_start3A_826, %dma_start3A_827, %dma_start3A_828] : memref<8x128x16xf32, #tpu.memory_space<vmem>> -> memref<1x128x16xf32, #tpu.memory_space<vmem>>
            %dma_start3A_830 = tpu.memref_squeeze %dma_start3A_829 : memref<1x128x16xf32, #tpu.memory_space<vmem>> -> memref<128x16xf32, #tpu.memory_space<vmem>>
            %dma_start3A_831 = arith.constant 0 : i32
            %dma_start3A_832 = tpu.memref_slice %arg8[%dma_start3A_825, %dma_start3A_831] : memref<8x128xi32, #tpu.memory_space<vmem>> -> memref<1x128xi32, #tpu.memory_space<vmem>>
            %dma_start3A_833 = tpu.memref_squeeze %dma_start3A_832 : memref<1x128xi32, #tpu.memory_space<vmem>> -> memref<128xi32, #tpu.memory_space<vmem>>
            %dma_start3A_834 = arith.constant 0 : i32
            %dma_start3A_835 = arith.constant 0 : i32
            %dma_start3A_836 = tpu.memref_slice %arg2[%dma_start3A_834, %dma_start3A_835] : memref<90000x16xf32, #tpu.memory_space<hbm>> -> memref<90000x16xf32, #tpu.memory_space<hbm>>
            tpu.enqueue_indirect_dma source(%dma_start3A_836 : memref<90000x16xf32, #tpu.memory_space<hbm>>) target(%dma_start3A_830 : memref<128x16xf32, #tpu.memory_space<vmem>>) offsets(%dma_start3A_833 : memref<128xi32, #tpu.memory_space<vmem>>) semaphore(%arg16 : memref<!tpu.dma_semaphore, #tpu.memory_space<semaphore_mem>>)
            %dma_start3A_837 = arith.constant 7 : i32
            %dma_start3A_838 = arith.constant 7 : i32
            %dma_start3A_839 = arith.constant 0 : i32
            %dma_start3A_840 = arith.constant 0 : i32
            %dma_start3A_841 = tpu.memref_slice %arg12[%dma_start3A_838, %dma_start3A_839, %dma_start3A_840] : memref<8x128x16xf32, #tpu.memory_space<vmem>> -> memref<1x128x16xf32, #tpu.memory_space<vmem>>
            %dma_start3A_842 = tpu.memref_squeeze %dma_start3A_841 : memref<1x128x16xf32, #tpu.memory_space<vmem>> -> memref<128x16xf32, #tpu.memory_space<vmem>>
            %dma_start3A_843 = arith.constant 0 : i32
            %dma_start3A_844 = tpu.memref_slice %arg8[%dma_start3A_837, %dma_start3A_843] : memref<8x128xi32, #tpu.memory_space<vmem>> -> memref<1x128xi32, #tpu.memory_space<vmem>>
            %dma_start3A_845 = tpu.memref_squeeze %dma_start3A_844 : memref<1x128xi32, #tpu.memory_space<vmem>> -> memref<128xi32, #tpu.memory_space<vmem>>
            %dma_start3A_846 = arith.constant 0 : i32
            %dma_start3A_847 = arith.constant 0 : i32
            %dma_start3A_848 = tpu.memref_slice %arg2[%dma_start3A_846, %dma_start3A_847] : memref<90000x16xf32, #tpu.memory_space<hbm>> -> memref<90000x16xf32, #tpu.memory_space<hbm>>
            tpu.enqueue_indirect_dma source(%dma_start3A_848 : memref<90000x16xf32, #tpu.memory_space<hbm>>) target(%dma_start3A_842 : memref<128x16xf32, #tpu.memory_space<vmem>>) offsets(%dma_start3A_845 : memref<128xi32, #tpu.memory_space<vmem>>) semaphore(%arg16 : memref<!tpu.dma_semaphore, #tpu.memory_space<semaphore_mem>>)
          } else {
          }
          %dma_wait3A_343 = arith.constant 0 : i32
          %dma_wait3A_344 = arith.constant 0 : i32
          %dma_wait3A_345 = arith.constant 0 : i32
          %dma_wait3A_346 = arith.constant 0 : i32
          %dma_wait3A_347 = tpu.memref_slice %arg11[%dma_wait3A_344, %dma_wait3A_345, %dma_wait3A_346] : memref<8x128x16xf32, #tpu.memory_space<vmem>> -> memref<1x128x16xf32, #tpu.memory_space<vmem>>
          %dma_wait3A_348 = tpu.memref_squeeze %dma_wait3A_347 : memref<1x128x16xf32, #tpu.memory_space<vmem>> -> memref<128x16xf32, #tpu.memory_space<vmem>>
          %dma_wait3A_349 = arith.constant 0 : i32
          %dma_wait3A_350 = tpu.memref_slice %arg7[%dma_wait3A_343, %dma_wait3A_349] : memref<8x128xi32, #tpu.memory_space<vmem>> -> memref<1x128xi32, #tpu.memory_space<vmem>>
          %dma_wait3A_351 = tpu.memref_squeeze %dma_wait3A_350 : memref<1x128xi32, #tpu.memory_space<vmem>> -> memref<128xi32, #tpu.memory_space<vmem>>
          %dma_wait3A_352 = arith.constant 0 : i32
          %dma_wait3A_353 = arith.constant 0 : i32
          %dma_wait3A_354 = tpu.memref_slice %arg2[%dma_wait3A_352, %dma_wait3A_353] : memref<90000x16xf32, #tpu.memory_space<hbm>> -> memref<90000x16xf32, #tpu.memory_space<hbm>>
          tpu.wait_indirect_dma semaphore(%arg15 : memref<!tpu.dma_semaphore, #tpu.memory_space<semaphore_mem>>) src(%dma_wait3A_354 : memref<90000x16xf32, #tpu.memory_space<hbm>>) dst(%dma_wait3A_348 : memref<128x16xf32, #tpu.memory_space<vmem>>)
          %dma_wait3A_355 = arith.constant 1 : i32
          %dma_wait3A_356 = arith.constant 1 : i32
          %dma_wait3A_357 = arith.constant 0 : i32
          %dma_wait3A_358 = arith.constant 0 : i32
          %dma_wait3A_359 = tpu.memref_slice %arg11[%dma_wait3A_356, %dma_wait3A_357, %dma_wait3A_358] : memref<8x128x16xf32, #tpu.memory_space<vmem>> -> memref<1x128x16xf32, #tpu.memory_space<vmem>>
          %dma_wait3A_360 = tpu.memref_squeeze %dma_wait3A_359 : memref<1x128x16xf32, #tpu.memory_space<vmem>> -> memref<128x16xf32, #tpu.memory_space<vmem>>
          %dma_wait3A_361 = arith.constant 0 : i32
          %dma_wait3A_362 = tpu.memref_slice %arg7[%dma_wait3A_355, %dma_wait3A_361] : memref<8x128xi32, #tpu.memory_space<vmem>> -> memref<1x128xi32, #tpu.memory_space<vmem>>
          %dma_wait3A_363 = tpu.memref_squeeze %dma_wait3A_362 : memref<1x128xi32, #tpu.memory_space<vmem>> -> memref<128xi32, #tpu.memory_space<vmem>>
          %dma_wait3A_364 = arith.constant 0 : i32
          %dma_wait3A_365 = arith.constant 0 : i32
          %dma_wait3A_366 = tpu.memref_slice %arg2[%dma_wait3A_364, %dma_wait3A_365] : memref<90000x16xf32, #tpu.memory_space<hbm>> -> memref<90000x16xf32, #tpu.memory_space<hbm>>
          tpu.wait_indirect_dma semaphore(%arg15 : memref<!tpu.dma_semaphore, #tpu.memory_space<semaphore_mem>>) src(%dma_wait3A_366 : memref<90000x16xf32, #tpu.memory_space<hbm>>) dst(%dma_wait3A_360 : memref<128x16xf32, #tpu.memory_space<vmem>>)
          %dma_wait3A_367 = arith.constant 2 : i32
          %dma_wait3A_368 = arith.constant 2 : i32
          %dma_wait3A_369 = arith.constant 0 : i32
          %dma_wait3A_370 = arith.constant 0 : i32
          %dma_wait3A_371 = tpu.memref_slice %arg11[%dma_wait3A_368, %dma_wait3A_369, %dma_wait3A_370] : memref<8x128x16xf32, #tpu.memory_space<vmem>> -> memref<1x128x16xf32, #tpu.memory_space<vmem>>
          %dma_wait3A_372 = tpu.memref_squeeze %dma_wait3A_371 : memref<1x128x16xf32, #tpu.memory_space<vmem>> -> memref<128x16xf32, #tpu.memory_space<vmem>>
          %dma_wait3A_373 = arith.constant 0 : i32
          %dma_wait3A_374 = tpu.memref_slice %arg7[%dma_wait3A_367, %dma_wait3A_373] : memref<8x128xi32, #tpu.memory_space<vmem>> -> memref<1x128xi32, #tpu.memory_space<vmem>>
          %dma_wait3A_375 = tpu.memref_squeeze %dma_wait3A_374 : memref<1x128xi32, #tpu.memory_space<vmem>> -> memref<128xi32, #tpu.memory_space<vmem>>
          %dma_wait3A_376 = arith.constant 0 : i32
          %dma_wait3A_377 = arith.constant 0 : i32
          %dma_wait3A_378 = tpu.memref_slice %arg2[%dma_wait3A_376, %dma_wait3A_377] : memref<90000x16xf32, #tpu.memory_space<hbm>> -> memref<90000x16xf32, #tpu.memory_space<hbm>>
          tpu.wait_indirect_dma semaphore(%arg15 : memref<!tpu.dma_semaphore, #tpu.memory_space<semaphore_mem>>) src(%dma_wait3A_378 : memref<90000x16xf32, #tpu.memory_space<hbm>>) dst(%dma_wait3A_372 : memref<128x16xf32, #tpu.memory_space<vmem>>)
          %dma_wait3A_379 = arith.constant 3 : i32
          %dma_wait3A_380 = arith.constant 3 : i32
          %dma_wait3A_381 = arith.constant 0 : i32
          %dma_wait3A_382 = arith.constant 0 : i32
          %dma_wait3A_383 = tpu.memref_slice %arg11[%dma_wait3A_380, %dma_wait3A_381, %dma_wait3A_382] : memref<8x128x16xf32, #tpu.memory_space<vmem>> -> memref<1x128x16xf32, #tpu.memory_space<vmem>>
          %dma_wait3A_384 = tpu.memref_squeeze %dma_wait3A_383 : memref<1x128x16xf32, #tpu.memory_space<vmem>> -> memref<128x16xf32, #tpu.memory_space<vmem>>
          %dma_wait3A_385 = arith.constant 0 : i32
          %dma_wait3A_386 = tpu.memref_slice %arg7[%dma_wait3A_379, %dma_wait3A_385] : memref<8x128xi32, #tpu.memory_space<vmem>> -> memref<1x128xi32, #tpu.memory_space<vmem>>
          %dma_wait3A_387 = tpu.memref_squeeze %dma_wait3A_386 : memref<1x128xi32, #tpu.memory_space<vmem>> -> memref<128xi32, #tpu.memory_space<vmem>>
          %dma_wait3A_388 = arith.constant 0 : i32
          %dma_wait3A_389 = arith.constant 0 : i32
          %dma_wait3A_390 = tpu.memref_slice %arg2[%dma_wait3A_388, %dma_wait3A_389] : memref<90000x16xf32, #tpu.memory_space<hbm>> -> memref<90000x16xf32, #tpu.memory_space<hbm>>
          tpu.wait_indirect_dma semaphore(%arg15 : memref<!tpu.dma_semaphore, #tpu.memory_space<semaphore_mem>>) src(%dma_wait3A_390 : memref<90000x16xf32, #tpu.memory_space<hbm>>) dst(%dma_wait3A_384 : memref<128x16xf32, #tpu.memory_space<vmem>>)
          %dma_wait3A_391 = arith.constant 4 : i32
          %dma_wait3A_392 = arith.constant 4 : i32
          %dma_wait3A_393 = arith.constant 0 : i32
          %dma_wait3A_394 = arith.constant 0 : i32
          %dma_wait3A_395 = tpu.memref_slice %arg11[%dma_wait3A_392, %dma_wait3A_393, %dma_wait3A_394] : memref<8x128x16xf32, #tpu.memory_space<vmem>> -> memref<1x128x16xf32, #tpu.memory_space<vmem>>
          %dma_wait3A_396 = tpu.memref_squeeze %dma_wait3A_395 : memref<1x128x16xf32, #tpu.memory_space<vmem>> -> memref<128x16xf32, #tpu.memory_space<vmem>>
          %dma_wait3A_397 = arith.constant 0 : i32
          %dma_wait3A_398 = tpu.memref_slice %arg7[%dma_wait3A_391, %dma_wait3A_397] : memref<8x128xi32, #tpu.memory_space<vmem>> -> memref<1x128xi32, #tpu.memory_space<vmem>>
          %dma_wait3A_399 = tpu.memref_squeeze %dma_wait3A_398 : memref<1x128xi32, #tpu.memory_space<vmem>> -> memref<128xi32, #tpu.memory_space<vmem>>
          %dma_wait3A_400 = arith.constant 0 : i32
          %dma_wait3A_401 = arith.constant 0 : i32
          %dma_wait3A_402 = tpu.memref_slice %arg2[%dma_wait3A_400, %dma_wait3A_401] : memref<90000x16xf32, #tpu.memory_space<hbm>> -> memref<90000x16xf32, #tpu.memory_space<hbm>>
          tpu.wait_indirect_dma semaphore(%arg15 : memref<!tpu.dma_semaphore, #tpu.memory_space<semaphore_mem>>) src(%dma_wait3A_402 : memref<90000x16xf32, #tpu.memory_space<hbm>>) dst(%dma_wait3A_396 : memref<128x16xf32, #tpu.memory_space<vmem>>)
          %dma_wait3A_403 = arith.constant 5 : i32
          %dma_wait3A_404 = arith.constant 5 : i32
          %dma_wait3A_405 = arith.constant 0 : i32
          %dma_wait3A_406 = arith.constant 0 : i32
          %dma_wait3A_407 = tpu.memref_slice %arg11[%dma_wait3A_404, %dma_wait3A_405, %dma_wait3A_406] : memref<8x128x16xf32, #tpu.memory_space<vmem>> -> memref<1x128x16xf32, #tpu.memory_space<vmem>>
          %dma_wait3A_408 = tpu.memref_squeeze %dma_wait3A_407 : memref<1x128x16xf32, #tpu.memory_space<vmem>> -> memref<128x16xf32, #tpu.memory_space<vmem>>
          %dma_wait3A_409 = arith.constant 0 : i32
          %dma_wait3A_410 = tpu.memref_slice %arg7[%dma_wait3A_403, %dma_wait3A_409] : memref<8x128xi32, #tpu.memory_space<vmem>> -> memref<1x128xi32, #tpu.memory_space<vmem>>
          %dma_wait3A_411 = tpu.memref_squeeze %dma_wait3A_410 : memref<1x128xi32, #tpu.memory_space<vmem>> -> memref<128xi32, #tpu.memory_space<vmem>>
          %dma_wait3A_412 = arith.constant 0 : i32
          %dma_wait3A_413 = arith.constant 0 : i32
          %dma_wait3A_414 = tpu.memref_slice %arg2[%dma_wait3A_412, %dma_wait3A_413] : memref<90000x16xf32, #tpu.memory_space<hbm>> -> memref<90000x16xf32, #tpu.memory_space<hbm>>
          tpu.wait_indirect_dma semaphore(%arg15 : memref<!tpu.dma_semaphore, #tpu.memory_space<semaphore_mem>>) src(%dma_wait3A_414 : memref<90000x16xf32, #tpu.memory_space<hbm>>) dst(%dma_wait3A_408 : memref<128x16xf32, #tpu.memory_space<vmem>>)
          %dma_wait3A_415 = arith.constant 6 : i32
          %dma_wait3A_416 = arith.constant 6 : i32
          %dma_wait3A_417 = arith.constant 0 : i32
          %dma_wait3A_418 = arith.constant 0 : i32
          %dma_wait3A_419 = tpu.memref_slice %arg11[%dma_wait3A_416, %dma_wait3A_417, %dma_wait3A_418] : memref<8x128x16xf32, #tpu.memory_space<vmem>> -> memref<1x128x16xf32, #tpu.memory_space<vmem>>
          %dma_wait3A_420 = tpu.memref_squeeze %dma_wait3A_419 : memref<1x128x16xf32, #tpu.memory_space<vmem>> -> memref<128x16xf32, #tpu.memory_space<vmem>>
          %dma_wait3A_421 = arith.constant 0 : i32
          %dma_wait3A_422 = tpu.memref_slice %arg7[%dma_wait3A_415, %dma_wait3A_421] : memref<8x128xi32, #tpu.memory_space<vmem>> -> memref<1x128xi32, #tpu.memory_space<vmem>>
          %dma_wait3A_423 = tpu.memref_squeeze %dma_wait3A_422 : memref<1x128xi32, #tpu.memory_space<vmem>> -> memref<128xi32, #tpu.memory_space<vmem>>
          %dma_wait3A_424 = arith.constant 0 : i32
          %dma_wait3A_425 = arith.constant 0 : i32
          %dma_wait3A_426 = tpu.memref_slice %arg2[%dma_wait3A_424, %dma_wait3A_425] : memref<90000x16xf32, #tpu.memory_space<hbm>> -> memref<90000x16xf32, #tpu.memory_space<hbm>>
          tpu.wait_indirect_dma semaphore(%arg15 : memref<!tpu.dma_semaphore, #tpu.memory_space<semaphore_mem>>) src(%dma_wait3A_426 : memref<90000x16xf32, #tpu.memory_space<hbm>>) dst(%dma_wait3A_420 : memref<128x16xf32, #tpu.memory_space<vmem>>)
          %dma_wait3A_427 = arith.constant 7 : i32
          %dma_wait3A_428 = arith.constant 7 : i32
          %dma_wait3A_429 = arith.constant 0 : i32
          %dma_wait3A_430 = arith.constant 0 : i32
          %dma_wait3A_431 = tpu.memref_slice %arg11[%dma_wait3A_428, %dma_wait3A_429, %dma_wait3A_430] : memref<8x128x16xf32, #tpu.memory_space<vmem>> -> memref<1x128x16xf32, #tpu.memory_space<vmem>>
          %dma_wait3A_432 = tpu.memref_squeeze %dma_wait3A_431 : memref<1x128x16xf32, #tpu.memory_space<vmem>> -> memref<128x16xf32, #tpu.memory_space<vmem>>
          %dma_wait3A_433 = arith.constant 0 : i32
          %dma_wait3A_434 = tpu.memref_slice %arg7[%dma_wait3A_427, %dma_wait3A_433] : memref<8x128xi32, #tpu.memory_space<vmem>> -> memref<1x128xi32, #tpu.memory_space<vmem>>
          %dma_wait3A_435 = tpu.memref_squeeze %dma_wait3A_434 : memref<1x128xi32, #tpu.memory_space<vmem>> -> memref<128xi32, #tpu.memory_space<vmem>>
          %dma_wait3A_436 = arith.constant 0 : i32
          %dma_wait3A_437 = arith.constant 0 : i32
          %dma_wait3A_438 = tpu.memref_slice %arg2[%dma_wait3A_436, %dma_wait3A_437] : memref<90000x16xf32, #tpu.memory_space<hbm>> -> memref<90000x16xf32, #tpu.memory_space<hbm>>
          tpu.wait_indirect_dma semaphore(%arg15 : memref<!tpu.dma_semaphore, #tpu.memory_space<semaphore_mem>>) src(%dma_wait3A_438 : memref<90000x16xf32, #tpu.memory_space<hbm>>) dst(%dma_wait3A_432 : memref<128x16xf32, #tpu.memory_space<vmem>>)
          %dma_start3A_439 = arith.constant 0 : i32
          %dma_start3A_440 = arith.constant 0 : i32
          %dma_start3A_441 = arith.constant 0 : i32
          %dma_start3A_442 = arith.constant 0 : i32
          %dma_start3A_443 = tpu.memref_slice %arg11[%dma_start3A_439, %dma_start3A_441, %dma_start3A_442] : memref<8x128x16xf32, #tpu.memory_space<vmem>> -> memref<1x128x16xf32, #tpu.memory_space<vmem>>
          %dma_start3A_444 = tpu.memref_squeeze %dma_start3A_443 : memref<1x128x16xf32, #tpu.memory_space<vmem>> -> memref<128x16xf32, #tpu.memory_space<vmem>>
          %dma_start3A_445 = arith.constant 0 : i32
          %dma_start3A_446 = tpu.memref_slice %arg9[%dma_start3A_440, %dma_start3A_445] : memref<8x128xi32, #tpu.memory_space<vmem>> -> memref<1x128xi32, #tpu.memory_space<vmem>>
          %dma_start3A_447 = tpu.memref_squeeze %dma_start3A_446 : memref<1x128xi32, #tpu.memory_space<vmem>> -> memref<128xi32, #tpu.memory_space<vmem>>
          %dma_start3A_448 = arith.constant 0 : i32
          %dma_start3A_449 = arith.constant 0 : i32
          %dma_start3A_450 = tpu.memref_slice %arg14[%dma_start3A_448, %dma_start3A_449] : memref<83200x16xf32, #tpu.memory_space<vmem_shared>> -> memref<83200x16xf32, #tpu.memory_space<vmem_shared>>
          tpu.enqueue_indirect_dma source(%dma_start3A_444 : memref<128x16xf32, #tpu.memory_space<vmem>>) target(%dma_start3A_450 : memref<83200x16xf32, #tpu.memory_space<vmem_shared>>) offsets(%dma_start3A_447 : memref<128xi32, #tpu.memory_space<vmem>>) semaphore(%arg17 : memref<!tpu.dma_semaphore, #tpu.memory_space<semaphore_mem>>) {add = true}
          %dma_start3A_451 = arith.constant 1 : i32
          %dma_start3A_452 = arith.constant 1 : i32
          %dma_start3A_453 = arith.constant 0 : i32
          %dma_start3A_454 = arith.constant 0 : i32
          %dma_start3A_455 = tpu.memref_slice %arg11[%dma_start3A_451, %dma_start3A_453, %dma_start3A_454] : memref<8x128x16xf32, #tpu.memory_space<vmem>> -> memref<1x128x16xf32, #tpu.memory_space<vmem>>
          %dma_start3A_456 = tpu.memref_squeeze %dma_start3A_455 : memref<1x128x16xf32, #tpu.memory_space<vmem>> -> memref<128x16xf32, #tpu.memory_space<vmem>>
          %dma_start3A_457 = arith.constant 0 : i32
          %dma_start3A_458 = tpu.memref_slice %arg9[%dma_start3A_452, %dma_start3A_457] : memref<8x128xi32, #tpu.memory_space<vmem>> -> memref<1x128xi32, #tpu.memory_space<vmem>>
          %dma_start3A_459 = tpu.memref_squeeze %dma_start3A_458 : memref<1x128xi32, #tpu.memory_space<vmem>> -> memref<128xi32, #tpu.memory_space<vmem>>
          %dma_start3A_460 = arith.constant 0 : i32
          %dma_start3A_461 = arith.constant 0 : i32
          %dma_start3A_462 = tpu.memref_slice %arg14[%dma_start3A_460, %dma_start3A_461] : memref<83200x16xf32, #tpu.memory_space<vmem_shared>> -> memref<83200x16xf32, #tpu.memory_space<vmem_shared>>
          tpu.enqueue_indirect_dma source(%dma_start3A_456 : memref<128x16xf32, #tpu.memory_space<vmem>>) target(%dma_start3A_462 : memref<83200x16xf32, #tpu.memory_space<vmem_shared>>) offsets(%dma_start3A_459 : memref<128xi32, #tpu.memory_space<vmem>>) semaphore(%arg17 : memref<!tpu.dma_semaphore, #tpu.memory_space<semaphore_mem>>) {add = true}
          %dma_start3A_463 = arith.constant 2 : i32
          %dma_start3A_464 = arith.constant 2 : i32
          %dma_start3A_465 = arith.constant 0 : i32
          %dma_start3A_466 = arith.constant 0 : i32
          %dma_start3A_467 = tpu.memref_slice %arg11[%dma_start3A_463, %dma_start3A_465, %dma_start3A_466] : memref<8x128x16xf32, #tpu.memory_space<vmem>> -> memref<1x128x16xf32, #tpu.memory_space<vmem>>
          %dma_start3A_468 = tpu.memref_squeeze %dma_start3A_467 : memref<1x128x16xf32, #tpu.memory_space<vmem>> -> memref<128x16xf32, #tpu.memory_space<vmem>>
          %dma_start3A_469 = arith.constant 0 : i32
          %dma_start3A_470 = tpu.memref_slice %arg9[%dma_start3A_464, %dma_start3A_469] : memref<8x128xi32, #tpu.memory_space<vmem>> -> memref<1x128xi32, #tpu.memory_space<vmem>>
          %dma_start3A_471 = tpu.memref_squeeze %dma_start3A_470 : memref<1x128xi32, #tpu.memory_space<vmem>> -> memref<128xi32, #tpu.memory_space<vmem>>
          %dma_start3A_472 = arith.constant 0 : i32
          %dma_start3A_473 = arith.constant 0 : i32
          %dma_start3A_474 = tpu.memref_slice %arg14[%dma_start3A_472, %dma_start3A_473] : memref<83200x16xf32, #tpu.memory_space<vmem_shared>> -> memref<83200x16xf32, #tpu.memory_space<vmem_shared>>
          tpu.enqueue_indirect_dma source(%dma_start3A_468 : memref<128x16xf32, #tpu.memory_space<vmem>>) target(%dma_start3A_474 : memref<83200x16xf32, #tpu.memory_space<vmem_shared>>) offsets(%dma_start3A_471 : memref<128xi32, #tpu.memory_space<vmem>>) semaphore(%arg17 : memref<!tpu.dma_semaphore, #tpu.memory_space<semaphore_mem>>) {add = true}
          %dma_start3A_475 = arith.constant 3 : i32
          %dma_start3A_476 = arith.constant 3 : i32
          %dma_start3A_477 = arith.constant 0 : i32
          %dma_start3A_478 = arith.constant 0 : i32
          %dma_start3A_479 = tpu.memref_slice %arg11[%dma_start3A_475, %dma_start3A_477, %dma_start3A_478] : memref<8x128x16xf32, #tpu.memory_space<vmem>> -> memref<1x128x16xf32, #tpu.memory_space<vmem>>
          %dma_start3A_480 = tpu.memref_squeeze %dma_start3A_479 : memref<1x128x16xf32, #tpu.memory_space<vmem>> -> memref<128x16xf32, #tpu.memory_space<vmem>>
          %dma_start3A_481 = arith.constant 0 : i32
          %dma_start3A_482 = tpu.memref_slice %arg9[%dma_start3A_476, %dma_start3A_481] : memref<8x128xi32, #tpu.memory_space<vmem>> -> memref<1x128xi32, #tpu.memory_space<vmem>>
          %dma_start3A_483 = tpu.memref_squeeze %dma_start3A_482 : memref<1x128xi32, #tpu.memory_space<vmem>> -> memref<128xi32, #tpu.memory_space<vmem>>
          %dma_start3A_484 = arith.constant 0 : i32
          %dma_start3A_485 = arith.constant 0 : i32
          %dma_start3A_486 = tpu.memref_slice %arg14[%dma_start3A_484, %dma_start3A_485] : memref<83200x16xf32, #tpu.memory_space<vmem_shared>> -> memref<83200x16xf32, #tpu.memory_space<vmem_shared>>
          tpu.enqueue_indirect_dma source(%dma_start3A_480 : memref<128x16xf32, #tpu.memory_space<vmem>>) target(%dma_start3A_486 : memref<83200x16xf32, #tpu.memory_space<vmem_shared>>) offsets(%dma_start3A_483 : memref<128xi32, #tpu.memory_space<vmem>>) semaphore(%arg17 : memref<!tpu.dma_semaphore, #tpu.memory_space<semaphore_mem>>) {add = true}
          %dma_start3A_487 = arith.constant 4 : i32
          %dma_start3A_488 = arith.constant 4 : i32
          %dma_start3A_489 = arith.constant 0 : i32
          %dma_start3A_490 = arith.constant 0 : i32
          %dma_start3A_491 = tpu.memref_slice %arg11[%dma_start3A_487, %dma_start3A_489, %dma_start3A_490] : memref<8x128x16xf32, #tpu.memory_space<vmem>> -> memref<1x128x16xf32, #tpu.memory_space<vmem>>
          %dma_start3A_492 = tpu.memref_squeeze %dma_start3A_491 : memref<1x128x16xf32, #tpu.memory_space<vmem>> -> memref<128x16xf32, #tpu.memory_space<vmem>>
          %dma_start3A_493 = arith.constant 0 : i32
          %dma_start3A_494 = tpu.memref_slice %arg9[%dma_start3A_488, %dma_start3A_493] : memref<8x128xi32, #tpu.memory_space<vmem>> -> memref<1x128xi32, #tpu.memory_space<vmem>>
          %dma_start3A_495 = tpu.memref_squeeze %dma_start3A_494 : memref<1x128xi32, #tpu.memory_space<vmem>> -> memref<128xi32, #tpu.memory_space<vmem>>
          %dma_start3A_496 = arith.constant 0 : i32
          %dma_start3A_497 = arith.constant 0 : i32
          %dma_start3A_498 = tpu.memref_slice %arg14[%dma_start3A_496, %dma_start3A_497] : memref<83200x16xf32, #tpu.memory_space<vmem_shared>> -> memref<83200x16xf32, #tpu.memory_space<vmem_shared>>
          tpu.enqueue_indirect_dma source(%dma_start3A_492 : memref<128x16xf32, #tpu.memory_space<vmem>>) target(%dma_start3A_498 : memref<83200x16xf32, #tpu.memory_space<vmem_shared>>) offsets(%dma_start3A_495 : memref<128xi32, #tpu.memory_space<vmem>>) semaphore(%arg17 : memref<!tpu.dma_semaphore, #tpu.memory_space<semaphore_mem>>) {add = true}
          %dma_start3A_499 = arith.constant 5 : i32
          %dma_start3A_500 = arith.constant 5 : i32
          %dma_start3A_501 = arith.constant 0 : i32
          %dma_start3A_502 = arith.constant 0 : i32
          %dma_start3A_503 = tpu.memref_slice %arg11[%dma_start3A_499, %dma_start3A_501, %dma_start3A_502] : memref<8x128x16xf32, #tpu.memory_space<vmem>> -> memref<1x128x16xf32, #tpu.memory_space<vmem>>
          %dma_start3A_504 = tpu.memref_squeeze %dma_start3A_503 : memref<1x128x16xf32, #tpu.memory_space<vmem>> -> memref<128x16xf32, #tpu.memory_space<vmem>>
          %dma_start3A_505 = arith.constant 0 : i32
          %dma_start3A_506 = tpu.memref_slice %arg9[%dma_start3A_500, %dma_start3A_505] : memref<8x128xi32, #tpu.memory_space<vmem>> -> memref<1x128xi32, #tpu.memory_space<vmem>>
          %dma_start3A_507 = tpu.memref_squeeze %dma_start3A_506 : memref<1x128xi32, #tpu.memory_space<vmem>> -> memref<128xi32, #tpu.memory_space<vmem>>
          %dma_start3A_508 = arith.constant 0 : i32
          %dma_start3A_509 = arith.constant 0 : i32
          %dma_start3A_510 = tpu.memref_slice %arg14[%dma_start3A_508, %dma_start3A_509] : memref<83200x16xf32, #tpu.memory_space<vmem_shared>> -> memref<83200x16xf32, #tpu.memory_space<vmem_shared>>
          tpu.enqueue_indirect_dma source(%dma_start3A_504 : memref<128x16xf32, #tpu.memory_space<vmem>>) target(%dma_start3A_510 : memref<83200x16xf32, #tpu.memory_space<vmem_shared>>) offsets(%dma_start3A_507 : memref<128xi32, #tpu.memory_space<vmem>>) semaphore(%arg17 : memref<!tpu.dma_semaphore, #tpu.memory_space<semaphore_mem>>) {add = true}
          %dma_start3A_511 = arith.constant 6 : i32
          %dma_start3A_512 = arith.constant 6 : i32
          %dma_start3A_513 = arith.constant 0 : i32
          %dma_start3A_514 = arith.constant 0 : i32
          %dma_start3A_515 = tpu.memref_slice %arg11[%dma_start3A_511, %dma_start3A_513, %dma_start3A_514] : memref<8x128x16xf32, #tpu.memory_space<vmem>> -> memref<1x128x16xf32, #tpu.memory_space<vmem>>
          %dma_start3A_516 = tpu.memref_squeeze %dma_start3A_515 : memref<1x128x16xf32, #tpu.memory_space<vmem>> -> memref<128x16xf32, #tpu.memory_space<vmem>>
          %dma_start3A_517 = arith.constant 0 : i32
          %dma_start3A_518 = tpu.memref_slice %arg9[%dma_start3A_512, %dma_start3A_517] : memref<8x128xi32, #tpu.memory_space<vmem>> -> memref<1x128xi32, #tpu.memory_space<vmem>>
          %dma_start3A_519 = tpu.memref_squeeze %dma_start3A_518 : memref<1x128xi32, #tpu.memory_space<vmem>> -> memref<128xi32, #tpu.memory_space<vmem>>
          %dma_start3A_520 = arith.constant 0 : i32
          %dma_start3A_521 = arith.constant 0 : i32
          %dma_start3A_522 = tpu.memref_slice %arg14[%dma_start3A_520, %dma_start3A_521] : memref<83200x16xf32, #tpu.memory_space<vmem_shared>> -> memref<83200x16xf32, #tpu.memory_space<vmem_shared>>
          tpu.enqueue_indirect_dma source(%dma_start3A_516 : memref<128x16xf32, #tpu.memory_space<vmem>>) target(%dma_start3A_522 : memref<83200x16xf32, #tpu.memory_space<vmem_shared>>) offsets(%dma_start3A_519 : memref<128xi32, #tpu.memory_space<vmem>>) semaphore(%arg17 : memref<!tpu.dma_semaphore, #tpu.memory_space<semaphore_mem>>) {add = true}
          %dma_start3A_523 = arith.constant 7 : i32
          %dma_start3A_524 = arith.constant 7 : i32
          %dma_start3A_525 = arith.constant 0 : i32
          %dma_start3A_526 = arith.constant 0 : i32
          %dma_start3A_527 = tpu.memref_slice %arg11[%dma_start3A_523, %dma_start3A_525, %dma_start3A_526] : memref<8x128x16xf32, #tpu.memory_space<vmem>> -> memref<1x128x16xf32, #tpu.memory_space<vmem>>
          %dma_start3A_528 = tpu.memref_squeeze %dma_start3A_527 : memref<1x128x16xf32, #tpu.memory_space<vmem>> -> memref<128x16xf32, #tpu.memory_space<vmem>>
          %dma_start3A_529 = arith.constant 0 : i32
          %dma_start3A_530 = tpu.memref_slice %arg9[%dma_start3A_524, %dma_start3A_529] : memref<8x128xi32, #tpu.memory_space<vmem>> -> memref<1x128xi32, #tpu.memory_space<vmem>>
          %dma_start3A_531 = tpu.memref_squeeze %dma_start3A_530 : memref<1x128xi32, #tpu.memory_space<vmem>> -> memref<128xi32, #tpu.memory_space<vmem>>
          %dma_start3A_532 = arith.constant 0 : i32
          %dma_start3A_533 = arith.constant 0 : i32
          %dma_start3A_534 = tpu.memref_slice %arg14[%dma_start3A_532, %dma_start3A_533] : memref<83200x16xf32, #tpu.memory_space<vmem_shared>> -> memref<83200x16xf32, #tpu.memory_space<vmem_shared>>
          tpu.enqueue_indirect_dma source(%dma_start3A_528 : memref<128x16xf32, #tpu.memory_space<vmem>>) target(%dma_start3A_534 : memref<83200x16xf32, #tpu.memory_space<vmem_shared>>) offsets(%dma_start3A_531 : memref<128xi32, #tpu.memory_space<vmem>>) semaphore(%arg17 : memref<!tpu.dma_semaphore, #tpu.memory_space<semaphore_mem>>) {add = true}
          %add3A_535 = arith.constant 1 : i32
          %add3A_536 = arith.addi %mul3A_335, %add3A_535 : i32
          %add3A_537 = arith.constant 1 : i32
          %add3A_538 = arith.addi %add3A_536, %add3A_537 : i32
          %lt3A_539 = arith.constant 20 : i32
          %lt3A_540 = arith.cmpi slt, %add3A_538, %lt3A_539 : i32
          %convert_element_type3A_541 = arith.extui %lt3A_540 : i1 to i32
          %cond3A_542 = arith.constant 0 : i32
          %cond3A_543 = arith.cmpi ne, %convert_element_type3A_541, %cond3A_542 : i32
          scf.if %cond3A_543 {
            %gt3A = arith.constant 0 : i32
            %gt3A_736 = arith.cmpi sgt, %add3A_536, %gt3A : i32
            %convert_element_type3A_737 = arith.extui %gt3A_736 : i1 to i32
            %cond3A_738 = arith.constant 0 : i32
            %cond3A_739 = arith.cmpi ne, %convert_element_type3A_737, %cond3A_738 : i32
            scf.if %cond3A_739 {
              %dma_wait3A_849 = arith.constant 0 : i32
              %dma_wait3A_850 = arith.constant 0 : i32
              %dma_wait3A_851 = arith.constant 0 : i32
              %dma_wait3A_852 = arith.constant 0 : i32
              %dma_wait3A_853 = tpu.memref_slice %arg11[%dma_wait3A_849, %dma_wait3A_851, %dma_wait3A_852] : memref<8x128x16xf32, #tpu.memory_space<vmem>> -> memref<1x128x16xf32, #tpu.memory_space<vmem>>
              %dma_wait3A_854 = tpu.memref_squeeze %dma_wait3A_853 : memref<1x128x16xf32, #tpu.memory_space<vmem>> -> memref<128x16xf32, #tpu.memory_space<vmem>>
              %dma_wait3A_855 = arith.constant 0 : i32
              %dma_wait3A_856 = tpu.memref_slice %arg9[%dma_wait3A_850, %dma_wait3A_855] : memref<8x128xi32, #tpu.memory_space<vmem>> -> memref<1x128xi32, #tpu.memory_space<vmem>>
              %dma_wait3A_857 = tpu.memref_squeeze %dma_wait3A_856 : memref<1x128xi32, #tpu.memory_space<vmem>> -> memref<128xi32, #tpu.memory_space<vmem>>
              %dma_wait3A_858 = arith.constant 0 : i32
              %dma_wait3A_859 = arith.constant 0 : i32
              %dma_wait3A_860 = tpu.memref_slice %arg14[%dma_wait3A_858, %dma_wait3A_859] : memref<83200x16xf32, #tpu.memory_space<vmem_shared>> -> memref<83200x16xf32, #tpu.memory_space<vmem_shared>>
              tpu.wait_indirect_dma semaphore(%arg17 : memref<!tpu.dma_semaphore, #tpu.memory_space<semaphore_mem>>) src(%dma_wait3A_854 : memref<128x16xf32, #tpu.memory_space<vmem>>) dst(%dma_wait3A_860 : memref<83200x16xf32, #tpu.memory_space<vmem_shared>>)
              %dma_wait3A_861 = arith.constant 1 : i32
              %dma_wait3A_862 = arith.constant 1 : i32
              %dma_wait3A_863 = arith.constant 0 : i32
              %dma_wait3A_864 = arith.constant 0 : i32
              %dma_wait3A_865 = tpu.memref_slice %arg11[%dma_wait3A_861, %dma_wait3A_863, %dma_wait3A_864] : memref<8x128x16xf32, #tpu.memory_space<vmem>> -> memref<1x128x16xf32, #tpu.memory_space<vmem>>
              %dma_wait3A_866 = tpu.memref_squeeze %dma_wait3A_865 : memref<1x128x16xf32, #tpu.memory_space<vmem>> -> memref<128x16xf32, #tpu.memory_space<vmem>>
              %dma_wait3A_867 = arith.constant 0 : i32
              %dma_wait3A_868 = tpu.memref_slice %arg9[%dma_wait3A_862, %dma_wait3A_867] : memref<8x128xi32, #tpu.memory_space<vmem>> -> memref<1x128xi32, #tpu.memory_space<vmem>>
              %dma_wait3A_869 = tpu.memref_squeeze %dma_wait3A_868 : memref<1x128xi32, #tpu.memory_space<vmem>> -> memref<128xi32, #tpu.memory_space<vmem>>
              %dma_wait3A_870 = arith.constant 0 : i32
              %dma_wait3A_871 = arith.constant 0 : i32
              %dma_wait3A_872 = tpu.memref_slice %arg14[%dma_wait3A_870, %dma_wait3A_871] : memref<83200x16xf32, #tpu.memory_space<vmem_shared>> -> memref<83200x16xf32, #tpu.memory_space<vmem_shared>>
              tpu.wait_indirect_dma semaphore(%arg17 : memref<!tpu.dma_semaphore, #tpu.memory_space<semaphore_mem>>) src(%dma_wait3A_866 : memref<128x16xf32, #tpu.memory_space<vmem>>) dst(%dma_wait3A_872 : memref<83200x16xf32, #tpu.memory_space<vmem_shared>>)
              %dma_wait3A_873 = arith.constant 2 : i32
              %dma_wait3A_874 = arith.constant 2 : i32
              %dma_wait3A_875 = arith.constant 0 : i32
              %dma_wait3A_876 = arith.constant 0 : i32
              %dma_wait3A_877 = tpu.memref_slice %arg11[%dma_wait3A_873, %dma_wait3A_875, %dma_wait3A_876] : memref<8x128x16xf32, #tpu.memory_space<vmem>> -> memref<1x128x16xf32, #tpu.memory_space<vmem>>
              %dma_wait3A_878 = tpu.memref_squeeze %dma_wait3A_877 : memref<1x128x16xf32, #tpu.memory_space<vmem>> -> memref<128x16xf32, #tpu.memory_space<vmem>>
              %dma_wait3A_879 = arith.constant 0 : i32
              %dma_wait3A_880 = tpu.memref_slice %arg9[%dma_wait3A_874, %dma_wait3A_879] : memref<8x128xi32, #tpu.memory_space<vmem>> -> memref<1x128xi32, #tpu.memory_space<vmem>>
              %dma_wait3A_881 = tpu.memref_squeeze %dma_wait3A_880 : memref<1x128xi32, #tpu.memory_space<vmem>> -> memref<128xi32, #tpu.memory_space<vmem>>
              %dma_wait3A_882 = arith.constant 0 : i32
              %dma_wait3A_883 = arith.constant 0 : i32
              %dma_wait3A_884 = tpu.memref_slice %arg14[%dma_wait3A_882, %dma_wait3A_883] : memref<83200x16xf32, #tpu.memory_space<vmem_shared>> -> memref<83200x16xf32, #tpu.memory_space<vmem_shared>>
              tpu.wait_indirect_dma semaphore(%arg17 : memref<!tpu.dma_semaphore, #tpu.memory_space<semaphore_mem>>) src(%dma_wait3A_878 : memref<128x16xf32, #tpu.memory_space<vmem>>) dst(%dma_wait3A_884 : memref<83200x16xf32, #tpu.memory_space<vmem_shared>>)
              %dma_wait3A_885 = arith.constant 3 : i32
              %dma_wait3A_886 = arith.constant 3 : i32
              %dma_wait3A_887 = arith.constant 0 : i32
              %dma_wait3A_888 = arith.constant 0 : i32
              %dma_wait3A_889 = tpu.memref_slice %arg11[%dma_wait3A_885, %dma_wait3A_887, %dma_wait3A_888] : memref<8x128x16xf32, #tpu.memory_space<vmem>> -> memref<1x128x16xf32, #tpu.memory_space<vmem>>
              %dma_wait3A_890 = tpu.memref_squeeze %dma_wait3A_889 : memref<1x128x16xf32, #tpu.memory_space<vmem>> -> memref<128x16xf32, #tpu.memory_space<vmem>>
              %dma_wait3A_891 = arith.constant 0 : i32
              %dma_wait3A_892 = tpu.memref_slice %arg9[%dma_wait3A_886, %dma_wait3A_891] : memref<8x128xi32, #tpu.memory_space<vmem>> -> memref<1x128xi32, #tpu.memory_space<vmem>>
              %dma_wait3A_893 = tpu.memref_squeeze %dma_wait3A_892 : memref<1x128xi32, #tpu.memory_space<vmem>> -> memref<128xi32, #tpu.memory_space<vmem>>
              %dma_wait3A_894 = arith.constant 0 : i32
              %dma_wait3A_895 = arith.constant 0 : i32
              %dma_wait3A_896 = tpu.memref_slice %arg14[%dma_wait3A_894, %dma_wait3A_895] : memref<83200x16xf32, #tpu.memory_space<vmem_shared>> -> memref<83200x16xf32, #tpu.memory_space<vmem_shared>>
              tpu.wait_indirect_dma semaphore(%arg17 : memref<!tpu.dma_semaphore, #tpu.memory_space<semaphore_mem>>) src(%dma_wait3A_890 : memref<128x16xf32, #tpu.memory_space<vmem>>) dst(%dma_wait3A_896 : memref<83200x16xf32, #tpu.memory_space<vmem_shared>>)
              %dma_wait3A_897 = arith.constant 4 : i32
              %dma_wait3A_898 = arith.constant 4 : i32
              %dma_wait3A_899 = arith.constant 0 : i32
              %dma_wait3A_900 = arith.constant 0 : i32
              %dma_wait3A_901 = tpu.memref_slice %arg11[%dma_wait3A_897, %dma_wait3A_899, %dma_wait3A_900] : memref<8x128x16xf32, #tpu.memory_space<vmem>> -> memref<1x128x16xf32, #tpu.memory_space<vmem>>
              %dma_wait3A_902 = tpu.memref_squeeze %dma_wait3A_901 : memref<1x128x16xf32, #tpu.memory_space<vmem>> -> memref<128x16xf32, #tpu.memory_space<vmem>>
              %dma_wait3A_903 = arith.constant 0 : i32
              %dma_wait3A_904 = tpu.memref_slice %arg9[%dma_wait3A_898, %dma_wait3A_903] : memref<8x128xi32, #tpu.memory_space<vmem>> -> memref<1x128xi32, #tpu.memory_space<vmem>>
              %dma_wait3A_905 = tpu.memref_squeeze %dma_wait3A_904 : memref<1x128xi32, #tpu.memory_space<vmem>> -> memref<128xi32, #tpu.memory_space<vmem>>
              %dma_wait3A_906 = arith.constant 0 : i32
              %dma_wait3A_907 = arith.constant 0 : i32
              %dma_wait3A_908 = tpu.memref_slice %arg14[%dma_wait3A_906, %dma_wait3A_907] : memref<83200x16xf32, #tpu.memory_space<vmem_shared>> -> memref<83200x16xf32, #tpu.memory_space<vmem_shared>>
              tpu.wait_indirect_dma semaphore(%arg17 : memref<!tpu.dma_semaphore, #tpu.memory_space<semaphore_mem>>) src(%dma_wait3A_902 : memref<128x16xf32, #tpu.memory_space<vmem>>) dst(%dma_wait3A_908 : memref<83200x16xf32, #tpu.memory_space<vmem_shared>>)
              %dma_wait3A_909 = arith.constant 5 : i32
              %dma_wait3A_910 = arith.constant 5 : i32
              %dma_wait3A_911 = arith.constant 0 : i32
              %dma_wait3A_912 = arith.constant 0 : i32
              %dma_wait3A_913 = tpu.memref_slice %arg11[%dma_wait3A_909, %dma_wait3A_911, %dma_wait3A_912] : memref<8x128x16xf32, #tpu.memory_space<vmem>> -> memref<1x128x16xf32, #tpu.memory_space<vmem>>
              %dma_wait3A_914 = tpu.memref_squeeze %dma_wait3A_913 : memref<1x128x16xf32, #tpu.memory_space<vmem>> -> memref<128x16xf32, #tpu.memory_space<vmem>>
              %dma_wait3A_915 = arith.constant 0 : i32
              %dma_wait3A_916 = tpu.memref_slice %arg9[%dma_wait3A_910, %dma_wait3A_915] : memref<8x128xi32, #tpu.memory_space<vmem>> -> memref<1x128xi32, #tpu.memory_space<vmem>>
              %dma_wait3A_917 = tpu.memref_squeeze %dma_wait3A_916 : memref<1x128xi32, #tpu.memory_space<vmem>> -> memref<128xi32, #tpu.memory_space<vmem>>
              %dma_wait3A_918 = arith.constant 0 : i32
              %dma_wait3A_919 = arith.constant 0 : i32
              %dma_wait3A_920 = tpu.memref_slice %arg14[%dma_wait3A_918, %dma_wait3A_919] : memref<83200x16xf32, #tpu.memory_space<vmem_shared>> -> memref<83200x16xf32, #tpu.memory_space<vmem_shared>>
              tpu.wait_indirect_dma semaphore(%arg17 : memref<!tpu.dma_semaphore, #tpu.memory_space<semaphore_mem>>) src(%dma_wait3A_914 : memref<128x16xf32, #tpu.memory_space<vmem>>) dst(%dma_wait3A_920 : memref<83200x16xf32, #tpu.memory_space<vmem_shared>>)
              %dma_wait3A_921 = arith.constant 6 : i32
              %dma_wait3A_922 = arith.constant 6 : i32
              %dma_wait3A_923 = arith.constant 0 : i32
              %dma_wait3A_924 = arith.constant 0 : i32
              %dma_wait3A_925 = tpu.memref_slice %arg11[%dma_wait3A_921, %dma_wait3A_923, %dma_wait3A_924] : memref<8x128x16xf32, #tpu.memory_space<vmem>> -> memref<1x128x16xf32, #tpu.memory_space<vmem>>
              %dma_wait3A_926 = tpu.memref_squeeze %dma_wait3A_925 : memref<1x128x16xf32, #tpu.memory_space<vmem>> -> memref<128x16xf32, #tpu.memory_space<vmem>>
              %dma_wait3A_927 = arith.constant 0 : i32
              %dma_wait3A_928 = tpu.memref_slice %arg9[%dma_wait3A_922, %dma_wait3A_927] : memref<8x128xi32, #tpu.memory_space<vmem>> -> memref<1x128xi32, #tpu.memory_space<vmem>>
              %dma_wait3A_929 = tpu.memref_squeeze %dma_wait3A_928 : memref<1x128xi32, #tpu.memory_space<vmem>> -> memref<128xi32, #tpu.memory_space<vmem>>
              %dma_wait3A_930 = arith.constant 0 : i32
              %dma_wait3A_931 = arith.constant 0 : i32
              %dma_wait3A_932 = tpu.memref_slice %arg14[%dma_wait3A_930, %dma_wait3A_931] : memref<83200x16xf32, #tpu.memory_space<vmem_shared>> -> memref<83200x16xf32, #tpu.memory_space<vmem_shared>>
              tpu.wait_indirect_dma semaphore(%arg17 : memref<!tpu.dma_semaphore, #tpu.memory_space<semaphore_mem>>) src(%dma_wait3A_926 : memref<128x16xf32, #tpu.memory_space<vmem>>) dst(%dma_wait3A_932 : memref<83200x16xf32, #tpu.memory_space<vmem_shared>>)
              %dma_wait3A_933 = arith.constant 7 : i32
              %dma_wait3A_934 = arith.constant 7 : i32
              %dma_wait3A_935 = arith.constant 0 : i32
              %dma_wait3A_936 = arith.constant 0 : i32
              %dma_wait3A_937 = tpu.memref_slice %arg11[%dma_wait3A_933, %dma_wait3A_935, %dma_wait3A_936] : memref<8x128x16xf32, #tpu.memory_space<vmem>> -> memref<1x128x16xf32, #tpu.memory_space<vmem>>
              %dma_wait3A_938 = tpu.memref_squeeze %dma_wait3A_937 : memref<1x128x16xf32, #tpu.memory_space<vmem>> -> memref<128x16xf32, #tpu.memory_space<vmem>>
              %dma_wait3A_939 = arith.constant 0 : i32
              %dma_wait3A_940 = tpu.memref_slice %arg9[%dma_wait3A_934, %dma_wait3A_939] : memref<8x128xi32, #tpu.memory_space<vmem>> -> memref<1x128xi32, #tpu.memory_space<vmem>>
              %dma_wait3A_941 = tpu.memref_squeeze %dma_wait3A_940 : memref<1x128xi32, #tpu.memory_space<vmem>> -> memref<128xi32, #tpu.memory_space<vmem>>
              %dma_wait3A_942 = arith.constant 0 : i32
              %dma_wait3A_943 = arith.constant 0 : i32
              %dma_wait3A_944 = tpu.memref_slice %arg14[%dma_wait3A_942, %dma_wait3A_943] : memref<83200x16xf32, #tpu.memory_space<vmem_shared>> -> memref<83200x16xf32, #tpu.memory_space<vmem_shared>>
              tpu.wait_indirect_dma semaphore(%arg17 : memref<!tpu.dma_semaphore, #tpu.memory_space<semaphore_mem>>) src(%dma_wait3A_938 : memref<128x16xf32, #tpu.memory_space<vmem>>) dst(%dma_wait3A_944 : memref<83200x16xf32, #tpu.memory_space<vmem_shared>>)
            } else {
            }
            %add3A_740 = arith.constant 1 : i32
            %add3A_741 = arith.addi %add3A_536, %add3A_740 : i32
            %mul3A_742 = arith.constant 20 : i32
            %mul3A_743 = arith.muli %arg1, %mul3A_742 : i32
            %add3A_744 = arith.addi %mul3A_743, %add3A_741 : i32
            %mul3A_745 = arith.constant 8 : i32
            %mul3A_746 = arith.muli %add3A_744, %mul3A_745 : i32
            "tpu.region"() ({
              %run_scoped3A = tpu.sem_alloc : memref<!tpu.dma_semaphore, #tpu.memory_space<semaphore_mem>>
              %dma_start3A_849 = arith.constant 0 : i32
              %dma_start3A_850 = tpu.memref_slice %arg3[%mul3A_746, %dma_start3A_849] : memref<2560x256xi32, #tpu.memory_space<hbm>> -> memref<8x256xi32, #tpu.memory_space<hbm>>
              %dma_start3A_851 = arith.constant 0 : i32
              %dma_start3A_852 = tpu.memref_slice %arg3[%mul3A_746, %dma_start3A_851] : memref<2560x256xi32, #tpu.memory_space<hbm>> -> memref<8x256xi32, #tpu.memory_space<hbm>>
              tpu.enqueue_dma source(%dma_start3A_852 : memref<8x256xi32, #tpu.memory_space<hbm>>) target(%arg5 : memref<8x256xi32, #tpu.memory_space<vmem>>) target_semaphore(%run_scoped3A : memref<!tpu.dma_semaphore, #tpu.memory_space<semaphore_mem>>)
              %dma_wait3A_853 = arith.constant 0 : i32
              %dma_wait3A_854 = tpu.memref_slice %arg3[%mul3A_746, %dma_wait3A_853] : memref<2560x256xi32, #tpu.memory_space<hbm>> -> memref<8x256xi32, #tpu.memory_space<hbm>>
              %dma_wait3A_855 = arith.constant 0 : i32
              %dma_wait3A_856 = tpu.memref_slice %arg3[%mul3A_746, %dma_wait3A_855] : memref<2560x256xi32, #tpu.memory_space<hbm>> -> memref<8x256xi32, #tpu.memory_space<hbm>>
              tpu.wait_dma2 semaphore(%run_scoped3A : memref<!tpu.dma_semaphore, #tpu.memory_space<semaphore_mem>>) src(%dma_wait3A_856 : memref<8x256xi32, #tpu.memory_space<hbm>>) dst(%arg5 : memref<8x256xi32, #tpu.memory_space<vmem>>)
              tpu.yield
            }) : () -> ()
            %scan3A_747 = arith.constant 0 : i32
            %scan3A_748 = arith.constant 0 : i32
            %scan3A_749 = arith.constant 64 : i32
            %scan3A_750 = arith.addi %scan3A_748, %scan3A_749 : i32
            %scan3A_751 = arith.constant 1 : i32
            scf.for %scan3A_849 = %scan3A_748 to %scan3A_750 step %scan3A_751  : i32 {
              %jit3A = arith.constant 8 : i32
              %div3A = arith.divsi %scan3A_849, %jit3A : i32
              %sign3A = arith.constant 0 : i32
              %sign3A_850 = arith.cmpi sgt, %scan3A_849, %sign3A : i32
              %sign3A_851 = arith.extui %sign3A_850 : i1 to i32
              %sign3A_852 = arith.constant 0 : i32
              %sign3A_853 = arith.cmpi slt, %scan3A_849, %sign3A_852 : i32
              %sign3A_854 = arith.extui %sign3A_853 : i1 to i32
              %sign3A_855 = arith.subi %sign3A_851, %sign3A_854 : i32
              %sign3A_856 = arith.constant 0 : i32
              %sign3A_857 = arith.cmpi sgt, %jit3A, %sign3A_856 : i32
              %sign3A_858 = arith.extui %sign3A_857 : i1 to i32
              %sign3A_859 = arith.constant 0 : i32
              %sign3A_860 = arith.cmpi slt, %jit3A, %sign3A_859 : i32
              %sign3A_861 = arith.extui %sign3A_860 : i1 to i32
              %sign3A_862 = arith.subi %sign3A_858, %sign3A_861 : i32
              %ne3A = arith.cmpi ne, %sign3A_855, %sign3A_862 : i32
              %rem3A = arith.remsi %scan3A_849, %jit3A : i32
              %ne3A_863 = arith.constant 0 : i32
              %ne3A_864 = arith.cmpi ne, %rem3A, %ne3A_863 : i32
              %and3A = arith.andi %ne3A, %ne3A_864 : i1
              %sub3A = arith.constant 1 : i32
              %sub3A_865 = arith.subi %div3A, %sub3A : i32
              %select_n3A = arith.select %and3A, %sub3A_865, %div3A : i32
              %jit3A_866 = arith.constant 8 : i32
              %eq3A = arith.constant 0 : i32
              %eq3A_867 = arith.cmpi eq, %jit3A_866, %eq3A : i32
              %jit3A_868 = arith.constant 1 : i32
              %select_n3A_869 = arith.select %eq3A_867, %jit3A_868, %jit3A_866 : i32
              %rem3A_870 = arith.remsi %scan3A_849, %select_n3A_869 : i32
              %ne3A_871 = arith.constant 0 : i32
              %ne3A_872 = arith.cmpi ne, %rem3A_870, %ne3A_871 : i32
              %lt3A_873 = arith.constant 0 : i32
              %lt3A_874 = arith.cmpi slt, %rem3A_870, %lt3A_873 : i32
              %lt3A_875 = arith.constant 0 : i32
              %lt3A_876 = arith.cmpi slt, %select_n3A_869, %lt3A_875 : i32
              %ne3A_877 = arith.xori %lt3A_874, %lt3A_876 : i1
              %and3A_878 = arith.andi %ne3A_877, %ne3A_872 : i1
              %add3A_879 = arith.addi %rem3A_870, %select_n3A_869 : i32
              %select_n3A_880 = arith.select %and3A_878, %add3A_879, %rem3A_870 : i32
              %mul3A_881 = arith.constant 16 : i32
              %mul3A_882 = arith.muli %select_n3A_880, %mul3A_881 : i32
              %jit3A_883 = arith.constant 8 : i32
              %eq3A_884 = arith.constant 0 : i32
              %eq3A_885 = arith.cmpi eq, %jit3A_883, %eq3A_884 : i32
              %jit3A_886 = arith.constant 1 : i32
              %select_n3A_887 = arith.select %eq3A_885, %jit3A_886, %jit3A_883 : i32
              %rem3A_888 = arith.remsi %scan3A_849, %select_n3A_887 : i32
              %ne3A_889 = arith.constant 0 : i32
              %ne3A_890 = arith.cmpi ne, %rem3A_888, %ne3A_889 : i32
              %lt3A_891 = arith.constant 0 : i32
              %lt3A_892 = arith.cmpi slt, %rem3A_888, %lt3A_891 : i32
              %lt3A_893 = arith.constant 0 : i32
              %lt3A_894 = arith.cmpi slt, %select_n3A_887, %lt3A_893 : i32
              %ne3A_895 = arith.xori %lt3A_892, %lt3A_894 : i1
              %and3A_896 = arith.andi %ne3A_895, %ne3A_890 : i1
              %add3A_897 = arith.addi %rem3A_888, %select_n3A_887 : i32
              %select_n3A_898 = arith.select %and3A_896, %add3A_897, %rem3A_888 : i32
              %mul3A_899 = arith.constant 16 : i32
              %mul3A_900 = arith.muli %select_n3A_898, %mul3A_899 : i32
              %add3A_901 = arith.constant 128 : i32
              %add3A_902 = arith.addi %add3A_901, %mul3A_900 : i32
              %get3A = arith.index_cast %select_n3A : i32 to index
              %get3A_903 = arith.index_cast %add3A_902 : i32 to index
              %get3A_904 = tpu.vector_load %arg5[%get3A, %get3A_903] {strides = array<i32>} : memref<8x256xi32, #tpu.memory_space<vmem>>, vector<1x16xi32>,
              %get3A_905 = vector.shape_cast %get3A_904 : vector<1x16xi32> to vector<16xi32>
              %swap3A = arith.index_cast %select_n3A : i32 to index
              %swap3A_906 = arith.index_cast %mul3A_882 : i32 to index
              %swap3A_907 = tpu.vector_load %arg9[%swap3A, %swap3A_906] {strides = array<i32>} : memref<8x128xi32, #tpu.memory_space<vmem>>, vector<1x16xi32>,
              %swap3A_908 = vector.shape_cast %swap3A_907 : vector<1x16xi32> to vector<16xi32>
              %swap3A_909 = vector.shape_cast %get3A_905 : vector<16xi32> to vector<1x16xi32>
              tpu.vector_store %arg9[%swap3A, %swap3A_906], %swap3A_909 {strides = array<i32>} : memref<8x128xi32, #tpu.memory_space<vmem>>, vector<1x16xi32>,
              %jit3A_910 = arith.constant 8 : i32
              %eq3A_911 = arith.constant 0 : i32
              %eq3A_912 = arith.cmpi eq, %jit3A_910, %eq3A_911 : i32
              %jit3A_913 = arith.constant 1 : i32
              %select_n3A_914 = arith.select %eq3A_912, %jit3A_913, %jit3A_910 : i32
              %rem3A_915 = arith.remsi %scan3A_849, %select_n3A_914 : i32
              %ne3A_916 = arith.constant 0 : i32
              %ne3A_917 = arith.cmpi ne, %rem3A_915, %ne3A_916 : i32
              %lt3A_918 = arith.constant 0 : i32
              %lt3A_919 = arith.cmpi slt, %rem3A_915, %lt3A_918 : i32
              %lt3A_920 = arith.constant 0 : i32
              %lt3A_921 = arith.cmpi slt, %select_n3A_914, %lt3A_920 : i32
              %ne3A_922 = arith.xori %lt3A_919, %lt3A_921 : i1
              %and3A_923 = arith.andi %ne3A_922, %ne3A_917 : i1
              %add3A_924 = arith.addi %rem3A_915, %select_n3A_914 : i32
              %select_n3A_925 = arith.select %and3A_923, %add3A_924, %rem3A_915 : i32
              %mul3A_926 = arith.constant 16 : i32
              %mul3A_927 = arith.muli %select_n3A_925, %mul3A_926 : i32
              %get3A_928 = arith.index_cast %select_n3A : i32 to index
              %get3A_929 = arith.index_cast %mul3A_927 : i32 to index
              %get3A_930 = tpu.vector_load %arg5[%get3A_928, %get3A_929] {strides = array<i32>} : memref<8x256xi32, #tpu.memory_space<vmem>>, vector<1x16xi32>,
              %get3A_931 = vector.shape_cast %get3A_930 : vector<1x16xi32> to vector<16xi32>
              %mul3A_932 = arith.constant 10000 : i32
              %mul3A_933 = arith.muli %add3A, %mul3A_932 : i32
              %add3A_934 = vector.broadcast %mul3A_933 : i32 to vector<16xi32>
              %add3A_935 = arith.addi %get3A_931, %add3A_934 : vector<16xi32>
              %swap3A_936 = arith.index_cast %select_n3A : i32 to index
              %swap3A_937 = arith.index_cast %mul3A_882 : i32 to index
              %swap3A_938 = tpu.vector_load %arg7[%swap3A_936, %swap3A_937] {strides = array<i32>} : memref<8x128xi32, #tpu.memory_space<vmem>>, vector<1x16xi32>,
              %swap3A_939 = vector.shape_cast %swap3A_938 : vector<1x16xi32> to vector<16xi32>
              %swap3A_940 = vector.shape_cast %add3A_935 : vector<16xi32> to vector<1x16xi32>
              tpu.vector_store %arg7[%swap3A_936, %swap3A_937], %swap3A_940 {strides = array<i32>} : memref<8x128xi32, #tpu.memory_space<vmem>>, vector<1x16xi32>,
            }
            %scan3A_752 = arith.constant 64 : i32
            %dma_start3A_753 = arith.constant 0 : i32
            %dma_start3A_754 = arith.constant 0 : i32
            %dma_start3A_755 = arith.constant 0 : i32
            %dma_start3A_756 = arith.constant 0 : i32
            %dma_start3A_757 = tpu.memref_slice %arg11[%dma_start3A_754, %dma_start3A_755, %dma_start3A_756] : memref<8x128x16xf32, #tpu.memory_space<vmem>> -> memref<1x128x16xf32, #tpu.memory_space<vmem>>
            %dma_start3A_758 = tpu.memref_squeeze %dma_start3A_757 : memref<1x128x16xf32, #tpu.memory_space<vmem>> -> memref<128x16xf32, #tpu.memory_space<vmem>>
            %dma_start3A_759 = arith.constant 0 : i32
            %dma_start3A_760 = tpu.memref_slice %arg7[%dma_start3A_753, %dma_start3A_759] : memref<8x128xi32, #tpu.memory_space<vmem>> -> memref<1x128xi32, #tpu.memory_space<vmem>>
            %dma_start3A_761 = tpu.memref_squeeze %dma_start3A_760 : memref<1x128xi32, #tpu.memory_space<vmem>> -> memref<128xi32, #tpu.memory_space<vmem>>
            %dma_start3A_762 = arith.constant 0 : i32
            %dma_start3A_763 = arith.constant 0 : i32
            %dma_start3A_764 = tpu.memref_slice %arg2[%dma_start3A_762, %dma_start3A_763] : memref<90000x16xf32, #tpu.memory_space<hbm>> -> memref<90000x16xf32, #tpu.memory_space<hbm>>
            tpu.enqueue_indirect_dma source(%dma_start3A_764 : memref<90000x16xf32, #tpu.memory_space<hbm>>) target(%dma_start3A_758 : memref<128x16xf32, #tpu.memory_space<vmem>>) offsets(%dma_start3A_761 : memref<128xi32, #tpu.memory_space<vmem>>) semaphore(%arg15 : memref<!tpu.dma_semaphore, #tpu.memory_space<semaphore_mem>>)
            %dma_start3A_765 = arith.constant 1 : i32
            %dma_start3A_766 = arith.constant 1 : i32
            %dma_start3A_767 = arith.constant 0 : i32
            %dma_start3A_768 = arith.constant 0 : i32
            %dma_start3A_769 = tpu.memref_slice %arg11[%dma_start3A_766, %dma_start3A_767, %dma_start3A_768] : memref<8x128x16xf32, #tpu.memory_space<vmem>> -> memref<1x128x16xf32, #tpu.memory_space<vmem>>
            %dma_start3A_770 = tpu.memref_squeeze %dma_start3A_769 : memref<1x128x16xf32, #tpu.memory_space<vmem>> -> memref<128x16xf32, #tpu.memory_space<vmem>>
            %dma_start3A_771 = arith.constant 0 : i32
            %dma_start3A_772 = tpu.memref_slice %arg7[%dma_start3A_765, %dma_start3A_771] : memref<8x128xi32, #tpu.memory_space<vmem>> -> memref<1x128xi32, #tpu.memory_space<vmem>>
            %dma_start3A_773 = tpu.memref_squeeze %dma_start3A_772 : memref<1x128xi32, #tpu.memory_space<vmem>> -> memref<128xi32, #tpu.memory_space<vmem>>
            %dma_start3A_774 = arith.constant 0 : i32
            %dma_start3A_775 = arith.constant 0 : i32
            %dma_start3A_776 = tpu.memref_slice %arg2[%dma_start3A_774, %dma_start3A_775] : memref<90000x16xf32, #tpu.memory_space<hbm>> -> memref<90000x16xf32, #tpu.memory_space<hbm>>
            tpu.enqueue_indirect_dma source(%dma_start3A_776 : memref<90000x16xf32, #tpu.memory_space<hbm>>) target(%dma_start3A_770 : memref<128x16xf32, #tpu.memory_space<vmem>>) offsets(%dma_start3A_773 : memref<128xi32, #tpu.memory_space<vmem>>) semaphore(%arg15 : memref<!tpu.dma_semaphore, #tpu.memory_space<semaphore_mem>>)
            %dma_start3A_777 = arith.constant 2 : i32
            %dma_start3A_778 = arith.constant 2 : i32
            %dma_start3A_779 = arith.constant 0 : i32
            %dma_start3A_780 = arith.constant 0 : i32
            %dma_start3A_781 = tpu.memref_slice %arg11[%dma_start3A_778, %dma_start3A_779, %dma_start3A_780] : memref<8x128x16xf32, #tpu.memory_space<vmem>> -> memref<1x128x16xf32, #tpu.memory_space<vmem>>
            %dma_start3A_782 = tpu.memref_squeeze %dma_start3A_781 : memref<1x128x16xf32, #tpu.memory_space<vmem>> -> memref<128x16xf32, #tpu.memory_space<vmem>>
            %dma_start3A_783 = arith.constant 0 : i32
            %dma_start3A_784 = tpu.memref_slice %arg7[%dma_start3A_777, %dma_start3A_783] : memref<8x128xi32, #tpu.memory_space<vmem>> -> memref<1x128xi32, #tpu.memory_space<vmem>>
            %dma_start3A_785 = tpu.memref_squeeze %dma_start3A_784 : memref<1x128xi32, #tpu.memory_space<vmem>> -> memref<128xi32, #tpu.memory_space<vmem>>
            %dma_start3A_786 = arith.constant 0 : i32
            %dma_start3A_787 = arith.constant 0 : i32
            %dma_start3A_788 = tpu.memref_slice %arg2[%dma_start3A_786, %dma_start3A_787] : memref<90000x16xf32, #tpu.memory_space<hbm>> -> memref<90000x16xf32, #tpu.memory_space<hbm>>
            tpu.enqueue_indirect_dma source(%dma_start3A_788 : memref<90000x16xf32, #tpu.memory_space<hbm>>) target(%dma_start3A_782 : memref<128x16xf32, #tpu.memory_space<vmem>>) offsets(%dma_start3A_785 : memref<128xi32, #tpu.memory_space<vmem>>) semaphore(%arg15 : memref<!tpu.dma_semaphore, #tpu.memory_space<semaphore_mem>>)
            %dma_start3A_789 = arith.constant 3 : i32
            %dma_start3A_790 = arith.constant 3 : i32
            %dma_start3A_791 = arith.constant 0 : i32
            %dma_start3A_792 = arith.constant 0 : i32
            %dma_start3A_793 = tpu.memref_slice %arg11[%dma_start3A_790, %dma_start3A_791, %dma_start3A_792] : memref<8x128x16xf32, #tpu.memory_space<vmem>> -> memref<1x128x16xf32, #tpu.memory_space<vmem>>
            %dma_start3A_794 = tpu.memref_squeeze %dma_start3A_793 : memref<1x128x16xf32, #tpu.memory_space<vmem>> -> memref<128x16xf32, #tpu.memory_space<vmem>>
            %dma_start3A_795 = arith.constant 0 : i32
            %dma_start3A_796 = tpu.memref_slice %arg7[%dma_start3A_789, %dma_start3A_795] : memref<8x128xi32, #tpu.memory_space<vmem>> -> memref<1x128xi32, #tpu.memory_space<vmem>>
            %dma_start3A_797 = tpu.memref_squeeze %dma_start3A_796 : memref<1x128xi32, #tpu.memory_space<vmem>> -> memref<128xi32, #tpu.memory_space<vmem>>
            %dma_start3A_798 = arith.constant 0 : i32
            %dma_start3A_799 = arith.constant 0 : i32
            %dma_start3A_800 = tpu.memref_slice %arg2[%dma_start3A_798, %dma_start3A_799] : memref<90000x16xf32, #tpu.memory_space<hbm>> -> memref<90000x16xf32, #tpu.memory_space<hbm>>
            tpu.enqueue_indirect_dma source(%dma_start3A_800 : memref<90000x16xf32, #tpu.memory_space<hbm>>) target(%dma_start3A_794 : memref<128x16xf32, #tpu.memory_space<vmem>>) offsets(%dma_start3A_797 : memref<128xi32, #tpu.memory_space<vmem>>) semaphore(%arg15 : memref<!tpu.dma_semaphore, #tpu.memory_space<semaphore_mem>>)
            %dma_start3A_801 = arith.constant 4 : i32
            %dma_start3A_802 = arith.constant 4 : i32
            %dma_start3A_803 = arith.constant 0 : i32
            %dma_start3A_804 = arith.constant 0 : i32
            %dma_start3A_805 = tpu.memref_slice %arg11[%dma_start3A_802, %dma_start3A_803, %dma_start3A_804] : memref<8x128x16xf32, #tpu.memory_space<vmem>> -> memref<1x128x16xf32, #tpu.memory_space<vmem>>
            %dma_start3A_806 = tpu.memref_squeeze %dma_start3A_805 : memref<1x128x16xf32, #tpu.memory_space<vmem>> -> memref<128x16xf32, #tpu.memory_space<vmem>>
            %dma_start3A_807 = arith.constant 0 : i32
            %dma_start3A_808 = tpu.memref_slice %arg7[%dma_start3A_801, %dma_start3A_807] : memref<8x128xi32, #tpu.memory_space<vmem>> -> memref<1x128xi32, #tpu.memory_space<vmem>>
            %dma_start3A_809 = tpu.memref_squeeze %dma_start3A_808 : memref<1x128xi32, #tpu.memory_space<vmem>> -> memref<128xi32, #tpu.memory_space<vmem>>
            %dma_start3A_810 = arith.constant 0 : i32
            %dma_start3A_811 = arith.constant 0 : i32
            %dma_start3A_812 = tpu.memref_slice %arg2[%dma_start3A_810, %dma_start3A_811] : memref<90000x16xf32, #tpu.memory_space<hbm>> -> memref<90000x16xf32, #tpu.memory_space<hbm>>
            tpu.enqueue_indirect_dma source(%dma_start3A_812 : memref<90000x16xf32, #tpu.memory_space<hbm>>) target(%dma_start3A_806 : memref<128x16xf32, #tpu.memory_space<vmem>>) offsets(%dma_start3A_809 : memref<128xi32, #tpu.memory_space<vmem>>) semaphore(%arg15 : memref<!tpu.dma_semaphore, #tpu.memory_space<semaphore_mem>>)
            %dma_start3A_813 = arith.constant 5 : i32
            %dma_start3A_814 = arith.constant 5 : i32
            %dma_start3A_815 = arith.constant 0 : i32
            %dma_start3A_816 = arith.constant 0 : i32
            %dma_start3A_817 = tpu.memref_slice %arg11[%dma_start3A_814, %dma_start3A_815, %dma_start3A_816] : memref<8x128x16xf32, #tpu.memory_space<vmem>> -> memref<1x128x16xf32, #tpu.memory_space<vmem>>
            %dma_start3A_818 = tpu.memref_squeeze %dma_start3A_817 : memref<1x128x16xf32, #tpu.memory_space<vmem>> -> memref<128x16xf32, #tpu.memory_space<vmem>>
            %dma_start3A_819 = arith.constant 0 : i32
            %dma_start3A_820 = tpu.memref_slice %arg7[%dma_start3A_813, %dma_start3A_819] : memref<8x128xi32, #tpu.memory_space<vmem>> -> memref<1x128xi32, #tpu.memory_space<vmem>>
            %dma_start3A_821 = tpu.memref_squeeze %dma_start3A_820 : memref<1x128xi32, #tpu.memory_space<vmem>> -> memref<128xi32, #tpu.memory_space<vmem>>
            %dma_start3A_822 = arith.constant 0 : i32
            %dma_start3A_823 = arith.constant 0 : i32
            %dma_start3A_824 = tpu.memref_slice %arg2[%dma_start3A_822, %dma_start3A_823] : memref<90000x16xf32, #tpu.memory_space<hbm>> -> memref<90000x16xf32, #tpu.memory_space<hbm>>
            tpu.enqueue_indirect_dma source(%dma_start3A_824 : memref<90000x16xf32, #tpu.memory_space<hbm>>) target(%dma_start3A_818 : memref<128x16xf32, #tpu.memory_space<vmem>>) offsets(%dma_start3A_821 : memref<128xi32, #tpu.memory_space<vmem>>) semaphore(%arg15 : memref<!tpu.dma_semaphore, #tpu.memory_space<semaphore_mem>>)
            %dma_start3A_825 = arith.constant 6 : i32
            %dma_start3A_826 = arith.constant 6 : i32
            %dma_start3A_827 = arith.constant 0 : i32
            %dma_start3A_828 = arith.constant 0 : i32
            %dma_start3A_829 = tpu.memref_slice %arg11[%dma_start3A_826, %dma_start3A_827, %dma_start3A_828] : memref<8x128x16xf32, #tpu.memory_space<vmem>> -> memref<1x128x16xf32, #tpu.memory_space<vmem>>
            %dma_start3A_830 = tpu.memref_squeeze %dma_start3A_829 : memref<1x128x16xf32, #tpu.memory_space<vmem>> -> memref<128x16xf32, #tpu.memory_space<vmem>>
            %dma_start3A_831 = arith.constant 0 : i32
            %dma_start3A_832 = tpu.memref_slice %arg7[%dma_start3A_825, %dma_start3A_831] : memref<8x128xi32, #tpu.memory_space<vmem>> -> memref<1x128xi32, #tpu.memory_space<vmem>>
            %dma_start3A_833 = tpu.memref_squeeze %dma_start3A_832 : memref<1x128xi32, #tpu.memory_space<vmem>> -> memref<128xi32, #tpu.memory_space<vmem>>
            %dma_start3A_834 = arith.constant 0 : i32
            %dma_start3A_835 = arith.constant 0 : i32
            %dma_start3A_836 = tpu.memref_slice %arg2[%dma_start3A_834, %dma_start3A_835] : memref<90000x16xf32, #tpu.memory_space<hbm>> -> memref<90000x16xf32, #tpu.memory_space<hbm>>
            tpu.enqueue_indirect_dma source(%dma_start3A_836 : memref<90000x16xf32, #tpu.memory_space<hbm>>) target(%dma_start3A_830 : memref<128x16xf32, #tpu.memory_space<vmem>>) offsets(%dma_start3A_833 : memref<128xi32, #tpu.memory_space<vmem>>) semaphore(%arg15 : memref<!tpu.dma_semaphore, #tpu.memory_space<semaphore_mem>>)
            %dma_start3A_837 = arith.constant 7 : i32
            %dma_start3A_838 = arith.constant 7 : i32
            %dma_start3A_839 = arith.constant 0 : i32
            %dma_start3A_840 = arith.constant 0 : i32
            %dma_start3A_841 = tpu.memref_slice %arg11[%dma_start3A_838, %dma_start3A_839, %dma_start3A_840] : memref<8x128x16xf32, #tpu.memory_space<vmem>> -> memref<1x128x16xf32, #tpu.memory_space<vmem>>
            %dma_start3A_842 = tpu.memref_squeeze %dma_start3A_841 : memref<1x128x16xf32, #tpu.memory_space<vmem>> -> memref<128x16xf32, #tpu.memory_space<vmem>>
            %dma_start3A_843 = arith.constant 0 : i32
            %dma_start3A_844 = tpu.memref_slice %arg7[%dma_start3A_837, %dma_start3A_843] : memref<8x128xi32, #tpu.memory_space<vmem>> -> memref<1x128xi32, #tpu.memory_space<vmem>>
            %dma_start3A_845 = tpu.memref_squeeze %dma_start3A_844 : memref<1x128xi32, #tpu.memory_space<vmem>> -> memref<128xi32, #tpu.memory_space<vmem>>
            %dma_start3A_846 = arith.constant 0 : i32
            %dma_start3A_847 = arith.constant 0 : i32
            %dma_start3A_848 = tpu.memref_slice %arg2[%dma_start3A_846, %dma_start3A_847] : memref<90000x16xf32, #tpu.memory_space<hbm>> -> memref<90000x16xf32, #tpu.memory_space<hbm>>
            tpu.enqueue_indirect_dma source(%dma_start3A_848 : memref<90000x16xf32, #tpu.memory_space<hbm>>) target(%dma_start3A_842 : memref<128x16xf32, #tpu.memory_space<vmem>>) offsets(%dma_start3A_845 : memref<128xi32, #tpu.memory_space<vmem>>) semaphore(%arg15 : memref<!tpu.dma_semaphore, #tpu.memory_space<semaphore_mem>>)
          } else {
          }
          %dma_wait3A_544 = arith.constant 0 : i32
          %dma_wait3A_545 = arith.constant 0 : i32
          %dma_wait3A_546 = arith.constant 0 : i32
          %dma_wait3A_547 = arith.constant 0 : i32
          %dma_wait3A_548 = tpu.memref_slice %arg12[%dma_wait3A_545, %dma_wait3A_546, %dma_wait3A_547] : memref<8x128x16xf32, #tpu.memory_space<vmem>> -> memref<1x128x16xf32, #tpu.memory_space<vmem>>
          %dma_wait3A_549 = tpu.memref_squeeze %dma_wait3A_548 : memref<1x128x16xf32, #tpu.memory_space<vmem>> -> memref<128x16xf32, #tpu.memory_space<vmem>>
          %dma_wait3A_550 = arith.constant 0 : i32
          %dma_wait3A_551 = tpu.memref_slice %arg8[%dma_wait3A_544, %dma_wait3A_550] : memref<8x128xi32, #tpu.memory_space<vmem>> -> memref<1x128xi32, #tpu.memory_space<vmem>>
          %dma_wait3A_552 = tpu.memref_squeeze %dma_wait3A_551 : memref<1x128xi32, #tpu.memory_space<vmem>> -> memref<128xi32, #tpu.memory_space<vmem>>
          %dma_wait3A_553 = arith.constant 0 : i32
          %dma_wait3A_554 = arith.constant 0 : i32
          %dma_wait3A_555 = tpu.memref_slice %arg2[%dma_wait3A_553, %dma_wait3A_554] : memref<90000x16xf32, #tpu.memory_space<hbm>> -> memref<90000x16xf32, #tpu.memory_space<hbm>>
          tpu.wait_indirect_dma semaphore(%arg16 : memref<!tpu.dma_semaphore, #tpu.memory_space<semaphore_mem>>) src(%dma_wait3A_555 : memref<90000x16xf32, #tpu.memory_space<hbm>>) dst(%dma_wait3A_549 : memref<128x16xf32, #tpu.memory_space<vmem>>)
          %dma_wait3A_556 = arith.constant 1 : i32
          %dma_wait3A_557 = arith.constant 1 : i32
          %dma_wait3A_558 = arith.constant 0 : i32
          %dma_wait3A_559 = arith.constant 0 : i32
          %dma_wait3A_560 = tpu.memref_slice %arg12[%dma_wait3A_557, %dma_wait3A_558, %dma_wait3A_559] : memref<8x128x16xf32, #tpu.memory_space<vmem>> -> memref<1x128x16xf32, #tpu.memory_space<vmem>>
          %dma_wait3A_561 = tpu.memref_squeeze %dma_wait3A_560 : memref<1x128x16xf32, #tpu.memory_space<vmem>> -> memref<128x16xf32, #tpu.memory_space<vmem>>
          %dma_wait3A_562 = arith.constant 0 : i32
          %dma_wait3A_563 = tpu.memref_slice %arg8[%dma_wait3A_556, %dma_wait3A_562] : memref<8x128xi32, #tpu.memory_space<vmem>> -> memref<1x128xi32, #tpu.memory_space<vmem>>
          %dma_wait3A_564 = tpu.memref_squeeze %dma_wait3A_563 : memref<1x128xi32, #tpu.memory_space<vmem>> -> memref<128xi32, #tpu.memory_space<vmem>>
          %dma_wait3A_565 = arith.constant 0 : i32
          %dma_wait3A_566 = arith.constant 0 : i32
          %dma_wait3A_567 = tpu.memref_slice %arg2[%dma_wait3A_565, %dma_wait3A_566] : memref<90000x16xf32, #tpu.memory_space<hbm>> -> memref<90000x16xf32, #tpu.memory_space<hbm>>
          tpu.wait_indirect_dma semaphore(%arg16 : memref<!tpu.dma_semaphore, #tpu.memory_space<semaphore_mem>>) src(%dma_wait3A_567 : memref<90000x16xf32, #tpu.memory_space<hbm>>) dst(%dma_wait3A_561 : memref<128x16xf32, #tpu.memory_space<vmem>>)
          %dma_wait3A_568 = arith.constant 2 : i32
          %dma_wait3A_569 = arith.constant 2 : i32
          %dma_wait3A_570 = arith.constant 0 : i32
          %dma_wait3A_571 = arith.constant 0 : i32
          %dma_wait3A_572 = tpu.memref_slice %arg12[%dma_wait3A_569, %dma_wait3A_570, %dma_wait3A_571] : memref<8x128x16xf32, #tpu.memory_space<vmem>> -> memref<1x128x16xf32, #tpu.memory_space<vmem>>
          %dma_wait3A_573 = tpu.memref_squeeze %dma_wait3A_572 : memref<1x128x16xf32, #tpu.memory_space<vmem>> -> memref<128x16xf32, #tpu.memory_space<vmem>>
          %dma_wait3A_574 = arith.constant 0 : i32
          %dma_wait3A_575 = tpu.memref_slice %arg8[%dma_wait3A_568, %dma_wait3A_574] : memref<8x128xi32, #tpu.memory_space<vmem>> -> memref<1x128xi32, #tpu.memory_space<vmem>>
          %dma_wait3A_576 = tpu.memref_squeeze %dma_wait3A_575 : memref<1x128xi32, #tpu.memory_space<vmem>> -> memref<128xi32, #tpu.memory_space<vmem>>
          %dma_wait3A_577 = arith.constant 0 : i32
          %dma_wait3A_578 = arith.constant 0 : i32
          %dma_wait3A_579 = tpu.memref_slice %arg2[%dma_wait3A_577, %dma_wait3A_578] : memref<90000x16xf32, #tpu.memory_space<hbm>> -> memref<90000x16xf32, #tpu.memory_space<hbm>>
          tpu.wait_indirect_dma semaphore(%arg16 : memref<!tpu.dma_semaphore, #tpu.memory_space<semaphore_mem>>) src(%dma_wait3A_579 : memref<90000x16xf32, #tpu.memory_space<hbm>>) dst(%dma_wait3A_573 : memref<128x16xf32, #tpu.memory_space<vmem>>)
          %dma_wait3A_580 = arith.constant 3 : i32
          %dma_wait3A_581 = arith.constant 3 : i32
          %dma_wait3A_582 = arith.constant 0 : i32
          %dma_wait3A_583 = arith.constant 0 : i32
          %dma_wait3A_584 = tpu.memref_slice %arg12[%dma_wait3A_581, %dma_wait3A_582, %dma_wait3A_583] : memref<8x128x16xf32, #tpu.memory_space<vmem>> -> memref<1x128x16xf32, #tpu.memory_space<vmem>>
          %dma_wait3A_585 = tpu.memref_squeeze %dma_wait3A_584 : memref<1x128x16xf32, #tpu.memory_space<vmem>> -> memref<128x16xf32, #tpu.memory_space<vmem>>
          %dma_wait3A_586 = arith.constant 0 : i32
          %dma_wait3A_587 = tpu.memref_slice %arg8[%dma_wait3A_580, %dma_wait3A_586] : memref<8x128xi32, #tpu.memory_space<vmem>> -> memref<1x128xi32, #tpu.memory_space<vmem>>
          %dma_wait3A_588 = tpu.memref_squeeze %dma_wait3A_587 : memref<1x128xi32, #tpu.memory_space<vmem>> -> memref<128xi32, #tpu.memory_space<vmem>>
          %dma_wait3A_589 = arith.constant 0 : i32
          %dma_wait3A_590 = arith.constant 0 : i32
          %dma_wait3A_591 = tpu.memref_slice %arg2[%dma_wait3A_589, %dma_wait3A_590] : memref<90000x16xf32, #tpu.memory_space<hbm>> -> memref<90000x16xf32, #tpu.memory_space<hbm>>
          tpu.wait_indirect_dma semaphore(%arg16 : memref<!tpu.dma_semaphore, #tpu.memory_space<semaphore_mem>>) src(%dma_wait3A_591 : memref<90000x16xf32, #tpu.memory_space<hbm>>) dst(%dma_wait3A_585 : memref<128x16xf32, #tpu.memory_space<vmem>>)
          %dma_wait3A_592 = arith.constant 4 : i32
          %dma_wait3A_593 = arith.constant 4 : i32
          %dma_wait3A_594 = arith.constant 0 : i32
          %dma_wait3A_595 = arith.constant 0 : i32
          %dma_wait3A_596 = tpu.memref_slice %arg12[%dma_wait3A_593, %dma_wait3A_594, %dma_wait3A_595] : memref<8x128x16xf32, #tpu.memory_space<vmem>> -> memref<1x128x16xf32, #tpu.memory_space<vmem>>
          %dma_wait3A_597 = tpu.memref_squeeze %dma_wait3A_596 : memref<1x128x16xf32, #tpu.memory_space<vmem>> -> memref<128x16xf32, #tpu.memory_space<vmem>>
          %dma_wait3A_598 = arith.constant 0 : i32
          %dma_wait3A_599 = tpu.memref_slice %arg8[%dma_wait3A_592, %dma_wait3A_598] : memref<8x128xi32, #tpu.memory_space<vmem>> -> memref<1x128xi32, #tpu.memory_space<vmem>>
          %dma_wait3A_600 = tpu.memref_squeeze %dma_wait3A_599 : memref<1x128xi32, #tpu.memory_space<vmem>> -> memref<128xi32, #tpu.memory_space<vmem>>
          %dma_wait3A_601 = arith.constant 0 : i32
          %dma_wait3A_602 = arith.constant 0 : i32
          %dma_wait3A_603 = tpu.memref_slice %arg2[%dma_wait3A_601, %dma_wait3A_602] : memref<90000x16xf32, #tpu.memory_space<hbm>> -> memref<90000x16xf32, #tpu.memory_space<hbm>>
          tpu.wait_indirect_dma semaphore(%arg16 : memref<!tpu.dma_semaphore, #tpu.memory_space<semaphore_mem>>) src(%dma_wait3A_603 : memref<90000x16xf32, #tpu.memory_space<hbm>>) dst(%dma_wait3A_597 : memref<128x16xf32, #tpu.memory_space<vmem>>)
          %dma_wait3A_604 = arith.constant 5 : i32
          %dma_wait3A_605 = arith.constant 5 : i32
          %dma_wait3A_606 = arith.constant 0 : i32
          %dma_wait3A_607 = arith.constant 0 : i32
          %dma_wait3A_608 = tpu.memref_slice %arg12[%dma_wait3A_605, %dma_wait3A_606, %dma_wait3A_607] : memref<8x128x16xf32, #tpu.memory_space<vmem>> -> memref<1x128x16xf32, #tpu.memory_space<vmem>>
          %dma_wait3A_609 = tpu.memref_squeeze %dma_wait3A_608 : memref<1x128x16xf32, #tpu.memory_space<vmem>> -> memref<128x16xf32, #tpu.memory_space<vmem>>
          %dma_wait3A_610 = arith.constant 0 : i32
          %dma_wait3A_611 = tpu.memref_slice %arg8[%dma_wait3A_604, %dma_wait3A_610] : memref<8x128xi32, #tpu.memory_space<vmem>> -> memref<1x128xi32, #tpu.memory_space<vmem>>
          %dma_wait3A_612 = tpu.memref_squeeze %dma_wait3A_611 : memref<1x128xi32, #tpu.memory_space<vmem>> -> memref<128xi32, #tpu.memory_space<vmem>>
          %dma_wait3A_613 = arith.constant 0 : i32
          %dma_wait3A_614 = arith.constant 0 : i32
          %dma_wait3A_615 = tpu.memref_slice %arg2[%dma_wait3A_613, %dma_wait3A_614] : memref<90000x16xf32, #tpu.memory_space<hbm>> -> memref<90000x16xf32, #tpu.memory_space<hbm>>
          tpu.wait_indirect_dma semaphore(%arg16 : memref<!tpu.dma_semaphore, #tpu.memory_space<semaphore_mem>>) src(%dma_wait3A_615 : memref<90000x16xf32, #tpu.memory_space<hbm>>) dst(%dma_wait3A_609 : memref<128x16xf32, #tpu.memory_space<vmem>>)
          %dma_wait3A_616 = arith.constant 6 : i32
          %dma_wait3A_617 = arith.constant 6 : i32
          %dma_wait3A_618 = arith.constant 0 : i32
          %dma_wait3A_619 = arith.constant 0 : i32
          %dma_wait3A_620 = tpu.memref_slice %arg12[%dma_wait3A_617, %dma_wait3A_618, %dma_wait3A_619] : memref<8x128x16xf32, #tpu.memory_space<vmem>> -> memref<1x128x16xf32, #tpu.memory_space<vmem>>
          %dma_wait3A_621 = tpu.memref_squeeze %dma_wait3A_620 : memref<1x128x16xf32, #tpu.memory_space<vmem>> -> memref<128x16xf32, #tpu.memory_space<vmem>>
          %dma_wait3A_622 = arith.constant 0 : i32
          %dma_wait3A_623 = tpu.memref_slice %arg8[%dma_wait3A_616, %dma_wait3A_622] : memref<8x128xi32, #tpu.memory_space<vmem>> -> memref<1x128xi32, #tpu.memory_space<vmem>>
          %dma_wait3A_624 = tpu.memref_squeeze %dma_wait3A_623 : memref<1x128xi32, #tpu.memory_space<vmem>> -> memref<128xi32, #tpu.memory_space<vmem>>
          %dma_wait3A_625 = arith.constant 0 : i32
          %dma_wait3A_626 = arith.constant 0 : i32
          %dma_wait3A_627 = tpu.memref_slice %arg2[%dma_wait3A_625, %dma_wait3A_626] : memref<90000x16xf32, #tpu.memory_space<hbm>> -> memref<90000x16xf32, #tpu.memory_space<hbm>>
          tpu.wait_indirect_dma semaphore(%arg16 : memref<!tpu.dma_semaphore, #tpu.memory_space<semaphore_mem>>) src(%dma_wait3A_627 : memref<90000x16xf32, #tpu.memory_space<hbm>>) dst(%dma_wait3A_621 : memref<128x16xf32, #tpu.memory_space<vmem>>)
          %dma_wait3A_628 = arith.constant 7 : i32
          %dma_wait3A_629 = arith.constant 7 : i32
          %dma_wait3A_630 = arith.constant 0 : i32
          %dma_wait3A_631 = arith.constant 0 : i32
          %dma_wait3A_632 = tpu.memref_slice %arg12[%dma_wait3A_629, %dma_wait3A_630, %dma_wait3A_631] : memref<8x128x16xf32, #tpu.memory_space<vmem>> -> memref<1x128x16xf32, #tpu.memory_space<vmem>>
          %dma_wait3A_633 = tpu.memref_squeeze %dma_wait3A_632 : memref<1x128x16xf32, #tpu.memory_space<vmem>> -> memref<128x16xf32, #tpu.memory_space<vmem>>
          %dma_wait3A_634 = arith.constant 0 : i32
          %dma_wait3A_635 = tpu.memref_slice %arg8[%dma_wait3A_628, %dma_wait3A_634] : memref<8x128xi32, #tpu.memory_space<vmem>> -> memref<1x128xi32, #tpu.memory_space<vmem>>
          %dma_wait3A_636 = tpu.memref_squeeze %dma_wait3A_635 : memref<1x128xi32, #tpu.memory_space<vmem>> -> memref<128xi32, #tpu.memory_space<vmem>>
          %dma_wait3A_637 = arith.constant 0 : i32
          %dma_wait3A_638 = arith.constant 0 : i32
          %dma_wait3A_639 = tpu.memref_slice %arg2[%dma_wait3A_637, %dma_wait3A_638] : memref<90000x16xf32, #tpu.memory_space<hbm>> -> memref<90000x16xf32, #tpu.memory_space<hbm>>
          tpu.wait_indirect_dma semaphore(%arg16 : memref<!tpu.dma_semaphore, #tpu.memory_space<semaphore_mem>>) src(%dma_wait3A_639 : memref<90000x16xf32, #tpu.memory_space<hbm>>) dst(%dma_wait3A_633 : memref<128x16xf32, #tpu.memory_space<vmem>>)
          %dma_start3A_640 = arith.constant 0 : i32
          %dma_start3A_641 = arith.constant 0 : i32
          %dma_start3A_642 = arith.constant 0 : i32
          %dma_start3A_643 = arith.constant 0 : i32
          %dma_start3A_644 = tpu.memref_slice %arg12[%dma_start3A_640, %dma_start3A_642, %dma_start3A_643] : memref<8x128x16xf32, #tpu.memory_space<vmem>> -> memref<1x128x16xf32, #tpu.memory_space<vmem>>
          %dma_start3A_645 = tpu.memref_squeeze %dma_start3A_644 : memref<1x128x16xf32, #tpu.memory_space<vmem>> -> memref<128x16xf32, #tpu.memory_space<vmem>>
          %dma_start3A_646 = arith.constant 0 : i32
          %dma_start3A_647 = tpu.memref_slice %arg10[%dma_start3A_641, %dma_start3A_646] : memref<8x128xi32, #tpu.memory_space<vmem>> -> memref<1x128xi32, #tpu.memory_space<vmem>>
          %dma_start3A_648 = tpu.memref_squeeze %dma_start3A_647 : memref<1x128xi32, #tpu.memory_space<vmem>> -> memref<128xi32, #tpu.memory_space<vmem>>
          %dma_start3A_649 = arith.constant 0 : i32
          %dma_start3A_650 = arith.constant 0 : i32
          %dma_start3A_651 = tpu.memref_slice %arg14[%dma_start3A_649, %dma_start3A_650] : memref<83200x16xf32, #tpu.memory_space<vmem_shared>> -> memref<83200x16xf32, #tpu.memory_space<vmem_shared>>
          tpu.enqueue_indirect_dma source(%dma_start3A_645 : memref<128x16xf32, #tpu.memory_space<vmem>>) target(%dma_start3A_651 : memref<83200x16xf32, #tpu.memory_space<vmem_shared>>) offsets(%dma_start3A_648 : memref<128xi32, #tpu.memory_space<vmem>>) semaphore(%arg18 : memref<!tpu.dma_semaphore, #tpu.memory_space<semaphore_mem>>) {add = true}
          %dma_start3A_652 = arith.constant 1 : i32
          %dma_start3A_653 = arith.constant 1 : i32
          %dma_start3A_654 = arith.constant 0 : i32
          %dma_start3A_655 = arith.constant 0 : i32
          %dma_start3A_656 = tpu.memref_slice %arg12[%dma_start3A_652, %dma_start3A_654, %dma_start3A_655] : memref<8x128x16xf32, #tpu.memory_space<vmem>> -> memref<1x128x16xf32, #tpu.memory_space<vmem>>
          %dma_start3A_657 = tpu.memref_squeeze %dma_start3A_656 : memref<1x128x16xf32, #tpu.memory_space<vmem>> -> memref<128x16xf32, #tpu.memory_space<vmem>>
          %dma_start3A_658 = arith.constant 0 : i32
          %dma_start3A_659 = tpu.memref_slice %arg10[%dma_start3A_653, %dma_start3A_658] : memref<8x128xi32, #tpu.memory_space<vmem>> -> memref<1x128xi32, #tpu.memory_space<vmem>>
          %dma_start3A_660 = tpu.memref_squeeze %dma_start3A_659 : memref<1x128xi32, #tpu.memory_space<vmem>> -> memref<128xi32, #tpu.memory_space<vmem>>
          %dma_start3A_661 = arith.constant 0 : i32
          %dma_start3A_662 = arith.constant 0 : i32
          %dma_start3A_663 = tpu.memref_slice %arg14[%dma_start3A_661, %dma_start3A_662] : memref<83200x16xf32, #tpu.memory_space<vmem_shared>> -> memref<83200x16xf32, #tpu.memory_space<vmem_shared>>
          tpu.enqueue_indirect_dma source(%dma_start3A_657 : memref<128x16xf32, #tpu.memory_space<vmem>>) target(%dma_start3A_663 : memref<83200x16xf32, #tpu.memory_space<vmem_shared>>) offsets(%dma_start3A_660 : memref<128xi32, #tpu.memory_space<vmem>>) semaphore(%arg18 : memref<!tpu.dma_semaphore, #tpu.memory_space<semaphore_mem>>) {add = true}
          %dma_start3A_664 = arith.constant 2 : i32
          %dma_start3A_665 = arith.constant 2 : i32
          %dma_start3A_666 = arith.constant 0 : i32
          %dma_start3A_667 = arith.constant 0 : i32
          %dma_start3A_668 = tpu.memref_slice %arg12[%dma_start3A_664, %dma_start3A_666, %dma_start3A_667] : memref<8x128x16xf32, #tpu.memory_space<vmem>> -> memref<1x128x16xf32, #tpu.memory_space<vmem>>
          %dma_start3A_669 = tpu.memref_squeeze %dma_start3A_668 : memref<1x128x16xf32, #tpu.memory_space<vmem>> -> memref<128x16xf32, #tpu.memory_space<vmem>>
          %dma_start3A_670 = arith.constant 0 : i32
          %dma_start3A_671 = tpu.memref_slice %arg10[%dma_start3A_665, %dma_start3A_670] : memref<8x128xi32, #tpu.memory_space<vmem>> -> memref<1x128xi32, #tpu.memory_space<vmem>>
          %dma_start3A_672 = tpu.memref_squeeze %dma_start3A_671 : memref<1x128xi32, #tpu.memory_space<vmem>> -> memref<128xi32, #tpu.memory_space<vmem>>
          %dma_start3A_673 = arith.constant 0 : i32
          %dma_start3A_674 = arith.constant 0 : i32
          %dma_start3A_675 = tpu.memref_slice %arg14[%dma_start3A_673, %dma_start3A_674] : memref<83200x16xf32, #tpu.memory_space<vmem_shared>> -> memref<83200x16xf32, #tpu.memory_space<vmem_shared>>
          tpu.enqueue_indirect_dma source(%dma_start3A_669 : memref<128x16xf32, #tpu.memory_space<vmem>>) target(%dma_start3A_675 : memref<83200x16xf32, #tpu.memory_space<vmem_shared>>) offsets(%dma_start3A_672 : memref<128xi32, #tpu.memory_space<vmem>>) semaphore(%arg18 : memref<!tpu.dma_semaphore, #tpu.memory_space<semaphore_mem>>) {add = true}
          %dma_start3A_676 = arith.constant 3 : i32
          %dma_start3A_677 = arith.constant 3 : i32
          %dma_start3A_678 = arith.constant 0 : i32
          %dma_start3A_679 = arith.constant 0 : i32
          %dma_start3A_680 = tpu.memref_slice %arg12[%dma_start3A_676, %dma_start3A_678, %dma_start3A_679] : memref<8x128x16xf32, #tpu.memory_space<vmem>> -> memref<1x128x16xf32, #tpu.memory_space<vmem>>
          %dma_start3A_681 = tpu.memref_squeeze %dma_start3A_680 : memref<1x128x16xf32, #tpu.memory_space<vmem>> -> memref<128x16xf32, #tpu.memory_space<vmem>>
          %dma_start3A_682 = arith.constant 0 : i32
          %dma_start3A_683 = tpu.memref_slice %arg10[%dma_start3A_677, %dma_start3A_682] : memref<8x128xi32, #tpu.memory_space<vmem>> -> memref<1x128xi32, #tpu.memory_space<vmem>>
          %dma_start3A_684 = tpu.memref_squeeze %dma_start3A_683 : memref<1x128xi32, #tpu.memory_space<vmem>> -> memref<128xi32, #tpu.memory_space<vmem>>
          %dma_start3A_685 = arith.constant 0 : i32
          %dma_start3A_686 = arith.constant 0 : i32
          %dma_start3A_687 = tpu.memref_slice %arg14[%dma_start3A_685, %dma_start3A_686] : memref<83200x16xf32, #tpu.memory_space<vmem_shared>> -> memref<83200x16xf32, #tpu.memory_space<vmem_shared>>
          tpu.enqueue_indirect_dma source(%dma_start3A_681 : memref<128x16xf32, #tpu.memory_space<vmem>>) target(%dma_start3A_687 : memref<83200x16xf32, #tpu.memory_space<vmem_shared>>) offsets(%dma_start3A_684 : memref<128xi32, #tpu.memory_space<vmem>>) semaphore(%arg18 : memref<!tpu.dma_semaphore, #tpu.memory_space<semaphore_mem>>) {add = true}
          %dma_start3A_688 = arith.constant 4 : i32
          %dma_start3A_689 = arith.constant 4 : i32
          %dma_start3A_690 = arith.constant 0 : i32
          %dma_start3A_691 = arith.constant 0 : i32
          %dma_start3A_692 = tpu.memref_slice %arg12[%dma_start3A_688, %dma_start3A_690, %dma_start3A_691] : memref<8x128x16xf32, #tpu.memory_space<vmem>> -> memref<1x128x16xf32, #tpu.memory_space<vmem>>
          %dma_start3A_693 = tpu.memref_squeeze %dma_start3A_692 : memref<1x128x16xf32, #tpu.memory_space<vmem>> -> memref<128x16xf32, #tpu.memory_space<vmem>>
          %dma_start3A_694 = arith.constant 0 : i32
          %dma_start3A_695 = tpu.memref_slice %arg10[%dma_start3A_689, %dma_start3A_694] : memref<8x128xi32, #tpu.memory_space<vmem>> -> memref<1x128xi32, #tpu.memory_space<vmem>>
          %dma_start3A_696 = tpu.memref_squeeze %dma_start3A_695 : memref<1x128xi32, #tpu.memory_space<vmem>> -> memref<128xi32, #tpu.memory_space<vmem>>
          %dma_start3A_697 = arith.constant 0 : i32
          %dma_start3A_698 = arith.constant 0 : i32
          %dma_start3A_699 = tpu.memref_slice %arg14[%dma_start3A_697, %dma_start3A_698] : memref<83200x16xf32, #tpu.memory_space<vmem_shared>> -> memref<83200x16xf32, #tpu.memory_space<vmem_shared>>
          tpu.enqueue_indirect_dma source(%dma_start3A_693 : memref<128x16xf32, #tpu.memory_space<vmem>>) target(%dma_start3A_699 : memref<83200x16xf32, #tpu.memory_space<vmem_shared>>) offsets(%dma_start3A_696 : memref<128xi32, #tpu.memory_space<vmem>>) semaphore(%arg18 : memref<!tpu.dma_semaphore, #tpu.memory_space<semaphore_mem>>) {add = true}
          %dma_start3A_700 = arith.constant 5 : i32
          %dma_start3A_701 = arith.constant 5 : i32
          %dma_start3A_702 = arith.constant 0 : i32
          %dma_start3A_703 = arith.constant 0 : i32
          %dma_start3A_704 = tpu.memref_slice %arg12[%dma_start3A_700, %dma_start3A_702, %dma_start3A_703] : memref<8x128x16xf32, #tpu.memory_space<vmem>> -> memref<1x128x16xf32, #tpu.memory_space<vmem>>
          %dma_start3A_705 = tpu.memref_squeeze %dma_start3A_704 : memref<1x128x16xf32, #tpu.memory_space<vmem>> -> memref<128x16xf32, #tpu.memory_space<vmem>>
          %dma_start3A_706 = arith.constant 0 : i32
          %dma_start3A_707 = tpu.memref_slice %arg10[%dma_start3A_701, %dma_start3A_706] : memref<8x128xi32, #tpu.memory_space<vmem>> -> memref<1x128xi32, #tpu.memory_space<vmem>>
          %dma_start3A_708 = tpu.memref_squeeze %dma_start3A_707 : memref<1x128xi32, #tpu.memory_space<vmem>> -> memref<128xi32, #tpu.memory_space<vmem>>
          %dma_start3A_709 = arith.constant 0 : i32
          %dma_start3A_710 = arith.constant 0 : i32
          %dma_start3A_711 = tpu.memref_slice %arg14[%dma_start3A_709, %dma_start3A_710] : memref<83200x16xf32, #tpu.memory_space<vmem_shared>> -> memref<83200x16xf32, #tpu.memory_space<vmem_shared>>
          tpu.enqueue_indirect_dma source(%dma_start3A_705 : memref<128x16xf32, #tpu.memory_space<vmem>>) target(%dma_start3A_711 : memref<83200x16xf32, #tpu.memory_space<vmem_shared>>) offsets(%dma_start3A_708 : memref<128xi32, #tpu.memory_space<vmem>>) semaphore(%arg18 : memref<!tpu.dma_semaphore, #tpu.memory_space<semaphore_mem>>) {add = true}
          %dma_start3A_712 = arith.constant 6 : i32
          %dma_start3A_713 = arith.constant 6 : i32
          %dma_start3A_714 = arith.constant 0 : i32
          %dma_start3A_715 = arith.constant 0 : i32
          %dma_start3A_716 = tpu.memref_slice %arg12[%dma_start3A_712, %dma_start3A_714, %dma_start3A_715] : memref<8x128x16xf32, #tpu.memory_space<vmem>> -> memref<1x128x16xf32, #tpu.memory_space<vmem>>
          %dma_start3A_717 = tpu.memref_squeeze %dma_start3A_716 : memref<1x128x16xf32, #tpu.memory_space<vmem>> -> memref<128x16xf32, #tpu.memory_space<vmem>>
          %dma_start3A_718 = arith.constant 0 : i32
          %dma_start3A_719 = tpu.memref_slice %arg10[%dma_start3A_713, %dma_start3A_718] : memref<8x128xi32, #tpu.memory_space<vmem>> -> memref<1x128xi32, #tpu.memory_space<vmem>>
          %dma_start3A_720 = tpu.memref_squeeze %dma_start3A_719 : memref<1x128xi32, #tpu.memory_space<vmem>> -> memref<128xi32, #tpu.memory_space<vmem>>
          %dma_start3A_721 = arith.constant 0 : i32
          %dma_start3A_722 = arith.constant 0 : i32
          %dma_start3A_723 = tpu.memref_slice %arg14[%dma_start3A_721, %dma_start3A_722] : memref<83200x16xf32, #tpu.memory_space<vmem_shared>> -> memref<83200x16xf32, #tpu.memory_space<vmem_shared>>
          tpu.enqueue_indirect_dma source(%dma_start3A_717 : memref<128x16xf32, #tpu.memory_space<vmem>>) target(%dma_start3A_723 : memref<83200x16xf32, #tpu.memory_space<vmem_shared>>) offsets(%dma_start3A_720 : memref<128xi32, #tpu.memory_space<vmem>>) semaphore(%arg18 : memref<!tpu.dma_semaphore, #tpu.memory_space<semaphore_mem>>) {add = true}
          %dma_start3A_724 = arith.constant 7 : i32
          %dma_start3A_725 = arith.constant 7 : i32
          %dma_start3A_726 = arith.constant 0 : i32
          %dma_start3A_727 = arith.constant 0 : i32
          %dma_start3A_728 = tpu.memref_slice %arg12[%dma_start3A_724, %dma_start3A_726, %dma_start3A_727] : memref<8x128x16xf32, #tpu.memory_space<vmem>> -> memref<1x128x16xf32, #tpu.memory_space<vmem>>
          %dma_start3A_729 = tpu.memref_squeeze %dma_start3A_728 : memref<1x128x16xf32, #tpu.memory_space<vmem>> -> memref<128x16xf32, #tpu.memory_space<vmem>>
          %dma_start3A_730 = arith.constant 0 : i32
          %dma_start3A_731 = tpu.memref_slice %arg10[%dma_start3A_725, %dma_start3A_730] : memref<8x128xi32, #tpu.memory_space<vmem>> -> memref<1x128xi32, #tpu.memory_space<vmem>>
          %dma_start3A_732 = tpu.memref_squeeze %dma_start3A_731 : memref<1x128xi32, #tpu.memory_space<vmem>> -> memref<128xi32, #tpu.memory_space<vmem>>
          %dma_start3A_733 = arith.constant 0 : i32
          %dma_start3A_734 = arith.constant 0 : i32
          %dma_start3A_735 = tpu.memref_slice %arg14[%dma_start3A_733, %dma_start3A_734] : memref<83200x16xf32, #tpu.memory_space<vmem_shared>> -> memref<83200x16xf32, #tpu.memory_space<vmem_shared>>
          tpu.enqueue_indirect_dma source(%dma_start3A_729 : memref<128x16xf32, #tpu.memory_space<vmem>>) target(%dma_start3A_735 : memref<83200x16xf32, #tpu.memory_space<vmem_shared>>) offsets(%dma_start3A_732 : memref<128xi32, #tpu.memory_space<vmem>>) semaphore(%arg18 : memref<!tpu.dma_semaphore, #tpu.memory_space<semaphore_mem>>) {add = true}
        }
        %scan3A_133 = arith.constant 10 : i32
        %dma_wait3A = arith.constant 0 : i32
        %dma_wait3A_134 = arith.constant 0 : i32
        %dma_wait3A_135 = arith.constant 0 : i32
        %dma_wait3A_136 = arith.constant 0 : i32
        %dma_wait3A_137 = tpu.memref_slice %arg11[%dma_wait3A, %dma_wait3A_135, %dma_wait3A_136] : memref<8x128x16xf32, #tpu.memory_space<vmem>> -> memref<1x128x16xf32, #tpu.memory_space<vmem>>
        %dma_wait3A_138 = tpu.memref_squeeze %dma_wait3A_137 : memref<1x128x16xf32, #tpu.memory_space<vmem>> -> memref<128x16xf32, #tpu.memory_space<vmem>>
        %dma_wait3A_139 = arith.constant 0 : i32
        %dma_wait3A_140 = tpu.memref_slice %arg9[%dma_wait3A_134, %dma_wait3A_139] : memref<8x128xi32, #tpu.memory_space<vmem>> -> memref<1x128xi32, #tpu.memory_space<vmem>>
        %dma_wait3A_141 = tpu.memref_squeeze %dma_wait3A_140 : memref<1x128xi32, #tpu.memory_space<vmem>> -> memref<128xi32, #tpu.memory_space<vmem>>
        %dma_wait3A_142 = arith.constant 0 : i32
        %dma_wait3A_143 = arith.constant 0 : i32
        %dma_wait3A_144 = tpu.memref_slice %arg14[%dma_wait3A_142, %dma_wait3A_143] : memref<83200x16xf32, #tpu.memory_space<vmem_shared>> -> memref<83200x16xf32, #tpu.memory_space<vmem_shared>>
        tpu.wait_indirect_dma semaphore(%arg17 : memref<!tpu.dma_semaphore, #tpu.memory_space<semaphore_mem>>) src(%dma_wait3A_138 : memref<128x16xf32, #tpu.memory_space<vmem>>) dst(%dma_wait3A_144 : memref<83200x16xf32, #tpu.memory_space<vmem_shared>>)
        %dma_wait3A_145 = arith.constant 1 : i32
        %dma_wait3A_146 = arith.constant 1 : i32
        %dma_wait3A_147 = arith.constant 0 : i32
        %dma_wait3A_148 = arith.constant 0 : i32
        %dma_wait3A_149 = tpu.memref_slice %arg11[%dma_wait3A_145, %dma_wait3A_147, %dma_wait3A_148] : memref<8x128x16xf32, #tpu.memory_space<vmem>> -> memref<1x128x16xf32, #tpu.memory_space<vmem>>
        %dma_wait3A_150 = tpu.memref_squeeze %dma_wait3A_149 : memref<1x128x16xf32, #tpu.memory_space<vmem>> -> memref<128x16xf32, #tpu.memory_space<vmem>>
        %dma_wait3A_151 = arith.constant 0 : i32
        %dma_wait3A_152 = tpu.memref_slice %arg9[%dma_wait3A_146, %dma_wait3A_151] : memref<8x128xi32, #tpu.memory_space<vmem>> -> memref<1x128xi32, #tpu.memory_space<vmem>>
        %dma_wait3A_153 = tpu.memref_squeeze %dma_wait3A_152 : memref<1x128xi32, #tpu.memory_space<vmem>> -> memref<128xi32, #tpu.memory_space<vmem>>
        %dma_wait3A_154 = arith.constant 0 : i32
        %dma_wait3A_155 = arith.constant 0 : i32
        %dma_wait3A_156 = tpu.memref_slice %arg14[%dma_wait3A_154, %dma_wait3A_155] : memref<83200x16xf32, #tpu.memory_space<vmem_shared>> -> memref<83200x16xf32, #tpu.memory_space<vmem_shared>>
        tpu.wait_indirect_dma semaphore(%arg17 : memref<!tpu.dma_semaphore, #tpu.memory_space<semaphore_mem>>) src(%dma_wait3A_150 : memref<128x16xf32, #tpu.memory_space<vmem>>) dst(%dma_wait3A_156 : memref<83200x16xf32, #tpu.memory_space<vmem_shared>>)
        %dma_wait3A_157 = arith.constant 2 : i32
        %dma_wait3A_158 = arith.constant 2 : i32
        %dma_wait3A_159 = arith.constant 0 : i32
        %dma_wait3A_160 = arith.constant 0 : i32
        %dma_wait3A_161 = tpu.memref_slice %arg11[%dma_wait3A_157, %dma_wait3A_159, %dma_wait3A_160] : memref<8x128x16xf32, #tpu.memory_space<vmem>> -> memref<1x128x16xf32, #tpu.memory_space<vmem>>
        %dma_wait3A_162 = tpu.memref_squeeze %dma_wait3A_161 : memref<1x128x16xf32, #tpu.memory_space<vmem>> -> memref<128x16xf32, #tpu.memory_space<vmem>>
        %dma_wait3A_163 = arith.constant 0 : i32
        %dma_wait3A_164 = tpu.memref_slice %arg9[%dma_wait3A_158, %dma_wait3A_163] : memref<8x128xi32, #tpu.memory_space<vmem>> -> memref<1x128xi32, #tpu.memory_space<vmem>>
        %dma_wait3A_165 = tpu.memref_squeeze %dma_wait3A_164 : memref<1x128xi32, #tpu.memory_space<vmem>> -> memref<128xi32, #tpu.memory_space<vmem>>
        %dma_wait3A_166 = arith.constant 0 : i32
        %dma_wait3A_167 = arith.constant 0 : i32
        %dma_wait3A_168 = tpu.memref_slice %arg14[%dma_wait3A_166, %dma_wait3A_167] : memref<83200x16xf32, #tpu.memory_space<vmem_shared>> -> memref<83200x16xf32, #tpu.memory_space<vmem_shared>>
        tpu.wait_indirect_dma semaphore(%arg17 : memref<!tpu.dma_semaphore, #tpu.memory_space<semaphore_mem>>) src(%dma_wait3A_162 : memref<128x16xf32, #tpu.memory_space<vmem>>) dst(%dma_wait3A_168 : memref<83200x16xf32, #tpu.memory_space<vmem_shared>>)
        %dma_wait3A_169 = arith.constant 3 : i32
        %dma_wait3A_170 = arith.constant 3 : i32
        %dma_wait3A_171 = arith.constant 0 : i32
        %dma_wait3A_172 = arith.constant 0 : i32
        %dma_wait3A_173 = tpu.memref_slice %arg11[%dma_wait3A_169, %dma_wait3A_171, %dma_wait3A_172] : memref<8x128x16xf32, #tpu.memory_space<vmem>> -> memref<1x128x16xf32, #tpu.memory_space<vmem>>
        %dma_wait3A_174 = tpu.memref_squeeze %dma_wait3A_173 : memref<1x128x16xf32, #tpu.memory_space<vmem>> -> memref<128x16xf32, #tpu.memory_space<vmem>>
        %dma_wait3A_175 = arith.constant 0 : i32
        %dma_wait3A_176 = tpu.memref_slice %arg9[%dma_wait3A_170, %dma_wait3A_175] : memref<8x128xi32, #tpu.memory_space<vmem>> -> memref<1x128xi32, #tpu.memory_space<vmem>>
        %dma_wait3A_177 = tpu.memref_squeeze %dma_wait3A_176 : memref<1x128xi32, #tpu.memory_space<vmem>> -> memref<128xi32, #tpu.memory_space<vmem>>
        %dma_wait3A_178 = arith.constant 0 : i32
        %dma_wait3A_179 = arith.constant 0 : i32
        %dma_wait3A_180 = tpu.memref_slice %arg14[%dma_wait3A_178, %dma_wait3A_179] : memref<83200x16xf32, #tpu.memory_space<vmem_shared>> -> memref<83200x16xf32, #tpu.memory_space<vmem_shared>>
        tpu.wait_indirect_dma semaphore(%arg17 : memref<!tpu.dma_semaphore, #tpu.memory_space<semaphore_mem>>) src(%dma_wait3A_174 : memref<128x16xf32, #tpu.memory_space<vmem>>) dst(%dma_wait3A_180 : memref<83200x16xf32, #tpu.memory_space<vmem_shared>>)
        %dma_wait3A_181 = arith.constant 4 : i32
        %dma_wait3A_182 = arith.constant 4 : i32
        %dma_wait3A_183 = arith.constant 0 : i32
        %dma_wait3A_184 = arith.constant 0 : i32
        %dma_wait3A_185 = tpu.memref_slice %arg11[%dma_wait3A_181, %dma_wait3A_183, %dma_wait3A_184] : memref<8x128x16xf32, #tpu.memory_space<vmem>> -> memref<1x128x16xf32, #tpu.memory_space<vmem>>
        %dma_wait3A_186 = tpu.memref_squeeze %dma_wait3A_185 : memref<1x128x16xf32, #tpu.memory_space<vmem>> -> memref<128x16xf32, #tpu.memory_space<vmem>>
        %dma_wait3A_187 = arith.constant 0 : i32
        %dma_wait3A_188 = tpu.memref_slice %arg9[%dma_wait3A_182, %dma_wait3A_187] : memref<8x128xi32, #tpu.memory_space<vmem>> -> memref<1x128xi32, #tpu.memory_space<vmem>>
        %dma_wait3A_189 = tpu.memref_squeeze %dma_wait3A_188 : memref<1x128xi32, #tpu.memory_space<vmem>> -> memref<128xi32, #tpu.memory_space<vmem>>
        %dma_wait3A_190 = arith.constant 0 : i32
        %dma_wait3A_191 = arith.constant 0 : i32
        %dma_wait3A_192 = tpu.memref_slice %arg14[%dma_wait3A_190, %dma_wait3A_191] : memref<83200x16xf32, #tpu.memory_space<vmem_shared>> -> memref<83200x16xf32, #tpu.memory_space<vmem_shared>>
        tpu.wait_indirect_dma semaphore(%arg17 : memref<!tpu.dma_semaphore, #tpu.memory_space<semaphore_mem>>) src(%dma_wait3A_186 : memref<128x16xf32, #tpu.memory_space<vmem>>) dst(%dma_wait3A_192 : memref<83200x16xf32, #tpu.memory_space<vmem_shared>>)
        %dma_wait3A_193 = arith.constant 5 : i32
        %dma_wait3A_194 = arith.constant 5 : i32
        %dma_wait3A_195 = arith.constant 0 : i32
        %dma_wait3A_196 = arith.constant 0 : i32
        %dma_wait3A_197 = tpu.memref_slice %arg11[%dma_wait3A_193, %dma_wait3A_195, %dma_wait3A_196] : memref<8x128x16xf32, #tpu.memory_space<vmem>> -> memref<1x128x16xf32, #tpu.memory_space<vmem>>
        %dma_wait3A_198 = tpu.memref_squeeze %dma_wait3A_197 : memref<1x128x16xf32, #tpu.memory_space<vmem>> -> memref<128x16xf32, #tpu.memory_space<vmem>>
        %dma_wait3A_199 = arith.constant 0 : i32
        %dma_wait3A_200 = tpu.memref_slice %arg9[%dma_wait3A_194, %dma_wait3A_199] : memref<8x128xi32, #tpu.memory_space<vmem>> -> memref<1x128xi32, #tpu.memory_space<vmem>>
        %dma_wait3A_201 = tpu.memref_squeeze %dma_wait3A_200 : memref<1x128xi32, #tpu.memory_space<vmem>> -> memref<128xi32, #tpu.memory_space<vmem>>
        %dma_wait3A_202 = arith.constant 0 : i32
        %dma_wait3A_203 = arith.constant 0 : i32
        %dma_wait3A_204 = tpu.memref_slice %arg14[%dma_wait3A_202, %dma_wait3A_203] : memref<83200x16xf32, #tpu.memory_space<vmem_shared>> -> memref<83200x16xf32, #tpu.memory_space<vmem_shared>>
        tpu.wait_indirect_dma semaphore(%arg17 : memref<!tpu.dma_semaphore, #tpu.memory_space<semaphore_mem>>) src(%dma_wait3A_198 : memref<128x16xf32, #tpu.memory_space<vmem>>) dst(%dma_wait3A_204 : memref<83200x16xf32, #tpu.memory_space<vmem_shared>>)
        %dma_wait3A_205 = arith.constant 6 : i32
        %dma_wait3A_206 = arith.constant 6 : i32
        %dma_wait3A_207 = arith.constant 0 : i32
        %dma_wait3A_208 = arith.constant 0 : i32
        %dma_wait3A_209 = tpu.memref_slice %arg11[%dma_wait3A_205, %dma_wait3A_207, %dma_wait3A_208] : memref<8x128x16xf32, #tpu.memory_space<vmem>> -> memref<1x128x16xf32, #tpu.memory_space<vmem>>
        %dma_wait3A_210 = tpu.memref_squeeze %dma_wait3A_209 : memref<1x128x16xf32, #tpu.memory_space<vmem>> -> memref<128x16xf32, #tpu.memory_space<vmem>>
        %dma_wait3A_211 = arith.constant 0 : i32
        %dma_wait3A_212 = tpu.memref_slice %arg9[%dma_wait3A_206, %dma_wait3A_211] : memref<8x128xi32, #tpu.memory_space<vmem>> -> memref<1x128xi32, #tpu.memory_space<vmem>>
        %dma_wait3A_213 = tpu.memref_squeeze %dma_wait3A_212 : memref<1x128xi32, #tpu.memory_space<vmem>> -> memref<128xi32, #tpu.memory_space<vmem>>
        %dma_wait3A_214 = arith.constant 0 : i32
        %dma_wait3A_215 = arith.constant 0 : i32
        %dma_wait3A_216 = tpu.memref_slice %arg14[%dma_wait3A_214, %dma_wait3A_215] : memref<83200x16xf32, #tpu.memory_space<vmem_shared>> -> memref<83200x16xf32, #tpu.memory_space<vmem_shared>>
        tpu.wait_indirect_dma semaphore(%arg17 : memref<!tpu.dma_semaphore, #tpu.memory_space<semaphore_mem>>) src(%dma_wait3A_210 : memref<128x16xf32, #tpu.memory_space<vmem>>) dst(%dma_wait3A_216 : memref<83200x16xf32, #tpu.memory_space<vmem_shared>>)
        %dma_wait3A_217 = arith.constant 7 : i32
        %dma_wait3A_218 = arith.constant 7 : i32
        %dma_wait3A_219 = arith.constant 0 : i32
        %dma_wait3A_220 = arith.constant 0 : i32
        %dma_wait3A_221 = tpu.memref_slice %arg11[%dma_wait3A_217, %dma_wait3A_219, %dma_wait3A_220] : memref<8x128x16xf32, #tpu.memory_space<vmem>> -> memref<1x128x16xf32, #tpu.memory_space<vmem>>
        %dma_wait3A_222 = tpu.memref_squeeze %dma_wait3A_221 : memref<1x128x16xf32, #tpu.memory_space<vmem>> -> memref<128x16xf32, #tpu.memory_space<vmem>>
        %dma_wait3A_223 = arith.constant 0 : i32
        %dma_wait3A_224 = tpu.memref_slice %arg9[%dma_wait3A_218, %dma_wait3A_223] : memref<8x128xi32, #tpu.memory_space<vmem>> -> memref<1x128xi32, #tpu.memory_space<vmem>>
        %dma_wait3A_225 = tpu.memref_squeeze %dma_wait3A_224 : memref<1x128xi32, #tpu.memory_space<vmem>> -> memref<128xi32, #tpu.memory_space<vmem>>
        %dma_wait3A_226 = arith.constant 0 : i32
        %dma_wait3A_227 = arith.constant 0 : i32
        %dma_wait3A_228 = tpu.memref_slice %arg14[%dma_wait3A_226, %dma_wait3A_227] : memref<83200x16xf32, #tpu.memory_space<vmem_shared>> -> memref<83200x16xf32, #tpu.memory_space<vmem_shared>>
        tpu.wait_indirect_dma semaphore(%arg17 : memref<!tpu.dma_semaphore, #tpu.memory_space<semaphore_mem>>) src(%dma_wait3A_222 : memref<128x16xf32, #tpu.memory_space<vmem>>) dst(%dma_wait3A_228 : memref<83200x16xf32, #tpu.memory_space<vmem_shared>>)
        %dma_wait3A_229 = arith.constant 0 : i32
        %dma_wait3A_230 = arith.constant 0 : i32
        %dma_wait3A_231 = arith.constant 0 : i32
        %dma_wait3A_232 = arith.constant 0 : i32
        %dma_wait3A_233 = tpu.memref_slice %arg12[%dma_wait3A_229, %dma_wait3A_231, %dma_wait3A_232] : memref<8x128x16xf32, #tpu.memory_space<vmem>> -> memref<1x128x16xf32, #tpu.memory_space<vmem>>
        %dma_wait3A_234 = tpu.memref_squeeze %dma_wait3A_233 : memref<1x128x16xf32, #tpu.memory_space<vmem>> -> memref<128x16xf32, #tpu.memory_space<vmem>>
        %dma_wait3A_235 = arith.constant 0 : i32
        %dma_wait3A_236 = tpu.memref_slice %arg10[%dma_wait3A_230, %dma_wait3A_235] : memref<8x128xi32, #tpu.memory_space<vmem>> -> memref<1x128xi32, #tpu.memory_space<vmem>>
        %dma_wait3A_237 = tpu.memref_squeeze %dma_wait3A_236 : memref<1x128xi32, #tpu.memory_space<vmem>> -> memref<128xi32, #tpu.memory_space<vmem>>
        %dma_wait3A_238 = arith.constant 0 : i32
        %dma_wait3A_239 = arith.constant 0 : i32
        %dma_wait3A_240 = tpu.memref_slice %arg14[%dma_wait3A_238, %dma_wait3A_239] : memref<83200x16xf32, #tpu.memory_space<vmem_shared>> -> memref<83200x16xf32, #tpu.memory_space<vmem_shared>>
        tpu.wait_indirect_dma semaphore(%arg18 : memref<!tpu.dma_semaphore, #tpu.memory_space<semaphore_mem>>) src(%dma_wait3A_234 : memref<128x16xf32, #tpu.memory_space<vmem>>) dst(%dma_wait3A_240 : memref<83200x16xf32, #tpu.memory_space<vmem_shared>>)
        %dma_wait3A_241 = arith.constant 1 : i32
        %dma_wait3A_242 = arith.constant 1 : i32
        %dma_wait3A_243 = arith.constant 0 : i32
        %dma_wait3A_244 = arith.constant 0 : i32
        %dma_wait3A_245 = tpu.memref_slice %arg12[%dma_wait3A_241, %dma_wait3A_243, %dma_wait3A_244] : memref<8x128x16xf32, #tpu.memory_space<vmem>> -> memref<1x128x16xf32, #tpu.memory_space<vmem>>
        %dma_wait3A_246 = tpu.memref_squeeze %dma_wait3A_245 : memref<1x128x16xf32, #tpu.memory_space<vmem>> -> memref<128x16xf32, #tpu.memory_space<vmem>>
        %dma_wait3A_247 = arith.constant 0 : i32
        %dma_wait3A_248 = tpu.memref_slice %arg10[%dma_wait3A_242, %dma_wait3A_247] : memref<8x128xi32, #tpu.memory_space<vmem>> -> memref<1x128xi32, #tpu.memory_space<vmem>>
        %dma_wait3A_249 = tpu.memref_squeeze %dma_wait3A_248 : memref<1x128xi32, #tpu.memory_space<vmem>> -> memref<128xi32, #tpu.memory_space<vmem>>
        %dma_wait3A_250 = arith.constant 0 : i32
        %dma_wait3A_251 = arith.constant 0 : i32
        %dma_wait3A_252 = tpu.memref_slice %arg14[%dma_wait3A_250, %dma_wait3A_251] : memref<83200x16xf32, #tpu.memory_space<vmem_shared>> -> memref<83200x16xf32, #tpu.memory_space<vmem_shared>>
        tpu.wait_indirect_dma semaphore(%arg18 : memref<!tpu.dma_semaphore, #tpu.memory_space<semaphore_mem>>) src(%dma_wait3A_246 : memref<128x16xf32, #tpu.memory_space<vmem>>) dst(%dma_wait3A_252 : memref<83200x16xf32, #tpu.memory_space<vmem_shared>>)
        %dma_wait3A_253 = arith.constant 2 : i32
        %dma_wait3A_254 = arith.constant 2 : i32
        %dma_wait3A_255 = arith.constant 0 : i32
        %dma_wait3A_256 = arith.constant 0 : i32
        %dma_wait3A_257 = tpu.memref_slice %arg12[%dma_wait3A_253, %dma_wait3A_255, %dma_wait3A_256] : memref<8x128x16xf32, #tpu.memory_space<vmem>> -> memref<1x128x16xf32, #tpu.memory_space<vmem>>
        %dma_wait3A_258 = tpu.memref_squeeze %dma_wait3A_257 : memref<1x128x16xf32, #tpu.memory_space<vmem>> -> memref<128x16xf32, #tpu.memory_space<vmem>>
        %dma_wait3A_259 = arith.constant 0 : i32
        %dma_wait3A_260 = tpu.memref_slice %arg10[%dma_wait3A_254, %dma_wait3A_259] : memref<8x128xi32, #tpu.memory_space<vmem>> -> memref<1x128xi32, #tpu.memory_space<vmem>>
        %dma_wait3A_261 = tpu.memref_squeeze %dma_wait3A_260 : memref<1x128xi32, #tpu.memory_space<vmem>> -> memref<128xi32, #tpu.memory_space<vmem>>
        %dma_wait3A_262 = arith.constant 0 : i32
        %dma_wait3A_263 = arith.constant 0 : i32
        %dma_wait3A_264 = tpu.memref_slice %arg14[%dma_wait3A_262, %dma_wait3A_263] : memref<83200x16xf32, #tpu.memory_space<vmem_shared>> -> memref<83200x16xf32, #tpu.memory_space<vmem_shared>>
        tpu.wait_indirect_dma semaphore(%arg18 : memref<!tpu.dma_semaphore, #tpu.memory_space<semaphore_mem>>) src(%dma_wait3A_258 : memref<128x16xf32, #tpu.memory_space<vmem>>) dst(%dma_wait3A_264 : memref<83200x16xf32, #tpu.memory_space<vmem_shared>>)
        %dma_wait3A_265 = arith.constant 3 : i32
        %dma_wait3A_266 = arith.constant 3 : i32
        %dma_wait3A_267 = arith.constant 0 : i32
        %dma_wait3A_268 = arith.constant 0 : i32
        %dma_wait3A_269 = tpu.memref_slice %arg12[%dma_wait3A_265, %dma_wait3A_267, %dma_wait3A_268] : memref<8x128x16xf32, #tpu.memory_space<vmem>> -> memref<1x128x16xf32, #tpu.memory_space<vmem>>
        %dma_wait3A_270 = tpu.memref_squeeze %dma_wait3A_269 : memref<1x128x16xf32, #tpu.memory_space<vmem>> -> memref<128x16xf32, #tpu.memory_space<vmem>>
        %dma_wait3A_271 = arith.constant 0 : i32
        %dma_wait3A_272 = tpu.memref_slice %arg10[%dma_wait3A_266, %dma_wait3A_271] : memref<8x128xi32, #tpu.memory_space<vmem>> -> memref<1x128xi32, #tpu.memory_space<vmem>>
        %dma_wait3A_273 = tpu.memref_squeeze %dma_wait3A_272 : memref<1x128xi32, #tpu.memory_space<vmem>> -> memref<128xi32, #tpu.memory_space<vmem>>
        %dma_wait3A_274 = arith.constant 0 : i32
        %dma_wait3A_275 = arith.constant 0 : i32
        %dma_wait3A_276 = tpu.memref_slice %arg14[%dma_wait3A_274, %dma_wait3A_275] : memref<83200x16xf32, #tpu.memory_space<vmem_shared>> -> memref<83200x16xf32, #tpu.memory_space<vmem_shared>>
        tpu.wait_indirect_dma semaphore(%arg18 : memref<!tpu.dma_semaphore, #tpu.memory_space<semaphore_mem>>) src(%dma_wait3A_270 : memref<128x16xf32, #tpu.memory_space<vmem>>) dst(%dma_wait3A_276 : memref<83200x16xf32, #tpu.memory_space<vmem_shared>>)
        %dma_wait3A_277 = arith.constant 4 : i32
        %dma_wait3A_278 = arith.constant 4 : i32
        %dma_wait3A_279 = arith.constant 0 : i32
        %dma_wait3A_280 = arith.constant 0 : i32
        %dma_wait3A_281 = tpu.memref_slice %arg12[%dma_wait3A_277, %dma_wait3A_279, %dma_wait3A_280] : memref<8x128x16xf32, #tpu.memory_space<vmem>> -> memref<1x128x16xf32, #tpu.memory_space<vmem>>
        %dma_wait3A_282 = tpu.memref_squeeze %dma_wait3A_281 : memref<1x128x16xf32, #tpu.memory_space<vmem>> -> memref<128x16xf32, #tpu.memory_space<vmem>>
        %dma_wait3A_283 = arith.constant 0 : i32
        %dma_wait3A_284 = tpu.memref_slice %arg10[%dma_wait3A_278, %dma_wait3A_283] : memref<8x128xi32, #tpu.memory_space<vmem>> -> memref<1x128xi32, #tpu.memory_space<vmem>>
        %dma_wait3A_285 = tpu.memref_squeeze %dma_wait3A_284 : memref<1x128xi32, #tpu.memory_space<vmem>> -> memref<128xi32, #tpu.memory_space<vmem>>
        %dma_wait3A_286 = arith.constant 0 : i32
        %dma_wait3A_287 = arith.constant 0 : i32
        %dma_wait3A_288 = tpu.memref_slice %arg14[%dma_wait3A_286, %dma_wait3A_287] : memref<83200x16xf32, #tpu.memory_space<vmem_shared>> -> memref<83200x16xf32, #tpu.memory_space<vmem_shared>>
        tpu.wait_indirect_dma semaphore(%arg18 : memref<!tpu.dma_semaphore, #tpu.memory_space<semaphore_mem>>) src(%dma_wait3A_282 : memref<128x16xf32, #tpu.memory_space<vmem>>) dst(%dma_wait3A_288 : memref<83200x16xf32, #tpu.memory_space<vmem_shared>>)
        %dma_wait3A_289 = arith.constant 5 : i32
        %dma_wait3A_290 = arith.constant 5 : i32
        %dma_wait3A_291 = arith.constant 0 : i32
        %dma_wait3A_292 = arith.constant 0 : i32
        %dma_wait3A_293 = tpu.memref_slice %arg12[%dma_wait3A_289, %dma_wait3A_291, %dma_wait3A_292] : memref<8x128x16xf32, #tpu.memory_space<vmem>> -> memref<1x128x16xf32, #tpu.memory_space<vmem>>
        %dma_wait3A_294 = tpu.memref_squeeze %dma_wait3A_293 : memref<1x128x16xf32, #tpu.memory_space<vmem>> -> memref<128x16xf32, #tpu.memory_space<vmem>>
        %dma_wait3A_295 = arith.constant 0 : i32
        %dma_wait3A_296 = tpu.memref_slice %arg10[%dma_wait3A_290, %dma_wait3A_295] : memref<8x128xi32, #tpu.memory_space<vmem>> -> memref<1x128xi32, #tpu.memory_space<vmem>>
        %dma_wait3A_297 = tpu.memref_squeeze %dma_wait3A_296 : memref<1x128xi32, #tpu.memory_space<vmem>> -> memref<128xi32, #tpu.memory_space<vmem>>
        %dma_wait3A_298 = arith.constant 0 : i32
        %dma_wait3A_299 = arith.constant 0 : i32
        %dma_wait3A_300 = tpu.memref_slice %arg14[%dma_wait3A_298, %dma_wait3A_299] : memref<83200x16xf32, #tpu.memory_space<vmem_shared>> -> memref<83200x16xf32, #tpu.memory_space<vmem_shared>>
        tpu.wait_indirect_dma semaphore(%arg18 : memref<!tpu.dma_semaphore, #tpu.memory_space<semaphore_mem>>) src(%dma_wait3A_294 : memref<128x16xf32, #tpu.memory_space<vmem>>) dst(%dma_wait3A_300 : memref<83200x16xf32, #tpu.memory_space<vmem_shared>>)
        %dma_wait3A_301 = arith.constant 6 : i32
        %dma_wait3A_302 = arith.constant 6 : i32
        %dma_wait3A_303 = arith.constant 0 : i32
        %dma_wait3A_304 = arith.constant 0 : i32
        %dma_wait3A_305 = tpu.memref_slice %arg12[%dma_wait3A_301, %dma_wait3A_303, %dma_wait3A_304] : memref<8x128x16xf32, #tpu.memory_space<vmem>> -> memref<1x128x16xf32, #tpu.memory_space<vmem>>
        %dma_wait3A_306 = tpu.memref_squeeze %dma_wait3A_305 : memref<1x128x16xf32, #tpu.memory_space<vmem>> -> memref<128x16xf32, #tpu.memory_space<vmem>>
        %dma_wait3A_307 = arith.constant 0 : i32
        %dma_wait3A_308 = tpu.memref_slice %arg10[%dma_wait3A_302, %dma_wait3A_307] : memref<8x128xi32, #tpu.memory_space<vmem>> -> memref<1x128xi32, #tpu.memory_space<vmem>>
        %dma_wait3A_309 = tpu.memref_squeeze %dma_wait3A_308 : memref<1x128xi32, #tpu.memory_space<vmem>> -> memref<128xi32, #tpu.memory_space<vmem>>
        %dma_wait3A_310 = arith.constant 0 : i32
        %dma_wait3A_311 = arith.constant 0 : i32
        %dma_wait3A_312 = tpu.memref_slice %arg14[%dma_wait3A_310, %dma_wait3A_311] : memref<83200x16xf32, #tpu.memory_space<vmem_shared>> -> memref<83200x16xf32, #tpu.memory_space<vmem_shared>>
        tpu.wait_indirect_dma semaphore(%arg18 : memref<!tpu.dma_semaphore, #tpu.memory_space<semaphore_mem>>) src(%dma_wait3A_306 : memref<128x16xf32, #tpu.memory_space<vmem>>) dst(%dma_wait3A_312 : memref<83200x16xf32, #tpu.memory_space<vmem_shared>>)
        %dma_wait3A_313 = arith.constant 7 : i32
        %dma_wait3A_314 = arith.constant 7 : i32
        %dma_wait3A_315 = arith.constant 0 : i32
        %dma_wait3A_316 = arith.constant 0 : i32
        %dma_wait3A_317 = tpu.memref_slice %arg12[%dma_wait3A_313, %dma_wait3A_315, %dma_wait3A_316] : memref<8x128x16xf32, #tpu.memory_space<vmem>> -> memref<1x128x16xf32, #tpu.memory_space<vmem>>
        %dma_wait3A_318 = tpu.memref_squeeze %dma_wait3A_317 : memref<1x128x16xf32, #tpu.memory_space<vmem>> -> memref<128x16xf32, #tpu.memory_space<vmem>>
        %dma_wait3A_319 = arith.constant 0 : i32
        %dma_wait3A_320 = tpu.memref_slice %arg10[%dma_wait3A_314, %dma_wait3A_319] : memref<8x128xi32, #tpu.memory_space<vmem>> -> memref<1x128xi32, #tpu.memory_space<vmem>>
        %dma_wait3A_321 = tpu.memref_squeeze %dma_wait3A_320 : memref<1x128xi32, #tpu.memory_space<vmem>> -> memref<128xi32, #tpu.memory_space<vmem>>
        %dma_wait3A_322 = arith.constant 0 : i32
        %dma_wait3A_323 = arith.constant 0 : i32
        %dma_wait3A_324 = tpu.memref_slice %arg14[%dma_wait3A_322, %dma_wait3A_323] : memref<83200x16xf32, #tpu.memory_space<vmem_shared>> -> memref<83200x16xf32, #tpu.memory_space<vmem_shared>>
        tpu.wait_indirect_dma semaphore(%arg18 : memref<!tpu.dma_semaphore, #tpu.memory_space<semaphore_mem>>) src(%dma_wait3A_318 : memref<128x16xf32, #tpu.memory_space<vmem>>) dst(%dma_wait3A_324 : memref<83200x16xf32, #tpu.memory_space<vmem_shared>>)
        %barrier3A_325 = arith.constant 0 : index
        tpu.barrier barrier_id(%barrier3A_325)
        %mul3A_326 = arith.constant 5200 : i32
        %mul3A_327 = arith.muli %arg1, %mul3A_326 : i32
        %mul3A_328 = arith.constant 83200 : i32
        %mul3A_329 = arith.muli %add3A, %mul3A_328 : i32
        %mul3A_330 = arith.constant 5200 : i32
        %mul3A_331 = arith.muli %arg1, %mul3A_330 : i32
        %add3A_332 = arith.addi %mul3A_329, %mul3A_331 : i32
        "tpu.region"() ({
          %run_scoped3A = tpu.sem_alloc : memref<!tpu.dma_semaphore, #tpu.memory_space<semaphore_mem>>
          %dma_start3A_333 = arith.constant 0 : i32
          %dma_start3A_334 = tpu.memref_slice %arg4[%add3A_332, %dma_start3A_333] : memref<748800x16xf32, #tpu.memory_space<hbm>> -> memref<5200x16xf32, #tpu.memory_space<hbm>>
          %dma_start3A_335 = arith.constant 0 : i32
          %dma_start3A_336 = tpu.memref_slice %arg14[%mul3A_327, %dma_start3A_335] : memref<83200x16xf32, #tpu.memory_space<vmem_shared>> -> memref<5200x16xf32, #tpu.memory_space<vmem_shared>>
          tpu.enqueue_dma source(%dma_start3A_336 : memref<5200x16xf32, #tpu.memory_space<vmem_shared>>) target(%dma_start3A_334 : memref<5200x16xf32, #tpu.memory_space<hbm>>) target_semaphore(%run_scoped3A : memref<!tpu.dma_semaphore, #tpu.memory_space<semaphore_mem>>)
          %dma_wait3A_337 = arith.constant 0 : i32
          %dma_wait3A_338 = tpu.memref_slice %arg4[%add3A_332, %dma_wait3A_337] : memref<748800x16xf32, #tpu.memory_space<hbm>> -> memref<5200x16xf32, #tpu.memory_space<hbm>>
          %dma_wait3A_339 = arith.constant 0 : i32
          %dma_wait3A_340 = tpu.memref_slice %arg14[%mul3A_327, %dma_wait3A_339] : memref<83200x16xf32, #tpu.memory_space<vmem_shared>> -> memref<5200x16xf32, #tpu.memory_space<vmem_shared>>
          tpu.wait_dma2 semaphore(%run_scoped3A : memref<!tpu.dma_semaphore, #tpu.memory_space<semaphore_mem>>) src(%dma_wait3A_340 : memref<5200x16xf32, #tpu.memory_space<vmem_shared>>) dst(%dma_wait3A_338 : memref<5200x16xf32, #tpu.memory_space<hbm>>)
          tpu.yield
        }) : () -> ()
      } else {
      }
    }
    %scan3A_10 = arith.constant 5 : i32
    return
  }
}

#map = affine_map<(d0, d1) -> (0, 0)>
module attributes {stable_mosaic.version = 14 : i64} {
  func.func @agg(%arg0: i32, %arg1: i32, %arg2: memref<160000x16xf32, #tpu.memory_space<hbm>>, %arg3: memref<2560x256xi32, #tpu.memory_space<hbm>>, %arg4: memref<1331200x16xf32, #tpu.memory_space<hbm>>, %arg5: memref<8x256xi32, #tpu.memory_space<vmem>>, %arg6: memref<8x256xi32, #tpu.memory_space<vmem>>, %arg7: memref<8x128xi32, #tpu.memory_space<vmem>>, %arg8: memref<8x128xi32, #tpu.memory_space<vmem>>, %arg9: memref<8x128xi32, #tpu.memory_space<vmem>>, %arg10: memref<8x128xi32, #tpu.memory_space<vmem>>, %arg11: memref<8x128x16xf32, #tpu.memory_space<vmem>>, %arg12: memref<8x128x16xf32, #tpu.memory_space<vmem>>, %arg13: memref<200x16xf32, #tpu.memory_space<vmem>>, %arg14: memref<83200x16xf32, #tpu.memory_space<vmem_shared>>, %arg15: memref<!tpu.dma_semaphore, #tpu.memory_space<semaphore_mem>>, %arg16: memref<!tpu.dma_semaphore, #tpu.memory_space<semaphore_mem>>, %arg17: memref<!tpu.dma_semaphore, #tpu.memory_space<semaphore_mem>>, %arg18: memref<!tpu.dma_semaphore, #tpu.memory_space<semaphore_mem>>) attributes {dimension_semantics = [#tpu.dimension_semantics<core_parallel>, #tpu.dimension_semantics<subcore_parallel>], iteration_bounds = array<i64: 2, 16>, scalar_prefetch = 0 : i64, scratch_operands = 14 : i64, tpu.core_type = #tpu.core_type<sc_vector_subcore>, window_params = [{transform_indices = #map}, {transform_indices = #map}, {transform_indices = #map}]} {
    %scan3A = arith.constant 0 : i32
    %scan3A_0 = arith.constant 0 : i32
    %scan3A_1 = arith.constant 200 : i32
    %scan3A_2 = arith.addi %scan3A_0, %scan3A_1 : i32
    %scan3A_3 = arith.constant 1 : i32
    scf.for %scan3A_11 = %scan3A_0 to %scan3A_2 step %scan3A_3  : i32 {
      %broadcast_in_dim3A = arith.constant 0.000000e+00 : f32
      %broadcast_in_dim3A_12 = vector.broadcast %broadcast_in_dim3A : f32 to vector<16xf32>
      %swap3A = arith.index_cast %scan3A_11 : i32 to index
      %swap3A_13 = arith.constant 0 : index
      %swap3A_14 = tpu.vector_load %arg13[%swap3A, %swap3A_13] {strides = array<i32>} : memref<200x16xf32, #tpu.memory_space<vmem>>, vector<1x16xf32>,
      %swap3A_15 = vector.shape_cast %swap3A_14 : vector<1x16xf32> to vector<16xf32>
      %swap3A_16 = vector.shape_cast %broadcast_in_dim3A_12 : vector<16xf32> to vector<1x16xf32>
      tpu.vector_store %arg13[%swap3A, %swap3A_13], %swap3A_16 {strides = array<i32>} : memref<200x16xf32, #tpu.memory_space<vmem>>, vector<1x16xf32>,
    }
    %scan3A_4 = arith.constant 200 : i32
    %scan3A_5 = arith.constant 0 : i32
    %scan3A_6 = arith.constant 0 : i32
    %scan3A_7 = arith.constant 8 : i32
    %scan3A_8 = arith.addi %scan3A_6, %scan3A_7 : i32
    %scan3A_9 = arith.constant 1 : i32
    scf.for %scan3A_11 = %scan3A_6 to %scan3A_8 step %scan3A_9  : i32 {
      %mul3A = arith.constant 2 : i32
      %mul3A_12 = arith.muli %mul3A, %scan3A_11 : i32
      %add3A = arith.addi %arg0, %mul3A_12 : i32
      %lt3A = arith.constant 16 : i32
      %lt3A_13 = arith.cmpi slt, %add3A, %lt3A : i32
      %convert_element_type3A = arith.extui %lt3A_13 : i1 to i32
      %cond3A = arith.constant 0 : i32
      %cond3A_14 = arith.cmpi ne, %convert_element_type3A, %cond3A : i32
      scf.if %cond3A_14 {
        %scan3A_15 = arith.constant 0 : i32
        %scan3A_16 = arith.constant 0 : i32
        %scan3A_17 = arith.constant 26 : i32
        %scan3A_18 = arith.addi %scan3A_16, %scan3A_17 : i32
        %scan3A_19 = arith.constant 1 : i32
        scf.for %scan3A_333 = %scan3A_16 to %scan3A_18 step %scan3A_19  : i32 {
          %mul3A_334 = arith.constant 5200 : i32
          %mul3A_335 = arith.muli %arg1, %mul3A_334 : i32
          %mul3A_336 = arith.constant 200 : i32
          %mul3A_337 = arith.muli %scan3A_333, %mul3A_336 : i32
          %add3A_338 = arith.addi %mul3A_335, %mul3A_337 : i32
          "tpu.region"() ({
            %run_scoped3A = tpu.sem_alloc : memref<!tpu.dma_semaphore, #tpu.memory_space<semaphore_mem>>
            %dma_start3A_339 = arith.constant 0 : i32
            %dma_start3A_340 = tpu.memref_slice %arg14[%add3A_338, %dma_start3A_339] : memref<83200x16xf32, #tpu.memory_space<vmem_shared>> -> memref<200x16xf32, #tpu.memory_space<vmem_shared>>
            %dma_start3A_341 = arith.constant 0 : i32
            %dma_start3A_342 = tpu.memref_slice %arg14[%add3A_338, %dma_start3A_341] : memref<83200x16xf32, #tpu.memory_space<vmem_shared>> -> memref<200x16xf32, #tpu.memory_space<vmem_shared>>
            tpu.enqueue_dma source(%arg13 : memref<200x16xf32, #tpu.memory_space<vmem>>) target(%dma_start3A_342 : memref<200x16xf32, #tpu.memory_space<vmem_shared>>) target_semaphore(%run_scoped3A : memref<!tpu.dma_semaphore, #tpu.memory_space<semaphore_mem>>)
            %dma_wait3A_343 = arith.constant 0 : i32
            %dma_wait3A_344 = tpu.memref_slice %arg14[%add3A_338, %dma_wait3A_343] : memref<83200x16xf32, #tpu.memory_space<vmem_shared>> -> memref<200x16xf32, #tpu.memory_space<vmem_shared>>
            %dma_wait3A_345 = arith.constant 0 : i32
            %dma_wait3A_346 = tpu.memref_slice %arg14[%add3A_338, %dma_wait3A_345] : memref<83200x16xf32, #tpu.memory_space<vmem_shared>> -> memref<200x16xf32, #tpu.memory_space<vmem_shared>>
            tpu.wait_dma2 semaphore(%run_scoped3A : memref<!tpu.dma_semaphore, #tpu.memory_space<semaphore_mem>>) src(%arg13 : memref<200x16xf32, #tpu.memory_space<vmem>>) dst(%dma_wait3A_346 : memref<200x16xf32, #tpu.memory_space<vmem_shared>>)
            tpu.yield
          }) : () -> ()
        }
        %scan3A_20 = arith.constant 26 : i32
        %barrier3A = arith.constant 0 : index
        tpu.barrier barrier_id(%barrier3A)
        %mul3A_21 = arith.constant 20 : i32
        %mul3A_22 = arith.muli %arg1, %mul3A_21 : i32
        %add3A_23 = arith.constant 0 : i32
        %add3A_24 = arith.addi %mul3A_22, %add3A_23 : i32
        %mul3A_25 = arith.constant 8 : i32
        %mul3A_26 = arith.muli %add3A_24, %mul3A_25 : i32
        "tpu.region"() ({
          %run_scoped3A = tpu.sem_alloc : memref<!tpu.dma_semaphore, #tpu.memory_space<semaphore_mem>>
          %dma_start3A_333 = arith.constant 0 : i32
          %dma_start3A_334 = tpu.memref_slice %arg3[%mul3A_26, %dma_start3A_333] : memref<2560x256xi32, #tpu.memory_space<hbm>> -> memref<8x256xi32, #tpu.memory_space<hbm>>
          %dma_start3A_335 = arith.constant 0 : i32
          %dma_start3A_336 = tpu.memref_slice %arg3[%mul3A_26, %dma_start3A_335] : memref<2560x256xi32, #tpu.memory_space<hbm>> -> memref<8x256xi32, #tpu.memory_space<hbm>>
          tpu.enqueue_dma source(%dma_start3A_336 : memref<8x256xi32, #tpu.memory_space<hbm>>) target(%arg5 : memref<8x256xi32, #tpu.memory_space<vmem>>) target_semaphore(%run_scoped3A : memref<!tpu.dma_semaphore, #tpu.memory_space<semaphore_mem>>)
          %dma_wait3A_337 = arith.constant 0 : i32
          %dma_wait3A_338 = tpu.memref_slice %arg3[%mul3A_26, %dma_wait3A_337] : memref<2560x256xi32, #tpu.memory_space<hbm>> -> memref<8x256xi32, #tpu.memory_space<hbm>>
          %dma_wait3A_339 = arith.constant 0 : i32
          %dma_wait3A_340 = tpu.memref_slice %arg3[%mul3A_26, %dma_wait3A_339] : memref<2560x256xi32, #tpu.memory_space<hbm>> -> memref<8x256xi32, #tpu.memory_space<hbm>>
          tpu.wait_dma2 semaphore(%run_scoped3A : memref<!tpu.dma_semaphore, #tpu.memory_space<semaphore_mem>>) src(%dma_wait3A_340 : memref<8x256xi32, #tpu.memory_space<hbm>>) dst(%arg5 : memref<8x256xi32, #tpu.memory_space<vmem>>)
          tpu.yield
        }) : () -> ()
        %scan3A_27 = arith.constant 0 : i32
        %scan3A_28 = arith.constant 0 : i32
        %scan3A_29 = arith.constant 64 : i32
        %scan3A_30 = arith.addi %scan3A_28, %scan3A_29 : i32
        %scan3A_31 = arith.constant 1 : i32
        scf.for %scan3A_333 = %scan3A_28 to %scan3A_30 step %scan3A_31  : i32 {
          %jit3A = arith.constant 8 : i32
          %div3A = arith.divsi %scan3A_333, %jit3A : i32
          %sign3A = arith.constant 0 : i32
          %sign3A_334 = arith.cmpi sgt, %scan3A_333, %sign3A : i32
          %sign3A_335 = arith.extui %sign3A_334 : i1 to i32
          %sign3A_336 = arith.constant 0 : i32
          %sign3A_337 = arith.cmpi slt, %scan3A_333, %sign3A_336 : i32
          %sign3A_338 = arith.extui %sign3A_337 : i1 to i32
          %sign3A_339 = arith.subi %sign3A_335, %sign3A_338 : i32
          %sign3A_340 = arith.constant 0 : i32
          %sign3A_341 = arith.cmpi sgt, %jit3A, %sign3A_340 : i32
          %sign3A_342 = arith.extui %sign3A_341 : i1 to i32
          %sign3A_343 = arith.constant 0 : i32
          %sign3A_344 = arith.cmpi slt, %jit3A, %sign3A_343 : i32
          %sign3A_345 = arith.extui %sign3A_344 : i1 to i32
          %sign3A_346 = arith.subi %sign3A_342, %sign3A_345 : i32
          %ne3A = arith.cmpi ne, %sign3A_339, %sign3A_346 : i32
          %rem3A = arith.remsi %scan3A_333, %jit3A : i32
          %ne3A_347 = arith.constant 0 : i32
          %ne3A_348 = arith.cmpi ne, %rem3A, %ne3A_347 : i32
          %and3A = arith.andi %ne3A, %ne3A_348 : i1
          %sub3A = arith.constant 1 : i32
          %sub3A_349 = arith.subi %div3A, %sub3A : i32
          %select_n3A = arith.select %and3A, %sub3A_349, %div3A : i32
          %jit3A_350 = arith.constant 8 : i32
          %eq3A = arith.constant 0 : i32
          %eq3A_351 = arith.cmpi eq, %jit3A_350, %eq3A : i32
          %jit3A_352 = arith.constant 1 : i32
          %select_n3A_353 = arith.select %eq3A_351, %jit3A_352, %jit3A_350 : i32
          %rem3A_354 = arith.remsi %scan3A_333, %select_n3A_353 : i32
          %ne3A_355 = arith.constant 0 : i32
          %ne3A_356 = arith.cmpi ne, %rem3A_354, %ne3A_355 : i32
          %lt3A_357 = arith.constant 0 : i32
          %lt3A_358 = arith.cmpi slt, %rem3A_354, %lt3A_357 : i32
          %lt3A_359 = arith.constant 0 : i32
          %lt3A_360 = arith.cmpi slt, %select_n3A_353, %lt3A_359 : i32
          %ne3A_361 = arith.xori %lt3A_358, %lt3A_360 : i1
          %and3A_362 = arith.andi %ne3A_361, %ne3A_356 : i1
          %add3A_363 = arith.addi %rem3A_354, %select_n3A_353 : i32
          %select_n3A_364 = arith.select %and3A_362, %add3A_363, %rem3A_354 : i32
          %mul3A_365 = arith.constant 16 : i32
          %mul3A_366 = arith.muli %select_n3A_364, %mul3A_365 : i32
          %jit3A_367 = arith.constant 8 : i32
          %eq3A_368 = arith.constant 0 : i32
          %eq3A_369 = arith.cmpi eq, %jit3A_367, %eq3A_368 : i32
          %jit3A_370 = arith.constant 1 : i32
          %select_n3A_371 = arith.select %eq3A_369, %jit3A_370, %jit3A_367 : i32
          %rem3A_372 = arith.remsi %scan3A_333, %select_n3A_371 : i32
          %ne3A_373 = arith.constant 0 : i32
          %ne3A_374 = arith.cmpi ne, %rem3A_372, %ne3A_373 : i32
          %lt3A_375 = arith.constant 0 : i32
          %lt3A_376 = arith.cmpi slt, %rem3A_372, %lt3A_375 : i32
          %lt3A_377 = arith.constant 0 : i32
          %lt3A_378 = arith.cmpi slt, %select_n3A_371, %lt3A_377 : i32
          %ne3A_379 = arith.xori %lt3A_376, %lt3A_378 : i1
          %and3A_380 = arith.andi %ne3A_379, %ne3A_374 : i1
          %add3A_381 = arith.addi %rem3A_372, %select_n3A_371 : i32
          %select_n3A_382 = arith.select %and3A_380, %add3A_381, %rem3A_372 : i32
          %mul3A_383 = arith.constant 16 : i32
          %mul3A_384 = arith.muli %select_n3A_382, %mul3A_383 : i32
          %add3A_385 = arith.constant 128 : i32
          %add3A_386 = arith.addi %add3A_385, %mul3A_384 : i32
          %get3A = arith.index_cast %select_n3A : i32 to index
          %get3A_387 = arith.index_cast %add3A_386 : i32 to index
          %get3A_388 = tpu.vector_load %arg5[%get3A, %get3A_387] {strides = array<i32>} : memref<8x256xi32, #tpu.memory_space<vmem>>, vector<1x16xi32>,
          %get3A_389 = vector.shape_cast %get3A_388 : vector<1x16xi32> to vector<16xi32>
          %swap3A = arith.index_cast %select_n3A : i32 to index
          %swap3A_390 = arith.index_cast %mul3A_366 : i32 to index
          %swap3A_391 = tpu.vector_load %arg9[%swap3A, %swap3A_390] {strides = array<i32>} : memref<8x128xi32, #tpu.memory_space<vmem>>, vector<1x16xi32>,
          %swap3A_392 = vector.shape_cast %swap3A_391 : vector<1x16xi32> to vector<16xi32>
          %swap3A_393 = vector.shape_cast %get3A_389 : vector<16xi32> to vector<1x16xi32>
          tpu.vector_store %arg9[%swap3A, %swap3A_390], %swap3A_393 {strides = array<i32>} : memref<8x128xi32, #tpu.memory_space<vmem>>, vector<1x16xi32>,
          %jit3A_394 = arith.constant 8 : i32
          %eq3A_395 = arith.constant 0 : i32
          %eq3A_396 = arith.cmpi eq, %jit3A_394, %eq3A_395 : i32
          %jit3A_397 = arith.constant 1 : i32
          %select_n3A_398 = arith.select %eq3A_396, %jit3A_397, %jit3A_394 : i32
          %rem3A_399 = arith.remsi %scan3A_333, %select_n3A_398 : i32
          %ne3A_400 = arith.constant 0 : i32
          %ne3A_401 = arith.cmpi ne, %rem3A_399, %ne3A_400 : i32
          %lt3A_402 = arith.constant 0 : i32
          %lt3A_403 = arith.cmpi slt, %rem3A_399, %lt3A_402 : i32
          %lt3A_404 = arith.constant 0 : i32
          %lt3A_405 = arith.cmpi slt, %select_n3A_398, %lt3A_404 : i32
          %ne3A_406 = arith.xori %lt3A_403, %lt3A_405 : i1
          %and3A_407 = arith.andi %ne3A_406, %ne3A_401 : i1
          %add3A_408 = arith.addi %rem3A_399, %select_n3A_398 : i32
          %select_n3A_409 = arith.select %and3A_407, %add3A_408, %rem3A_399 : i32
          %mul3A_410 = arith.constant 16 : i32
          %mul3A_411 = arith.muli %select_n3A_409, %mul3A_410 : i32
          %get3A_412 = arith.index_cast %select_n3A : i32 to index
          %get3A_413 = arith.index_cast %mul3A_411 : i32 to index
          %get3A_414 = tpu.vector_load %arg5[%get3A_412, %get3A_413] {strides = array<i32>} : memref<8x256xi32, #tpu.memory_space<vmem>>, vector<1x16xi32>,
          %get3A_415 = vector.shape_cast %get3A_414 : vector<1x16xi32> to vector<16xi32>
          %mul3A_416 = arith.constant 10000 : i32
          %mul3A_417 = arith.muli %add3A, %mul3A_416 : i32
          %add3A_418 = vector.broadcast %mul3A_417 : i32 to vector<16xi32>
          %add3A_419 = arith.addi %get3A_415, %add3A_418 : vector<16xi32>
          %swap3A_420 = arith.index_cast %select_n3A : i32 to index
          %swap3A_421 = arith.index_cast %mul3A_366 : i32 to index
          %swap3A_422 = tpu.vector_load %arg7[%swap3A_420, %swap3A_421] {strides = array<i32>} : memref<8x128xi32, #tpu.memory_space<vmem>>, vector<1x16xi32>,
          %swap3A_423 = vector.shape_cast %swap3A_422 : vector<1x16xi32> to vector<16xi32>
          %swap3A_424 = vector.shape_cast %add3A_419 : vector<16xi32> to vector<1x16xi32>
          tpu.vector_store %arg7[%swap3A_420, %swap3A_421], %swap3A_424 {strides = array<i32>} : memref<8x128xi32, #tpu.memory_space<vmem>>, vector<1x16xi32>,
        }
        %scan3A_32 = arith.constant 64 : i32
        %dma_start3A = arith.constant 0 : i32
        %dma_start3A_33 = arith.constant 0 : i32
        %dma_start3A_34 = arith.constant 0 : i32
        %dma_start3A_35 = arith.constant 0 : i32
        %dma_start3A_36 = tpu.memref_slice %arg11[%dma_start3A_33, %dma_start3A_34, %dma_start3A_35] : memref<8x128x16xf32, #tpu.memory_space<vmem>> -> memref<1x128x16xf32, #tpu.memory_space<vmem>>
        %dma_start3A_37 = tpu.memref_squeeze %dma_start3A_36 : memref<1x128x16xf32, #tpu.memory_space<vmem>> -> memref<128x16xf32, #tpu.memory_space<vmem>>
        %dma_start3A_38 = arith.constant 0 : i32
        %dma_start3A_39 = tpu.memref_slice %arg7[%dma_start3A, %dma_start3A_38] : memref<8x128xi32, #tpu.memory_space<vmem>> -> memref<1x128xi32, #tpu.memory_space<vmem>>
        %dma_start3A_40 = tpu.memref_squeeze %dma_start3A_39 : memref<1x128xi32, #tpu.memory_space<vmem>> -> memref<128xi32, #tpu.memory_space<vmem>>
        %dma_start3A_41 = arith.constant 0 : i32
        %dma_start3A_42 = arith.constant 0 : i32
        %dma_start3A_43 = tpu.memref_slice %arg2[%dma_start3A_41, %dma_start3A_42] : memref<160000x16xf32, #tpu.memory_space<hbm>> -> memref<160000x16xf32, #tpu.memory_space<hbm>>
        tpu.enqueue_indirect_dma source(%dma_start3A_43 : memref<160000x16xf32, #tpu.memory_space<hbm>>) target(%dma_start3A_37 : memref<128x16xf32, #tpu.memory_space<vmem>>) offsets(%dma_start3A_40 : memref<128xi32, #tpu.memory_space<vmem>>) semaphore(%arg15 : memref<!tpu.dma_semaphore, #tpu.memory_space<semaphore_mem>>)
        %dma_start3A_44 = arith.constant 1 : i32
        %dma_start3A_45 = arith.constant 1 : i32
        %dma_start3A_46 = arith.constant 0 : i32
        %dma_start3A_47 = arith.constant 0 : i32
        %dma_start3A_48 = tpu.memref_slice %arg11[%dma_start3A_45, %dma_start3A_46, %dma_start3A_47] : memref<8x128x16xf32, #tpu.memory_space<vmem>> -> memref<1x128x16xf32, #tpu.memory_space<vmem>>
        %dma_start3A_49 = tpu.memref_squeeze %dma_start3A_48 : memref<1x128x16xf32, #tpu.memory_space<vmem>> -> memref<128x16xf32, #tpu.memory_space<vmem>>
        %dma_start3A_50 = arith.constant 0 : i32
        %dma_start3A_51 = tpu.memref_slice %arg7[%dma_start3A_44, %dma_start3A_50] : memref<8x128xi32, #tpu.memory_space<vmem>> -> memref<1x128xi32, #tpu.memory_space<vmem>>
        %dma_start3A_52 = tpu.memref_squeeze %dma_start3A_51 : memref<1x128xi32, #tpu.memory_space<vmem>> -> memref<128xi32, #tpu.memory_space<vmem>>
        %dma_start3A_53 = arith.constant 0 : i32
        %dma_start3A_54 = arith.constant 0 : i32
        %dma_start3A_55 = tpu.memref_slice %arg2[%dma_start3A_53, %dma_start3A_54] : memref<160000x16xf32, #tpu.memory_space<hbm>> -> memref<160000x16xf32, #tpu.memory_space<hbm>>
        tpu.enqueue_indirect_dma source(%dma_start3A_55 : memref<160000x16xf32, #tpu.memory_space<hbm>>) target(%dma_start3A_49 : memref<128x16xf32, #tpu.memory_space<vmem>>) offsets(%dma_start3A_52 : memref<128xi32, #tpu.memory_space<vmem>>) semaphore(%arg15 : memref<!tpu.dma_semaphore, #tpu.memory_space<semaphore_mem>>)
        %dma_start3A_56 = arith.constant 2 : i32
        %dma_start3A_57 = arith.constant 2 : i32
        %dma_start3A_58 = arith.constant 0 : i32
        %dma_start3A_59 = arith.constant 0 : i32
        %dma_start3A_60 = tpu.memref_slice %arg11[%dma_start3A_57, %dma_start3A_58, %dma_start3A_59] : memref<8x128x16xf32, #tpu.memory_space<vmem>> -> memref<1x128x16xf32, #tpu.memory_space<vmem>>
        %dma_start3A_61 = tpu.memref_squeeze %dma_start3A_60 : memref<1x128x16xf32, #tpu.memory_space<vmem>> -> memref<128x16xf32, #tpu.memory_space<vmem>>
        %dma_start3A_62 = arith.constant 0 : i32
        %dma_start3A_63 = tpu.memref_slice %arg7[%dma_start3A_56, %dma_start3A_62] : memref<8x128xi32, #tpu.memory_space<vmem>> -> memref<1x128xi32, #tpu.memory_space<vmem>>
        %dma_start3A_64 = tpu.memref_squeeze %dma_start3A_63 : memref<1x128xi32, #tpu.memory_space<vmem>> -> memref<128xi32, #tpu.memory_space<vmem>>
        %dma_start3A_65 = arith.constant 0 : i32
        %dma_start3A_66 = arith.constant 0 : i32
        %dma_start3A_67 = tpu.memref_slice %arg2[%dma_start3A_65, %dma_start3A_66] : memref<160000x16xf32, #tpu.memory_space<hbm>> -> memref<160000x16xf32, #tpu.memory_space<hbm>>
        tpu.enqueue_indirect_dma source(%dma_start3A_67 : memref<160000x16xf32, #tpu.memory_space<hbm>>) target(%dma_start3A_61 : memref<128x16xf32, #tpu.memory_space<vmem>>) offsets(%dma_start3A_64 : memref<128xi32, #tpu.memory_space<vmem>>) semaphore(%arg15 : memref<!tpu.dma_semaphore, #tpu.memory_space<semaphore_mem>>)
        %dma_start3A_68 = arith.constant 3 : i32
        %dma_start3A_69 = arith.constant 3 : i32
        %dma_start3A_70 = arith.constant 0 : i32
        %dma_start3A_71 = arith.constant 0 : i32
        %dma_start3A_72 = tpu.memref_slice %arg11[%dma_start3A_69, %dma_start3A_70, %dma_start3A_71] : memref<8x128x16xf32, #tpu.memory_space<vmem>> -> memref<1x128x16xf32, #tpu.memory_space<vmem>>
        %dma_start3A_73 = tpu.memref_squeeze %dma_start3A_72 : memref<1x128x16xf32, #tpu.memory_space<vmem>> -> memref<128x16xf32, #tpu.memory_space<vmem>>
        %dma_start3A_74 = arith.constant 0 : i32
        %dma_start3A_75 = tpu.memref_slice %arg7[%dma_start3A_68, %dma_start3A_74] : memref<8x128xi32, #tpu.memory_space<vmem>> -> memref<1x128xi32, #tpu.memory_space<vmem>>
        %dma_start3A_76 = tpu.memref_squeeze %dma_start3A_75 : memref<1x128xi32, #tpu.memory_space<vmem>> -> memref<128xi32, #tpu.memory_space<vmem>>
        %dma_start3A_77 = arith.constant 0 : i32
        %dma_start3A_78 = arith.constant 0 : i32
        %dma_start3A_79 = tpu.memref_slice %arg2[%dma_start3A_77, %dma_start3A_78] : memref<160000x16xf32, #tpu.memory_space<hbm>> -> memref<160000x16xf32, #tpu.memory_space<hbm>>
        tpu.enqueue_indirect_dma source(%dma_start3A_79 : memref<160000x16xf32, #tpu.memory_space<hbm>>) target(%dma_start3A_73 : memref<128x16xf32, #tpu.memory_space<vmem>>) offsets(%dma_start3A_76 : memref<128xi32, #tpu.memory_space<vmem>>) semaphore(%arg15 : memref<!tpu.dma_semaphore, #tpu.memory_space<semaphore_mem>>)
        %dma_start3A_80 = arith.constant 4 : i32
        %dma_start3A_81 = arith.constant 4 : i32
        %dma_start3A_82 = arith.constant 0 : i32
        %dma_start3A_83 = arith.constant 0 : i32
        %dma_start3A_84 = tpu.memref_slice %arg11[%dma_start3A_81, %dma_start3A_82, %dma_start3A_83] : memref<8x128x16xf32, #tpu.memory_space<vmem>> -> memref<1x128x16xf32, #tpu.memory_space<vmem>>
        %dma_start3A_85 = tpu.memref_squeeze %dma_start3A_84 : memref<1x128x16xf32, #tpu.memory_space<vmem>> -> memref<128x16xf32, #tpu.memory_space<vmem>>
        %dma_start3A_86 = arith.constant 0 : i32
        %dma_start3A_87 = tpu.memref_slice %arg7[%dma_start3A_80, %dma_start3A_86] : memref<8x128xi32, #tpu.memory_space<vmem>> -> memref<1x128xi32, #tpu.memory_space<vmem>>
        %dma_start3A_88 = tpu.memref_squeeze %dma_start3A_87 : memref<1x128xi32, #tpu.memory_space<vmem>> -> memref<128xi32, #tpu.memory_space<vmem>>
        %dma_start3A_89 = arith.constant 0 : i32
        %dma_start3A_90 = arith.constant 0 : i32
        %dma_start3A_91 = tpu.memref_slice %arg2[%dma_start3A_89, %dma_start3A_90] : memref<160000x16xf32, #tpu.memory_space<hbm>> -> memref<160000x16xf32, #tpu.memory_space<hbm>>
        tpu.enqueue_indirect_dma source(%dma_start3A_91 : memref<160000x16xf32, #tpu.memory_space<hbm>>) target(%dma_start3A_85 : memref<128x16xf32, #tpu.memory_space<vmem>>) offsets(%dma_start3A_88 : memref<128xi32, #tpu.memory_space<vmem>>) semaphore(%arg15 : memref<!tpu.dma_semaphore, #tpu.memory_space<semaphore_mem>>)
        %dma_start3A_92 = arith.constant 5 : i32
        %dma_start3A_93 = arith.constant 5 : i32
        %dma_start3A_94 = arith.constant 0 : i32
        %dma_start3A_95 = arith.constant 0 : i32
        %dma_start3A_96 = tpu.memref_slice %arg11[%dma_start3A_93, %dma_start3A_94, %dma_start3A_95] : memref<8x128x16xf32, #tpu.memory_space<vmem>> -> memref<1x128x16xf32, #tpu.memory_space<vmem>>
        %dma_start3A_97 = tpu.memref_squeeze %dma_start3A_96 : memref<1x128x16xf32, #tpu.memory_space<vmem>> -> memref<128x16xf32, #tpu.memory_space<vmem>>
        %dma_start3A_98 = arith.constant 0 : i32
        %dma_start3A_99 = tpu.memref_slice %arg7[%dma_start3A_92, %dma_start3A_98] : memref<8x128xi32, #tpu.memory_space<vmem>> -> memref<1x128xi32, #tpu.memory_space<vmem>>
        %dma_start3A_100 = tpu.memref_squeeze %dma_start3A_99 : memref<1x128xi32, #tpu.memory_space<vmem>> -> memref<128xi32, #tpu.memory_space<vmem>>
        %dma_start3A_101 = arith.constant 0 : i32
        %dma_start3A_102 = arith.constant 0 : i32
        %dma_start3A_103 = tpu.memref_slice %arg2[%dma_start3A_101, %dma_start3A_102] : memref<160000x16xf32, #tpu.memory_space<hbm>> -> memref<160000x16xf32, #tpu.memory_space<hbm>>
        tpu.enqueue_indirect_dma source(%dma_start3A_103 : memref<160000x16xf32, #tpu.memory_space<hbm>>) target(%dma_start3A_97 : memref<128x16xf32, #tpu.memory_space<vmem>>) offsets(%dma_start3A_100 : memref<128xi32, #tpu.memory_space<vmem>>) semaphore(%arg15 : memref<!tpu.dma_semaphore, #tpu.memory_space<semaphore_mem>>)
        %dma_start3A_104 = arith.constant 6 : i32
        %dma_start3A_105 = arith.constant 6 : i32
        %dma_start3A_106 = arith.constant 0 : i32
        %dma_start3A_107 = arith.constant 0 : i32
        %dma_start3A_108 = tpu.memref_slice %arg11[%dma_start3A_105, %dma_start3A_106, %dma_start3A_107] : memref<8x128x16xf32, #tpu.memory_space<vmem>> -> memref<1x128x16xf32, #tpu.memory_space<vmem>>
        %dma_start3A_109 = tpu.memref_squeeze %dma_start3A_108 : memref<1x128x16xf32, #tpu.memory_space<vmem>> -> memref<128x16xf32, #tpu.memory_space<vmem>>
        %dma_start3A_110 = arith.constant 0 : i32
        %dma_start3A_111 = tpu.memref_slice %arg7[%dma_start3A_104, %dma_start3A_110] : memref<8x128xi32, #tpu.memory_space<vmem>> -> memref<1x128xi32, #tpu.memory_space<vmem>>
        %dma_start3A_112 = tpu.memref_squeeze %dma_start3A_111 : memref<1x128xi32, #tpu.memory_space<vmem>> -> memref<128xi32, #tpu.memory_space<vmem>>
        %dma_start3A_113 = arith.constant 0 : i32
        %dma_start3A_114 = arith.constant 0 : i32
        %dma_start3A_115 = tpu.memref_slice %arg2[%dma_start3A_113, %dma_start3A_114] : memref<160000x16xf32, #tpu.memory_space<hbm>> -> memref<160000x16xf32, #tpu.memory_space<hbm>>
        tpu.enqueue_indirect_dma source(%dma_start3A_115 : memref<160000x16xf32, #tpu.memory_space<hbm>>) target(%dma_start3A_109 : memref<128x16xf32, #tpu.memory_space<vmem>>) offsets(%dma_start3A_112 : memref<128xi32, #tpu.memory_space<vmem>>) semaphore(%arg15 : memref<!tpu.dma_semaphore, #tpu.memory_space<semaphore_mem>>)
        %dma_start3A_116 = arith.constant 7 : i32
        %dma_start3A_117 = arith.constant 7 : i32
        %dma_start3A_118 = arith.constant 0 : i32
        %dma_start3A_119 = arith.constant 0 : i32
        %dma_start3A_120 = tpu.memref_slice %arg11[%dma_start3A_117, %dma_start3A_118, %dma_start3A_119] : memref<8x128x16xf32, #tpu.memory_space<vmem>> -> memref<1x128x16xf32, #tpu.memory_space<vmem>>
        %dma_start3A_121 = tpu.memref_squeeze %dma_start3A_120 : memref<1x128x16xf32, #tpu.memory_space<vmem>> -> memref<128x16xf32, #tpu.memory_space<vmem>>
        %dma_start3A_122 = arith.constant 0 : i32
        %dma_start3A_123 = tpu.memref_slice %arg7[%dma_start3A_116, %dma_start3A_122] : memref<8x128xi32, #tpu.memory_space<vmem>> -> memref<1x128xi32, #tpu.memory_space<vmem>>
        %dma_start3A_124 = tpu.memref_squeeze %dma_start3A_123 : memref<1x128xi32, #tpu.memory_space<vmem>> -> memref<128xi32, #tpu.memory_space<vmem>>
        %dma_start3A_125 = arith.constant 0 : i32
        %dma_start3A_126 = arith.constant 0 : i32
        %dma_start3A_127 = tpu.memref_slice %arg2[%dma_start3A_125, %dma_start3A_126] : memref<160000x16xf32, #tpu.memory_space<hbm>> -> memref<160000x16xf32, #tpu.memory_space<hbm>>
        tpu.enqueue_indirect_dma source(%dma_start3A_127 : memref<160000x16xf32, #tpu.memory_space<hbm>>) target(%dma_start3A_121 : memref<128x16xf32, #tpu.memory_space<vmem>>) offsets(%dma_start3A_124 : memref<128xi32, #tpu.memory_space<vmem>>) semaphore(%arg15 : memref<!tpu.dma_semaphore, #tpu.memory_space<semaphore_mem>>)
        %scan3A_128 = arith.constant 0 : i32
        %scan3A_129 = arith.constant 0 : i32
        %scan3A_130 = arith.constant 10 : i32
        %scan3A_131 = arith.addi %scan3A_129, %scan3A_130 : i32
        %scan3A_132 = arith.constant 1 : i32
        scf.for %scan3A_333 = %scan3A_129 to %scan3A_131 step %scan3A_132  : i32 {
          %mul3A_334 = arith.constant 2 : i32
          %mul3A_335 = arith.muli %mul3A_334, %scan3A_333 : i32
          %add3A_336 = arith.constant 1 : i32
          %add3A_337 = arith.addi %mul3A_335, %add3A_336 : i32
          %lt3A_338 = arith.constant 20 : i32
          %lt3A_339 = arith.cmpi slt, %add3A_337, %lt3A_338 : i32
          %convert_element_type3A_340 = arith.extui %lt3A_339 : i1 to i32
          %cond3A_341 = arith.constant 0 : i32
          %cond3A_342 = arith.cmpi ne, %convert_element_type3A_340, %cond3A_341 : i32
          scf.if %cond3A_342 {
            %gt3A = arith.constant 0 : i32
            %gt3A_736 = arith.cmpi sgt, %mul3A_335, %gt3A : i32
            %convert_element_type3A_737 = arith.extui %gt3A_736 : i1 to i32
            %cond3A_738 = arith.constant 0 : i32
            %cond3A_739 = arith.cmpi ne, %convert_element_type3A_737, %cond3A_738 : i32
            scf.if %cond3A_739 {
              %dma_wait3A_849 = arith.constant 0 : i32
              %dma_wait3A_850 = arith.constant 0 : i32
              %dma_wait3A_851 = arith.constant 0 : i32
              %dma_wait3A_852 = arith.constant 0 : i32
              %dma_wait3A_853 = tpu.memref_slice %arg12[%dma_wait3A_849, %dma_wait3A_851, %dma_wait3A_852] : memref<8x128x16xf32, #tpu.memory_space<vmem>> -> memref<1x128x16xf32, #tpu.memory_space<vmem>>
              %dma_wait3A_854 = tpu.memref_squeeze %dma_wait3A_853 : memref<1x128x16xf32, #tpu.memory_space<vmem>> -> memref<128x16xf32, #tpu.memory_space<vmem>>
              %dma_wait3A_855 = arith.constant 0 : i32
              %dma_wait3A_856 = tpu.memref_slice %arg10[%dma_wait3A_850, %dma_wait3A_855] : memref<8x128xi32, #tpu.memory_space<vmem>> -> memref<1x128xi32, #tpu.memory_space<vmem>>
              %dma_wait3A_857 = tpu.memref_squeeze %dma_wait3A_856 : memref<1x128xi32, #tpu.memory_space<vmem>> -> memref<128xi32, #tpu.memory_space<vmem>>
              %dma_wait3A_858 = arith.constant 0 : i32
              %dma_wait3A_859 = arith.constant 0 : i32
              %dma_wait3A_860 = tpu.memref_slice %arg14[%dma_wait3A_858, %dma_wait3A_859] : memref<83200x16xf32, #tpu.memory_space<vmem_shared>> -> memref<83200x16xf32, #tpu.memory_space<vmem_shared>>
              tpu.wait_indirect_dma semaphore(%arg18 : memref<!tpu.dma_semaphore, #tpu.memory_space<semaphore_mem>>) src(%dma_wait3A_854 : memref<128x16xf32, #tpu.memory_space<vmem>>) dst(%dma_wait3A_860 : memref<83200x16xf32, #tpu.memory_space<vmem_shared>>)
              %dma_wait3A_861 = arith.constant 1 : i32
              %dma_wait3A_862 = arith.constant 1 : i32
              %dma_wait3A_863 = arith.constant 0 : i32
              %dma_wait3A_864 = arith.constant 0 : i32
              %dma_wait3A_865 = tpu.memref_slice %arg12[%dma_wait3A_861, %dma_wait3A_863, %dma_wait3A_864] : memref<8x128x16xf32, #tpu.memory_space<vmem>> -> memref<1x128x16xf32, #tpu.memory_space<vmem>>
              %dma_wait3A_866 = tpu.memref_squeeze %dma_wait3A_865 : memref<1x128x16xf32, #tpu.memory_space<vmem>> -> memref<128x16xf32, #tpu.memory_space<vmem>>
              %dma_wait3A_867 = arith.constant 0 : i32
              %dma_wait3A_868 = tpu.memref_slice %arg10[%dma_wait3A_862, %dma_wait3A_867] : memref<8x128xi32, #tpu.memory_space<vmem>> -> memref<1x128xi32, #tpu.memory_space<vmem>>
              %dma_wait3A_869 = tpu.memref_squeeze %dma_wait3A_868 : memref<1x128xi32, #tpu.memory_space<vmem>> -> memref<128xi32, #tpu.memory_space<vmem>>
              %dma_wait3A_870 = arith.constant 0 : i32
              %dma_wait3A_871 = arith.constant 0 : i32
              %dma_wait3A_872 = tpu.memref_slice %arg14[%dma_wait3A_870, %dma_wait3A_871] : memref<83200x16xf32, #tpu.memory_space<vmem_shared>> -> memref<83200x16xf32, #tpu.memory_space<vmem_shared>>
              tpu.wait_indirect_dma semaphore(%arg18 : memref<!tpu.dma_semaphore, #tpu.memory_space<semaphore_mem>>) src(%dma_wait3A_866 : memref<128x16xf32, #tpu.memory_space<vmem>>) dst(%dma_wait3A_872 : memref<83200x16xf32, #tpu.memory_space<vmem_shared>>)
              %dma_wait3A_873 = arith.constant 2 : i32
              %dma_wait3A_874 = arith.constant 2 : i32
              %dma_wait3A_875 = arith.constant 0 : i32
              %dma_wait3A_876 = arith.constant 0 : i32
              %dma_wait3A_877 = tpu.memref_slice %arg12[%dma_wait3A_873, %dma_wait3A_875, %dma_wait3A_876] : memref<8x128x16xf32, #tpu.memory_space<vmem>> -> memref<1x128x16xf32, #tpu.memory_space<vmem>>
              %dma_wait3A_878 = tpu.memref_squeeze %dma_wait3A_877 : memref<1x128x16xf32, #tpu.memory_space<vmem>> -> memref<128x16xf32, #tpu.memory_space<vmem>>
              %dma_wait3A_879 = arith.constant 0 : i32
              %dma_wait3A_880 = tpu.memref_slice %arg10[%dma_wait3A_874, %dma_wait3A_879] : memref<8x128xi32, #tpu.memory_space<vmem>> -> memref<1x128xi32, #tpu.memory_space<vmem>>
              %dma_wait3A_881 = tpu.memref_squeeze %dma_wait3A_880 : memref<1x128xi32, #tpu.memory_space<vmem>> -> memref<128xi32, #tpu.memory_space<vmem>>
              %dma_wait3A_882 = arith.constant 0 : i32
              %dma_wait3A_883 = arith.constant 0 : i32
              %dma_wait3A_884 = tpu.memref_slice %arg14[%dma_wait3A_882, %dma_wait3A_883] : memref<83200x16xf32, #tpu.memory_space<vmem_shared>> -> memref<83200x16xf32, #tpu.memory_space<vmem_shared>>
              tpu.wait_indirect_dma semaphore(%arg18 : memref<!tpu.dma_semaphore, #tpu.memory_space<semaphore_mem>>) src(%dma_wait3A_878 : memref<128x16xf32, #tpu.memory_space<vmem>>) dst(%dma_wait3A_884 : memref<83200x16xf32, #tpu.memory_space<vmem_shared>>)
              %dma_wait3A_885 = arith.constant 3 : i32
              %dma_wait3A_886 = arith.constant 3 : i32
              %dma_wait3A_887 = arith.constant 0 : i32
              %dma_wait3A_888 = arith.constant 0 : i32
              %dma_wait3A_889 = tpu.memref_slice %arg12[%dma_wait3A_885, %dma_wait3A_887, %dma_wait3A_888] : memref<8x128x16xf32, #tpu.memory_space<vmem>> -> memref<1x128x16xf32, #tpu.memory_space<vmem>>
              %dma_wait3A_890 = tpu.memref_squeeze %dma_wait3A_889 : memref<1x128x16xf32, #tpu.memory_space<vmem>> -> memref<128x16xf32, #tpu.memory_space<vmem>>
              %dma_wait3A_891 = arith.constant 0 : i32
              %dma_wait3A_892 = tpu.memref_slice %arg10[%dma_wait3A_886, %dma_wait3A_891] : memref<8x128xi32, #tpu.memory_space<vmem>> -> memref<1x128xi32, #tpu.memory_space<vmem>>
              %dma_wait3A_893 = tpu.memref_squeeze %dma_wait3A_892 : memref<1x128xi32, #tpu.memory_space<vmem>> -> memref<128xi32, #tpu.memory_space<vmem>>
              %dma_wait3A_894 = arith.constant 0 : i32
              %dma_wait3A_895 = arith.constant 0 : i32
              %dma_wait3A_896 = tpu.memref_slice %arg14[%dma_wait3A_894, %dma_wait3A_895] : memref<83200x16xf32, #tpu.memory_space<vmem_shared>> -> memref<83200x16xf32, #tpu.memory_space<vmem_shared>>
              tpu.wait_indirect_dma semaphore(%arg18 : memref<!tpu.dma_semaphore, #tpu.memory_space<semaphore_mem>>) src(%dma_wait3A_890 : memref<128x16xf32, #tpu.memory_space<vmem>>) dst(%dma_wait3A_896 : memref<83200x16xf32, #tpu.memory_space<vmem_shared>>)
              %dma_wait3A_897 = arith.constant 4 : i32
              %dma_wait3A_898 = arith.constant 4 : i32
              %dma_wait3A_899 = arith.constant 0 : i32
              %dma_wait3A_900 = arith.constant 0 : i32
              %dma_wait3A_901 = tpu.memref_slice %arg12[%dma_wait3A_897, %dma_wait3A_899, %dma_wait3A_900] : memref<8x128x16xf32, #tpu.memory_space<vmem>> -> memref<1x128x16xf32, #tpu.memory_space<vmem>>
              %dma_wait3A_902 = tpu.memref_squeeze %dma_wait3A_901 : memref<1x128x16xf32, #tpu.memory_space<vmem>> -> memref<128x16xf32, #tpu.memory_space<vmem>>
              %dma_wait3A_903 = arith.constant 0 : i32
              %dma_wait3A_904 = tpu.memref_slice %arg10[%dma_wait3A_898, %dma_wait3A_903] : memref<8x128xi32, #tpu.memory_space<vmem>> -> memref<1x128xi32, #tpu.memory_space<vmem>>
              %dma_wait3A_905 = tpu.memref_squeeze %dma_wait3A_904 : memref<1x128xi32, #tpu.memory_space<vmem>> -> memref<128xi32, #tpu.memory_space<vmem>>
              %dma_wait3A_906 = arith.constant 0 : i32
              %dma_wait3A_907 = arith.constant 0 : i32
              %dma_wait3A_908 = tpu.memref_slice %arg14[%dma_wait3A_906, %dma_wait3A_907] : memref<83200x16xf32, #tpu.memory_space<vmem_shared>> -> memref<83200x16xf32, #tpu.memory_space<vmem_shared>>
              tpu.wait_indirect_dma semaphore(%arg18 : memref<!tpu.dma_semaphore, #tpu.memory_space<semaphore_mem>>) src(%dma_wait3A_902 : memref<128x16xf32, #tpu.memory_space<vmem>>) dst(%dma_wait3A_908 : memref<83200x16xf32, #tpu.memory_space<vmem_shared>>)
              %dma_wait3A_909 = arith.constant 5 : i32
              %dma_wait3A_910 = arith.constant 5 : i32
              %dma_wait3A_911 = arith.constant 0 : i32
              %dma_wait3A_912 = arith.constant 0 : i32
              %dma_wait3A_913 = tpu.memref_slice %arg12[%dma_wait3A_909, %dma_wait3A_911, %dma_wait3A_912] : memref<8x128x16xf32, #tpu.memory_space<vmem>> -> memref<1x128x16xf32, #tpu.memory_space<vmem>>
              %dma_wait3A_914 = tpu.memref_squeeze %dma_wait3A_913 : memref<1x128x16xf32, #tpu.memory_space<vmem>> -> memref<128x16xf32, #tpu.memory_space<vmem>>
              %dma_wait3A_915 = arith.constant 0 : i32
              %dma_wait3A_916 = tpu.memref_slice %arg10[%dma_wait3A_910, %dma_wait3A_915] : memref<8x128xi32, #tpu.memory_space<vmem>> -> memref<1x128xi32, #tpu.memory_space<vmem>>
              %dma_wait3A_917 = tpu.memref_squeeze %dma_wait3A_916 : memref<1x128xi32, #tpu.memory_space<vmem>> -> memref<128xi32, #tpu.memory_space<vmem>>
              %dma_wait3A_918 = arith.constant 0 : i32
              %dma_wait3A_919 = arith.constant 0 : i32
              %dma_wait3A_920 = tpu.memref_slice %arg14[%dma_wait3A_918, %dma_wait3A_919] : memref<83200x16xf32, #tpu.memory_space<vmem_shared>> -> memref<83200x16xf32, #tpu.memory_space<vmem_shared>>
              tpu.wait_indirect_dma semaphore(%arg18 : memref<!tpu.dma_semaphore, #tpu.memory_space<semaphore_mem>>) src(%dma_wait3A_914 : memref<128x16xf32, #tpu.memory_space<vmem>>) dst(%dma_wait3A_920 : memref<83200x16xf32, #tpu.memory_space<vmem_shared>>)
              %dma_wait3A_921 = arith.constant 6 : i32
              %dma_wait3A_922 = arith.constant 6 : i32
              %dma_wait3A_923 = arith.constant 0 : i32
              %dma_wait3A_924 = arith.constant 0 : i32
              %dma_wait3A_925 = tpu.memref_slice %arg12[%dma_wait3A_921, %dma_wait3A_923, %dma_wait3A_924] : memref<8x128x16xf32, #tpu.memory_space<vmem>> -> memref<1x128x16xf32, #tpu.memory_space<vmem>>
              %dma_wait3A_926 = tpu.memref_squeeze %dma_wait3A_925 : memref<1x128x16xf32, #tpu.memory_space<vmem>> -> memref<128x16xf32, #tpu.memory_space<vmem>>
              %dma_wait3A_927 = arith.constant 0 : i32
              %dma_wait3A_928 = tpu.memref_slice %arg10[%dma_wait3A_922, %dma_wait3A_927] : memref<8x128xi32, #tpu.memory_space<vmem>> -> memref<1x128xi32, #tpu.memory_space<vmem>>
              %dma_wait3A_929 = tpu.memref_squeeze %dma_wait3A_928 : memref<1x128xi32, #tpu.memory_space<vmem>> -> memref<128xi32, #tpu.memory_space<vmem>>
              %dma_wait3A_930 = arith.constant 0 : i32
              %dma_wait3A_931 = arith.constant 0 : i32
              %dma_wait3A_932 = tpu.memref_slice %arg14[%dma_wait3A_930, %dma_wait3A_931] : memref<83200x16xf32, #tpu.memory_space<vmem_shared>> -> memref<83200x16xf32, #tpu.memory_space<vmem_shared>>
              tpu.wait_indirect_dma semaphore(%arg18 : memref<!tpu.dma_semaphore, #tpu.memory_space<semaphore_mem>>) src(%dma_wait3A_926 : memref<128x16xf32, #tpu.memory_space<vmem>>) dst(%dma_wait3A_932 : memref<83200x16xf32, #tpu.memory_space<vmem_shared>>)
              %dma_wait3A_933 = arith.constant 7 : i32
              %dma_wait3A_934 = arith.constant 7 : i32
              %dma_wait3A_935 = arith.constant 0 : i32
              %dma_wait3A_936 = arith.constant 0 : i32
              %dma_wait3A_937 = tpu.memref_slice %arg12[%dma_wait3A_933, %dma_wait3A_935, %dma_wait3A_936] : memref<8x128x16xf32, #tpu.memory_space<vmem>> -> memref<1x128x16xf32, #tpu.memory_space<vmem>>
              %dma_wait3A_938 = tpu.memref_squeeze %dma_wait3A_937 : memref<1x128x16xf32, #tpu.memory_space<vmem>> -> memref<128x16xf32, #tpu.memory_space<vmem>>
              %dma_wait3A_939 = arith.constant 0 : i32
              %dma_wait3A_940 = tpu.memref_slice %arg10[%dma_wait3A_934, %dma_wait3A_939] : memref<8x128xi32, #tpu.memory_space<vmem>> -> memref<1x128xi32, #tpu.memory_space<vmem>>
              %dma_wait3A_941 = tpu.memref_squeeze %dma_wait3A_940 : memref<1x128xi32, #tpu.memory_space<vmem>> -> memref<128xi32, #tpu.memory_space<vmem>>
              %dma_wait3A_942 = arith.constant 0 : i32
              %dma_wait3A_943 = arith.constant 0 : i32
              %dma_wait3A_944 = tpu.memref_slice %arg14[%dma_wait3A_942, %dma_wait3A_943] : memref<83200x16xf32, #tpu.memory_space<vmem_shared>> -> memref<83200x16xf32, #tpu.memory_space<vmem_shared>>
              tpu.wait_indirect_dma semaphore(%arg18 : memref<!tpu.dma_semaphore, #tpu.memory_space<semaphore_mem>>) src(%dma_wait3A_938 : memref<128x16xf32, #tpu.memory_space<vmem>>) dst(%dma_wait3A_944 : memref<83200x16xf32, #tpu.memory_space<vmem_shared>>)
            } else {
            }
            %add3A_740 = arith.constant 1 : i32
            %add3A_741 = arith.addi %mul3A_335, %add3A_740 : i32
            %mul3A_742 = arith.constant 20 : i32
            %mul3A_743 = arith.muli %arg1, %mul3A_742 : i32
            %add3A_744 = arith.addi %mul3A_743, %add3A_741 : i32
            %mul3A_745 = arith.constant 8 : i32
            %mul3A_746 = arith.muli %add3A_744, %mul3A_745 : i32
            "tpu.region"() ({
              %run_scoped3A = tpu.sem_alloc : memref<!tpu.dma_semaphore, #tpu.memory_space<semaphore_mem>>
              %dma_start3A_849 = arith.constant 0 : i32
              %dma_start3A_850 = tpu.memref_slice %arg3[%mul3A_746, %dma_start3A_849] : memref<2560x256xi32, #tpu.memory_space<hbm>> -> memref<8x256xi32, #tpu.memory_space<hbm>>
              %dma_start3A_851 = arith.constant 0 : i32
              %dma_start3A_852 = tpu.memref_slice %arg3[%mul3A_746, %dma_start3A_851] : memref<2560x256xi32, #tpu.memory_space<hbm>> -> memref<8x256xi32, #tpu.memory_space<hbm>>
              tpu.enqueue_dma source(%dma_start3A_852 : memref<8x256xi32, #tpu.memory_space<hbm>>) target(%arg6 : memref<8x256xi32, #tpu.memory_space<vmem>>) target_semaphore(%run_scoped3A : memref<!tpu.dma_semaphore, #tpu.memory_space<semaphore_mem>>)
              %dma_wait3A_853 = arith.constant 0 : i32
              %dma_wait3A_854 = tpu.memref_slice %arg3[%mul3A_746, %dma_wait3A_853] : memref<2560x256xi32, #tpu.memory_space<hbm>> -> memref<8x256xi32, #tpu.memory_space<hbm>>
              %dma_wait3A_855 = arith.constant 0 : i32
              %dma_wait3A_856 = tpu.memref_slice %arg3[%mul3A_746, %dma_wait3A_855] : memref<2560x256xi32, #tpu.memory_space<hbm>> -> memref<8x256xi32, #tpu.memory_space<hbm>>
              tpu.wait_dma2 semaphore(%run_scoped3A : memref<!tpu.dma_semaphore, #tpu.memory_space<semaphore_mem>>) src(%dma_wait3A_856 : memref<8x256xi32, #tpu.memory_space<hbm>>) dst(%arg6 : memref<8x256xi32, #tpu.memory_space<vmem>>)
              tpu.yield
            }) : () -> ()
            %scan3A_747 = arith.constant 0 : i32
            %scan3A_748 = arith.constant 0 : i32
            %scan3A_749 = arith.constant 64 : i32
            %scan3A_750 = arith.addi %scan3A_748, %scan3A_749 : i32
            %scan3A_751 = arith.constant 1 : i32
            scf.for %scan3A_849 = %scan3A_748 to %scan3A_750 step %scan3A_751  : i32 {
              %jit3A = arith.constant 8 : i32
              %div3A = arith.divsi %scan3A_849, %jit3A : i32
              %sign3A = arith.constant 0 : i32
              %sign3A_850 = arith.cmpi sgt, %scan3A_849, %sign3A : i32
              %sign3A_851 = arith.extui %sign3A_850 : i1 to i32
              %sign3A_852 = arith.constant 0 : i32
              %sign3A_853 = arith.cmpi slt, %scan3A_849, %sign3A_852 : i32
              %sign3A_854 = arith.extui %sign3A_853 : i1 to i32
              %sign3A_855 = arith.subi %sign3A_851, %sign3A_854 : i32
              %sign3A_856 = arith.constant 0 : i32
              %sign3A_857 = arith.cmpi sgt, %jit3A, %sign3A_856 : i32
              %sign3A_858 = arith.extui %sign3A_857 : i1 to i32
              %sign3A_859 = arith.constant 0 : i32
              %sign3A_860 = arith.cmpi slt, %jit3A, %sign3A_859 : i32
              %sign3A_861 = arith.extui %sign3A_860 : i1 to i32
              %sign3A_862 = arith.subi %sign3A_858, %sign3A_861 : i32
              %ne3A = arith.cmpi ne, %sign3A_855, %sign3A_862 : i32
              %rem3A = arith.remsi %scan3A_849, %jit3A : i32
              %ne3A_863 = arith.constant 0 : i32
              %ne3A_864 = arith.cmpi ne, %rem3A, %ne3A_863 : i32
              %and3A = arith.andi %ne3A, %ne3A_864 : i1
              %sub3A = arith.constant 1 : i32
              %sub3A_865 = arith.subi %div3A, %sub3A : i32
              %select_n3A = arith.select %and3A, %sub3A_865, %div3A : i32
              %jit3A_866 = arith.constant 8 : i32
              %eq3A = arith.constant 0 : i32
              %eq3A_867 = arith.cmpi eq, %jit3A_866, %eq3A : i32
              %jit3A_868 = arith.constant 1 : i32
              %select_n3A_869 = arith.select %eq3A_867, %jit3A_868, %jit3A_866 : i32
              %rem3A_870 = arith.remsi %scan3A_849, %select_n3A_869 : i32
              %ne3A_871 = arith.constant 0 : i32
              %ne3A_872 = arith.cmpi ne, %rem3A_870, %ne3A_871 : i32
              %lt3A_873 = arith.constant 0 : i32
              %lt3A_874 = arith.cmpi slt, %rem3A_870, %lt3A_873 : i32
              %lt3A_875 = arith.constant 0 : i32
              %lt3A_876 = arith.cmpi slt, %select_n3A_869, %lt3A_875 : i32
              %ne3A_877 = arith.xori %lt3A_874, %lt3A_876 : i1
              %and3A_878 = arith.andi %ne3A_877, %ne3A_872 : i1
              %add3A_879 = arith.addi %rem3A_870, %select_n3A_869 : i32
              %select_n3A_880 = arith.select %and3A_878, %add3A_879, %rem3A_870 : i32
              %mul3A_881 = arith.constant 16 : i32
              %mul3A_882 = arith.muli %select_n3A_880, %mul3A_881 : i32
              %jit3A_883 = arith.constant 8 : i32
              %eq3A_884 = arith.constant 0 : i32
              %eq3A_885 = arith.cmpi eq, %jit3A_883, %eq3A_884 : i32
              %jit3A_886 = arith.constant 1 : i32
              %select_n3A_887 = arith.select %eq3A_885, %jit3A_886, %jit3A_883 : i32
              %rem3A_888 = arith.remsi %scan3A_849, %select_n3A_887 : i32
              %ne3A_889 = arith.constant 0 : i32
              %ne3A_890 = arith.cmpi ne, %rem3A_888, %ne3A_889 : i32
              %lt3A_891 = arith.constant 0 : i32
              %lt3A_892 = arith.cmpi slt, %rem3A_888, %lt3A_891 : i32
              %lt3A_893 = arith.constant 0 : i32
              %lt3A_894 = arith.cmpi slt, %select_n3A_887, %lt3A_893 : i32
              %ne3A_895 = arith.xori %lt3A_892, %lt3A_894 : i1
              %and3A_896 = arith.andi %ne3A_895, %ne3A_890 : i1
              %add3A_897 = arith.addi %rem3A_888, %select_n3A_887 : i32
              %select_n3A_898 = arith.select %and3A_896, %add3A_897, %rem3A_888 : i32
              %mul3A_899 = arith.constant 16 : i32
              %mul3A_900 = arith.muli %select_n3A_898, %mul3A_899 : i32
              %add3A_901 = arith.constant 128 : i32
              %add3A_902 = arith.addi %add3A_901, %mul3A_900 : i32
              %get3A = arith.index_cast %select_n3A : i32 to index
              %get3A_903 = arith.index_cast %add3A_902 : i32 to index
              %get3A_904 = tpu.vector_load %arg6[%get3A, %get3A_903] {strides = array<i32>} : memref<8x256xi32, #tpu.memory_space<vmem>>, vector<1x16xi32>,
              %get3A_905 = vector.shape_cast %get3A_904 : vector<1x16xi32> to vector<16xi32>
              %swap3A = arith.index_cast %select_n3A : i32 to index
              %swap3A_906 = arith.index_cast %mul3A_882 : i32 to index
              %swap3A_907 = tpu.vector_load %arg10[%swap3A, %swap3A_906] {strides = array<i32>} : memref<8x128xi32, #tpu.memory_space<vmem>>, vector<1x16xi32>,
              %swap3A_908 = vector.shape_cast %swap3A_907 : vector<1x16xi32> to vector<16xi32>
              %swap3A_909 = vector.shape_cast %get3A_905 : vector<16xi32> to vector<1x16xi32>
              tpu.vector_store %arg10[%swap3A, %swap3A_906], %swap3A_909 {strides = array<i32>} : memref<8x128xi32, #tpu.memory_space<vmem>>, vector<1x16xi32>,
              %jit3A_910 = arith.constant 8 : i32
              %eq3A_911 = arith.constant 0 : i32
              %eq3A_912 = arith.cmpi eq, %jit3A_910, %eq3A_911 : i32
              %jit3A_913 = arith.constant 1 : i32
              %select_n3A_914 = arith.select %eq3A_912, %jit3A_913, %jit3A_910 : i32
              %rem3A_915 = arith.remsi %scan3A_849, %select_n3A_914 : i32
              %ne3A_916 = arith.constant 0 : i32
              %ne3A_917 = arith.cmpi ne, %rem3A_915, %ne3A_916 : i32
              %lt3A_918 = arith.constant 0 : i32
              %lt3A_919 = arith.cmpi slt, %rem3A_915, %lt3A_918 : i32
              %lt3A_920 = arith.constant 0 : i32
              %lt3A_921 = arith.cmpi slt, %select_n3A_914, %lt3A_920 : i32
              %ne3A_922 = arith.xori %lt3A_919, %lt3A_921 : i1
              %and3A_923 = arith.andi %ne3A_922, %ne3A_917 : i1
              %add3A_924 = arith.addi %rem3A_915, %select_n3A_914 : i32
              %select_n3A_925 = arith.select %and3A_923, %add3A_924, %rem3A_915 : i32
              %mul3A_926 = arith.constant 16 : i32
              %mul3A_927 = arith.muli %select_n3A_925, %mul3A_926 : i32
              %get3A_928 = arith.index_cast %select_n3A : i32 to index
              %get3A_929 = arith.index_cast %mul3A_927 : i32 to index
              %get3A_930 = tpu.vector_load %arg6[%get3A_928, %get3A_929] {strides = array<i32>} : memref<8x256xi32, #tpu.memory_space<vmem>>, vector<1x16xi32>,
              %get3A_931 = vector.shape_cast %get3A_930 : vector<1x16xi32> to vector<16xi32>
              %mul3A_932 = arith.constant 10000 : i32
              %mul3A_933 = arith.muli %add3A, %mul3A_932 : i32
              %add3A_934 = vector.broadcast %mul3A_933 : i32 to vector<16xi32>
              %add3A_935 = arith.addi %get3A_931, %add3A_934 : vector<16xi32>
              %swap3A_936 = arith.index_cast %select_n3A : i32 to index
              %swap3A_937 = arith.index_cast %mul3A_882 : i32 to index
              %swap3A_938 = tpu.vector_load %arg8[%swap3A_936, %swap3A_937] {strides = array<i32>} : memref<8x128xi32, #tpu.memory_space<vmem>>, vector<1x16xi32>,
              %swap3A_939 = vector.shape_cast %swap3A_938 : vector<1x16xi32> to vector<16xi32>
              %swap3A_940 = vector.shape_cast %add3A_935 : vector<16xi32> to vector<1x16xi32>
              tpu.vector_store %arg8[%swap3A_936, %swap3A_937], %swap3A_940 {strides = array<i32>} : memref<8x128xi32, #tpu.memory_space<vmem>>, vector<1x16xi32>,
            }
            %scan3A_752 = arith.constant 64 : i32
            %dma_start3A_753 = arith.constant 0 : i32
            %dma_start3A_754 = arith.constant 0 : i32
            %dma_start3A_755 = arith.constant 0 : i32
            %dma_start3A_756 = arith.constant 0 : i32
            %dma_start3A_757 = tpu.memref_slice %arg12[%dma_start3A_754, %dma_start3A_755, %dma_start3A_756] : memref<8x128x16xf32, #tpu.memory_space<vmem>> -> memref<1x128x16xf32, #tpu.memory_space<vmem>>
            %dma_start3A_758 = tpu.memref_squeeze %dma_start3A_757 : memref<1x128x16xf32, #tpu.memory_space<vmem>> -> memref<128x16xf32, #tpu.memory_space<vmem>>
            %dma_start3A_759 = arith.constant 0 : i32
            %dma_start3A_760 = tpu.memref_slice %arg8[%dma_start3A_753, %dma_start3A_759] : memref<8x128xi32, #tpu.memory_space<vmem>> -> memref<1x128xi32, #tpu.memory_space<vmem>>
            %dma_start3A_761 = tpu.memref_squeeze %dma_start3A_760 : memref<1x128xi32, #tpu.memory_space<vmem>> -> memref<128xi32, #tpu.memory_space<vmem>>
            %dma_start3A_762 = arith.constant 0 : i32
            %dma_start3A_763 = arith.constant 0 : i32
            %dma_start3A_764 = tpu.memref_slice %arg2[%dma_start3A_762, %dma_start3A_763] : memref<160000x16xf32, #tpu.memory_space<hbm>> -> memref<160000x16xf32, #tpu.memory_space<hbm>>
            tpu.enqueue_indirect_dma source(%dma_start3A_764 : memref<160000x16xf32, #tpu.memory_space<hbm>>) target(%dma_start3A_758 : memref<128x16xf32, #tpu.memory_space<vmem>>) offsets(%dma_start3A_761 : memref<128xi32, #tpu.memory_space<vmem>>) semaphore(%arg16 : memref<!tpu.dma_semaphore, #tpu.memory_space<semaphore_mem>>)
            %dma_start3A_765 = arith.constant 1 : i32
            %dma_start3A_766 = arith.constant 1 : i32
            %dma_start3A_767 = arith.constant 0 : i32
            %dma_start3A_768 = arith.constant 0 : i32
            %dma_start3A_769 = tpu.memref_slice %arg12[%dma_start3A_766, %dma_start3A_767, %dma_start3A_768] : memref<8x128x16xf32, #tpu.memory_space<vmem>> -> memref<1x128x16xf32, #tpu.memory_space<vmem>>
            %dma_start3A_770 = tpu.memref_squeeze %dma_start3A_769 : memref<1x128x16xf32, #tpu.memory_space<vmem>> -> memref<128x16xf32, #tpu.memory_space<vmem>>
            %dma_start3A_771 = arith.constant 0 : i32
            %dma_start3A_772 = tpu.memref_slice %arg8[%dma_start3A_765, %dma_start3A_771] : memref<8x128xi32, #tpu.memory_space<vmem>> -> memref<1x128xi32, #tpu.memory_space<vmem>>
            %dma_start3A_773 = tpu.memref_squeeze %dma_start3A_772 : memref<1x128xi32, #tpu.memory_space<vmem>> -> memref<128xi32, #tpu.memory_space<vmem>>
            %dma_start3A_774 = arith.constant 0 : i32
            %dma_start3A_775 = arith.constant 0 : i32
            %dma_start3A_776 = tpu.memref_slice %arg2[%dma_start3A_774, %dma_start3A_775] : memref<160000x16xf32, #tpu.memory_space<hbm>> -> memref<160000x16xf32, #tpu.memory_space<hbm>>
            tpu.enqueue_indirect_dma source(%dma_start3A_776 : memref<160000x16xf32, #tpu.memory_space<hbm>>) target(%dma_start3A_770 : memref<128x16xf32, #tpu.memory_space<vmem>>) offsets(%dma_start3A_773 : memref<128xi32, #tpu.memory_space<vmem>>) semaphore(%arg16 : memref<!tpu.dma_semaphore, #tpu.memory_space<semaphore_mem>>)
            %dma_start3A_777 = arith.constant 2 : i32
            %dma_start3A_778 = arith.constant 2 : i32
            %dma_start3A_779 = arith.constant 0 : i32
            %dma_start3A_780 = arith.constant 0 : i32
            %dma_start3A_781 = tpu.memref_slice %arg12[%dma_start3A_778, %dma_start3A_779, %dma_start3A_780] : memref<8x128x16xf32, #tpu.memory_space<vmem>> -> memref<1x128x16xf32, #tpu.memory_space<vmem>>
            %dma_start3A_782 = tpu.memref_squeeze %dma_start3A_781 : memref<1x128x16xf32, #tpu.memory_space<vmem>> -> memref<128x16xf32, #tpu.memory_space<vmem>>
            %dma_start3A_783 = arith.constant 0 : i32
            %dma_start3A_784 = tpu.memref_slice %arg8[%dma_start3A_777, %dma_start3A_783] : memref<8x128xi32, #tpu.memory_space<vmem>> -> memref<1x128xi32, #tpu.memory_space<vmem>>
            %dma_start3A_785 = tpu.memref_squeeze %dma_start3A_784 : memref<1x128xi32, #tpu.memory_space<vmem>> -> memref<128xi32, #tpu.memory_space<vmem>>
            %dma_start3A_786 = arith.constant 0 : i32
            %dma_start3A_787 = arith.constant 0 : i32
            %dma_start3A_788 = tpu.memref_slice %arg2[%dma_start3A_786, %dma_start3A_787] : memref<160000x16xf32, #tpu.memory_space<hbm>> -> memref<160000x16xf32, #tpu.memory_space<hbm>>
            tpu.enqueue_indirect_dma source(%dma_start3A_788 : memref<160000x16xf32, #tpu.memory_space<hbm>>) target(%dma_start3A_782 : memref<128x16xf32, #tpu.memory_space<vmem>>) offsets(%dma_start3A_785 : memref<128xi32, #tpu.memory_space<vmem>>) semaphore(%arg16 : memref<!tpu.dma_semaphore, #tpu.memory_space<semaphore_mem>>)
            %dma_start3A_789 = arith.constant 3 : i32
            %dma_start3A_790 = arith.constant 3 : i32
            %dma_start3A_791 = arith.constant 0 : i32
            %dma_start3A_792 = arith.constant 0 : i32
            %dma_start3A_793 = tpu.memref_slice %arg12[%dma_start3A_790, %dma_start3A_791, %dma_start3A_792] : memref<8x128x16xf32, #tpu.memory_space<vmem>> -> memref<1x128x16xf32, #tpu.memory_space<vmem>>
            %dma_start3A_794 = tpu.memref_squeeze %dma_start3A_793 : memref<1x128x16xf32, #tpu.memory_space<vmem>> -> memref<128x16xf32, #tpu.memory_space<vmem>>
            %dma_start3A_795 = arith.constant 0 : i32
            %dma_start3A_796 = tpu.memref_slice %arg8[%dma_start3A_789, %dma_start3A_795] : memref<8x128xi32, #tpu.memory_space<vmem>> -> memref<1x128xi32, #tpu.memory_space<vmem>>
            %dma_start3A_797 = tpu.memref_squeeze %dma_start3A_796 : memref<1x128xi32, #tpu.memory_space<vmem>> -> memref<128xi32, #tpu.memory_space<vmem>>
            %dma_start3A_798 = arith.constant 0 : i32
            %dma_start3A_799 = arith.constant 0 : i32
            %dma_start3A_800 = tpu.memref_slice %arg2[%dma_start3A_798, %dma_start3A_799] : memref<160000x16xf32, #tpu.memory_space<hbm>> -> memref<160000x16xf32, #tpu.memory_space<hbm>>
            tpu.enqueue_indirect_dma source(%dma_start3A_800 : memref<160000x16xf32, #tpu.memory_space<hbm>>) target(%dma_start3A_794 : memref<128x16xf32, #tpu.memory_space<vmem>>) offsets(%dma_start3A_797 : memref<128xi32, #tpu.memory_space<vmem>>) semaphore(%arg16 : memref<!tpu.dma_semaphore, #tpu.memory_space<semaphore_mem>>)
            %dma_start3A_801 = arith.constant 4 : i32
            %dma_start3A_802 = arith.constant 4 : i32
            %dma_start3A_803 = arith.constant 0 : i32
            %dma_start3A_804 = arith.constant 0 : i32
            %dma_start3A_805 = tpu.memref_slice %arg12[%dma_start3A_802, %dma_start3A_803, %dma_start3A_804] : memref<8x128x16xf32, #tpu.memory_space<vmem>> -> memref<1x128x16xf32, #tpu.memory_space<vmem>>
            %dma_start3A_806 = tpu.memref_squeeze %dma_start3A_805 : memref<1x128x16xf32, #tpu.memory_space<vmem>> -> memref<128x16xf32, #tpu.memory_space<vmem>>
            %dma_start3A_807 = arith.constant 0 : i32
            %dma_start3A_808 = tpu.memref_slice %arg8[%dma_start3A_801, %dma_start3A_807] : memref<8x128xi32, #tpu.memory_space<vmem>> -> memref<1x128xi32, #tpu.memory_space<vmem>>
            %dma_start3A_809 = tpu.memref_squeeze %dma_start3A_808 : memref<1x128xi32, #tpu.memory_space<vmem>> -> memref<128xi32, #tpu.memory_space<vmem>>
            %dma_start3A_810 = arith.constant 0 : i32
            %dma_start3A_811 = arith.constant 0 : i32
            %dma_start3A_812 = tpu.memref_slice %arg2[%dma_start3A_810, %dma_start3A_811] : memref<160000x16xf32, #tpu.memory_space<hbm>> -> memref<160000x16xf32, #tpu.memory_space<hbm>>
            tpu.enqueue_indirect_dma source(%dma_start3A_812 : memref<160000x16xf32, #tpu.memory_space<hbm>>) target(%dma_start3A_806 : memref<128x16xf32, #tpu.memory_space<vmem>>) offsets(%dma_start3A_809 : memref<128xi32, #tpu.memory_space<vmem>>) semaphore(%arg16 : memref<!tpu.dma_semaphore, #tpu.memory_space<semaphore_mem>>)
            %dma_start3A_813 = arith.constant 5 : i32
            %dma_start3A_814 = arith.constant 5 : i32
            %dma_start3A_815 = arith.constant 0 : i32
            %dma_start3A_816 = arith.constant 0 : i32
            %dma_start3A_817 = tpu.memref_slice %arg12[%dma_start3A_814, %dma_start3A_815, %dma_start3A_816] : memref<8x128x16xf32, #tpu.memory_space<vmem>> -> memref<1x128x16xf32, #tpu.memory_space<vmem>>
            %dma_start3A_818 = tpu.memref_squeeze %dma_start3A_817 : memref<1x128x16xf32, #tpu.memory_space<vmem>> -> memref<128x16xf32, #tpu.memory_space<vmem>>
            %dma_start3A_819 = arith.constant 0 : i32
            %dma_start3A_820 = tpu.memref_slice %arg8[%dma_start3A_813, %dma_start3A_819] : memref<8x128xi32, #tpu.memory_space<vmem>> -> memref<1x128xi32, #tpu.memory_space<vmem>>
            %dma_start3A_821 = tpu.memref_squeeze %dma_start3A_820 : memref<1x128xi32, #tpu.memory_space<vmem>> -> memref<128xi32, #tpu.memory_space<vmem>>
            %dma_start3A_822 = arith.constant 0 : i32
            %dma_start3A_823 = arith.constant 0 : i32
            %dma_start3A_824 = tpu.memref_slice %arg2[%dma_start3A_822, %dma_start3A_823] : memref<160000x16xf32, #tpu.memory_space<hbm>> -> memref<160000x16xf32, #tpu.memory_space<hbm>>
            tpu.enqueue_indirect_dma source(%dma_start3A_824 : memref<160000x16xf32, #tpu.memory_space<hbm>>) target(%dma_start3A_818 : memref<128x16xf32, #tpu.memory_space<vmem>>) offsets(%dma_start3A_821 : memref<128xi32, #tpu.memory_space<vmem>>) semaphore(%arg16 : memref<!tpu.dma_semaphore, #tpu.memory_space<semaphore_mem>>)
            %dma_start3A_825 = arith.constant 6 : i32
            %dma_start3A_826 = arith.constant 6 : i32
            %dma_start3A_827 = arith.constant 0 : i32
            %dma_start3A_828 = arith.constant 0 : i32
            %dma_start3A_829 = tpu.memref_slice %arg12[%dma_start3A_826, %dma_start3A_827, %dma_start3A_828] : memref<8x128x16xf32, #tpu.memory_space<vmem>> -> memref<1x128x16xf32, #tpu.memory_space<vmem>>
            %dma_start3A_830 = tpu.memref_squeeze %dma_start3A_829 : memref<1x128x16xf32, #tpu.memory_space<vmem>> -> memref<128x16xf32, #tpu.memory_space<vmem>>
            %dma_start3A_831 = arith.constant 0 : i32
            %dma_start3A_832 = tpu.memref_slice %arg8[%dma_start3A_825, %dma_start3A_831] : memref<8x128xi32, #tpu.memory_space<vmem>> -> memref<1x128xi32, #tpu.memory_space<vmem>>
            %dma_start3A_833 = tpu.memref_squeeze %dma_start3A_832 : memref<1x128xi32, #tpu.memory_space<vmem>> -> memref<128xi32, #tpu.memory_space<vmem>>
            %dma_start3A_834 = arith.constant 0 : i32
            %dma_start3A_835 = arith.constant 0 : i32
            %dma_start3A_836 = tpu.memref_slice %arg2[%dma_start3A_834, %dma_start3A_835] : memref<160000x16xf32, #tpu.memory_space<hbm>> -> memref<160000x16xf32, #tpu.memory_space<hbm>>
            tpu.enqueue_indirect_dma source(%dma_start3A_836 : memref<160000x16xf32, #tpu.memory_space<hbm>>) target(%dma_start3A_830 : memref<128x16xf32, #tpu.memory_space<vmem>>) offsets(%dma_start3A_833 : memref<128xi32, #tpu.memory_space<vmem>>) semaphore(%arg16 : memref<!tpu.dma_semaphore, #tpu.memory_space<semaphore_mem>>)
            %dma_start3A_837 = arith.constant 7 : i32
            %dma_start3A_838 = arith.constant 7 : i32
            %dma_start3A_839 = arith.constant 0 : i32
            %dma_start3A_840 = arith.constant 0 : i32
            %dma_start3A_841 = tpu.memref_slice %arg12[%dma_start3A_838, %dma_start3A_839, %dma_start3A_840] : memref<8x128x16xf32, #tpu.memory_space<vmem>> -> memref<1x128x16xf32, #tpu.memory_space<vmem>>
            %dma_start3A_842 = tpu.memref_squeeze %dma_start3A_841 : memref<1x128x16xf32, #tpu.memory_space<vmem>> -> memref<128x16xf32, #tpu.memory_space<vmem>>
            %dma_start3A_843 = arith.constant 0 : i32
            %dma_start3A_844 = tpu.memref_slice %arg8[%dma_start3A_837, %dma_start3A_843] : memref<8x128xi32, #tpu.memory_space<vmem>> -> memref<1x128xi32, #tpu.memory_space<vmem>>
            %dma_start3A_845 = tpu.memref_squeeze %dma_start3A_844 : memref<1x128xi32, #tpu.memory_space<vmem>> -> memref<128xi32, #tpu.memory_space<vmem>>
            %dma_start3A_846 = arith.constant 0 : i32
            %dma_start3A_847 = arith.constant 0 : i32
            %dma_start3A_848 = tpu.memref_slice %arg2[%dma_start3A_846, %dma_start3A_847] : memref<160000x16xf32, #tpu.memory_space<hbm>> -> memref<160000x16xf32, #tpu.memory_space<hbm>>
            tpu.enqueue_indirect_dma source(%dma_start3A_848 : memref<160000x16xf32, #tpu.memory_space<hbm>>) target(%dma_start3A_842 : memref<128x16xf32, #tpu.memory_space<vmem>>) offsets(%dma_start3A_845 : memref<128xi32, #tpu.memory_space<vmem>>) semaphore(%arg16 : memref<!tpu.dma_semaphore, #tpu.memory_space<semaphore_mem>>)
          } else {
          }
          %dma_wait3A_343 = arith.constant 0 : i32
          %dma_wait3A_344 = arith.constant 0 : i32
          %dma_wait3A_345 = arith.constant 0 : i32
          %dma_wait3A_346 = arith.constant 0 : i32
          %dma_wait3A_347 = tpu.memref_slice %arg11[%dma_wait3A_344, %dma_wait3A_345, %dma_wait3A_346] : memref<8x128x16xf32, #tpu.memory_space<vmem>> -> memref<1x128x16xf32, #tpu.memory_space<vmem>>
          %dma_wait3A_348 = tpu.memref_squeeze %dma_wait3A_347 : memref<1x128x16xf32, #tpu.memory_space<vmem>> -> memref<128x16xf32, #tpu.memory_space<vmem>>
          %dma_wait3A_349 = arith.constant 0 : i32
          %dma_wait3A_350 = tpu.memref_slice %arg7[%dma_wait3A_343, %dma_wait3A_349] : memref<8x128xi32, #tpu.memory_space<vmem>> -> memref<1x128xi32, #tpu.memory_space<vmem>>
          %dma_wait3A_351 = tpu.memref_squeeze %dma_wait3A_350 : memref<1x128xi32, #tpu.memory_space<vmem>> -> memref<128xi32, #tpu.memory_space<vmem>>
          %dma_wait3A_352 = arith.constant 0 : i32
          %dma_wait3A_353 = arith.constant 0 : i32
          %dma_wait3A_354 = tpu.memref_slice %arg2[%dma_wait3A_352, %dma_wait3A_353] : memref<160000x16xf32, #tpu.memory_space<hbm>> -> memref<160000x16xf32, #tpu.memory_space<hbm>>
          tpu.wait_indirect_dma semaphore(%arg15 : memref<!tpu.dma_semaphore, #tpu.memory_space<semaphore_mem>>) src(%dma_wait3A_354 : memref<160000x16xf32, #tpu.memory_space<hbm>>) dst(%dma_wait3A_348 : memref<128x16xf32, #tpu.memory_space<vmem>>)
          %dma_wait3A_355 = arith.constant 1 : i32
          %dma_wait3A_356 = arith.constant 1 : i32
          %dma_wait3A_357 = arith.constant 0 : i32
          %dma_wait3A_358 = arith.constant 0 : i32
          %dma_wait3A_359 = tpu.memref_slice %arg11[%dma_wait3A_356, %dma_wait3A_357, %dma_wait3A_358] : memref<8x128x16xf32, #tpu.memory_space<vmem>> -> memref<1x128x16xf32, #tpu.memory_space<vmem>>
          %dma_wait3A_360 = tpu.memref_squeeze %dma_wait3A_359 : memref<1x128x16xf32, #tpu.memory_space<vmem>> -> memref<128x16xf32, #tpu.memory_space<vmem>>
          %dma_wait3A_361 = arith.constant 0 : i32
          %dma_wait3A_362 = tpu.memref_slice %arg7[%dma_wait3A_355, %dma_wait3A_361] : memref<8x128xi32, #tpu.memory_space<vmem>> -> memref<1x128xi32, #tpu.memory_space<vmem>>
          %dma_wait3A_363 = tpu.memref_squeeze %dma_wait3A_362 : memref<1x128xi32, #tpu.memory_space<vmem>> -> memref<128xi32, #tpu.memory_space<vmem>>
          %dma_wait3A_364 = arith.constant 0 : i32
          %dma_wait3A_365 = arith.constant 0 : i32
          %dma_wait3A_366 = tpu.memref_slice %arg2[%dma_wait3A_364, %dma_wait3A_365] : memref<160000x16xf32, #tpu.memory_space<hbm>> -> memref<160000x16xf32, #tpu.memory_space<hbm>>
          tpu.wait_indirect_dma semaphore(%arg15 : memref<!tpu.dma_semaphore, #tpu.memory_space<semaphore_mem>>) src(%dma_wait3A_366 : memref<160000x16xf32, #tpu.memory_space<hbm>>) dst(%dma_wait3A_360 : memref<128x16xf32, #tpu.memory_space<vmem>>)
          %dma_wait3A_367 = arith.constant 2 : i32
          %dma_wait3A_368 = arith.constant 2 : i32
          %dma_wait3A_369 = arith.constant 0 : i32
          %dma_wait3A_370 = arith.constant 0 : i32
          %dma_wait3A_371 = tpu.memref_slice %arg11[%dma_wait3A_368, %dma_wait3A_369, %dma_wait3A_370] : memref<8x128x16xf32, #tpu.memory_space<vmem>> -> memref<1x128x16xf32, #tpu.memory_space<vmem>>
          %dma_wait3A_372 = tpu.memref_squeeze %dma_wait3A_371 : memref<1x128x16xf32, #tpu.memory_space<vmem>> -> memref<128x16xf32, #tpu.memory_space<vmem>>
          %dma_wait3A_373 = arith.constant 0 : i32
          %dma_wait3A_374 = tpu.memref_slice %arg7[%dma_wait3A_367, %dma_wait3A_373] : memref<8x128xi32, #tpu.memory_space<vmem>> -> memref<1x128xi32, #tpu.memory_space<vmem>>
          %dma_wait3A_375 = tpu.memref_squeeze %dma_wait3A_374 : memref<1x128xi32, #tpu.memory_space<vmem>> -> memref<128xi32, #tpu.memory_space<vmem>>
          %dma_wait3A_376 = arith.constant 0 : i32
          %dma_wait3A_377 = arith.constant 0 : i32
          %dma_wait3A_378 = tpu.memref_slice %arg2[%dma_wait3A_376, %dma_wait3A_377] : memref<160000x16xf32, #tpu.memory_space<hbm>> -> memref<160000x16xf32, #tpu.memory_space<hbm>>
          tpu.wait_indirect_dma semaphore(%arg15 : memref<!tpu.dma_semaphore, #tpu.memory_space<semaphore_mem>>) src(%dma_wait3A_378 : memref<160000x16xf32, #tpu.memory_space<hbm>>) dst(%dma_wait3A_372 : memref<128x16xf32, #tpu.memory_space<vmem>>)
          %dma_wait3A_379 = arith.constant 3 : i32
          %dma_wait3A_380 = arith.constant 3 : i32
          %dma_wait3A_381 = arith.constant 0 : i32
          %dma_wait3A_382 = arith.constant 0 : i32
          %dma_wait3A_383 = tpu.memref_slice %arg11[%dma_wait3A_380, %dma_wait3A_381, %dma_wait3A_382] : memref<8x128x16xf32, #tpu.memory_space<vmem>> -> memref<1x128x16xf32, #tpu.memory_space<vmem>>
          %dma_wait3A_384 = tpu.memref_squeeze %dma_wait3A_383 : memref<1x128x16xf32, #tpu.memory_space<vmem>> -> memref<128x16xf32, #tpu.memory_space<vmem>>
          %dma_wait3A_385 = arith.constant 0 : i32
          %dma_wait3A_386 = tpu.memref_slice %arg7[%dma_wait3A_379, %dma_wait3A_385] : memref<8x128xi32, #tpu.memory_space<vmem>> -> memref<1x128xi32, #tpu.memory_space<vmem>>
          %dma_wait3A_387 = tpu.memref_squeeze %dma_wait3A_386 : memref<1x128xi32, #tpu.memory_space<vmem>> -> memref<128xi32, #tpu.memory_space<vmem>>
          %dma_wait3A_388 = arith.constant 0 : i32
          %dma_wait3A_389 = arith.constant 0 : i32
          %dma_wait3A_390 = tpu.memref_slice %arg2[%dma_wait3A_388, %dma_wait3A_389] : memref<160000x16xf32, #tpu.memory_space<hbm>> -> memref<160000x16xf32, #tpu.memory_space<hbm>>
          tpu.wait_indirect_dma semaphore(%arg15 : memref<!tpu.dma_semaphore, #tpu.memory_space<semaphore_mem>>) src(%dma_wait3A_390 : memref<160000x16xf32, #tpu.memory_space<hbm>>) dst(%dma_wait3A_384 : memref<128x16xf32, #tpu.memory_space<vmem>>)
          %dma_wait3A_391 = arith.constant 4 : i32
          %dma_wait3A_392 = arith.constant 4 : i32
          %dma_wait3A_393 = arith.constant 0 : i32
          %dma_wait3A_394 = arith.constant 0 : i32
          %dma_wait3A_395 = tpu.memref_slice %arg11[%dma_wait3A_392, %dma_wait3A_393, %dma_wait3A_394] : memref<8x128x16xf32, #tpu.memory_space<vmem>> -> memref<1x128x16xf32, #tpu.memory_space<vmem>>
          %dma_wait3A_396 = tpu.memref_squeeze %dma_wait3A_395 : memref<1x128x16xf32, #tpu.memory_space<vmem>> -> memref<128x16xf32, #tpu.memory_space<vmem>>
          %dma_wait3A_397 = arith.constant 0 : i32
          %dma_wait3A_398 = tpu.memref_slice %arg7[%dma_wait3A_391, %dma_wait3A_397] : memref<8x128xi32, #tpu.memory_space<vmem>> -> memref<1x128xi32, #tpu.memory_space<vmem>>
          %dma_wait3A_399 = tpu.memref_squeeze %dma_wait3A_398 : memref<1x128xi32, #tpu.memory_space<vmem>> -> memref<128xi32, #tpu.memory_space<vmem>>
          %dma_wait3A_400 = arith.constant 0 : i32
          %dma_wait3A_401 = arith.constant 0 : i32
          %dma_wait3A_402 = tpu.memref_slice %arg2[%dma_wait3A_400, %dma_wait3A_401] : memref<160000x16xf32, #tpu.memory_space<hbm>> -> memref<160000x16xf32, #tpu.memory_space<hbm>>
          tpu.wait_indirect_dma semaphore(%arg15 : memref<!tpu.dma_semaphore, #tpu.memory_space<semaphore_mem>>) src(%dma_wait3A_402 : memref<160000x16xf32, #tpu.memory_space<hbm>>) dst(%dma_wait3A_396 : memref<128x16xf32, #tpu.memory_space<vmem>>)
          %dma_wait3A_403 = arith.constant 5 : i32
          %dma_wait3A_404 = arith.constant 5 : i32
          %dma_wait3A_405 = arith.constant 0 : i32
          %dma_wait3A_406 = arith.constant 0 : i32
          %dma_wait3A_407 = tpu.memref_slice %arg11[%dma_wait3A_404, %dma_wait3A_405, %dma_wait3A_406] : memref<8x128x16xf32, #tpu.memory_space<vmem>> -> memref<1x128x16xf32, #tpu.memory_space<vmem>>
          %dma_wait3A_408 = tpu.memref_squeeze %dma_wait3A_407 : memref<1x128x16xf32, #tpu.memory_space<vmem>> -> memref<128x16xf32, #tpu.memory_space<vmem>>
          %dma_wait3A_409 = arith.constant 0 : i32
          %dma_wait3A_410 = tpu.memref_slice %arg7[%dma_wait3A_403, %dma_wait3A_409] : memref<8x128xi32, #tpu.memory_space<vmem>> -> memref<1x128xi32, #tpu.memory_space<vmem>>
          %dma_wait3A_411 = tpu.memref_squeeze %dma_wait3A_410 : memref<1x128xi32, #tpu.memory_space<vmem>> -> memref<128xi32, #tpu.memory_space<vmem>>
          %dma_wait3A_412 = arith.constant 0 : i32
          %dma_wait3A_413 = arith.constant 0 : i32
          %dma_wait3A_414 = tpu.memref_slice %arg2[%dma_wait3A_412, %dma_wait3A_413] : memref<160000x16xf32, #tpu.memory_space<hbm>> -> memref<160000x16xf32, #tpu.memory_space<hbm>>
          tpu.wait_indirect_dma semaphore(%arg15 : memref<!tpu.dma_semaphore, #tpu.memory_space<semaphore_mem>>) src(%dma_wait3A_414 : memref<160000x16xf32, #tpu.memory_space<hbm>>) dst(%dma_wait3A_408 : memref<128x16xf32, #tpu.memory_space<vmem>>)
          %dma_wait3A_415 = arith.constant 6 : i32
          %dma_wait3A_416 = arith.constant 6 : i32
          %dma_wait3A_417 = arith.constant 0 : i32
          %dma_wait3A_418 = arith.constant 0 : i32
          %dma_wait3A_419 = tpu.memref_slice %arg11[%dma_wait3A_416, %dma_wait3A_417, %dma_wait3A_418] : memref<8x128x16xf32, #tpu.memory_space<vmem>> -> memref<1x128x16xf32, #tpu.memory_space<vmem>>
          %dma_wait3A_420 = tpu.memref_squeeze %dma_wait3A_419 : memref<1x128x16xf32, #tpu.memory_space<vmem>> -> memref<128x16xf32, #tpu.memory_space<vmem>>
          %dma_wait3A_421 = arith.constant 0 : i32
          %dma_wait3A_422 = tpu.memref_slice %arg7[%dma_wait3A_415, %dma_wait3A_421] : memref<8x128xi32, #tpu.memory_space<vmem>> -> memref<1x128xi32, #tpu.memory_space<vmem>>
          %dma_wait3A_423 = tpu.memref_squeeze %dma_wait3A_422 : memref<1x128xi32, #tpu.memory_space<vmem>> -> memref<128xi32, #tpu.memory_space<vmem>>
          %dma_wait3A_424 = arith.constant 0 : i32
          %dma_wait3A_425 = arith.constant 0 : i32
          %dma_wait3A_426 = tpu.memref_slice %arg2[%dma_wait3A_424, %dma_wait3A_425] : memref<160000x16xf32, #tpu.memory_space<hbm>> -> memref<160000x16xf32, #tpu.memory_space<hbm>>
          tpu.wait_indirect_dma semaphore(%arg15 : memref<!tpu.dma_semaphore, #tpu.memory_space<semaphore_mem>>) src(%dma_wait3A_426 : memref<160000x16xf32, #tpu.memory_space<hbm>>) dst(%dma_wait3A_420 : memref<128x16xf32, #tpu.memory_space<vmem>>)
          %dma_wait3A_427 = arith.constant 7 : i32
          %dma_wait3A_428 = arith.constant 7 : i32
          %dma_wait3A_429 = arith.constant 0 : i32
          %dma_wait3A_430 = arith.constant 0 : i32
          %dma_wait3A_431 = tpu.memref_slice %arg11[%dma_wait3A_428, %dma_wait3A_429, %dma_wait3A_430] : memref<8x128x16xf32, #tpu.memory_space<vmem>> -> memref<1x128x16xf32, #tpu.memory_space<vmem>>
          %dma_wait3A_432 = tpu.memref_squeeze %dma_wait3A_431 : memref<1x128x16xf32, #tpu.memory_space<vmem>> -> memref<128x16xf32, #tpu.memory_space<vmem>>
          %dma_wait3A_433 = arith.constant 0 : i32
          %dma_wait3A_434 = tpu.memref_slice %arg7[%dma_wait3A_427, %dma_wait3A_433] : memref<8x128xi32, #tpu.memory_space<vmem>> -> memref<1x128xi32, #tpu.memory_space<vmem>>
          %dma_wait3A_435 = tpu.memref_squeeze %dma_wait3A_434 : memref<1x128xi32, #tpu.memory_space<vmem>> -> memref<128xi32, #tpu.memory_space<vmem>>
          %dma_wait3A_436 = arith.constant 0 : i32
          %dma_wait3A_437 = arith.constant 0 : i32
          %dma_wait3A_438 = tpu.memref_slice %arg2[%dma_wait3A_436, %dma_wait3A_437] : memref<160000x16xf32, #tpu.memory_space<hbm>> -> memref<160000x16xf32, #tpu.memory_space<hbm>>
          tpu.wait_indirect_dma semaphore(%arg15 : memref<!tpu.dma_semaphore, #tpu.memory_space<semaphore_mem>>) src(%dma_wait3A_438 : memref<160000x16xf32, #tpu.memory_space<hbm>>) dst(%dma_wait3A_432 : memref<128x16xf32, #tpu.memory_space<vmem>>)
          %dma_start3A_439 = arith.constant 0 : i32
          %dma_start3A_440 = arith.constant 0 : i32
          %dma_start3A_441 = arith.constant 0 : i32
          %dma_start3A_442 = arith.constant 0 : i32
          %dma_start3A_443 = tpu.memref_slice %arg11[%dma_start3A_439, %dma_start3A_441, %dma_start3A_442] : memref<8x128x16xf32, #tpu.memory_space<vmem>> -> memref<1x128x16xf32, #tpu.memory_space<vmem>>
          %dma_start3A_444 = tpu.memref_squeeze %dma_start3A_443 : memref<1x128x16xf32, #tpu.memory_space<vmem>> -> memref<128x16xf32, #tpu.memory_space<vmem>>
          %dma_start3A_445 = arith.constant 0 : i32
          %dma_start3A_446 = tpu.memref_slice %arg9[%dma_start3A_440, %dma_start3A_445] : memref<8x128xi32, #tpu.memory_space<vmem>> -> memref<1x128xi32, #tpu.memory_space<vmem>>
          %dma_start3A_447 = tpu.memref_squeeze %dma_start3A_446 : memref<1x128xi32, #tpu.memory_space<vmem>> -> memref<128xi32, #tpu.memory_space<vmem>>
          %dma_start3A_448 = arith.constant 0 : i32
          %dma_start3A_449 = arith.constant 0 : i32
          %dma_start3A_450 = tpu.memref_slice %arg14[%dma_start3A_448, %dma_start3A_449] : memref<83200x16xf32, #tpu.memory_space<vmem_shared>> -> memref<83200x16xf32, #tpu.memory_space<vmem_shared>>
          tpu.enqueue_indirect_dma source(%dma_start3A_444 : memref<128x16xf32, #tpu.memory_space<vmem>>) target(%dma_start3A_450 : memref<83200x16xf32, #tpu.memory_space<vmem_shared>>) offsets(%dma_start3A_447 : memref<128xi32, #tpu.memory_space<vmem>>) semaphore(%arg17 : memref<!tpu.dma_semaphore, #tpu.memory_space<semaphore_mem>>) {add = true}
          %dma_start3A_451 = arith.constant 1 : i32
          %dma_start3A_452 = arith.constant 1 : i32
          %dma_start3A_453 = arith.constant 0 : i32
          %dma_start3A_454 = arith.constant 0 : i32
          %dma_start3A_455 = tpu.memref_slice %arg11[%dma_start3A_451, %dma_start3A_453, %dma_start3A_454] : memref<8x128x16xf32, #tpu.memory_space<vmem>> -> memref<1x128x16xf32, #tpu.memory_space<vmem>>
          %dma_start3A_456 = tpu.memref_squeeze %dma_start3A_455 : memref<1x128x16xf32, #tpu.memory_space<vmem>> -> memref<128x16xf32, #tpu.memory_space<vmem>>
          %dma_start3A_457 = arith.constant 0 : i32
          %dma_start3A_458 = tpu.memref_slice %arg9[%dma_start3A_452, %dma_start3A_457] : memref<8x128xi32, #tpu.memory_space<vmem>> -> memref<1x128xi32, #tpu.memory_space<vmem>>
          %dma_start3A_459 = tpu.memref_squeeze %dma_start3A_458 : memref<1x128xi32, #tpu.memory_space<vmem>> -> memref<128xi32, #tpu.memory_space<vmem>>
          %dma_start3A_460 = arith.constant 0 : i32
          %dma_start3A_461 = arith.constant 0 : i32
          %dma_start3A_462 = tpu.memref_slice %arg14[%dma_start3A_460, %dma_start3A_461] : memref<83200x16xf32, #tpu.memory_space<vmem_shared>> -> memref<83200x16xf32, #tpu.memory_space<vmem_shared>>
          tpu.enqueue_indirect_dma source(%dma_start3A_456 : memref<128x16xf32, #tpu.memory_space<vmem>>) target(%dma_start3A_462 : memref<83200x16xf32, #tpu.memory_space<vmem_shared>>) offsets(%dma_start3A_459 : memref<128xi32, #tpu.memory_space<vmem>>) semaphore(%arg17 : memref<!tpu.dma_semaphore, #tpu.memory_space<semaphore_mem>>) {add = true}
          %dma_start3A_463 = arith.constant 2 : i32
          %dma_start3A_464 = arith.constant 2 : i32
          %dma_start3A_465 = arith.constant 0 : i32
          %dma_start3A_466 = arith.constant 0 : i32
          %dma_start3A_467 = tpu.memref_slice %arg11[%dma_start3A_463, %dma_start3A_465, %dma_start3A_466] : memref<8x128x16xf32, #tpu.memory_space<vmem>> -> memref<1x128x16xf32, #tpu.memory_space<vmem>>
          %dma_start3A_468 = tpu.memref_squeeze %dma_start3A_467 : memref<1x128x16xf32, #tpu.memory_space<vmem>> -> memref<128x16xf32, #tpu.memory_space<vmem>>
          %dma_start3A_469 = arith.constant 0 : i32
          %dma_start3A_470 = tpu.memref_slice %arg9[%dma_start3A_464, %dma_start3A_469] : memref<8x128xi32, #tpu.memory_space<vmem>> -> memref<1x128xi32, #tpu.memory_space<vmem>>
          %dma_start3A_471 = tpu.memref_squeeze %dma_start3A_470 : memref<1x128xi32, #tpu.memory_space<vmem>> -> memref<128xi32, #tpu.memory_space<vmem>>
          %dma_start3A_472 = arith.constant 0 : i32
          %dma_start3A_473 = arith.constant 0 : i32
          %dma_start3A_474 = tpu.memref_slice %arg14[%dma_start3A_472, %dma_start3A_473] : memref<83200x16xf32, #tpu.memory_space<vmem_shared>> -> memref<83200x16xf32, #tpu.memory_space<vmem_shared>>
          tpu.enqueue_indirect_dma source(%dma_start3A_468 : memref<128x16xf32, #tpu.memory_space<vmem>>) target(%dma_start3A_474 : memref<83200x16xf32, #tpu.memory_space<vmem_shared>>) offsets(%dma_start3A_471 : memref<128xi32, #tpu.memory_space<vmem>>) semaphore(%arg17 : memref<!tpu.dma_semaphore, #tpu.memory_space<semaphore_mem>>) {add = true}
          %dma_start3A_475 = arith.constant 3 : i32
          %dma_start3A_476 = arith.constant 3 : i32
          %dma_start3A_477 = arith.constant 0 : i32
          %dma_start3A_478 = arith.constant 0 : i32
          %dma_start3A_479 = tpu.memref_slice %arg11[%dma_start3A_475, %dma_start3A_477, %dma_start3A_478] : memref<8x128x16xf32, #tpu.memory_space<vmem>> -> memref<1x128x16xf32, #tpu.memory_space<vmem>>
          %dma_start3A_480 = tpu.memref_squeeze %dma_start3A_479 : memref<1x128x16xf32, #tpu.memory_space<vmem>> -> memref<128x16xf32, #tpu.memory_space<vmem>>
          %dma_start3A_481 = arith.constant 0 : i32
          %dma_start3A_482 = tpu.memref_slice %arg9[%dma_start3A_476, %dma_start3A_481] : memref<8x128xi32, #tpu.memory_space<vmem>> -> memref<1x128xi32, #tpu.memory_space<vmem>>
          %dma_start3A_483 = tpu.memref_squeeze %dma_start3A_482 : memref<1x128xi32, #tpu.memory_space<vmem>> -> memref<128xi32, #tpu.memory_space<vmem>>
          %dma_start3A_484 = arith.constant 0 : i32
          %dma_start3A_485 = arith.constant 0 : i32
          %dma_start3A_486 = tpu.memref_slice %arg14[%dma_start3A_484, %dma_start3A_485] : memref<83200x16xf32, #tpu.memory_space<vmem_shared>> -> memref<83200x16xf32, #tpu.memory_space<vmem_shared>>
          tpu.enqueue_indirect_dma source(%dma_start3A_480 : memref<128x16xf32, #tpu.memory_space<vmem>>) target(%dma_start3A_486 : memref<83200x16xf32, #tpu.memory_space<vmem_shared>>) offsets(%dma_start3A_483 : memref<128xi32, #tpu.memory_space<vmem>>) semaphore(%arg17 : memref<!tpu.dma_semaphore, #tpu.memory_space<semaphore_mem>>) {add = true}
          %dma_start3A_487 = arith.constant 4 : i32
          %dma_start3A_488 = arith.constant 4 : i32
          %dma_start3A_489 = arith.constant 0 : i32
          %dma_start3A_490 = arith.constant 0 : i32
          %dma_start3A_491 = tpu.memref_slice %arg11[%dma_start3A_487, %dma_start3A_489, %dma_start3A_490] : memref<8x128x16xf32, #tpu.memory_space<vmem>> -> memref<1x128x16xf32, #tpu.memory_space<vmem>>
          %dma_start3A_492 = tpu.memref_squeeze %dma_start3A_491 : memref<1x128x16xf32, #tpu.memory_space<vmem>> -> memref<128x16xf32, #tpu.memory_space<vmem>>
          %dma_start3A_493 = arith.constant 0 : i32
          %dma_start3A_494 = tpu.memref_slice %arg9[%dma_start3A_488, %dma_start3A_493] : memref<8x128xi32, #tpu.memory_space<vmem>> -> memref<1x128xi32, #tpu.memory_space<vmem>>
          %dma_start3A_495 = tpu.memref_squeeze %dma_start3A_494 : memref<1x128xi32, #tpu.memory_space<vmem>> -> memref<128xi32, #tpu.memory_space<vmem>>
          %dma_start3A_496 = arith.constant 0 : i32
          %dma_start3A_497 = arith.constant 0 : i32
          %dma_start3A_498 = tpu.memref_slice %arg14[%dma_start3A_496, %dma_start3A_497] : memref<83200x16xf32, #tpu.memory_space<vmem_shared>> -> memref<83200x16xf32, #tpu.memory_space<vmem_shared>>
          tpu.enqueue_indirect_dma source(%dma_start3A_492 : memref<128x16xf32, #tpu.memory_space<vmem>>) target(%dma_start3A_498 : memref<83200x16xf32, #tpu.memory_space<vmem_shared>>) offsets(%dma_start3A_495 : memref<128xi32, #tpu.memory_space<vmem>>) semaphore(%arg17 : memref<!tpu.dma_semaphore, #tpu.memory_space<semaphore_mem>>) {add = true}
          %dma_start3A_499 = arith.constant 5 : i32
          %dma_start3A_500 = arith.constant 5 : i32
          %dma_start3A_501 = arith.constant 0 : i32
          %dma_start3A_502 = arith.constant 0 : i32
          %dma_start3A_503 = tpu.memref_slice %arg11[%dma_start3A_499, %dma_start3A_501, %dma_start3A_502] : memref<8x128x16xf32, #tpu.memory_space<vmem>> -> memref<1x128x16xf32, #tpu.memory_space<vmem>>
          %dma_start3A_504 = tpu.memref_squeeze %dma_start3A_503 : memref<1x128x16xf32, #tpu.memory_space<vmem>> -> memref<128x16xf32, #tpu.memory_space<vmem>>
          %dma_start3A_505 = arith.constant 0 : i32
          %dma_start3A_506 = tpu.memref_slice %arg9[%dma_start3A_500, %dma_start3A_505] : memref<8x128xi32, #tpu.memory_space<vmem>> -> memref<1x128xi32, #tpu.memory_space<vmem>>
          %dma_start3A_507 = tpu.memref_squeeze %dma_start3A_506 : memref<1x128xi32, #tpu.memory_space<vmem>> -> memref<128xi32, #tpu.memory_space<vmem>>
          %dma_start3A_508 = arith.constant 0 : i32
          %dma_start3A_509 = arith.constant 0 : i32
          %dma_start3A_510 = tpu.memref_slice %arg14[%dma_start3A_508, %dma_start3A_509] : memref<83200x16xf32, #tpu.memory_space<vmem_shared>> -> memref<83200x16xf32, #tpu.memory_space<vmem_shared>>
          tpu.enqueue_indirect_dma source(%dma_start3A_504 : memref<128x16xf32, #tpu.memory_space<vmem>>) target(%dma_start3A_510 : memref<83200x16xf32, #tpu.memory_space<vmem_shared>>) offsets(%dma_start3A_507 : memref<128xi32, #tpu.memory_space<vmem>>) semaphore(%arg17 : memref<!tpu.dma_semaphore, #tpu.memory_space<semaphore_mem>>) {add = true}
          %dma_start3A_511 = arith.constant 6 : i32
          %dma_start3A_512 = arith.constant 6 : i32
          %dma_start3A_513 = arith.constant 0 : i32
          %dma_start3A_514 = arith.constant 0 : i32
          %dma_start3A_515 = tpu.memref_slice %arg11[%dma_start3A_511, %dma_start3A_513, %dma_start3A_514] : memref<8x128x16xf32, #tpu.memory_space<vmem>> -> memref<1x128x16xf32, #tpu.memory_space<vmem>>
          %dma_start3A_516 = tpu.memref_squeeze %dma_start3A_515 : memref<1x128x16xf32, #tpu.memory_space<vmem>> -> memref<128x16xf32, #tpu.memory_space<vmem>>
          %dma_start3A_517 = arith.constant 0 : i32
          %dma_start3A_518 = tpu.memref_slice %arg9[%dma_start3A_512, %dma_start3A_517] : memref<8x128xi32, #tpu.memory_space<vmem>> -> memref<1x128xi32, #tpu.memory_space<vmem>>
          %dma_start3A_519 = tpu.memref_squeeze %dma_start3A_518 : memref<1x128xi32, #tpu.memory_space<vmem>> -> memref<128xi32, #tpu.memory_space<vmem>>
          %dma_start3A_520 = arith.constant 0 : i32
          %dma_start3A_521 = arith.constant 0 : i32
          %dma_start3A_522 = tpu.memref_slice %arg14[%dma_start3A_520, %dma_start3A_521] : memref<83200x16xf32, #tpu.memory_space<vmem_shared>> -> memref<83200x16xf32, #tpu.memory_space<vmem_shared>>
          tpu.enqueue_indirect_dma source(%dma_start3A_516 : memref<128x16xf32, #tpu.memory_space<vmem>>) target(%dma_start3A_522 : memref<83200x16xf32, #tpu.memory_space<vmem_shared>>) offsets(%dma_start3A_519 : memref<128xi32, #tpu.memory_space<vmem>>) semaphore(%arg17 : memref<!tpu.dma_semaphore, #tpu.memory_space<semaphore_mem>>) {add = true}
          %dma_start3A_523 = arith.constant 7 : i32
          %dma_start3A_524 = arith.constant 7 : i32
          %dma_start3A_525 = arith.constant 0 : i32
          %dma_start3A_526 = arith.constant 0 : i32
          %dma_start3A_527 = tpu.memref_slice %arg11[%dma_start3A_523, %dma_start3A_525, %dma_start3A_526] : memref<8x128x16xf32, #tpu.memory_space<vmem>> -> memref<1x128x16xf32, #tpu.memory_space<vmem>>
          %dma_start3A_528 = tpu.memref_squeeze %dma_start3A_527 : memref<1x128x16xf32, #tpu.memory_space<vmem>> -> memref<128x16xf32, #tpu.memory_space<vmem>>
          %dma_start3A_529 = arith.constant 0 : i32
          %dma_start3A_530 = tpu.memref_slice %arg9[%dma_start3A_524, %dma_start3A_529] : memref<8x128xi32, #tpu.memory_space<vmem>> -> memref<1x128xi32, #tpu.memory_space<vmem>>
          %dma_start3A_531 = tpu.memref_squeeze %dma_start3A_530 : memref<1x128xi32, #tpu.memory_space<vmem>> -> memref<128xi32, #tpu.memory_space<vmem>>
          %dma_start3A_532 = arith.constant 0 : i32
          %dma_start3A_533 = arith.constant 0 : i32
          %dma_start3A_534 = tpu.memref_slice %arg14[%dma_start3A_532, %dma_start3A_533] : memref<83200x16xf32, #tpu.memory_space<vmem_shared>> -> memref<83200x16xf32, #tpu.memory_space<vmem_shared>>
          tpu.enqueue_indirect_dma source(%dma_start3A_528 : memref<128x16xf32, #tpu.memory_space<vmem>>) target(%dma_start3A_534 : memref<83200x16xf32, #tpu.memory_space<vmem_shared>>) offsets(%dma_start3A_531 : memref<128xi32, #tpu.memory_space<vmem>>) semaphore(%arg17 : memref<!tpu.dma_semaphore, #tpu.memory_space<semaphore_mem>>) {add = true}
          %add3A_535 = arith.constant 1 : i32
          %add3A_536 = arith.addi %mul3A_335, %add3A_535 : i32
          %add3A_537 = arith.constant 1 : i32
          %add3A_538 = arith.addi %add3A_536, %add3A_537 : i32
          %lt3A_539 = arith.constant 20 : i32
          %lt3A_540 = arith.cmpi slt, %add3A_538, %lt3A_539 : i32
          %convert_element_type3A_541 = arith.extui %lt3A_540 : i1 to i32
          %cond3A_542 = arith.constant 0 : i32
          %cond3A_543 = arith.cmpi ne, %convert_element_type3A_541, %cond3A_542 : i32
          scf.if %cond3A_543 {
            %gt3A = arith.constant 0 : i32
            %gt3A_736 = arith.cmpi sgt, %add3A_536, %gt3A : i32
            %convert_element_type3A_737 = arith.extui %gt3A_736 : i1 to i32
            %cond3A_738 = arith.constant 0 : i32
            %cond3A_739 = arith.cmpi ne, %convert_element_type3A_737, %cond3A_738 : i32
            scf.if %cond3A_739 {
              %dma_wait3A_849 = arith.constant 0 : i32
              %dma_wait3A_850 = arith.constant 0 : i32
              %dma_wait3A_851 = arith.constant 0 : i32
              %dma_wait3A_852 = arith.constant 0 : i32
              %dma_wait3A_853 = tpu.memref_slice %arg11[%dma_wait3A_849, %dma_wait3A_851, %dma_wait3A_852] : memref<8x128x16xf32, #tpu.memory_space<vmem>> -> memref<1x128x16xf32, #tpu.memory_space<vmem>>
              %dma_wait3A_854 = tpu.memref_squeeze %dma_wait3A_853 : memref<1x128x16xf32, #tpu.memory_space<vmem>> -> memref<128x16xf32, #tpu.memory_space<vmem>>
              %dma_wait3A_855 = arith.constant 0 : i32
              %dma_wait3A_856 = tpu.memref_slice %arg9[%dma_wait3A_850, %dma_wait3A_855] : memref<8x128xi32, #tpu.memory_space<vmem>> -> memref<1x128xi32, #tpu.memory_space<vmem>>
              %dma_wait3A_857 = tpu.memref_squeeze %dma_wait3A_856 : memref<1x128xi32, #tpu.memory_space<vmem>> -> memref<128xi32, #tpu.memory_space<vmem>>
              %dma_wait3A_858 = arith.constant 0 : i32
              %dma_wait3A_859 = arith.constant 0 : i32
              %dma_wait3A_860 = tpu.memref_slice %arg14[%dma_wait3A_858, %dma_wait3A_859] : memref<83200x16xf32, #tpu.memory_space<vmem_shared>> -> memref<83200x16xf32, #tpu.memory_space<vmem_shared>>
              tpu.wait_indirect_dma semaphore(%arg17 : memref<!tpu.dma_semaphore, #tpu.memory_space<semaphore_mem>>) src(%dma_wait3A_854 : memref<128x16xf32, #tpu.memory_space<vmem>>) dst(%dma_wait3A_860 : memref<83200x16xf32, #tpu.memory_space<vmem_shared>>)
              %dma_wait3A_861 = arith.constant 1 : i32
              %dma_wait3A_862 = arith.constant 1 : i32
              %dma_wait3A_863 = arith.constant 0 : i32
              %dma_wait3A_864 = arith.constant 0 : i32
              %dma_wait3A_865 = tpu.memref_slice %arg11[%dma_wait3A_861, %dma_wait3A_863, %dma_wait3A_864] : memref<8x128x16xf32, #tpu.memory_space<vmem>> -> memref<1x128x16xf32, #tpu.memory_space<vmem>>
              %dma_wait3A_866 = tpu.memref_squeeze %dma_wait3A_865 : memref<1x128x16xf32, #tpu.memory_space<vmem>> -> memref<128x16xf32, #tpu.memory_space<vmem>>
              %dma_wait3A_867 = arith.constant 0 : i32
              %dma_wait3A_868 = tpu.memref_slice %arg9[%dma_wait3A_862, %dma_wait3A_867] : memref<8x128xi32, #tpu.memory_space<vmem>> -> memref<1x128xi32, #tpu.memory_space<vmem>>
              %dma_wait3A_869 = tpu.memref_squeeze %dma_wait3A_868 : memref<1x128xi32, #tpu.memory_space<vmem>> -> memref<128xi32, #tpu.memory_space<vmem>>
              %dma_wait3A_870 = arith.constant 0 : i32
              %dma_wait3A_871 = arith.constant 0 : i32
              %dma_wait3A_872 = tpu.memref_slice %arg14[%dma_wait3A_870, %dma_wait3A_871] : memref<83200x16xf32, #tpu.memory_space<vmem_shared>> -> memref<83200x16xf32, #tpu.memory_space<vmem_shared>>
              tpu.wait_indirect_dma semaphore(%arg17 : memref<!tpu.dma_semaphore, #tpu.memory_space<semaphore_mem>>) src(%dma_wait3A_866 : memref<128x16xf32, #tpu.memory_space<vmem>>) dst(%dma_wait3A_872 : memref<83200x16xf32, #tpu.memory_space<vmem_shared>>)
              %dma_wait3A_873 = arith.constant 2 : i32
              %dma_wait3A_874 = arith.constant 2 : i32
              %dma_wait3A_875 = arith.constant 0 : i32
              %dma_wait3A_876 = arith.constant 0 : i32
              %dma_wait3A_877 = tpu.memref_slice %arg11[%dma_wait3A_873, %dma_wait3A_875, %dma_wait3A_876] : memref<8x128x16xf32, #tpu.memory_space<vmem>> -> memref<1x128x16xf32, #tpu.memory_space<vmem>>
              %dma_wait3A_878 = tpu.memref_squeeze %dma_wait3A_877 : memref<1x128x16xf32, #tpu.memory_space<vmem>> -> memref<128x16xf32, #tpu.memory_space<vmem>>
              %dma_wait3A_879 = arith.constant 0 : i32
              %dma_wait3A_880 = tpu.memref_slice %arg9[%dma_wait3A_874, %dma_wait3A_879] : memref<8x128xi32, #tpu.memory_space<vmem>> -> memref<1x128xi32, #tpu.memory_space<vmem>>
              %dma_wait3A_881 = tpu.memref_squeeze %dma_wait3A_880 : memref<1x128xi32, #tpu.memory_space<vmem>> -> memref<128xi32, #tpu.memory_space<vmem>>
              %dma_wait3A_882 = arith.constant 0 : i32
              %dma_wait3A_883 = arith.constant 0 : i32
              %dma_wait3A_884 = tpu.memref_slice %arg14[%dma_wait3A_882, %dma_wait3A_883] : memref<83200x16xf32, #tpu.memory_space<vmem_shared>> -> memref<83200x16xf32, #tpu.memory_space<vmem_shared>>
              tpu.wait_indirect_dma semaphore(%arg17 : memref<!tpu.dma_semaphore, #tpu.memory_space<semaphore_mem>>) src(%dma_wait3A_878 : memref<128x16xf32, #tpu.memory_space<vmem>>) dst(%dma_wait3A_884 : memref<83200x16xf32, #tpu.memory_space<vmem_shared>>)
              %dma_wait3A_885 = arith.constant 3 : i32
              %dma_wait3A_886 = arith.constant 3 : i32
              %dma_wait3A_887 = arith.constant 0 : i32
              %dma_wait3A_888 = arith.constant 0 : i32
              %dma_wait3A_889 = tpu.memref_slice %arg11[%dma_wait3A_885, %dma_wait3A_887, %dma_wait3A_888] : memref<8x128x16xf32, #tpu.memory_space<vmem>> -> memref<1x128x16xf32, #tpu.memory_space<vmem>>
              %dma_wait3A_890 = tpu.memref_squeeze %dma_wait3A_889 : memref<1x128x16xf32, #tpu.memory_space<vmem>> -> memref<128x16xf32, #tpu.memory_space<vmem>>
              %dma_wait3A_891 = arith.constant 0 : i32
              %dma_wait3A_892 = tpu.memref_slice %arg9[%dma_wait3A_886, %dma_wait3A_891] : memref<8x128xi32, #tpu.memory_space<vmem>> -> memref<1x128xi32, #tpu.memory_space<vmem>>
              %dma_wait3A_893 = tpu.memref_squeeze %dma_wait3A_892 : memref<1x128xi32, #tpu.memory_space<vmem>> -> memref<128xi32, #tpu.memory_space<vmem>>
              %dma_wait3A_894 = arith.constant 0 : i32
              %dma_wait3A_895 = arith.constant 0 : i32
              %dma_wait3A_896 = tpu.memref_slice %arg14[%dma_wait3A_894, %dma_wait3A_895] : memref<83200x16xf32, #tpu.memory_space<vmem_shared>> -> memref<83200x16xf32, #tpu.memory_space<vmem_shared>>
              tpu.wait_indirect_dma semaphore(%arg17 : memref<!tpu.dma_semaphore, #tpu.memory_space<semaphore_mem>>) src(%dma_wait3A_890 : memref<128x16xf32, #tpu.memory_space<vmem>>) dst(%dma_wait3A_896 : memref<83200x16xf32, #tpu.memory_space<vmem_shared>>)
              %dma_wait3A_897 = arith.constant 4 : i32
              %dma_wait3A_898 = arith.constant 4 : i32
              %dma_wait3A_899 = arith.constant 0 : i32
              %dma_wait3A_900 = arith.constant 0 : i32
              %dma_wait3A_901 = tpu.memref_slice %arg11[%dma_wait3A_897, %dma_wait3A_899, %dma_wait3A_900] : memref<8x128x16xf32, #tpu.memory_space<vmem>> -> memref<1x128x16xf32, #tpu.memory_space<vmem>>
              %dma_wait3A_902 = tpu.memref_squeeze %dma_wait3A_901 : memref<1x128x16xf32, #tpu.memory_space<vmem>> -> memref<128x16xf32, #tpu.memory_space<vmem>>
              %dma_wait3A_903 = arith.constant 0 : i32
              %dma_wait3A_904 = tpu.memref_slice %arg9[%dma_wait3A_898, %dma_wait3A_903] : memref<8x128xi32, #tpu.memory_space<vmem>> -> memref<1x128xi32, #tpu.memory_space<vmem>>
              %dma_wait3A_905 = tpu.memref_squeeze %dma_wait3A_904 : memref<1x128xi32, #tpu.memory_space<vmem>> -> memref<128xi32, #tpu.memory_space<vmem>>
              %dma_wait3A_906 = arith.constant 0 : i32
              %dma_wait3A_907 = arith.constant 0 : i32
              %dma_wait3A_908 = tpu.memref_slice %arg14[%dma_wait3A_906, %dma_wait3A_907] : memref<83200x16xf32, #tpu.memory_space<vmem_shared>> -> memref<83200x16xf32, #tpu.memory_space<vmem_shared>>
              tpu.wait_indirect_dma semaphore(%arg17 : memref<!tpu.dma_semaphore, #tpu.memory_space<semaphore_mem>>) src(%dma_wait3A_902 : memref<128x16xf32, #tpu.memory_space<vmem>>) dst(%dma_wait3A_908 : memref<83200x16xf32, #tpu.memory_space<vmem_shared>>)
              %dma_wait3A_909 = arith.constant 5 : i32
              %dma_wait3A_910 = arith.constant 5 : i32
              %dma_wait3A_911 = arith.constant 0 : i32
              %dma_wait3A_912 = arith.constant 0 : i32
              %dma_wait3A_913 = tpu.memref_slice %arg11[%dma_wait3A_909, %dma_wait3A_911, %dma_wait3A_912] : memref<8x128x16xf32, #tpu.memory_space<vmem>> -> memref<1x128x16xf32, #tpu.memory_space<vmem>>
              %dma_wait3A_914 = tpu.memref_squeeze %dma_wait3A_913 : memref<1x128x16xf32, #tpu.memory_space<vmem>> -> memref<128x16xf32, #tpu.memory_space<vmem>>
              %dma_wait3A_915 = arith.constant 0 : i32
              %dma_wait3A_916 = tpu.memref_slice %arg9[%dma_wait3A_910, %dma_wait3A_915] : memref<8x128xi32, #tpu.memory_space<vmem>> -> memref<1x128xi32, #tpu.memory_space<vmem>>
              %dma_wait3A_917 = tpu.memref_squeeze %dma_wait3A_916 : memref<1x128xi32, #tpu.memory_space<vmem>> -> memref<128xi32, #tpu.memory_space<vmem>>
              %dma_wait3A_918 = arith.constant 0 : i32
              %dma_wait3A_919 = arith.constant 0 : i32
              %dma_wait3A_920 = tpu.memref_slice %arg14[%dma_wait3A_918, %dma_wait3A_919] : memref<83200x16xf32, #tpu.memory_space<vmem_shared>> -> memref<83200x16xf32, #tpu.memory_space<vmem_shared>>
              tpu.wait_indirect_dma semaphore(%arg17 : memref<!tpu.dma_semaphore, #tpu.memory_space<semaphore_mem>>) src(%dma_wait3A_914 : memref<128x16xf32, #tpu.memory_space<vmem>>) dst(%dma_wait3A_920 : memref<83200x16xf32, #tpu.memory_space<vmem_shared>>)
              %dma_wait3A_921 = arith.constant 6 : i32
              %dma_wait3A_922 = arith.constant 6 : i32
              %dma_wait3A_923 = arith.constant 0 : i32
              %dma_wait3A_924 = arith.constant 0 : i32
              %dma_wait3A_925 = tpu.memref_slice %arg11[%dma_wait3A_921, %dma_wait3A_923, %dma_wait3A_924] : memref<8x128x16xf32, #tpu.memory_space<vmem>> -> memref<1x128x16xf32, #tpu.memory_space<vmem>>
              %dma_wait3A_926 = tpu.memref_squeeze %dma_wait3A_925 : memref<1x128x16xf32, #tpu.memory_space<vmem>> -> memref<128x16xf32, #tpu.memory_space<vmem>>
              %dma_wait3A_927 = arith.constant 0 : i32
              %dma_wait3A_928 = tpu.memref_slice %arg9[%dma_wait3A_922, %dma_wait3A_927] : memref<8x128xi32, #tpu.memory_space<vmem>> -> memref<1x128xi32, #tpu.memory_space<vmem>>
              %dma_wait3A_929 = tpu.memref_squeeze %dma_wait3A_928 : memref<1x128xi32, #tpu.memory_space<vmem>> -> memref<128xi32, #tpu.memory_space<vmem>>
              %dma_wait3A_930 = arith.constant 0 : i32
              %dma_wait3A_931 = arith.constant 0 : i32
              %dma_wait3A_932 = tpu.memref_slice %arg14[%dma_wait3A_930, %dma_wait3A_931] : memref<83200x16xf32, #tpu.memory_space<vmem_shared>> -> memref<83200x16xf32, #tpu.memory_space<vmem_shared>>
              tpu.wait_indirect_dma semaphore(%arg17 : memref<!tpu.dma_semaphore, #tpu.memory_space<semaphore_mem>>) src(%dma_wait3A_926 : memref<128x16xf32, #tpu.memory_space<vmem>>) dst(%dma_wait3A_932 : memref<83200x16xf32, #tpu.memory_space<vmem_shared>>)
              %dma_wait3A_933 = arith.constant 7 : i32
              %dma_wait3A_934 = arith.constant 7 : i32
              %dma_wait3A_935 = arith.constant 0 : i32
              %dma_wait3A_936 = arith.constant 0 : i32
              %dma_wait3A_937 = tpu.memref_slice %arg11[%dma_wait3A_933, %dma_wait3A_935, %dma_wait3A_936] : memref<8x128x16xf32, #tpu.memory_space<vmem>> -> memref<1x128x16xf32, #tpu.memory_space<vmem>>
              %dma_wait3A_938 = tpu.memref_squeeze %dma_wait3A_937 : memref<1x128x16xf32, #tpu.memory_space<vmem>> -> memref<128x16xf32, #tpu.memory_space<vmem>>
              %dma_wait3A_939 = arith.constant 0 : i32
              %dma_wait3A_940 = tpu.memref_slice %arg9[%dma_wait3A_934, %dma_wait3A_939] : memref<8x128xi32, #tpu.memory_space<vmem>> -> memref<1x128xi32, #tpu.memory_space<vmem>>
              %dma_wait3A_941 = tpu.memref_squeeze %dma_wait3A_940 : memref<1x128xi32, #tpu.memory_space<vmem>> -> memref<128xi32, #tpu.memory_space<vmem>>
              %dma_wait3A_942 = arith.constant 0 : i32
              %dma_wait3A_943 = arith.constant 0 : i32
              %dma_wait3A_944 = tpu.memref_slice %arg14[%dma_wait3A_942, %dma_wait3A_943] : memref<83200x16xf32, #tpu.memory_space<vmem_shared>> -> memref<83200x16xf32, #tpu.memory_space<vmem_shared>>
              tpu.wait_indirect_dma semaphore(%arg17 : memref<!tpu.dma_semaphore, #tpu.memory_space<semaphore_mem>>) src(%dma_wait3A_938 : memref<128x16xf32, #tpu.memory_space<vmem>>) dst(%dma_wait3A_944 : memref<83200x16xf32, #tpu.memory_space<vmem_shared>>)
            } else {
            }
            %add3A_740 = arith.constant 1 : i32
            %add3A_741 = arith.addi %add3A_536, %add3A_740 : i32
            %mul3A_742 = arith.constant 20 : i32
            %mul3A_743 = arith.muli %arg1, %mul3A_742 : i32
            %add3A_744 = arith.addi %mul3A_743, %add3A_741 : i32
            %mul3A_745 = arith.constant 8 : i32
            %mul3A_746 = arith.muli %add3A_744, %mul3A_745 : i32
            "tpu.region"() ({
              %run_scoped3A = tpu.sem_alloc : memref<!tpu.dma_semaphore, #tpu.memory_space<semaphore_mem>>
              %dma_start3A_849 = arith.constant 0 : i32
              %dma_start3A_850 = tpu.memref_slice %arg3[%mul3A_746, %dma_start3A_849] : memref<2560x256xi32, #tpu.memory_space<hbm>> -> memref<8x256xi32, #tpu.memory_space<hbm>>
              %dma_start3A_851 = arith.constant 0 : i32
              %dma_start3A_852 = tpu.memref_slice %arg3[%mul3A_746, %dma_start3A_851] : memref<2560x256xi32, #tpu.memory_space<hbm>> -> memref<8x256xi32, #tpu.memory_space<hbm>>
              tpu.enqueue_dma source(%dma_start3A_852 : memref<8x256xi32, #tpu.memory_space<hbm>>) target(%arg5 : memref<8x256xi32, #tpu.memory_space<vmem>>) target_semaphore(%run_scoped3A : memref<!tpu.dma_semaphore, #tpu.memory_space<semaphore_mem>>)
              %dma_wait3A_853 = arith.constant 0 : i32
              %dma_wait3A_854 = tpu.memref_slice %arg3[%mul3A_746, %dma_wait3A_853] : memref<2560x256xi32, #tpu.memory_space<hbm>> -> memref<8x256xi32, #tpu.memory_space<hbm>>
              %dma_wait3A_855 = arith.constant 0 : i32
              %dma_wait3A_856 = tpu.memref_slice %arg3[%mul3A_746, %dma_wait3A_855] : memref<2560x256xi32, #tpu.memory_space<hbm>> -> memref<8x256xi32, #tpu.memory_space<hbm>>
              tpu.wait_dma2 semaphore(%run_scoped3A : memref<!tpu.dma_semaphore, #tpu.memory_space<semaphore_mem>>) src(%dma_wait3A_856 : memref<8x256xi32, #tpu.memory_space<hbm>>) dst(%arg5 : memref<8x256xi32, #tpu.memory_space<vmem>>)
              tpu.yield
            }) : () -> ()
            %scan3A_747 = arith.constant 0 : i32
            %scan3A_748 = arith.constant 0 : i32
            %scan3A_749 = arith.constant 64 : i32
            %scan3A_750 = arith.addi %scan3A_748, %scan3A_749 : i32
            %scan3A_751 = arith.constant 1 : i32
            scf.for %scan3A_849 = %scan3A_748 to %scan3A_750 step %scan3A_751  : i32 {
              %jit3A = arith.constant 8 : i32
              %div3A = arith.divsi %scan3A_849, %jit3A : i32
              %sign3A = arith.constant 0 : i32
              %sign3A_850 = arith.cmpi sgt, %scan3A_849, %sign3A : i32
              %sign3A_851 = arith.extui %sign3A_850 : i1 to i32
              %sign3A_852 = arith.constant 0 : i32
              %sign3A_853 = arith.cmpi slt, %scan3A_849, %sign3A_852 : i32
              %sign3A_854 = arith.extui %sign3A_853 : i1 to i32
              %sign3A_855 = arith.subi %sign3A_851, %sign3A_854 : i32
              %sign3A_856 = arith.constant 0 : i32
              %sign3A_857 = arith.cmpi sgt, %jit3A, %sign3A_856 : i32
              %sign3A_858 = arith.extui %sign3A_857 : i1 to i32
              %sign3A_859 = arith.constant 0 : i32
              %sign3A_860 = arith.cmpi slt, %jit3A, %sign3A_859 : i32
              %sign3A_861 = arith.extui %sign3A_860 : i1 to i32
              %sign3A_862 = arith.subi %sign3A_858, %sign3A_861 : i32
              %ne3A = arith.cmpi ne, %sign3A_855, %sign3A_862 : i32
              %rem3A = arith.remsi %scan3A_849, %jit3A : i32
              %ne3A_863 = arith.constant 0 : i32
              %ne3A_864 = arith.cmpi ne, %rem3A, %ne3A_863 : i32
              %and3A = arith.andi %ne3A, %ne3A_864 : i1
              %sub3A = arith.constant 1 : i32
              %sub3A_865 = arith.subi %div3A, %sub3A : i32
              %select_n3A = arith.select %and3A, %sub3A_865, %div3A : i32
              %jit3A_866 = arith.constant 8 : i32
              %eq3A = arith.constant 0 : i32
              %eq3A_867 = arith.cmpi eq, %jit3A_866, %eq3A : i32
              %jit3A_868 = arith.constant 1 : i32
              %select_n3A_869 = arith.select %eq3A_867, %jit3A_868, %jit3A_866 : i32
              %rem3A_870 = arith.remsi %scan3A_849, %select_n3A_869 : i32
              %ne3A_871 = arith.constant 0 : i32
              %ne3A_872 = arith.cmpi ne, %rem3A_870, %ne3A_871 : i32
              %lt3A_873 = arith.constant 0 : i32
              %lt3A_874 = arith.cmpi slt, %rem3A_870, %lt3A_873 : i32
              %lt3A_875 = arith.constant 0 : i32
              %lt3A_876 = arith.cmpi slt, %select_n3A_869, %lt3A_875 : i32
              %ne3A_877 = arith.xori %lt3A_874, %lt3A_876 : i1
              %and3A_878 = arith.andi %ne3A_877, %ne3A_872 : i1
              %add3A_879 = arith.addi %rem3A_870, %select_n3A_869 : i32
              %select_n3A_880 = arith.select %and3A_878, %add3A_879, %rem3A_870 : i32
              %mul3A_881 = arith.constant 16 : i32
              %mul3A_882 = arith.muli %select_n3A_880, %mul3A_881 : i32
              %jit3A_883 = arith.constant 8 : i32
              %eq3A_884 = arith.constant 0 : i32
              %eq3A_885 = arith.cmpi eq, %jit3A_883, %eq3A_884 : i32
              %jit3A_886 = arith.constant 1 : i32
              %select_n3A_887 = arith.select %eq3A_885, %jit3A_886, %jit3A_883 : i32
              %rem3A_888 = arith.remsi %scan3A_849, %select_n3A_887 : i32
              %ne3A_889 = arith.constant 0 : i32
              %ne3A_890 = arith.cmpi ne, %rem3A_888, %ne3A_889 : i32
              %lt3A_891 = arith.constant 0 : i32
              %lt3A_892 = arith.cmpi slt, %rem3A_888, %lt3A_891 : i32
              %lt3A_893 = arith.constant 0 : i32
              %lt3A_894 = arith.cmpi slt, %select_n3A_887, %lt3A_893 : i32
              %ne3A_895 = arith.xori %lt3A_892, %lt3A_894 : i1
              %and3A_896 = arith.andi %ne3A_895, %ne3A_890 : i1
              %add3A_897 = arith.addi %rem3A_888, %select_n3A_887 : i32
              %select_n3A_898 = arith.select %and3A_896, %add3A_897, %rem3A_888 : i32
              %mul3A_899 = arith.constant 16 : i32
              %mul3A_900 = arith.muli %select_n3A_898, %mul3A_899 : i32
              %add3A_901 = arith.constant 128 : i32
              %add3A_902 = arith.addi %add3A_901, %mul3A_900 : i32
              %get3A = arith.index_cast %select_n3A : i32 to index
              %get3A_903 = arith.index_cast %add3A_902 : i32 to index
              %get3A_904 = tpu.vector_load %arg5[%get3A, %get3A_903] {strides = array<i32>} : memref<8x256xi32, #tpu.memory_space<vmem>>, vector<1x16xi32>,
              %get3A_905 = vector.shape_cast %get3A_904 : vector<1x16xi32> to vector<16xi32>
              %swap3A = arith.index_cast %select_n3A : i32 to index
              %swap3A_906 = arith.index_cast %mul3A_882 : i32 to index
              %swap3A_907 = tpu.vector_load %arg9[%swap3A, %swap3A_906] {strides = array<i32>} : memref<8x128xi32, #tpu.memory_space<vmem>>, vector<1x16xi32>,
              %swap3A_908 = vector.shape_cast %swap3A_907 : vector<1x16xi32> to vector<16xi32>
              %swap3A_909 = vector.shape_cast %get3A_905 : vector<16xi32> to vector<1x16xi32>
              tpu.vector_store %arg9[%swap3A, %swap3A_906], %swap3A_909 {strides = array<i32>} : memref<8x128xi32, #tpu.memory_space<vmem>>, vector<1x16xi32>,
              %jit3A_910 = arith.constant 8 : i32
              %eq3A_911 = arith.constant 0 : i32
              %eq3A_912 = arith.cmpi eq, %jit3A_910, %eq3A_911 : i32
              %jit3A_913 = arith.constant 1 : i32
              %select_n3A_914 = arith.select %eq3A_912, %jit3A_913, %jit3A_910 : i32
              %rem3A_915 = arith.remsi %scan3A_849, %select_n3A_914 : i32
              %ne3A_916 = arith.constant 0 : i32
              %ne3A_917 = arith.cmpi ne, %rem3A_915, %ne3A_916 : i32
              %lt3A_918 = arith.constant 0 : i32
              %lt3A_919 = arith.cmpi slt, %rem3A_915, %lt3A_918 : i32
              %lt3A_920 = arith.constant 0 : i32
              %lt3A_921 = arith.cmpi slt, %select_n3A_914, %lt3A_920 : i32
              %ne3A_922 = arith.xori %lt3A_919, %lt3A_921 : i1
              %and3A_923 = arith.andi %ne3A_922, %ne3A_917 : i1
              %add3A_924 = arith.addi %rem3A_915, %select_n3A_914 : i32
              %select_n3A_925 = arith.select %and3A_923, %add3A_924, %rem3A_915 : i32
              %mul3A_926 = arith.constant 16 : i32
              %mul3A_927 = arith.muli %select_n3A_925, %mul3A_926 : i32
              %get3A_928 = arith.index_cast %select_n3A : i32 to index
              %get3A_929 = arith.index_cast %mul3A_927 : i32 to index
              %get3A_930 = tpu.vector_load %arg5[%get3A_928, %get3A_929] {strides = array<i32>} : memref<8x256xi32, #tpu.memory_space<vmem>>, vector<1x16xi32>,
              %get3A_931 = vector.shape_cast %get3A_930 : vector<1x16xi32> to vector<16xi32>
              %mul3A_932 = arith.constant 10000 : i32
              %mul3A_933 = arith.muli %add3A, %mul3A_932 : i32
              %add3A_934 = vector.broadcast %mul3A_933 : i32 to vector<16xi32>
              %add3A_935 = arith.addi %get3A_931, %add3A_934 : vector<16xi32>
              %swap3A_936 = arith.index_cast %select_n3A : i32 to index
              %swap3A_937 = arith.index_cast %mul3A_882 : i32 to index
              %swap3A_938 = tpu.vector_load %arg7[%swap3A_936, %swap3A_937] {strides = array<i32>} : memref<8x128xi32, #tpu.memory_space<vmem>>, vector<1x16xi32>,
              %swap3A_939 = vector.shape_cast %swap3A_938 : vector<1x16xi32> to vector<16xi32>
              %swap3A_940 = vector.shape_cast %add3A_935 : vector<16xi32> to vector<1x16xi32>
              tpu.vector_store %arg7[%swap3A_936, %swap3A_937], %swap3A_940 {strides = array<i32>} : memref<8x128xi32, #tpu.memory_space<vmem>>, vector<1x16xi32>,
            }
            %scan3A_752 = arith.constant 64 : i32
            %dma_start3A_753 = arith.constant 0 : i32
            %dma_start3A_754 = arith.constant 0 : i32
            %dma_start3A_755 = arith.constant 0 : i32
            %dma_start3A_756 = arith.constant 0 : i32
            %dma_start3A_757 = tpu.memref_slice %arg11[%dma_start3A_754, %dma_start3A_755, %dma_start3A_756] : memref<8x128x16xf32, #tpu.memory_space<vmem>> -> memref<1x128x16xf32, #tpu.memory_space<vmem>>
            %dma_start3A_758 = tpu.memref_squeeze %dma_start3A_757 : memref<1x128x16xf32, #tpu.memory_space<vmem>> -> memref<128x16xf32, #tpu.memory_space<vmem>>
            %dma_start3A_759 = arith.constant 0 : i32
            %dma_start3A_760 = tpu.memref_slice %arg7[%dma_start3A_753, %dma_start3A_759] : memref<8x128xi32, #tpu.memory_space<vmem>> -> memref<1x128xi32, #tpu.memory_space<vmem>>
            %dma_start3A_761 = tpu.memref_squeeze %dma_start3A_760 : memref<1x128xi32, #tpu.memory_space<vmem>> -> memref<128xi32, #tpu.memory_space<vmem>>
            %dma_start3A_762 = arith.constant 0 : i32
            %dma_start3A_763 = arith.constant 0 : i32
            %dma_start3A_764 = tpu.memref_slice %arg2[%dma_start3A_762, %dma_start3A_763] : memref<160000x16xf32, #tpu.memory_space<hbm>> -> memref<160000x16xf32, #tpu.memory_space<hbm>>
            tpu.enqueue_indirect_dma source(%dma_start3A_764 : memref<160000x16xf32, #tpu.memory_space<hbm>>) target(%dma_start3A_758 : memref<128x16xf32, #tpu.memory_space<vmem>>) offsets(%dma_start3A_761 : memref<128xi32, #tpu.memory_space<vmem>>) semaphore(%arg15 : memref<!tpu.dma_semaphore, #tpu.memory_space<semaphore_mem>>)
            %dma_start3A_765 = arith.constant 1 : i32
            %dma_start3A_766 = arith.constant 1 : i32
            %dma_start3A_767 = arith.constant 0 : i32
            %dma_start3A_768 = arith.constant 0 : i32
            %dma_start3A_769 = tpu.memref_slice %arg11[%dma_start3A_766, %dma_start3A_767, %dma_start3A_768] : memref<8x128x16xf32, #tpu.memory_space<vmem>> -> memref<1x128x16xf32, #tpu.memory_space<vmem>>
            %dma_start3A_770 = tpu.memref_squeeze %dma_start3A_769 : memref<1x128x16xf32, #tpu.memory_space<vmem>> -> memref<128x16xf32, #tpu.memory_space<vmem>>
            %dma_start3A_771 = arith.constant 0 : i32
            %dma_start3A_772 = tpu.memref_slice %arg7[%dma_start3A_765, %dma_start3A_771] : memref<8x128xi32, #tpu.memory_space<vmem>> -> memref<1x128xi32, #tpu.memory_space<vmem>>
            %dma_start3A_773 = tpu.memref_squeeze %dma_start3A_772 : memref<1x128xi32, #tpu.memory_space<vmem>> -> memref<128xi32, #tpu.memory_space<vmem>>
            %dma_start3A_774 = arith.constant 0 : i32
            %dma_start3A_775 = arith.constant 0 : i32
            %dma_start3A_776 = tpu.memref_slice %arg2[%dma_start3A_774, %dma_start3A_775] : memref<160000x16xf32, #tpu.memory_space<hbm>> -> memref<160000x16xf32, #tpu.memory_space<hbm>>
            tpu.enqueue_indirect_dma source(%dma_start3A_776 : memref<160000x16xf32, #tpu.memory_space<hbm>>) target(%dma_start3A_770 : memref<128x16xf32, #tpu.memory_space<vmem>>) offsets(%dma_start3A_773 : memref<128xi32, #tpu.memory_space<vmem>>) semaphore(%arg15 : memref<!tpu.dma_semaphore, #tpu.memory_space<semaphore_mem>>)
            %dma_start3A_777 = arith.constant 2 : i32
            %dma_start3A_778 = arith.constant 2 : i32
            %dma_start3A_779 = arith.constant 0 : i32
            %dma_start3A_780 = arith.constant 0 : i32
            %dma_start3A_781 = tpu.memref_slice %arg11[%dma_start3A_778, %dma_start3A_779, %dma_start3A_780] : memref<8x128x16xf32, #tpu.memory_space<vmem>> -> memref<1x128x16xf32, #tpu.memory_space<vmem>>
            %dma_start3A_782 = tpu.memref_squeeze %dma_start3A_781 : memref<1x128x16xf32, #tpu.memory_space<vmem>> -> memref<128x16xf32, #tpu.memory_space<vmem>>
            %dma_start3A_783 = arith.constant 0 : i32
            %dma_start3A_784 = tpu.memref_slice %arg7[%dma_start3A_777, %dma_start3A_783] : memref<8x128xi32, #tpu.memory_space<vmem>> -> memref<1x128xi32, #tpu.memory_space<vmem>>
            %dma_start3A_785 = tpu.memref_squeeze %dma_start3A_784 : memref<1x128xi32, #tpu.memory_space<vmem>> -> memref<128xi32, #tpu.memory_space<vmem>>
            %dma_start3A_786 = arith.constant 0 : i32
            %dma_start3A_787 = arith.constant 0 : i32
            %dma_start3A_788 = tpu.memref_slice %arg2[%dma_start3A_786, %dma_start3A_787] : memref<160000x16xf32, #tpu.memory_space<hbm>> -> memref<160000x16xf32, #tpu.memory_space<hbm>>
            tpu.enqueue_indirect_dma source(%dma_start3A_788 : memref<160000x16xf32, #tpu.memory_space<hbm>>) target(%dma_start3A_782 : memref<128x16xf32, #tpu.memory_space<vmem>>) offsets(%dma_start3A_785 : memref<128xi32, #tpu.memory_space<vmem>>) semaphore(%arg15 : memref<!tpu.dma_semaphore, #tpu.memory_space<semaphore_mem>>)
            %dma_start3A_789 = arith.constant 3 : i32
            %dma_start3A_790 = arith.constant 3 : i32
            %dma_start3A_791 = arith.constant 0 : i32
            %dma_start3A_792 = arith.constant 0 : i32
            %dma_start3A_793 = tpu.memref_slice %arg11[%dma_start3A_790, %dma_start3A_791, %dma_start3A_792] : memref<8x128x16xf32, #tpu.memory_space<vmem>> -> memref<1x128x16xf32, #tpu.memory_space<vmem>>
            %dma_start3A_794 = tpu.memref_squeeze %dma_start3A_793 : memref<1x128x16xf32, #tpu.memory_space<vmem>> -> memref<128x16xf32, #tpu.memory_space<vmem>>
            %dma_start3A_795 = arith.constant 0 : i32
            %dma_start3A_796 = tpu.memref_slice %arg7[%dma_start3A_789, %dma_start3A_795] : memref<8x128xi32, #tpu.memory_space<vmem>> -> memref<1x128xi32, #tpu.memory_space<vmem>>
            %dma_start3A_797 = tpu.memref_squeeze %dma_start3A_796 : memref<1x128xi32, #tpu.memory_space<vmem>> -> memref<128xi32, #tpu.memory_space<vmem>>
            %dma_start3A_798 = arith.constant 0 : i32
            %dma_start3A_799 = arith.constant 0 : i32
            %dma_start3A_800 = tpu.memref_slice %arg2[%dma_start3A_798, %dma_start3A_799] : memref<160000x16xf32, #tpu.memory_space<hbm>> -> memref<160000x16xf32, #tpu.memory_space<hbm>>
            tpu.enqueue_indirect_dma source(%dma_start3A_800 : memref<160000x16xf32, #tpu.memory_space<hbm>>) target(%dma_start3A_794 : memref<128x16xf32, #tpu.memory_space<vmem>>) offsets(%dma_start3A_797 : memref<128xi32, #tpu.memory_space<vmem>>) semaphore(%arg15 : memref<!tpu.dma_semaphore, #tpu.memory_space<semaphore_mem>>)
            %dma_start3A_801 = arith.constant 4 : i32
            %dma_start3A_802 = arith.constant 4 : i32
            %dma_start3A_803 = arith.constant 0 : i32
            %dma_start3A_804 = arith.constant 0 : i32
            %dma_start3A_805 = tpu.memref_slice %arg11[%dma_start3A_802, %dma_start3A_803, %dma_start3A_804] : memref<8x128x16xf32, #tpu.memory_space<vmem>> -> memref<1x128x16xf32, #tpu.memory_space<vmem>>
            %dma_start3A_806 = tpu.memref_squeeze %dma_start3A_805 : memref<1x128x16xf32, #tpu.memory_space<vmem>> -> memref<128x16xf32, #tpu.memory_space<vmem>>
            %dma_start3A_807 = arith.constant 0 : i32
            %dma_start3A_808 = tpu.memref_slice %arg7[%dma_start3A_801, %dma_start3A_807] : memref<8x128xi32, #tpu.memory_space<vmem>> -> memref<1x128xi32, #tpu.memory_space<vmem>>
            %dma_start3A_809 = tpu.memref_squeeze %dma_start3A_808 : memref<1x128xi32, #tpu.memory_space<vmem>> -> memref<128xi32, #tpu.memory_space<vmem>>
            %dma_start3A_810 = arith.constant 0 : i32
            %dma_start3A_811 = arith.constant 0 : i32
            %dma_start3A_812 = tpu.memref_slice %arg2[%dma_start3A_810, %dma_start3A_811] : memref<160000x16xf32, #tpu.memory_space<hbm>> -> memref<160000x16xf32, #tpu.memory_space<hbm>>
            tpu.enqueue_indirect_dma source(%dma_start3A_812 : memref<160000x16xf32, #tpu.memory_space<hbm>>) target(%dma_start3A_806 : memref<128x16xf32, #tpu.memory_space<vmem>>) offsets(%dma_start3A_809 : memref<128xi32, #tpu.memory_space<vmem>>) semaphore(%arg15 : memref<!tpu.dma_semaphore, #tpu.memory_space<semaphore_mem>>)
            %dma_start3A_813 = arith.constant 5 : i32
            %dma_start3A_814 = arith.constant 5 : i32
            %dma_start3A_815 = arith.constant 0 : i32
            %dma_start3A_816 = arith.constant 0 : i32
            %dma_start3A_817 = tpu.memref_slice %arg11[%dma_start3A_814, %dma_start3A_815, %dma_start3A_816] : memref<8x128x16xf32, #tpu.memory_space<vmem>> -> memref<1x128x16xf32, #tpu.memory_space<vmem>>
            %dma_start3A_818 = tpu.memref_squeeze %dma_start3A_817 : memref<1x128x16xf32, #tpu.memory_space<vmem>> -> memref<128x16xf32, #tpu.memory_space<vmem>>
            %dma_start3A_819 = arith.constant 0 : i32
            %dma_start3A_820 = tpu.memref_slice %arg7[%dma_start3A_813, %dma_start3A_819] : memref<8x128xi32, #tpu.memory_space<vmem>> -> memref<1x128xi32, #tpu.memory_space<vmem>>
            %dma_start3A_821 = tpu.memref_squeeze %dma_start3A_820 : memref<1x128xi32, #tpu.memory_space<vmem>> -> memref<128xi32, #tpu.memory_space<vmem>>
            %dma_start3A_822 = arith.constant 0 : i32
            %dma_start3A_823 = arith.constant 0 : i32
            %dma_start3A_824 = tpu.memref_slice %arg2[%dma_start3A_822, %dma_start3A_823] : memref<160000x16xf32, #tpu.memory_space<hbm>> -> memref<160000x16xf32, #tpu.memory_space<hbm>>
            tpu.enqueue_indirect_dma source(%dma_start3A_824 : memref<160000x16xf32, #tpu.memory_space<hbm>>) target(%dma_start3A_818 : memref<128x16xf32, #tpu.memory_space<vmem>>) offsets(%dma_start3A_821 : memref<128xi32, #tpu.memory_space<vmem>>) semaphore(%arg15 : memref<!tpu.dma_semaphore, #tpu.memory_space<semaphore_mem>>)
            %dma_start3A_825 = arith.constant 6 : i32
            %dma_start3A_826 = arith.constant 6 : i32
            %dma_start3A_827 = arith.constant 0 : i32
            %dma_start3A_828 = arith.constant 0 : i32
            %dma_start3A_829 = tpu.memref_slice %arg11[%dma_start3A_826, %dma_start3A_827, %dma_start3A_828] : memref<8x128x16xf32, #tpu.memory_space<vmem>> -> memref<1x128x16xf32, #tpu.memory_space<vmem>>
            %dma_start3A_830 = tpu.memref_squeeze %dma_start3A_829 : memref<1x128x16xf32, #tpu.memory_space<vmem>> -> memref<128x16xf32, #tpu.memory_space<vmem>>
            %dma_start3A_831 = arith.constant 0 : i32
            %dma_start3A_832 = tpu.memref_slice %arg7[%dma_start3A_825, %dma_start3A_831] : memref<8x128xi32, #tpu.memory_space<vmem>> -> memref<1x128xi32, #tpu.memory_space<vmem>>
            %dma_start3A_833 = tpu.memref_squeeze %dma_start3A_832 : memref<1x128xi32, #tpu.memory_space<vmem>> -> memref<128xi32, #tpu.memory_space<vmem>>
            %dma_start3A_834 = arith.constant 0 : i32
            %dma_start3A_835 = arith.constant 0 : i32
            %dma_start3A_836 = tpu.memref_slice %arg2[%dma_start3A_834, %dma_start3A_835] : memref<160000x16xf32, #tpu.memory_space<hbm>> -> memref<160000x16xf32, #tpu.memory_space<hbm>>
            tpu.enqueue_indirect_dma source(%dma_start3A_836 : memref<160000x16xf32, #tpu.memory_space<hbm>>) target(%dma_start3A_830 : memref<128x16xf32, #tpu.memory_space<vmem>>) offsets(%dma_start3A_833 : memref<128xi32, #tpu.memory_space<vmem>>) semaphore(%arg15 : memref<!tpu.dma_semaphore, #tpu.memory_space<semaphore_mem>>)
            %dma_start3A_837 = arith.constant 7 : i32
            %dma_start3A_838 = arith.constant 7 : i32
            %dma_start3A_839 = arith.constant 0 : i32
            %dma_start3A_840 = arith.constant 0 : i32
            %dma_start3A_841 = tpu.memref_slice %arg11[%dma_start3A_838, %dma_start3A_839, %dma_start3A_840] : memref<8x128x16xf32, #tpu.memory_space<vmem>> -> memref<1x128x16xf32, #tpu.memory_space<vmem>>
            %dma_start3A_842 = tpu.memref_squeeze %dma_start3A_841 : memref<1x128x16xf32, #tpu.memory_space<vmem>> -> memref<128x16xf32, #tpu.memory_space<vmem>>
            %dma_start3A_843 = arith.constant 0 : i32
            %dma_start3A_844 = tpu.memref_slice %arg7[%dma_start3A_837, %dma_start3A_843] : memref<8x128xi32, #tpu.memory_space<vmem>> -> memref<1x128xi32, #tpu.memory_space<vmem>>
            %dma_start3A_845 = tpu.memref_squeeze %dma_start3A_844 : memref<1x128xi32, #tpu.memory_space<vmem>> -> memref<128xi32, #tpu.memory_space<vmem>>
            %dma_start3A_846 = arith.constant 0 : i32
            %dma_start3A_847 = arith.constant 0 : i32
            %dma_start3A_848 = tpu.memref_slice %arg2[%dma_start3A_846, %dma_start3A_847] : memref<160000x16xf32, #tpu.memory_space<hbm>> -> memref<160000x16xf32, #tpu.memory_space<hbm>>
            tpu.enqueue_indirect_dma source(%dma_start3A_848 : memref<160000x16xf32, #tpu.memory_space<hbm>>) target(%dma_start3A_842 : memref<128x16xf32, #tpu.memory_space<vmem>>) offsets(%dma_start3A_845 : memref<128xi32, #tpu.memory_space<vmem>>) semaphore(%arg15 : memref<!tpu.dma_semaphore, #tpu.memory_space<semaphore_mem>>)
          } else {
          }
          %dma_wait3A_544 = arith.constant 0 : i32
          %dma_wait3A_545 = arith.constant 0 : i32
          %dma_wait3A_546 = arith.constant 0 : i32
          %dma_wait3A_547 = arith.constant 0 : i32
          %dma_wait3A_548 = tpu.memref_slice %arg12[%dma_wait3A_545, %dma_wait3A_546, %dma_wait3A_547] : memref<8x128x16xf32, #tpu.memory_space<vmem>> -> memref<1x128x16xf32, #tpu.memory_space<vmem>>
          %dma_wait3A_549 = tpu.memref_squeeze %dma_wait3A_548 : memref<1x128x16xf32, #tpu.memory_space<vmem>> -> memref<128x16xf32, #tpu.memory_space<vmem>>
          %dma_wait3A_550 = arith.constant 0 : i32
          %dma_wait3A_551 = tpu.memref_slice %arg8[%dma_wait3A_544, %dma_wait3A_550] : memref<8x128xi32, #tpu.memory_space<vmem>> -> memref<1x128xi32, #tpu.memory_space<vmem>>
          %dma_wait3A_552 = tpu.memref_squeeze %dma_wait3A_551 : memref<1x128xi32, #tpu.memory_space<vmem>> -> memref<128xi32, #tpu.memory_space<vmem>>
          %dma_wait3A_553 = arith.constant 0 : i32
          %dma_wait3A_554 = arith.constant 0 : i32
          %dma_wait3A_555 = tpu.memref_slice %arg2[%dma_wait3A_553, %dma_wait3A_554] : memref<160000x16xf32, #tpu.memory_space<hbm>> -> memref<160000x16xf32, #tpu.memory_space<hbm>>
          tpu.wait_indirect_dma semaphore(%arg16 : memref<!tpu.dma_semaphore, #tpu.memory_space<semaphore_mem>>) src(%dma_wait3A_555 : memref<160000x16xf32, #tpu.memory_space<hbm>>) dst(%dma_wait3A_549 : memref<128x16xf32, #tpu.memory_space<vmem>>)
          %dma_wait3A_556 = arith.constant 1 : i32
          %dma_wait3A_557 = arith.constant 1 : i32
          %dma_wait3A_558 = arith.constant 0 : i32
          %dma_wait3A_559 = arith.constant 0 : i32
          %dma_wait3A_560 = tpu.memref_slice %arg12[%dma_wait3A_557, %dma_wait3A_558, %dma_wait3A_559] : memref<8x128x16xf32, #tpu.memory_space<vmem>> -> memref<1x128x16xf32, #tpu.memory_space<vmem>>
          %dma_wait3A_561 = tpu.memref_squeeze %dma_wait3A_560 : memref<1x128x16xf32, #tpu.memory_space<vmem>> -> memref<128x16xf32, #tpu.memory_space<vmem>>
          %dma_wait3A_562 = arith.constant 0 : i32
          %dma_wait3A_563 = tpu.memref_slice %arg8[%dma_wait3A_556, %dma_wait3A_562] : memref<8x128xi32, #tpu.memory_space<vmem>> -> memref<1x128xi32, #tpu.memory_space<vmem>>
          %dma_wait3A_564 = tpu.memref_squeeze %dma_wait3A_563 : memref<1x128xi32, #tpu.memory_space<vmem>> -> memref<128xi32, #tpu.memory_space<vmem>>
          %dma_wait3A_565 = arith.constant 0 : i32
          %dma_wait3A_566 = arith.constant 0 : i32
          %dma_wait3A_567 = tpu.memref_slice %arg2[%dma_wait3A_565, %dma_wait3A_566] : memref<160000x16xf32, #tpu.memory_space<hbm>> -> memref<160000x16xf32, #tpu.memory_space<hbm>>
          tpu.wait_indirect_dma semaphore(%arg16 : memref<!tpu.dma_semaphore, #tpu.memory_space<semaphore_mem>>) src(%dma_wait3A_567 : memref<160000x16xf32, #tpu.memory_space<hbm>>) dst(%dma_wait3A_561 : memref<128x16xf32, #tpu.memory_space<vmem>>)
          %dma_wait3A_568 = arith.constant 2 : i32
          %dma_wait3A_569 = arith.constant 2 : i32
          %dma_wait3A_570 = arith.constant 0 : i32
          %dma_wait3A_571 = arith.constant 0 : i32
          %dma_wait3A_572 = tpu.memref_slice %arg12[%dma_wait3A_569, %dma_wait3A_570, %dma_wait3A_571] : memref<8x128x16xf32, #tpu.memory_space<vmem>> -> memref<1x128x16xf32, #tpu.memory_space<vmem>>
          %dma_wait3A_573 = tpu.memref_squeeze %dma_wait3A_572 : memref<1x128x16xf32, #tpu.memory_space<vmem>> -> memref<128x16xf32, #tpu.memory_space<vmem>>
          %dma_wait3A_574 = arith.constant 0 : i32
          %dma_wait3A_575 = tpu.memref_slice %arg8[%dma_wait3A_568, %dma_wait3A_574] : memref<8x128xi32, #tpu.memory_space<vmem>> -> memref<1x128xi32, #tpu.memory_space<vmem>>
          %dma_wait3A_576 = tpu.memref_squeeze %dma_wait3A_575 : memref<1x128xi32, #tpu.memory_space<vmem>> -> memref<128xi32, #tpu.memory_space<vmem>>
          %dma_wait3A_577 = arith.constant 0 : i32
          %dma_wait3A_578 = arith.constant 0 : i32
          %dma_wait3A_579 = tpu.memref_slice %arg2[%dma_wait3A_577, %dma_wait3A_578] : memref<160000x16xf32, #tpu.memory_space<hbm>> -> memref<160000x16xf32, #tpu.memory_space<hbm>>
          tpu.wait_indirect_dma semaphore(%arg16 : memref<!tpu.dma_semaphore, #tpu.memory_space<semaphore_mem>>) src(%dma_wait3A_579 : memref<160000x16xf32, #tpu.memory_space<hbm>>) dst(%dma_wait3A_573 : memref<128x16xf32, #tpu.memory_space<vmem>>)
          %dma_wait3A_580 = arith.constant 3 : i32
          %dma_wait3A_581 = arith.constant 3 : i32
          %dma_wait3A_582 = arith.constant 0 : i32
          %dma_wait3A_583 = arith.constant 0 : i32
          %dma_wait3A_584 = tpu.memref_slice %arg12[%dma_wait3A_581, %dma_wait3A_582, %dma_wait3A_583] : memref<8x128x16xf32, #tpu.memory_space<vmem>> -> memref<1x128x16xf32, #tpu.memory_space<vmem>>
          %dma_wait3A_585 = tpu.memref_squeeze %dma_wait3A_584 : memref<1x128x16xf32, #tpu.memory_space<vmem>> -> memref<128x16xf32, #tpu.memory_space<vmem>>
          %dma_wait3A_586 = arith.constant 0 : i32
          %dma_wait3A_587 = tpu.memref_slice %arg8[%dma_wait3A_580, %dma_wait3A_586] : memref<8x128xi32, #tpu.memory_space<vmem>> -> memref<1x128xi32, #tpu.memory_space<vmem>>
          %dma_wait3A_588 = tpu.memref_squeeze %dma_wait3A_587 : memref<1x128xi32, #tpu.memory_space<vmem>> -> memref<128xi32, #tpu.memory_space<vmem>>
          %dma_wait3A_589 = arith.constant 0 : i32
          %dma_wait3A_590 = arith.constant 0 : i32
          %dma_wait3A_591 = tpu.memref_slice %arg2[%dma_wait3A_589, %dma_wait3A_590] : memref<160000x16xf32, #tpu.memory_space<hbm>> -> memref<160000x16xf32, #tpu.memory_space<hbm>>
          tpu.wait_indirect_dma semaphore(%arg16 : memref<!tpu.dma_semaphore, #tpu.memory_space<semaphore_mem>>) src(%dma_wait3A_591 : memref<160000x16xf32, #tpu.memory_space<hbm>>) dst(%dma_wait3A_585 : memref<128x16xf32, #tpu.memory_space<vmem>>)
          %dma_wait3A_592 = arith.constant 4 : i32
          %dma_wait3A_593 = arith.constant 4 : i32
          %dma_wait3A_594 = arith.constant 0 : i32
          %dma_wait3A_595 = arith.constant 0 : i32
          %dma_wait3A_596 = tpu.memref_slice %arg12[%dma_wait3A_593, %dma_wait3A_594, %dma_wait3A_595] : memref<8x128x16xf32, #tpu.memory_space<vmem>> -> memref<1x128x16xf32, #tpu.memory_space<vmem>>
          %dma_wait3A_597 = tpu.memref_squeeze %dma_wait3A_596 : memref<1x128x16xf32, #tpu.memory_space<vmem>> -> memref<128x16xf32, #tpu.memory_space<vmem>>
          %dma_wait3A_598 = arith.constant 0 : i32
          %dma_wait3A_599 = tpu.memref_slice %arg8[%dma_wait3A_592, %dma_wait3A_598] : memref<8x128xi32, #tpu.memory_space<vmem>> -> memref<1x128xi32, #tpu.memory_space<vmem>>
          %dma_wait3A_600 = tpu.memref_squeeze %dma_wait3A_599 : memref<1x128xi32, #tpu.memory_space<vmem>> -> memref<128xi32, #tpu.memory_space<vmem>>
          %dma_wait3A_601 = arith.constant 0 : i32
          %dma_wait3A_602 = arith.constant 0 : i32
          %dma_wait3A_603 = tpu.memref_slice %arg2[%dma_wait3A_601, %dma_wait3A_602] : memref<160000x16xf32, #tpu.memory_space<hbm>> -> memref<160000x16xf32, #tpu.memory_space<hbm>>
          tpu.wait_indirect_dma semaphore(%arg16 : memref<!tpu.dma_semaphore, #tpu.memory_space<semaphore_mem>>) src(%dma_wait3A_603 : memref<160000x16xf32, #tpu.memory_space<hbm>>) dst(%dma_wait3A_597 : memref<128x16xf32, #tpu.memory_space<vmem>>)
          %dma_wait3A_604 = arith.constant 5 : i32
          %dma_wait3A_605 = arith.constant 5 : i32
          %dma_wait3A_606 = arith.constant 0 : i32
          %dma_wait3A_607 = arith.constant 0 : i32
          %dma_wait3A_608 = tpu.memref_slice %arg12[%dma_wait3A_605, %dma_wait3A_606, %dma_wait3A_607] : memref<8x128x16xf32, #tpu.memory_space<vmem>> -> memref<1x128x16xf32, #tpu.memory_space<vmem>>
          %dma_wait3A_609 = tpu.memref_squeeze %dma_wait3A_608 : memref<1x128x16xf32, #tpu.memory_space<vmem>> -> memref<128x16xf32, #tpu.memory_space<vmem>>
          %dma_wait3A_610 = arith.constant 0 : i32
          %dma_wait3A_611 = tpu.memref_slice %arg8[%dma_wait3A_604, %dma_wait3A_610] : memref<8x128xi32, #tpu.memory_space<vmem>> -> memref<1x128xi32, #tpu.memory_space<vmem>>
          %dma_wait3A_612 = tpu.memref_squeeze %dma_wait3A_611 : memref<1x128xi32, #tpu.memory_space<vmem>> -> memref<128xi32, #tpu.memory_space<vmem>>
          %dma_wait3A_613 = arith.constant 0 : i32
          %dma_wait3A_614 = arith.constant 0 : i32
          %dma_wait3A_615 = tpu.memref_slice %arg2[%dma_wait3A_613, %dma_wait3A_614] : memref<160000x16xf32, #tpu.memory_space<hbm>> -> memref<160000x16xf32, #tpu.memory_space<hbm>>
          tpu.wait_indirect_dma semaphore(%arg16 : memref<!tpu.dma_semaphore, #tpu.memory_space<semaphore_mem>>) src(%dma_wait3A_615 : memref<160000x16xf32, #tpu.memory_space<hbm>>) dst(%dma_wait3A_609 : memref<128x16xf32, #tpu.memory_space<vmem>>)
          %dma_wait3A_616 = arith.constant 6 : i32
          %dma_wait3A_617 = arith.constant 6 : i32
          %dma_wait3A_618 = arith.constant 0 : i32
          %dma_wait3A_619 = arith.constant 0 : i32
          %dma_wait3A_620 = tpu.memref_slice %arg12[%dma_wait3A_617, %dma_wait3A_618, %dma_wait3A_619] : memref<8x128x16xf32, #tpu.memory_space<vmem>> -> memref<1x128x16xf32, #tpu.memory_space<vmem>>
          %dma_wait3A_621 = tpu.memref_squeeze %dma_wait3A_620 : memref<1x128x16xf32, #tpu.memory_space<vmem>> -> memref<128x16xf32, #tpu.memory_space<vmem>>
          %dma_wait3A_622 = arith.constant 0 : i32
          %dma_wait3A_623 = tpu.memref_slice %arg8[%dma_wait3A_616, %dma_wait3A_622] : memref<8x128xi32, #tpu.memory_space<vmem>> -> memref<1x128xi32, #tpu.memory_space<vmem>>
          %dma_wait3A_624 = tpu.memref_squeeze %dma_wait3A_623 : memref<1x128xi32, #tpu.memory_space<vmem>> -> memref<128xi32, #tpu.memory_space<vmem>>
          %dma_wait3A_625 = arith.constant 0 : i32
          %dma_wait3A_626 = arith.constant 0 : i32
          %dma_wait3A_627 = tpu.memref_slice %arg2[%dma_wait3A_625, %dma_wait3A_626] : memref<160000x16xf32, #tpu.memory_space<hbm>> -> memref<160000x16xf32, #tpu.memory_space<hbm>>
          tpu.wait_indirect_dma semaphore(%arg16 : memref<!tpu.dma_semaphore, #tpu.memory_space<semaphore_mem>>) src(%dma_wait3A_627 : memref<160000x16xf32, #tpu.memory_space<hbm>>) dst(%dma_wait3A_621 : memref<128x16xf32, #tpu.memory_space<vmem>>)
          %dma_wait3A_628 = arith.constant 7 : i32
          %dma_wait3A_629 = arith.constant 7 : i32
          %dma_wait3A_630 = arith.constant 0 : i32
          %dma_wait3A_631 = arith.constant 0 : i32
          %dma_wait3A_632 = tpu.memref_slice %arg12[%dma_wait3A_629, %dma_wait3A_630, %dma_wait3A_631] : memref<8x128x16xf32, #tpu.memory_space<vmem>> -> memref<1x128x16xf32, #tpu.memory_space<vmem>>
          %dma_wait3A_633 = tpu.memref_squeeze %dma_wait3A_632 : memref<1x128x16xf32, #tpu.memory_space<vmem>> -> memref<128x16xf32, #tpu.memory_space<vmem>>
          %dma_wait3A_634 = arith.constant 0 : i32
          %dma_wait3A_635 = tpu.memref_slice %arg8[%dma_wait3A_628, %dma_wait3A_634] : memref<8x128xi32, #tpu.memory_space<vmem>> -> memref<1x128xi32, #tpu.memory_space<vmem>>
          %dma_wait3A_636 = tpu.memref_squeeze %dma_wait3A_635 : memref<1x128xi32, #tpu.memory_space<vmem>> -> memref<128xi32, #tpu.memory_space<vmem>>
          %dma_wait3A_637 = arith.constant 0 : i32
          %dma_wait3A_638 = arith.constant 0 : i32
          %dma_wait3A_639 = tpu.memref_slice %arg2[%dma_wait3A_637, %dma_wait3A_638] : memref<160000x16xf32, #tpu.memory_space<hbm>> -> memref<160000x16xf32, #tpu.memory_space<hbm>>
          tpu.wait_indirect_dma semaphore(%arg16 : memref<!tpu.dma_semaphore, #tpu.memory_space<semaphore_mem>>) src(%dma_wait3A_639 : memref<160000x16xf32, #tpu.memory_space<hbm>>) dst(%dma_wait3A_633 : memref<128x16xf32, #tpu.memory_space<vmem>>)
          %dma_start3A_640 = arith.constant 0 : i32
          %dma_start3A_641 = arith.constant 0 : i32
          %dma_start3A_642 = arith.constant 0 : i32
          %dma_start3A_643 = arith.constant 0 : i32
          %dma_start3A_644 = tpu.memref_slice %arg12[%dma_start3A_640, %dma_start3A_642, %dma_start3A_643] : memref<8x128x16xf32, #tpu.memory_space<vmem>> -> memref<1x128x16xf32, #tpu.memory_space<vmem>>
          %dma_start3A_645 = tpu.memref_squeeze %dma_start3A_644 : memref<1x128x16xf32, #tpu.memory_space<vmem>> -> memref<128x16xf32, #tpu.memory_space<vmem>>
          %dma_start3A_646 = arith.constant 0 : i32
          %dma_start3A_647 = tpu.memref_slice %arg10[%dma_start3A_641, %dma_start3A_646] : memref<8x128xi32, #tpu.memory_space<vmem>> -> memref<1x128xi32, #tpu.memory_space<vmem>>
          %dma_start3A_648 = tpu.memref_squeeze %dma_start3A_647 : memref<1x128xi32, #tpu.memory_space<vmem>> -> memref<128xi32, #tpu.memory_space<vmem>>
          %dma_start3A_649 = arith.constant 0 : i32
          %dma_start3A_650 = arith.constant 0 : i32
          %dma_start3A_651 = tpu.memref_slice %arg14[%dma_start3A_649, %dma_start3A_650] : memref<83200x16xf32, #tpu.memory_space<vmem_shared>> -> memref<83200x16xf32, #tpu.memory_space<vmem_shared>>
          tpu.enqueue_indirect_dma source(%dma_start3A_645 : memref<128x16xf32, #tpu.memory_space<vmem>>) target(%dma_start3A_651 : memref<83200x16xf32, #tpu.memory_space<vmem_shared>>) offsets(%dma_start3A_648 : memref<128xi32, #tpu.memory_space<vmem>>) semaphore(%arg18 : memref<!tpu.dma_semaphore, #tpu.memory_space<semaphore_mem>>) {add = true}
          %dma_start3A_652 = arith.constant 1 : i32
          %dma_start3A_653 = arith.constant 1 : i32
          %dma_start3A_654 = arith.constant 0 : i32
          %dma_start3A_655 = arith.constant 0 : i32
          %dma_start3A_656 = tpu.memref_slice %arg12[%dma_start3A_652, %dma_start3A_654, %dma_start3A_655] : memref<8x128x16xf32, #tpu.memory_space<vmem>> -> memref<1x128x16xf32, #tpu.memory_space<vmem>>
          %dma_start3A_657 = tpu.memref_squeeze %dma_start3A_656 : memref<1x128x16xf32, #tpu.memory_space<vmem>> -> memref<128x16xf32, #tpu.memory_space<vmem>>
          %dma_start3A_658 = arith.constant 0 : i32
          %dma_start3A_659 = tpu.memref_slice %arg10[%dma_start3A_653, %dma_start3A_658] : memref<8x128xi32, #tpu.memory_space<vmem>> -> memref<1x128xi32, #tpu.memory_space<vmem>>
          %dma_start3A_660 = tpu.memref_squeeze %dma_start3A_659 : memref<1x128xi32, #tpu.memory_space<vmem>> -> memref<128xi32, #tpu.memory_space<vmem>>
          %dma_start3A_661 = arith.constant 0 : i32
          %dma_start3A_662 = arith.constant 0 : i32
          %dma_start3A_663 = tpu.memref_slice %arg14[%dma_start3A_661, %dma_start3A_662] : memref<83200x16xf32, #tpu.memory_space<vmem_shared>> -> memref<83200x16xf32, #tpu.memory_space<vmem_shared>>
          tpu.enqueue_indirect_dma source(%dma_start3A_657 : memref<128x16xf32, #tpu.memory_space<vmem>>) target(%dma_start3A_663 : memref<83200x16xf32, #tpu.memory_space<vmem_shared>>) offsets(%dma_start3A_660 : memref<128xi32, #tpu.memory_space<vmem>>) semaphore(%arg18 : memref<!tpu.dma_semaphore, #tpu.memory_space<semaphore_mem>>) {add = true}
          %dma_start3A_664 = arith.constant 2 : i32
          %dma_start3A_665 = arith.constant 2 : i32
          %dma_start3A_666 = arith.constant 0 : i32
          %dma_start3A_667 = arith.constant 0 : i32
          %dma_start3A_668 = tpu.memref_slice %arg12[%dma_start3A_664, %dma_start3A_666, %dma_start3A_667] : memref<8x128x16xf32, #tpu.memory_space<vmem>> -> memref<1x128x16xf32, #tpu.memory_space<vmem>>
          %dma_start3A_669 = tpu.memref_squeeze %dma_start3A_668 : memref<1x128x16xf32, #tpu.memory_space<vmem>> -> memref<128x16xf32, #tpu.memory_space<vmem>>
          %dma_start3A_670 = arith.constant 0 : i32
          %dma_start3A_671 = tpu.memref_slice %arg10[%dma_start3A_665, %dma_start3A_670] : memref<8x128xi32, #tpu.memory_space<vmem>> -> memref<1x128xi32, #tpu.memory_space<vmem>>
          %dma_start3A_672 = tpu.memref_squeeze %dma_start3A_671 : memref<1x128xi32, #tpu.memory_space<vmem>> -> memref<128xi32, #tpu.memory_space<vmem>>
          %dma_start3A_673 = arith.constant 0 : i32
          %dma_start3A_674 = arith.constant 0 : i32
          %dma_start3A_675 = tpu.memref_slice %arg14[%dma_start3A_673, %dma_start3A_674] : memref<83200x16xf32, #tpu.memory_space<vmem_shared>> -> memref<83200x16xf32, #tpu.memory_space<vmem_shared>>
          tpu.enqueue_indirect_dma source(%dma_start3A_669 : memref<128x16xf32, #tpu.memory_space<vmem>>) target(%dma_start3A_675 : memref<83200x16xf32, #tpu.memory_space<vmem_shared>>) offsets(%dma_start3A_672 : memref<128xi32, #tpu.memory_space<vmem>>) semaphore(%arg18 : memref<!tpu.dma_semaphore, #tpu.memory_space<semaphore_mem>>) {add = true}
          %dma_start3A_676 = arith.constant 3 : i32
          %dma_start3A_677 = arith.constant 3 : i32
          %dma_start3A_678 = arith.constant 0 : i32
          %dma_start3A_679 = arith.constant 0 : i32
          %dma_start3A_680 = tpu.memref_slice %arg12[%dma_start3A_676, %dma_start3A_678, %dma_start3A_679] : memref<8x128x16xf32, #tpu.memory_space<vmem>> -> memref<1x128x16xf32, #tpu.memory_space<vmem>>
          %dma_start3A_681 = tpu.memref_squeeze %dma_start3A_680 : memref<1x128x16xf32, #tpu.memory_space<vmem>> -> memref<128x16xf32, #tpu.memory_space<vmem>>
          %dma_start3A_682 = arith.constant 0 : i32
          %dma_start3A_683 = tpu.memref_slice %arg10[%dma_start3A_677, %dma_start3A_682] : memref<8x128xi32, #tpu.memory_space<vmem>> -> memref<1x128xi32, #tpu.memory_space<vmem>>
          %dma_start3A_684 = tpu.memref_squeeze %dma_start3A_683 : memref<1x128xi32, #tpu.memory_space<vmem>> -> memref<128xi32, #tpu.memory_space<vmem>>
          %dma_start3A_685 = arith.constant 0 : i32
          %dma_start3A_686 = arith.constant 0 : i32
          %dma_start3A_687 = tpu.memref_slice %arg14[%dma_start3A_685, %dma_start3A_686] : memref<83200x16xf32, #tpu.memory_space<vmem_shared>> -> memref<83200x16xf32, #tpu.memory_space<vmem_shared>>
          tpu.enqueue_indirect_dma source(%dma_start3A_681 : memref<128x16xf32, #tpu.memory_space<vmem>>) target(%dma_start3A_687 : memref<83200x16xf32, #tpu.memory_space<vmem_shared>>) offsets(%dma_start3A_684 : memref<128xi32, #tpu.memory_space<vmem>>) semaphore(%arg18 : memref<!tpu.dma_semaphore, #tpu.memory_space<semaphore_mem>>) {add = true}
          %dma_start3A_688 = arith.constant 4 : i32
          %dma_start3A_689 = arith.constant 4 : i32
          %dma_start3A_690 = arith.constant 0 : i32
          %dma_start3A_691 = arith.constant 0 : i32
          %dma_start3A_692 = tpu.memref_slice %arg12[%dma_start3A_688, %dma_start3A_690, %dma_start3A_691] : memref<8x128x16xf32, #tpu.memory_space<vmem>> -> memref<1x128x16xf32, #tpu.memory_space<vmem>>
          %dma_start3A_693 = tpu.memref_squeeze %dma_start3A_692 : memref<1x128x16xf32, #tpu.memory_space<vmem>> -> memref<128x16xf32, #tpu.memory_space<vmem>>
          %dma_start3A_694 = arith.constant 0 : i32
          %dma_start3A_695 = tpu.memref_slice %arg10[%dma_start3A_689, %dma_start3A_694] : memref<8x128xi32, #tpu.memory_space<vmem>> -> memref<1x128xi32, #tpu.memory_space<vmem>>
          %dma_start3A_696 = tpu.memref_squeeze %dma_start3A_695 : memref<1x128xi32, #tpu.memory_space<vmem>> -> memref<128xi32, #tpu.memory_space<vmem>>
          %dma_start3A_697 = arith.constant 0 : i32
          %dma_start3A_698 = arith.constant 0 : i32
          %dma_start3A_699 = tpu.memref_slice %arg14[%dma_start3A_697, %dma_start3A_698] : memref<83200x16xf32, #tpu.memory_space<vmem_shared>> -> memref<83200x16xf32, #tpu.memory_space<vmem_shared>>
          tpu.enqueue_indirect_dma source(%dma_start3A_693 : memref<128x16xf32, #tpu.memory_space<vmem>>) target(%dma_start3A_699 : memref<83200x16xf32, #tpu.memory_space<vmem_shared>>) offsets(%dma_start3A_696 : memref<128xi32, #tpu.memory_space<vmem>>) semaphore(%arg18 : memref<!tpu.dma_semaphore, #tpu.memory_space<semaphore_mem>>) {add = true}
          %dma_start3A_700 = arith.constant 5 : i32
          %dma_start3A_701 = arith.constant 5 : i32
          %dma_start3A_702 = arith.constant 0 : i32
          %dma_start3A_703 = arith.constant 0 : i32
          %dma_start3A_704 = tpu.memref_slice %arg12[%dma_start3A_700, %dma_start3A_702, %dma_start3A_703] : memref<8x128x16xf32, #tpu.memory_space<vmem>> -> memref<1x128x16xf32, #tpu.memory_space<vmem>>
          %dma_start3A_705 = tpu.memref_squeeze %dma_start3A_704 : memref<1x128x16xf32, #tpu.memory_space<vmem>> -> memref<128x16xf32, #tpu.memory_space<vmem>>
          %dma_start3A_706 = arith.constant 0 : i32
          %dma_start3A_707 = tpu.memref_slice %arg10[%dma_start3A_701, %dma_start3A_706] : memref<8x128xi32, #tpu.memory_space<vmem>> -> memref<1x128xi32, #tpu.memory_space<vmem>>
          %dma_start3A_708 = tpu.memref_squeeze %dma_start3A_707 : memref<1x128xi32, #tpu.memory_space<vmem>> -> memref<128xi32, #tpu.memory_space<vmem>>
          %dma_start3A_709 = arith.constant 0 : i32
          %dma_start3A_710 = arith.constant 0 : i32
          %dma_start3A_711 = tpu.memref_slice %arg14[%dma_start3A_709, %dma_start3A_710] : memref<83200x16xf32, #tpu.memory_space<vmem_shared>> -> memref<83200x16xf32, #tpu.memory_space<vmem_shared>>
          tpu.enqueue_indirect_dma source(%dma_start3A_705 : memref<128x16xf32, #tpu.memory_space<vmem>>) target(%dma_start3A_711 : memref<83200x16xf32, #tpu.memory_space<vmem_shared>>) offsets(%dma_start3A_708 : memref<128xi32, #tpu.memory_space<vmem>>) semaphore(%arg18 : memref<!tpu.dma_semaphore, #tpu.memory_space<semaphore_mem>>) {add = true}
          %dma_start3A_712 = arith.constant 6 : i32
          %dma_start3A_713 = arith.constant 6 : i32
          %dma_start3A_714 = arith.constant 0 : i32
          %dma_start3A_715 = arith.constant 0 : i32
          %dma_start3A_716 = tpu.memref_slice %arg12[%dma_start3A_712, %dma_start3A_714, %dma_start3A_715] : memref<8x128x16xf32, #tpu.memory_space<vmem>> -> memref<1x128x16xf32, #tpu.memory_space<vmem>>
          %dma_start3A_717 = tpu.memref_squeeze %dma_start3A_716 : memref<1x128x16xf32, #tpu.memory_space<vmem>> -> memref<128x16xf32, #tpu.memory_space<vmem>>
          %dma_start3A_718 = arith.constant 0 : i32
          %dma_start3A_719 = tpu.memref_slice %arg10[%dma_start3A_713, %dma_start3A_718] : memref<8x128xi32, #tpu.memory_space<vmem>> -> memref<1x128xi32, #tpu.memory_space<vmem>>
          %dma_start3A_720 = tpu.memref_squeeze %dma_start3A_719 : memref<1x128xi32, #tpu.memory_space<vmem>> -> memref<128xi32, #tpu.memory_space<vmem>>
          %dma_start3A_721 = arith.constant 0 : i32
          %dma_start3A_722 = arith.constant 0 : i32
          %dma_start3A_723 = tpu.memref_slice %arg14[%dma_start3A_721, %dma_start3A_722] : memref<83200x16xf32, #tpu.memory_space<vmem_shared>> -> memref<83200x16xf32, #tpu.memory_space<vmem_shared>>
          tpu.enqueue_indirect_dma source(%dma_start3A_717 : memref<128x16xf32, #tpu.memory_space<vmem>>) target(%dma_start3A_723 : memref<83200x16xf32, #tpu.memory_space<vmem_shared>>) offsets(%dma_start3A_720 : memref<128xi32, #tpu.memory_space<vmem>>) semaphore(%arg18 : memref<!tpu.dma_semaphore, #tpu.memory_space<semaphore_mem>>) {add = true}
          %dma_start3A_724 = arith.constant 7 : i32
          %dma_start3A_725 = arith.constant 7 : i32
          %dma_start3A_726 = arith.constant 0 : i32
          %dma_start3A_727 = arith.constant 0 : i32
          %dma_start3A_728 = tpu.memref_slice %arg12[%dma_start3A_724, %dma_start3A_726, %dma_start3A_727] : memref<8x128x16xf32, #tpu.memory_space<vmem>> -> memref<1x128x16xf32, #tpu.memory_space<vmem>>
          %dma_start3A_729 = tpu.memref_squeeze %dma_start3A_728 : memref<1x128x16xf32, #tpu.memory_space<vmem>> -> memref<128x16xf32, #tpu.memory_space<vmem>>
          %dma_start3A_730 = arith.constant 0 : i32
          %dma_start3A_731 = tpu.memref_slice %arg10[%dma_start3A_725, %dma_start3A_730] : memref<8x128xi32, #tpu.memory_space<vmem>> -> memref<1x128xi32, #tpu.memory_space<vmem>>
          %dma_start3A_732 = tpu.memref_squeeze %dma_start3A_731 : memref<1x128xi32, #tpu.memory_space<vmem>> -> memref<128xi32, #tpu.memory_space<vmem>>
          %dma_start3A_733 = arith.constant 0 : i32
          %dma_start3A_734 = arith.constant 0 : i32
          %dma_start3A_735 = tpu.memref_slice %arg14[%dma_start3A_733, %dma_start3A_734] : memref<83200x16xf32, #tpu.memory_space<vmem_shared>> -> memref<83200x16xf32, #tpu.memory_space<vmem_shared>>
          tpu.enqueue_indirect_dma source(%dma_start3A_729 : memref<128x16xf32, #tpu.memory_space<vmem>>) target(%dma_start3A_735 : memref<83200x16xf32, #tpu.memory_space<vmem_shared>>) offsets(%dma_start3A_732 : memref<128xi32, #tpu.memory_space<vmem>>) semaphore(%arg18 : memref<!tpu.dma_semaphore, #tpu.memory_space<semaphore_mem>>) {add = true}
        }
        %scan3A_133 = arith.constant 10 : i32
        %dma_wait3A = arith.constant 0 : i32
        %dma_wait3A_134 = arith.constant 0 : i32
        %dma_wait3A_135 = arith.constant 0 : i32
        %dma_wait3A_136 = arith.constant 0 : i32
        %dma_wait3A_137 = tpu.memref_slice %arg11[%dma_wait3A, %dma_wait3A_135, %dma_wait3A_136] : memref<8x128x16xf32, #tpu.memory_space<vmem>> -> memref<1x128x16xf32, #tpu.memory_space<vmem>>
        %dma_wait3A_138 = tpu.memref_squeeze %dma_wait3A_137 : memref<1x128x16xf32, #tpu.memory_space<vmem>> -> memref<128x16xf32, #tpu.memory_space<vmem>>
        %dma_wait3A_139 = arith.constant 0 : i32
        %dma_wait3A_140 = tpu.memref_slice %arg9[%dma_wait3A_134, %dma_wait3A_139] : memref<8x128xi32, #tpu.memory_space<vmem>> -> memref<1x128xi32, #tpu.memory_space<vmem>>
        %dma_wait3A_141 = tpu.memref_squeeze %dma_wait3A_140 : memref<1x128xi32, #tpu.memory_space<vmem>> -> memref<128xi32, #tpu.memory_space<vmem>>
        %dma_wait3A_142 = arith.constant 0 : i32
        %dma_wait3A_143 = arith.constant 0 : i32
        %dma_wait3A_144 = tpu.memref_slice %arg14[%dma_wait3A_142, %dma_wait3A_143] : memref<83200x16xf32, #tpu.memory_space<vmem_shared>> -> memref<83200x16xf32, #tpu.memory_space<vmem_shared>>
        tpu.wait_indirect_dma semaphore(%arg17 : memref<!tpu.dma_semaphore, #tpu.memory_space<semaphore_mem>>) src(%dma_wait3A_138 : memref<128x16xf32, #tpu.memory_space<vmem>>) dst(%dma_wait3A_144 : memref<83200x16xf32, #tpu.memory_space<vmem_shared>>)
        %dma_wait3A_145 = arith.constant 1 : i32
        %dma_wait3A_146 = arith.constant 1 : i32
        %dma_wait3A_147 = arith.constant 0 : i32
        %dma_wait3A_148 = arith.constant 0 : i32
        %dma_wait3A_149 = tpu.memref_slice %arg11[%dma_wait3A_145, %dma_wait3A_147, %dma_wait3A_148] : memref<8x128x16xf32, #tpu.memory_space<vmem>> -> memref<1x128x16xf32, #tpu.memory_space<vmem>>
        %dma_wait3A_150 = tpu.memref_squeeze %dma_wait3A_149 : memref<1x128x16xf32, #tpu.memory_space<vmem>> -> memref<128x16xf32, #tpu.memory_space<vmem>>
        %dma_wait3A_151 = arith.constant 0 : i32
        %dma_wait3A_152 = tpu.memref_slice %arg9[%dma_wait3A_146, %dma_wait3A_151] : memref<8x128xi32, #tpu.memory_space<vmem>> -> memref<1x128xi32, #tpu.memory_space<vmem>>
        %dma_wait3A_153 = tpu.memref_squeeze %dma_wait3A_152 : memref<1x128xi32, #tpu.memory_space<vmem>> -> memref<128xi32, #tpu.memory_space<vmem>>
        %dma_wait3A_154 = arith.constant 0 : i32
        %dma_wait3A_155 = arith.constant 0 : i32
        %dma_wait3A_156 = tpu.memref_slice %arg14[%dma_wait3A_154, %dma_wait3A_155] : memref<83200x16xf32, #tpu.memory_space<vmem_shared>> -> memref<83200x16xf32, #tpu.memory_space<vmem_shared>>
        tpu.wait_indirect_dma semaphore(%arg17 : memref<!tpu.dma_semaphore, #tpu.memory_space<semaphore_mem>>) src(%dma_wait3A_150 : memref<128x16xf32, #tpu.memory_space<vmem>>) dst(%dma_wait3A_156 : memref<83200x16xf32, #tpu.memory_space<vmem_shared>>)
        %dma_wait3A_157 = arith.constant 2 : i32
        %dma_wait3A_158 = arith.constant 2 : i32
        %dma_wait3A_159 = arith.constant 0 : i32
        %dma_wait3A_160 = arith.constant 0 : i32
        %dma_wait3A_161 = tpu.memref_slice %arg11[%dma_wait3A_157, %dma_wait3A_159, %dma_wait3A_160] : memref<8x128x16xf32, #tpu.memory_space<vmem>> -> memref<1x128x16xf32, #tpu.memory_space<vmem>>
        %dma_wait3A_162 = tpu.memref_squeeze %dma_wait3A_161 : memref<1x128x16xf32, #tpu.memory_space<vmem>> -> memref<128x16xf32, #tpu.memory_space<vmem>>
        %dma_wait3A_163 = arith.constant 0 : i32
        %dma_wait3A_164 = tpu.memref_slice %arg9[%dma_wait3A_158, %dma_wait3A_163] : memref<8x128xi32, #tpu.memory_space<vmem>> -> memref<1x128xi32, #tpu.memory_space<vmem>>
        %dma_wait3A_165 = tpu.memref_squeeze %dma_wait3A_164 : memref<1x128xi32, #tpu.memory_space<vmem>> -> memref<128xi32, #tpu.memory_space<vmem>>
        %dma_wait3A_166 = arith.constant 0 : i32
        %dma_wait3A_167 = arith.constant 0 : i32
        %dma_wait3A_168 = tpu.memref_slice %arg14[%dma_wait3A_166, %dma_wait3A_167] : memref<83200x16xf32, #tpu.memory_space<vmem_shared>> -> memref<83200x16xf32, #tpu.memory_space<vmem_shared>>
        tpu.wait_indirect_dma semaphore(%arg17 : memref<!tpu.dma_semaphore, #tpu.memory_space<semaphore_mem>>) src(%dma_wait3A_162 : memref<128x16xf32, #tpu.memory_space<vmem>>) dst(%dma_wait3A_168 : memref<83200x16xf32, #tpu.memory_space<vmem_shared>>)
        %dma_wait3A_169 = arith.constant 3 : i32
        %dma_wait3A_170 = arith.constant 3 : i32
        %dma_wait3A_171 = arith.constant 0 : i32
        %dma_wait3A_172 = arith.constant 0 : i32
        %dma_wait3A_173 = tpu.memref_slice %arg11[%dma_wait3A_169, %dma_wait3A_171, %dma_wait3A_172] : memref<8x128x16xf32, #tpu.memory_space<vmem>> -> memref<1x128x16xf32, #tpu.memory_space<vmem>>
        %dma_wait3A_174 = tpu.memref_squeeze %dma_wait3A_173 : memref<1x128x16xf32, #tpu.memory_space<vmem>> -> memref<128x16xf32, #tpu.memory_space<vmem>>
        %dma_wait3A_175 = arith.constant 0 : i32
        %dma_wait3A_176 = tpu.memref_slice %arg9[%dma_wait3A_170, %dma_wait3A_175] : memref<8x128xi32, #tpu.memory_space<vmem>> -> memref<1x128xi32, #tpu.memory_space<vmem>>
        %dma_wait3A_177 = tpu.memref_squeeze %dma_wait3A_176 : memref<1x128xi32, #tpu.memory_space<vmem>> -> memref<128xi32, #tpu.memory_space<vmem>>
        %dma_wait3A_178 = arith.constant 0 : i32
        %dma_wait3A_179 = arith.constant 0 : i32
        %dma_wait3A_180 = tpu.memref_slice %arg14[%dma_wait3A_178, %dma_wait3A_179] : memref<83200x16xf32, #tpu.memory_space<vmem_shared>> -> memref<83200x16xf32, #tpu.memory_space<vmem_shared>>
        tpu.wait_indirect_dma semaphore(%arg17 : memref<!tpu.dma_semaphore, #tpu.memory_space<semaphore_mem>>) src(%dma_wait3A_174 : memref<128x16xf32, #tpu.memory_space<vmem>>) dst(%dma_wait3A_180 : memref<83200x16xf32, #tpu.memory_space<vmem_shared>>)
        %dma_wait3A_181 = arith.constant 4 : i32
        %dma_wait3A_182 = arith.constant 4 : i32
        %dma_wait3A_183 = arith.constant 0 : i32
        %dma_wait3A_184 = arith.constant 0 : i32
        %dma_wait3A_185 = tpu.memref_slice %arg11[%dma_wait3A_181, %dma_wait3A_183, %dma_wait3A_184] : memref<8x128x16xf32, #tpu.memory_space<vmem>> -> memref<1x128x16xf32, #tpu.memory_space<vmem>>
        %dma_wait3A_186 = tpu.memref_squeeze %dma_wait3A_185 : memref<1x128x16xf32, #tpu.memory_space<vmem>> -> memref<128x16xf32, #tpu.memory_space<vmem>>
        %dma_wait3A_187 = arith.constant 0 : i32
        %dma_wait3A_188 = tpu.memref_slice %arg9[%dma_wait3A_182, %dma_wait3A_187] : memref<8x128xi32, #tpu.memory_space<vmem>> -> memref<1x128xi32, #tpu.memory_space<vmem>>
        %dma_wait3A_189 = tpu.memref_squeeze %dma_wait3A_188 : memref<1x128xi32, #tpu.memory_space<vmem>> -> memref<128xi32, #tpu.memory_space<vmem>>
        %dma_wait3A_190 = arith.constant 0 : i32
        %dma_wait3A_191 = arith.constant 0 : i32
        %dma_wait3A_192 = tpu.memref_slice %arg14[%dma_wait3A_190, %dma_wait3A_191] : memref<83200x16xf32, #tpu.memory_space<vmem_shared>> -> memref<83200x16xf32, #tpu.memory_space<vmem_shared>>
        tpu.wait_indirect_dma semaphore(%arg17 : memref<!tpu.dma_semaphore, #tpu.memory_space<semaphore_mem>>) src(%dma_wait3A_186 : memref<128x16xf32, #tpu.memory_space<vmem>>) dst(%dma_wait3A_192 : memref<83200x16xf32, #tpu.memory_space<vmem_shared>>)
        %dma_wait3A_193 = arith.constant 5 : i32
        %dma_wait3A_194 = arith.constant 5 : i32
        %dma_wait3A_195 = arith.constant 0 : i32
        %dma_wait3A_196 = arith.constant 0 : i32
        %dma_wait3A_197 = tpu.memref_slice %arg11[%dma_wait3A_193, %dma_wait3A_195, %dma_wait3A_196] : memref<8x128x16xf32, #tpu.memory_space<vmem>> -> memref<1x128x16xf32, #tpu.memory_space<vmem>>
        %dma_wait3A_198 = tpu.memref_squeeze %dma_wait3A_197 : memref<1x128x16xf32, #tpu.memory_space<vmem>> -> memref<128x16xf32, #tpu.memory_space<vmem>>
        %dma_wait3A_199 = arith.constant 0 : i32
        %dma_wait3A_200 = tpu.memref_slice %arg9[%dma_wait3A_194, %dma_wait3A_199] : memref<8x128xi32, #tpu.memory_space<vmem>> -> memref<1x128xi32, #tpu.memory_space<vmem>>
        %dma_wait3A_201 = tpu.memref_squeeze %dma_wait3A_200 : memref<1x128xi32, #tpu.memory_space<vmem>> -> memref<128xi32, #tpu.memory_space<vmem>>
        %dma_wait3A_202 = arith.constant 0 : i32
        %dma_wait3A_203 = arith.constant 0 : i32
        %dma_wait3A_204 = tpu.memref_slice %arg14[%dma_wait3A_202, %dma_wait3A_203] : memref<83200x16xf32, #tpu.memory_space<vmem_shared>> -> memref<83200x16xf32, #tpu.memory_space<vmem_shared>>
        tpu.wait_indirect_dma semaphore(%arg17 : memref<!tpu.dma_semaphore, #tpu.memory_space<semaphore_mem>>) src(%dma_wait3A_198 : memref<128x16xf32, #tpu.memory_space<vmem>>) dst(%dma_wait3A_204 : memref<83200x16xf32, #tpu.memory_space<vmem_shared>>)
        %dma_wait3A_205 = arith.constant 6 : i32
        %dma_wait3A_206 = arith.constant 6 : i32
        %dma_wait3A_207 = arith.constant 0 : i32
        %dma_wait3A_208 = arith.constant 0 : i32
        %dma_wait3A_209 = tpu.memref_slice %arg11[%dma_wait3A_205, %dma_wait3A_207, %dma_wait3A_208] : memref<8x128x16xf32, #tpu.memory_space<vmem>> -> memref<1x128x16xf32, #tpu.memory_space<vmem>>
        %dma_wait3A_210 = tpu.memref_squeeze %dma_wait3A_209 : memref<1x128x16xf32, #tpu.memory_space<vmem>> -> memref<128x16xf32, #tpu.memory_space<vmem>>
        %dma_wait3A_211 = arith.constant 0 : i32
        %dma_wait3A_212 = tpu.memref_slice %arg9[%dma_wait3A_206, %dma_wait3A_211] : memref<8x128xi32, #tpu.memory_space<vmem>> -> memref<1x128xi32, #tpu.memory_space<vmem>>
        %dma_wait3A_213 = tpu.memref_squeeze %dma_wait3A_212 : memref<1x128xi32, #tpu.memory_space<vmem>> -> memref<128xi32, #tpu.memory_space<vmem>>
        %dma_wait3A_214 = arith.constant 0 : i32
        %dma_wait3A_215 = arith.constant 0 : i32
        %dma_wait3A_216 = tpu.memref_slice %arg14[%dma_wait3A_214, %dma_wait3A_215] : memref<83200x16xf32, #tpu.memory_space<vmem_shared>> -> memref<83200x16xf32, #tpu.memory_space<vmem_shared>>
        tpu.wait_indirect_dma semaphore(%arg17 : memref<!tpu.dma_semaphore, #tpu.memory_space<semaphore_mem>>) src(%dma_wait3A_210 : memref<128x16xf32, #tpu.memory_space<vmem>>) dst(%dma_wait3A_216 : memref<83200x16xf32, #tpu.memory_space<vmem_shared>>)
        %dma_wait3A_217 = arith.constant 7 : i32
        %dma_wait3A_218 = arith.constant 7 : i32
        %dma_wait3A_219 = arith.constant 0 : i32
        %dma_wait3A_220 = arith.constant 0 : i32
        %dma_wait3A_221 = tpu.memref_slice %arg11[%dma_wait3A_217, %dma_wait3A_219, %dma_wait3A_220] : memref<8x128x16xf32, #tpu.memory_space<vmem>> -> memref<1x128x16xf32, #tpu.memory_space<vmem>>
        %dma_wait3A_222 = tpu.memref_squeeze %dma_wait3A_221 : memref<1x128x16xf32, #tpu.memory_space<vmem>> -> memref<128x16xf32, #tpu.memory_space<vmem>>
        %dma_wait3A_223 = arith.constant 0 : i32
        %dma_wait3A_224 = tpu.memref_slice %arg9[%dma_wait3A_218, %dma_wait3A_223] : memref<8x128xi32, #tpu.memory_space<vmem>> -> memref<1x128xi32, #tpu.memory_space<vmem>>
        %dma_wait3A_225 = tpu.memref_squeeze %dma_wait3A_224 : memref<1x128xi32, #tpu.memory_space<vmem>> -> memref<128xi32, #tpu.memory_space<vmem>>
        %dma_wait3A_226 = arith.constant 0 : i32
        %dma_wait3A_227 = arith.constant 0 : i32
        %dma_wait3A_228 = tpu.memref_slice %arg14[%dma_wait3A_226, %dma_wait3A_227] : memref<83200x16xf32, #tpu.memory_space<vmem_shared>> -> memref<83200x16xf32, #tpu.memory_space<vmem_shared>>
        tpu.wait_indirect_dma semaphore(%arg17 : memref<!tpu.dma_semaphore, #tpu.memory_space<semaphore_mem>>) src(%dma_wait3A_222 : memref<128x16xf32, #tpu.memory_space<vmem>>) dst(%dma_wait3A_228 : memref<83200x16xf32, #tpu.memory_space<vmem_shared>>)
        %dma_wait3A_229 = arith.constant 0 : i32
        %dma_wait3A_230 = arith.constant 0 : i32
        %dma_wait3A_231 = arith.constant 0 : i32
        %dma_wait3A_232 = arith.constant 0 : i32
        %dma_wait3A_233 = tpu.memref_slice %arg12[%dma_wait3A_229, %dma_wait3A_231, %dma_wait3A_232] : memref<8x128x16xf32, #tpu.memory_space<vmem>> -> memref<1x128x16xf32, #tpu.memory_space<vmem>>
        %dma_wait3A_234 = tpu.memref_squeeze %dma_wait3A_233 : memref<1x128x16xf32, #tpu.memory_space<vmem>> -> memref<128x16xf32, #tpu.memory_space<vmem>>
        %dma_wait3A_235 = arith.constant 0 : i32
        %dma_wait3A_236 = tpu.memref_slice %arg10[%dma_wait3A_230, %dma_wait3A_235] : memref<8x128xi32, #tpu.memory_space<vmem>> -> memref<1x128xi32, #tpu.memory_space<vmem>>
        %dma_wait3A_237 = tpu.memref_squeeze %dma_wait3A_236 : memref<1x128xi32, #tpu.memory_space<vmem>> -> memref<128xi32, #tpu.memory_space<vmem>>
        %dma_wait3A_238 = arith.constant 0 : i32
        %dma_wait3A_239 = arith.constant 0 : i32
        %dma_wait3A_240 = tpu.memref_slice %arg14[%dma_wait3A_238, %dma_wait3A_239] : memref<83200x16xf32, #tpu.memory_space<vmem_shared>> -> memref<83200x16xf32, #tpu.memory_space<vmem_shared>>
        tpu.wait_indirect_dma semaphore(%arg18 : memref<!tpu.dma_semaphore, #tpu.memory_space<semaphore_mem>>) src(%dma_wait3A_234 : memref<128x16xf32, #tpu.memory_space<vmem>>) dst(%dma_wait3A_240 : memref<83200x16xf32, #tpu.memory_space<vmem_shared>>)
        %dma_wait3A_241 = arith.constant 1 : i32
        %dma_wait3A_242 = arith.constant 1 : i32
        %dma_wait3A_243 = arith.constant 0 : i32
        %dma_wait3A_244 = arith.constant 0 : i32
        %dma_wait3A_245 = tpu.memref_slice %arg12[%dma_wait3A_241, %dma_wait3A_243, %dma_wait3A_244] : memref<8x128x16xf32, #tpu.memory_space<vmem>> -> memref<1x128x16xf32, #tpu.memory_space<vmem>>
        %dma_wait3A_246 = tpu.memref_squeeze %dma_wait3A_245 : memref<1x128x16xf32, #tpu.memory_space<vmem>> -> memref<128x16xf32, #tpu.memory_space<vmem>>
        %dma_wait3A_247 = arith.constant 0 : i32
        %dma_wait3A_248 = tpu.memref_slice %arg10[%dma_wait3A_242, %dma_wait3A_247] : memref<8x128xi32, #tpu.memory_space<vmem>> -> memref<1x128xi32, #tpu.memory_space<vmem>>
        %dma_wait3A_249 = tpu.memref_squeeze %dma_wait3A_248 : memref<1x128xi32, #tpu.memory_space<vmem>> -> memref<128xi32, #tpu.memory_space<vmem>>
        %dma_wait3A_250 = arith.constant 0 : i32
        %dma_wait3A_251 = arith.constant 0 : i32
        %dma_wait3A_252 = tpu.memref_slice %arg14[%dma_wait3A_250, %dma_wait3A_251] : memref<83200x16xf32, #tpu.memory_space<vmem_shared>> -> memref<83200x16xf32, #tpu.memory_space<vmem_shared>>
        tpu.wait_indirect_dma semaphore(%arg18 : memref<!tpu.dma_semaphore, #tpu.memory_space<semaphore_mem>>) src(%dma_wait3A_246 : memref<128x16xf32, #tpu.memory_space<vmem>>) dst(%dma_wait3A_252 : memref<83200x16xf32, #tpu.memory_space<vmem_shared>>)
        %dma_wait3A_253 = arith.constant 2 : i32
        %dma_wait3A_254 = arith.constant 2 : i32
        %dma_wait3A_255 = arith.constant 0 : i32
        %dma_wait3A_256 = arith.constant 0 : i32
        %dma_wait3A_257 = tpu.memref_slice %arg12[%dma_wait3A_253, %dma_wait3A_255, %dma_wait3A_256] : memref<8x128x16xf32, #tpu.memory_space<vmem>> -> memref<1x128x16xf32, #tpu.memory_space<vmem>>
        %dma_wait3A_258 = tpu.memref_squeeze %dma_wait3A_257 : memref<1x128x16xf32, #tpu.memory_space<vmem>> -> memref<128x16xf32, #tpu.memory_space<vmem>>
        %dma_wait3A_259 = arith.constant 0 : i32
        %dma_wait3A_260 = tpu.memref_slice %arg10[%dma_wait3A_254, %dma_wait3A_259] : memref<8x128xi32, #tpu.memory_space<vmem>> -> memref<1x128xi32, #tpu.memory_space<vmem>>
        %dma_wait3A_261 = tpu.memref_squeeze %dma_wait3A_260 : memref<1x128xi32, #tpu.memory_space<vmem>> -> memref<128xi32, #tpu.memory_space<vmem>>
        %dma_wait3A_262 = arith.constant 0 : i32
        %dma_wait3A_263 = arith.constant 0 : i32
        %dma_wait3A_264 = tpu.memref_slice %arg14[%dma_wait3A_262, %dma_wait3A_263] : memref<83200x16xf32, #tpu.memory_space<vmem_shared>> -> memref<83200x16xf32, #tpu.memory_space<vmem_shared>>
        tpu.wait_indirect_dma semaphore(%arg18 : memref<!tpu.dma_semaphore, #tpu.memory_space<semaphore_mem>>) src(%dma_wait3A_258 : memref<128x16xf32, #tpu.memory_space<vmem>>) dst(%dma_wait3A_264 : memref<83200x16xf32, #tpu.memory_space<vmem_shared>>)
        %dma_wait3A_265 = arith.constant 3 : i32
        %dma_wait3A_266 = arith.constant 3 : i32
        %dma_wait3A_267 = arith.constant 0 : i32
        %dma_wait3A_268 = arith.constant 0 : i32
        %dma_wait3A_269 = tpu.memref_slice %arg12[%dma_wait3A_265, %dma_wait3A_267, %dma_wait3A_268] : memref<8x128x16xf32, #tpu.memory_space<vmem>> -> memref<1x128x16xf32, #tpu.memory_space<vmem>>
        %dma_wait3A_270 = tpu.memref_squeeze %dma_wait3A_269 : memref<1x128x16xf32, #tpu.memory_space<vmem>> -> memref<128x16xf32, #tpu.memory_space<vmem>>
        %dma_wait3A_271 = arith.constant 0 : i32
        %dma_wait3A_272 = tpu.memref_slice %arg10[%dma_wait3A_266, %dma_wait3A_271] : memref<8x128xi32, #tpu.memory_space<vmem>> -> memref<1x128xi32, #tpu.memory_space<vmem>>
        %dma_wait3A_273 = tpu.memref_squeeze %dma_wait3A_272 : memref<1x128xi32, #tpu.memory_space<vmem>> -> memref<128xi32, #tpu.memory_space<vmem>>
        %dma_wait3A_274 = arith.constant 0 : i32
        %dma_wait3A_275 = arith.constant 0 : i32
        %dma_wait3A_276 = tpu.memref_slice %arg14[%dma_wait3A_274, %dma_wait3A_275] : memref<83200x16xf32, #tpu.memory_space<vmem_shared>> -> memref<83200x16xf32, #tpu.memory_space<vmem_shared>>
        tpu.wait_indirect_dma semaphore(%arg18 : memref<!tpu.dma_semaphore, #tpu.memory_space<semaphore_mem>>) src(%dma_wait3A_270 : memref<128x16xf32, #tpu.memory_space<vmem>>) dst(%dma_wait3A_276 : memref<83200x16xf32, #tpu.memory_space<vmem_shared>>)
        %dma_wait3A_277 = arith.constant 4 : i32
        %dma_wait3A_278 = arith.constant 4 : i32
        %dma_wait3A_279 = arith.constant 0 : i32
        %dma_wait3A_280 = arith.constant 0 : i32
        %dma_wait3A_281 = tpu.memref_slice %arg12[%dma_wait3A_277, %dma_wait3A_279, %dma_wait3A_280] : memref<8x128x16xf32, #tpu.memory_space<vmem>> -> memref<1x128x16xf32, #tpu.memory_space<vmem>>
        %dma_wait3A_282 = tpu.memref_squeeze %dma_wait3A_281 : memref<1x128x16xf32, #tpu.memory_space<vmem>> -> memref<128x16xf32, #tpu.memory_space<vmem>>
        %dma_wait3A_283 = arith.constant 0 : i32
        %dma_wait3A_284 = tpu.memref_slice %arg10[%dma_wait3A_278, %dma_wait3A_283] : memref<8x128xi32, #tpu.memory_space<vmem>> -> memref<1x128xi32, #tpu.memory_space<vmem>>
        %dma_wait3A_285 = tpu.memref_squeeze %dma_wait3A_284 : memref<1x128xi32, #tpu.memory_space<vmem>> -> memref<128xi32, #tpu.memory_space<vmem>>
        %dma_wait3A_286 = arith.constant 0 : i32
        %dma_wait3A_287 = arith.constant 0 : i32
        %dma_wait3A_288 = tpu.memref_slice %arg14[%dma_wait3A_286, %dma_wait3A_287] : memref<83200x16xf32, #tpu.memory_space<vmem_shared>> -> memref<83200x16xf32, #tpu.memory_space<vmem_shared>>
        tpu.wait_indirect_dma semaphore(%arg18 : memref<!tpu.dma_semaphore, #tpu.memory_space<semaphore_mem>>) src(%dma_wait3A_282 : memref<128x16xf32, #tpu.memory_space<vmem>>) dst(%dma_wait3A_288 : memref<83200x16xf32, #tpu.memory_space<vmem_shared>>)
        %dma_wait3A_289 = arith.constant 5 : i32
        %dma_wait3A_290 = arith.constant 5 : i32
        %dma_wait3A_291 = arith.constant 0 : i32
        %dma_wait3A_292 = arith.constant 0 : i32
        %dma_wait3A_293 = tpu.memref_slice %arg12[%dma_wait3A_289, %dma_wait3A_291, %dma_wait3A_292] : memref<8x128x16xf32, #tpu.memory_space<vmem>> -> memref<1x128x16xf32, #tpu.memory_space<vmem>>
        %dma_wait3A_294 = tpu.memref_squeeze %dma_wait3A_293 : memref<1x128x16xf32, #tpu.memory_space<vmem>> -> memref<128x16xf32, #tpu.memory_space<vmem>>
        %dma_wait3A_295 = arith.constant 0 : i32
        %dma_wait3A_296 = tpu.memref_slice %arg10[%dma_wait3A_290, %dma_wait3A_295] : memref<8x128xi32, #tpu.memory_space<vmem>> -> memref<1x128xi32, #tpu.memory_space<vmem>>
        %dma_wait3A_297 = tpu.memref_squeeze %dma_wait3A_296 : memref<1x128xi32, #tpu.memory_space<vmem>> -> memref<128xi32, #tpu.memory_space<vmem>>
        %dma_wait3A_298 = arith.constant 0 : i32
        %dma_wait3A_299 = arith.constant 0 : i32
        %dma_wait3A_300 = tpu.memref_slice %arg14[%dma_wait3A_298, %dma_wait3A_299] : memref<83200x16xf32, #tpu.memory_space<vmem_shared>> -> memref<83200x16xf32, #tpu.memory_space<vmem_shared>>
        tpu.wait_indirect_dma semaphore(%arg18 : memref<!tpu.dma_semaphore, #tpu.memory_space<semaphore_mem>>) src(%dma_wait3A_294 : memref<128x16xf32, #tpu.memory_space<vmem>>) dst(%dma_wait3A_300 : memref<83200x16xf32, #tpu.memory_space<vmem_shared>>)
        %dma_wait3A_301 = arith.constant 6 : i32
        %dma_wait3A_302 = arith.constant 6 : i32
        %dma_wait3A_303 = arith.constant 0 : i32
        %dma_wait3A_304 = arith.constant 0 : i32
        %dma_wait3A_305 = tpu.memref_slice %arg12[%dma_wait3A_301, %dma_wait3A_303, %dma_wait3A_304] : memref<8x128x16xf32, #tpu.memory_space<vmem>> -> memref<1x128x16xf32, #tpu.memory_space<vmem>>
        %dma_wait3A_306 = tpu.memref_squeeze %dma_wait3A_305 : memref<1x128x16xf32, #tpu.memory_space<vmem>> -> memref<128x16xf32, #tpu.memory_space<vmem>>
        %dma_wait3A_307 = arith.constant 0 : i32
        %dma_wait3A_308 = tpu.memref_slice %arg10[%dma_wait3A_302, %dma_wait3A_307] : memref<8x128xi32, #tpu.memory_space<vmem>> -> memref<1x128xi32, #tpu.memory_space<vmem>>
        %dma_wait3A_309 = tpu.memref_squeeze %dma_wait3A_308 : memref<1x128xi32, #tpu.memory_space<vmem>> -> memref<128xi32, #tpu.memory_space<vmem>>
        %dma_wait3A_310 = arith.constant 0 : i32
        %dma_wait3A_311 = arith.constant 0 : i32
        %dma_wait3A_312 = tpu.memref_slice %arg14[%dma_wait3A_310, %dma_wait3A_311] : memref<83200x16xf32, #tpu.memory_space<vmem_shared>> -> memref<83200x16xf32, #tpu.memory_space<vmem_shared>>
        tpu.wait_indirect_dma semaphore(%arg18 : memref<!tpu.dma_semaphore, #tpu.memory_space<semaphore_mem>>) src(%dma_wait3A_306 : memref<128x16xf32, #tpu.memory_space<vmem>>) dst(%dma_wait3A_312 : memref<83200x16xf32, #tpu.memory_space<vmem_shared>>)
        %dma_wait3A_313 = arith.constant 7 : i32
        %dma_wait3A_314 = arith.constant 7 : i32
        %dma_wait3A_315 = arith.constant 0 : i32
        %dma_wait3A_316 = arith.constant 0 : i32
        %dma_wait3A_317 = tpu.memref_slice %arg12[%dma_wait3A_313, %dma_wait3A_315, %dma_wait3A_316] : memref<8x128x16xf32, #tpu.memory_space<vmem>> -> memref<1x128x16xf32, #tpu.memory_space<vmem>>
        %dma_wait3A_318 = tpu.memref_squeeze %dma_wait3A_317 : memref<1x128x16xf32, #tpu.memory_space<vmem>> -> memref<128x16xf32, #tpu.memory_space<vmem>>
        %dma_wait3A_319 = arith.constant 0 : i32
        %dma_wait3A_320 = tpu.memref_slice %arg10[%dma_wait3A_314, %dma_wait3A_319] : memref<8x128xi32, #tpu.memory_space<vmem>> -> memref<1x128xi32, #tpu.memory_space<vmem>>
        %dma_wait3A_321 = tpu.memref_squeeze %dma_wait3A_320 : memref<1x128xi32, #tpu.memory_space<vmem>> -> memref<128xi32, #tpu.memory_space<vmem>>
        %dma_wait3A_322 = arith.constant 0 : i32
        %dma_wait3A_323 = arith.constant 0 : i32
        %dma_wait3A_324 = tpu.memref_slice %arg14[%dma_wait3A_322, %dma_wait3A_323] : memref<83200x16xf32, #tpu.memory_space<vmem_shared>> -> memref<83200x16xf32, #tpu.memory_space<vmem_shared>>
        tpu.wait_indirect_dma semaphore(%arg18 : memref<!tpu.dma_semaphore, #tpu.memory_space<semaphore_mem>>) src(%dma_wait3A_318 : memref<128x16xf32, #tpu.memory_space<vmem>>) dst(%dma_wait3A_324 : memref<83200x16xf32, #tpu.memory_space<vmem_shared>>)
        %barrier3A_325 = arith.constant 0 : index
        tpu.barrier barrier_id(%barrier3A_325)
        %mul3A_326 = arith.constant 5200 : i32
        %mul3A_327 = arith.muli %arg1, %mul3A_326 : i32
        %mul3A_328 = arith.constant 83200 : i32
        %mul3A_329 = arith.muli %add3A, %mul3A_328 : i32
        %mul3A_330 = arith.constant 5200 : i32
        %mul3A_331 = arith.muli %arg1, %mul3A_330 : i32
        %add3A_332 = arith.addi %mul3A_329, %mul3A_331 : i32
        "tpu.region"() ({
          %run_scoped3A = tpu.sem_alloc : memref<!tpu.dma_semaphore, #tpu.memory_space<semaphore_mem>>
          %dma_start3A_333 = arith.constant 0 : i32
          %dma_start3A_334 = tpu.memref_slice %arg4[%add3A_332, %dma_start3A_333] : memref<1331200x16xf32, #tpu.memory_space<hbm>> -> memref<5200x16xf32, #tpu.memory_space<hbm>>
          %dma_start3A_335 = arith.constant 0 : i32
          %dma_start3A_336 = tpu.memref_slice %arg14[%mul3A_327, %dma_start3A_335] : memref<83200x16xf32, #tpu.memory_space<vmem_shared>> -> memref<5200x16xf32, #tpu.memory_space<vmem_shared>>
          tpu.enqueue_dma source(%dma_start3A_336 : memref<5200x16xf32, #tpu.memory_space<vmem_shared>>) target(%dma_start3A_334 : memref<5200x16xf32, #tpu.memory_space<hbm>>) target_semaphore(%run_scoped3A : memref<!tpu.dma_semaphore, #tpu.memory_space<semaphore_mem>>)
          %dma_wait3A_337 = arith.constant 0 : i32
          %dma_wait3A_338 = tpu.memref_slice %arg4[%add3A_332, %dma_wait3A_337] : memref<1331200x16xf32, #tpu.memory_space<hbm>> -> memref<5200x16xf32, #tpu.memory_space<hbm>>
          %dma_wait3A_339 = arith.constant 0 : i32
          %dma_wait3A_340 = tpu.memref_slice %arg14[%mul3A_327, %dma_wait3A_339] : memref<83200x16xf32, #tpu.memory_space<vmem_shared>> -> memref<5200x16xf32, #tpu.memory_space<vmem_shared>>
          tpu.wait_dma2 semaphore(%run_scoped3A : memref<!tpu.dma_semaphore, #tpu.memory_space<semaphore_mem>>) src(%dma_wait3A_340 : memref<5200x16xf32, #tpu.memory_space<vmem_shared>>) dst(%dma_wait3A_338 : memref<5200x16xf32, #tpu.memory_space<hbm>>)
          tpu.yield
        }) : () -> ()
      } else {
      }
    }
    %scan3A_10 = arith.constant 8 : i32
    return
  }
}

module attributes {stable_mosaic.version = 14 : i64} {
  func.func @body(%arg0: i32, %arg1: i32, %arg2: memref<400x128xf32, #tpu.memory_space<vmem>>, %arg3: memref<128x256xf32, #tpu.memory_space<vmem>>, %arg4: memref<1x256xf32, #tpu.memory_space<vmem>>, %arg5: memref<1x128x256xf32, #tpu.memory_space<vmem>>, %arg6: memref<8x1x400x16xf32, #tpu.memory_space<vmem>>, %arg7: memref<400x8xf32, #tpu.memory_space<vmem>>, %arg8: memref<400x256xf32, #tpu.memory_space<vmem>>) attributes {dimension_semantics = [#tpu.dimension_semantics<arbitrary>, #tpu.dimension_semantics<arbitrary>], iteration_bounds = array<i64: 25, 8>, scalar_prefetch = 0 : i64, scratch_operands = 0 : i64, tpu.core_type = #tpu.core_type<tc>, window_params = [{transform_indices = @transform_0, window_bounds = array<i64: 400, 128>}, {pipeline_mode = #tpu.pipeline_mode<synchronous>, transform_indices = @transform_1, window_bounds = array<i64: 128, 256>}, {pipeline_mode = #tpu.pipeline_mode<synchronous>, transform_indices = @transform_2, window_bounds = array<i64: 1, 256>}, {transform_indices = @transform_3, window_bounds = array<i64: 1, 128, 256>}, {transform_indices = @transform_4, window_bounds = array<i64: 8, 1, 400, 16>}, {transform_indices = @transform_5, window_bounds = array<i64: 400, 8>}, {transform_indices = @transform_6, window_bounds = array<i64: 400, 256>}]} {
    %eq3A = arith.constant 0 : i32
    %eq3A_0 = arith.cmpi eq, %arg1, %eq3A : i32
    %convert_element_type3A = arith.extui %eq3A_0 : i1 to i32
    %cond3A = arith.constant 0 : i32
    %cond3A_1 = arith.cmpi ne, %convert_element_type3A, %cond3A : i32
    scf.if %cond3A_1 {
      %get3A_76 = arith.constant 0 : index
      %get3A_77 = arith.constant 0 : index
      %get3A_78 = vector.load %arg2[%get3A_76, %get3A_77] : memref<400x128xf32, #tpu.memory_space<vmem>>, vector<400x128xf32>
      %get3A_79 = arith.constant 0 : index
      %get3A_80 = arith.constant 0 : index
      %get3A_81 = vector.load %arg3[%get3A_79, %get3A_80] : memref<128x256xf32, #tpu.memory_space<vmem>>, vector<128x256xf32>
      %dot_general3A_82 = arith.constant dense<0.000000e+00> : vector<400x256xf32>
      %dot_general3A_83 = tpu.matmul %get3A_78, %get3A_81, %dot_general3A_82 {dimension_numbers = #tpu.dot_dimension_numbers<[1], [0], [0], [1], [0, 0, 1, 1], [], []>, transpose_lhs_hint = false} : vector<400x128xf32>, vector<128x256xf32>, vector<400x256xf32> -> vector<400x256xf32>
      %get3A_84 = arith.constant 0 : index
      %get3A_85 = arith.constant 0 : index
      %get3A_86 = vector.load %arg4[%get3A_84, %get3A_85] : memref<1x256xf32, #tpu.memory_space<vmem>>, vector<1x256xf32>
      %add3A_87 = vector.broadcast %get3A_86 : vector<1x256xf32> to vector<400x256xf32>
      %add3A_88 = arith.addf %dot_general3A_83, %add3A_87 : vector<400x256xf32>
      %swap3A_89 = arith.constant 0 : index
      %swap3A_90 = arith.constant 0 : index
      %swap3A_91 = vector.load %arg8[%swap3A_89, %swap3A_90] : memref<400x256xf32, #tpu.memory_space<vmem>>, vector<400x256xf32>
      tpu.vector_store %arg8[%swap3A_89, %swap3A_90], %add3A_88 {strides = array<i32>} : memref<400x256xf32, #tpu.memory_space<vmem>>, vector<400x256xf32>,
    } else {
    }
    %iota3A = tpu.iota {dimensions = array<i32: 1>} : vector<1x8xi32>
    %eq3A_2 = vector.broadcast %arg1 : i32 to vector<1x8xi32>
    %eq3A_3 = arith.cmpi eq, %iota3A, %eq3A_2 : vector<1x8xi32>
    %get3A = arith.constant 0 : index
    %get3A_4 = arith.constant 0 : index
    %get3A_5 = vector.load %arg7[%get3A, %get3A_4] : memref<400x8xf32, #tpu.memory_space<vmem>>, vector<400x8xf32>
    %convert_element_type3A_6 = arith.extui %eq3A_3 : vector<1x8xi1> to vector<1x8xi32>
    %convert_element_type3A_7 = arith.sitofp %convert_element_type3A_6 : vector<1x8xi32> to vector<1x8xf32>
    %mul3A = vector.broadcast %convert_element_type3A_7 : vector<1x8xf32> to vector<400x8xf32>
    %mul3A_8 = arith.mulf %get3A_5, %mul3A : vector<400x8xf32>
    %reduce_sum3A = arith.constant dense<0.000000e+00> : vector<400xf32>
    %reduce_sum3A_9 = vector.multi_reduction <add>, %mul3A_8, %reduce_sum3A [1] : vector<400x8xf32> to vector<400xf32>
    %broadcast_in_dim3A = vector.shape_cast %reduce_sum3A_9 : vector<400xf32> to vector<400x1xf32>
    %get3A_10 = arith.constant 0 : index
    %get3A_11 = arith.constant 0 : index
    %get3A_12 = arith.constant 0 : index
    %get3A_13 = arith.constant 0 : index
    %get3A_14 = vector.load %arg6[%get3A_10, %get3A_11, %get3A_12, %get3A_13] : memref<8x1x400x16xf32, #tpu.memory_space<vmem>>, vector<1x1x400x16xf32>
    %get3A_15 = vector.shape_cast %get3A_14 : vector<1x1x400x16xf32> to vector<400x16xf32>
    %get3A_16 = arith.constant 1 : index
    %get3A_17 = arith.constant 0 : index
    %get3A_18 = arith.constant 0 : index
    %get3A_19 = arith.constant 0 : index
    %get3A_20 = vector.load %arg6[%get3A_16, %get3A_17, %get3A_18, %get3A_19] : memref<8x1x400x16xf32, #tpu.memory_space<vmem>>, vector<1x1x400x16xf32>
    %get3A_21 = vector.shape_cast %get3A_20 : vector<1x1x400x16xf32> to vector<400x16xf32>
    %get3A_22 = arith.constant 2 : index
    %get3A_23 = arith.constant 0 : index
    %get3A_24 = arith.constant 0 : index
    %get3A_25 = arith.constant 0 : index
    %get3A_26 = vector.load %arg6[%get3A_22, %get3A_23, %get3A_24, %get3A_25] : memref<8x1x400x16xf32, #tpu.memory_space<vmem>>, vector<1x1x400x16xf32>
    %get3A_27 = vector.shape_cast %get3A_26 : vector<1x1x400x16xf32> to vector<400x16xf32>
    %get3A_28 = arith.constant 3 : index
    %get3A_29 = arith.constant 0 : index
    %get3A_30 = arith.constant 0 : index
    %get3A_31 = arith.constant 0 : index
    %get3A_32 = vector.load %arg6[%get3A_28, %get3A_29, %get3A_30, %get3A_31] : memref<8x1x400x16xf32, #tpu.memory_space<vmem>>, vector<1x1x400x16xf32>
    %get3A_33 = vector.shape_cast %get3A_32 : vector<1x1x400x16xf32> to vector<400x16xf32>
    %get3A_34 = arith.constant 4 : index
    %get3A_35 = arith.constant 0 : index
    %get3A_36 = arith.constant 0 : index
    %get3A_37 = arith.constant 0 : index
    %get3A_38 = vector.load %arg6[%get3A_34, %get3A_35, %get3A_36, %get3A_37] : memref<8x1x400x16xf32, #tpu.memory_space<vmem>>, vector<1x1x400x16xf32>
    %get3A_39 = vector.shape_cast %get3A_38 : vector<1x1x400x16xf32> to vector<400x16xf32>
    %get3A_40 = arith.constant 5 : index
    %get3A_41 = arith.constant 0 : index
    %get3A_42 = arith.constant 0 : index
    %get3A_43 = arith.constant 0 : index
    %get3A_44 = vector.load %arg6[%get3A_40, %get3A_41, %get3A_42, %get3A_43] : memref<8x1x400x16xf32, #tpu.memory_space<vmem>>, vector<1x1x400x16xf32>
    %get3A_45 = vector.shape_cast %get3A_44 : vector<1x1x400x16xf32> to vector<400x16xf32>
    %get3A_46 = arith.constant 6 : index
    %get3A_47 = arith.constant 0 : index
    %get3A_48 = arith.constant 0 : index
    %get3A_49 = arith.constant 0 : index
    %get3A_50 = vector.load %arg6[%get3A_46, %get3A_47, %get3A_48, %get3A_49] : memref<8x1x400x16xf32, #tpu.memory_space<vmem>>, vector<1x1x400x16xf32>
    %get3A_51 = vector.shape_cast %get3A_50 : vector<1x1x400x16xf32> to vector<400x16xf32>
    %get3A_52 = arith.constant 7 : index
    %get3A_53 = arith.constant 0 : index
    %get3A_54 = arith.constant 0 : index
    %get3A_55 = arith.constant 0 : index
    %get3A_56 = vector.load %arg6[%get3A_52, %get3A_53, %get3A_54, %get3A_55] : memref<8x1x400x16xf32, #tpu.memory_space<vmem>>, vector<1x1x400x16xf32>
    %get3A_57 = vector.shape_cast %get3A_56 : vector<1x1x400x16xf32> to vector<400x16xf32>
    %concatenate3A = tpu.concatenate %get3A_15, %get3A_21, %get3A_27, %get3A_33, %get3A_39, %get3A_45, %get3A_51, %get3A_57 in 1 : vector<400x16xf32>, vector<400x16xf32>, vector<400x16xf32>, vector<400x16xf32>, vector<400x16xf32>, vector<400x16xf32>, vector<400x16xf32>, vector<400x16xf32> -> vector<400x128xf32>
    %get3A_58 = arith.constant 0 : index
    %get3A_59 = arith.constant 0 : index
    %get3A_60 = vector.load %arg8[%get3A_58, %get3A_59] : memref<400x256xf32, #tpu.memory_space<vmem>>, vector<400x256xf32>
    %mul3A_61 = vector.broadcast %broadcast_in_dim3A : vector<400x1xf32> to vector<400x128xf32>
    %mul3A_62 = arith.mulf %concatenate3A, %mul3A_61 : vector<400x128xf32>
    %get3A_63 = arith.constant 0 : index
    %get3A_64 = arith.constant 0 : index
    %get3A_65 = arith.constant 0 : index
    %get3A_66 = vector.load %arg5[%get3A_63, %get3A_64, %get3A_65] : memref<1x128x256xf32, #tpu.memory_space<vmem>>, vector<1x128x256xf32>
    %get3A_67 = vector.shape_cast %get3A_66 : vector<1x128x256xf32> to vector<128x256xf32>
    %dot_general3A = arith.constant dense<0.000000e+00> : vector<400x256xf32>
    %dot_general3A_68 = tpu.matmul %mul3A_62, %get3A_67, %dot_general3A {dimension_numbers = #tpu.dot_dimension_numbers<[1], [0], [0], [1], [0, 0, 1, 1], [], []>, transpose_lhs_hint = false} : vector<400x128xf32>, vector<128x256xf32>, vector<400x256xf32> -> vector<400x256xf32>
    %add3A = arith.addf %get3A_60, %dot_general3A_68 : vector<400x256xf32>
    %swap3A = arith.constant 0 : index
    %swap3A_69 = arith.constant 0 : index
    %swap3A_70 = vector.load %arg8[%swap3A, %swap3A_69] : memref<400x256xf32, #tpu.memory_space<vmem>>, vector<400x256xf32>
    tpu.vector_store %arg8[%swap3A, %swap3A_69], %add3A {strides = array<i32>} : memref<400x256xf32, #tpu.memory_space<vmem>>, vector<400x256xf32>,
    %eq3A_71 = arith.constant 7 : i32
    %eq3A_72 = arith.cmpi eq, %arg1, %eq3A_71 : i32
    %convert_element_type3A_73 = arith.extui %eq3A_72 : i1 to i32
    %cond3A_74 = arith.constant 0 : i32
    %cond3A_75 = arith.cmpi ne, %convert_element_type3A_73, %cond3A_74 : i32
    scf.if %cond3A_75 {
      %get3A_76 = arith.constant 0 : index
      %get3A_77 = arith.constant 0 : index
      %get3A_78 = vector.load %arg8[%get3A_76, %get3A_77] : memref<400x256xf32, #tpu.memory_space<vmem>>, vector<400x256xf32>
      %max3A = arith.constant 0.000000e+00 : f32
      %max3A_79 = vector.broadcast %max3A : f32 to vector<400x256xf32>
      %max3A_80 = arith.maximumf %get3A_78, %max3A_79 : vector<400x256xf32>
      %swap3A_81 = arith.constant 0 : index
      %swap3A_82 = arith.constant 0 : index
      %swap3A_83 = vector.load %arg8[%swap3A_81, %swap3A_82] : memref<400x256xf32, #tpu.memory_space<vmem>>, vector<400x256xf32>
      tpu.vector_store %arg8[%swap3A_81, %swap3A_82], %max3A_80 {strides = array<i32>} : memref<400x256xf32, #tpu.memory_space<vmem>>, vector<400x256xf32>,
    } else {
    }
    return
  }
  func.func @transform_0(%arg0: i32, %arg1: i32) -> (i32, i32) {
    %c0_i32 = arith.constant 0 : i32
    %c0_i32_0 = arith.constant 0 : i32
    return %arg0, %c0_i32 : i32, i32
  }
  func.func @transform_1(%arg0: i32, %arg1: i32) -> (i32, i32) {
    %c0_i32 = arith.constant 0 : i32
    %c0_i32_0 = arith.constant 0 : i32
    %c0_i32_1 = arith.constant 0 : i32
    return %c0_i32, %c0_i32_0 : i32, i32
  }
  func.func @transform_2(%arg0: i32, %arg1: i32) -> (i32, i32) {
    %c0_i32 = arith.constant 0 : i32
    %c0_i32_0 = arith.constant 0 : i32
    %c0_i32_1 = arith.constant 0 : i32
    return %c0_i32, %c0_i32_0 : i32, i32
  }
  func.func @transform_3(%arg0: i32, %arg1: i32) -> (i32, i32, i32) {
    %c0_i32 = arith.constant 0 : i32
    %c0_i32_0 = arith.constant 0 : i32
    %c0_i32_1 = arith.constant 0 : i32
    return %arg1, %c0_i32, %c0_i32_0 : i32, i32, i32
  }
  func.func @transform_4(%arg0: i32, %arg1: i32) -> (i32, i32, i32, i32) {
    %mul3A = arith.constant 26 : i32
    %mul3A_0 = arith.muli %arg1, %mul3A : i32
    %add3A = arith.addi %mul3A_0, %arg0 : i32
    %c0_i32 = arith.constant 0 : i32
    %c0_i32_1 = arith.constant 0 : i32
    %c0_i32_2 = arith.constant 0 : i32
    %c0_i32_3 = arith.constant 0 : i32
    return %c0_i32, %add3A, %c0_i32_1, %c0_i32_2 : i32, i32, i32, i32
  }
  func.func @transform_5(%arg0: i32, %arg1: i32) -> (i32, i32) {
    %c0_i32 = arith.constant 0 : i32
    %c0_i32_0 = arith.constant 0 : i32
    return %arg0, %c0_i32 : i32, i32
  }
  func.func @transform_6(%arg0: i32, %arg1: i32) -> (i32, i32) {
    %c0_i32 = arith.constant 0 : i32
    %c0_i32_0 = arith.constant 0 : i32
    return %arg0, %c0_i32 : i32, i32
  }
}

module attributes {stable_mosaic.version = 14 : i64} {
  func.func @body(%arg0: i32, %arg1: i32, %arg2: memref<400x256xf32, #tpu.memory_space<vmem>>, %arg3: memref<256x16xf32, #tpu.memory_space<vmem>>, %arg4: memref<1x16xf32, #tpu.memory_space<vmem>>, %arg5: memref<1x256x16xf32, #tpu.memory_space<vmem>>, %arg6: memref<16x1x400x16xf32, #tpu.memory_space<vmem>>, %arg7: memref<400x8xf32, #tpu.memory_space<vmem>>, %arg8: memref<400x16xf32, #tpu.memory_space<vmem>>) attributes {dimension_semantics = [#tpu.dimension_semantics<arbitrary>, #tpu.dimension_semantics<arbitrary>], iteration_bounds = array<i64: 25, 8>, scalar_prefetch = 0 : i64, scratch_operands = 0 : i64, tpu.core_type = #tpu.core_type<tc>, window_params = [{transform_indices = @transform_0, window_bounds = array<i64: 400, 256>}, {pipeline_mode = #tpu.pipeline_mode<synchronous>, transform_indices = @transform_1, window_bounds = array<i64: 256, 16>}, {pipeline_mode = #tpu.pipeline_mode<synchronous>, transform_indices = @transform_2, window_bounds = array<i64: 1, 16>}, {transform_indices = @transform_3, window_bounds = array<i64: 1, 256, 16>}, {transform_indices = @transform_4, window_bounds = array<i64: 16, 1, 400, 16>}, {transform_indices = @transform_5, window_bounds = array<i64: 400, 8>}, {transform_indices = @transform_6, window_bounds = array<i64: 400, 16>}]} {
    %eq3A = arith.constant 0 : i32
    %eq3A_0 = arith.cmpi eq, %arg1, %eq3A : i32
    %convert_element_type3A = arith.extui %eq3A_0 : i1 to i32
    %cond3A = arith.constant 0 : i32
    %cond3A_1 = arith.cmpi ne, %convert_element_type3A, %cond3A : i32
    scf.if %cond3A_1 {
      %get3A_119 = arith.constant 0 : index
      %get3A_120 = arith.constant 0 : index
      %get3A_121 = vector.load %arg2[%get3A_119, %get3A_120] : memref<400x256xf32, #tpu.memory_space<vmem>>, vector<400x256xf32>
      %get3A_122 = arith.constant 0 : index
      %get3A_123 = arith.constant 0 : index
      %get3A_124 = vector.load %arg3[%get3A_122, %get3A_123] : memref<256x16xf32, #tpu.memory_space<vmem>>, vector<256x16xf32>
      %dot_general3A_125 = arith.constant dense<0.000000e+00> : vector<400x16xf32>
      %dot_general3A_126 = tpu.matmul %get3A_121, %get3A_124, %dot_general3A_125 {dimension_numbers = #tpu.dot_dimension_numbers<[1], [0], [0], [1], [0, 0, 1, 1], [], []>, transpose_lhs_hint = false} : vector<400x256xf32>, vector<256x16xf32>, vector<400x16xf32> -> vector<400x16xf32>
      %get3A_127 = arith.constant 0 : index
      %get3A_128 = arith.constant 0 : index
      %get3A_129 = vector.load %arg4[%get3A_127, %get3A_128] : memref<1x16xf32, #tpu.memory_space<vmem>>, vector<1x16xf32>
      %add3A_130 = vector.broadcast %get3A_129 : vector<1x16xf32> to vector<400x16xf32>
      %add3A_131 = arith.addf %dot_general3A_126, %add3A_130 : vector<400x16xf32>
      %swap3A_132 = arith.constant 0 : index
      %swap3A_133 = arith.constant 0 : index
      %swap3A_134 = vector.load %arg8[%swap3A_132, %swap3A_133] : memref<400x16xf32, #tpu.memory_space<vmem>>, vector<400x16xf32>
      tpu.vector_store %arg8[%swap3A_132, %swap3A_133], %add3A_131 {strides = array<i32>} : memref<400x16xf32, #tpu.memory_space<vmem>>, vector<400x16xf32>,
    } else {
    }
    %iota3A = tpu.iota {dimensions = array<i32: 1>} : vector<1x8xi32>
    %eq3A_2 = vector.broadcast %arg1 : i32 to vector<1x8xi32>
    %eq3A_3 = arith.cmpi eq, %iota3A, %eq3A_2 : vector<1x8xi32>
    %get3A = arith.constant 0 : index
    %get3A_4 = arith.constant 0 : index
    %get3A_5 = vector.load %arg7[%get3A, %get3A_4] : memref<400x8xf32, #tpu.memory_space<vmem>>, vector<400x8xf32>
    %convert_element_type3A_6 = arith.extui %eq3A_3 : vector<1x8xi1> to vector<1x8xi32>
    %convert_element_type3A_7 = arith.sitofp %convert_element_type3A_6 : vector<1x8xi32> to vector<1x8xf32>
    %mul3A = vector.broadcast %convert_element_type3A_7 : vector<1x8xf32> to vector<400x8xf32>
    %mul3A_8 = arith.mulf %get3A_5, %mul3A : vector<400x8xf32>
    %reduce_sum3A = arith.constant dense<0.000000e+00> : vector<400xf32>
    %reduce_sum3A_9 = vector.multi_reduction <add>, %mul3A_8, %reduce_sum3A [1] : vector<400x8xf32> to vector<400xf32>
    %broadcast_in_dim3A = vector.shape_cast %reduce_sum3A_9 : vector<400xf32> to vector<400x1xf32>
    %get3A_10 = arith.constant 0 : index
    %get3A_11 = arith.constant 0 : index
    %get3A_12 = arith.constant 0 : index
    %get3A_13 = arith.constant 0 : index
    %get3A_14 = vector.load %arg6[%get3A_10, %get3A_11, %get3A_12, %get3A_13] : memref<16x1x400x16xf32, #tpu.memory_space<vmem>>, vector<1x1x400x16xf32>
    %get3A_15 = vector.shape_cast %get3A_14 : vector<1x1x400x16xf32> to vector<400x16xf32>
    %get3A_16 = arith.constant 1 : index
    %get3A_17 = arith.constant 0 : index
    %get3A_18 = arith.constant 0 : index
    %get3A_19 = arith.constant 0 : index
    %get3A_20 = vector.load %arg6[%get3A_16, %get3A_17, %get3A_18, %get3A_19] : memref<16x1x400x16xf32, #tpu.memory_space<vmem>>, vector<1x1x400x16xf32>
    %get3A_21 = vector.shape_cast %get3A_20 : vector<1x1x400x16xf32> to vector<400x16xf32>
    %get3A_22 = arith.constant 2 : index
    %get3A_23 = arith.constant 0 : index
    %get3A_24 = arith.constant 0 : index
    %get3A_25 = arith.constant 0 : index
    %get3A_26 = vector.load %arg6[%get3A_22, %get3A_23, %get3A_24, %get3A_25] : memref<16x1x400x16xf32, #tpu.memory_space<vmem>>, vector<1x1x400x16xf32>
    %get3A_27 = vector.shape_cast %get3A_26 : vector<1x1x400x16xf32> to vector<400x16xf32>
    %get3A_28 = arith.constant 3 : index
    %get3A_29 = arith.constant 0 : index
    %get3A_30 = arith.constant 0 : index
    %get3A_31 = arith.constant 0 : index
    %get3A_32 = vector.load %arg6[%get3A_28, %get3A_29, %get3A_30, %get3A_31] : memref<16x1x400x16xf32, #tpu.memory_space<vmem>>, vector<1x1x400x16xf32>
    %get3A_33 = vector.shape_cast %get3A_32 : vector<1x1x400x16xf32> to vector<400x16xf32>
    %get3A_34 = arith.constant 4 : index
    %get3A_35 = arith.constant 0 : index
    %get3A_36 = arith.constant 0 : index
    %get3A_37 = arith.constant 0 : index
    %get3A_38 = vector.load %arg6[%get3A_34, %get3A_35, %get3A_36, %get3A_37] : memref<16x1x400x16xf32, #tpu.memory_space<vmem>>, vector<1x1x400x16xf32>
    %get3A_39 = vector.shape_cast %get3A_38 : vector<1x1x400x16xf32> to vector<400x16xf32>
    %get3A_40 = arith.constant 5 : index
    %get3A_41 = arith.constant 0 : index
    %get3A_42 = arith.constant 0 : index
    %get3A_43 = arith.constant 0 : index
    %get3A_44 = vector.load %arg6[%get3A_40, %get3A_41, %get3A_42, %get3A_43] : memref<16x1x400x16xf32, #tpu.memory_space<vmem>>, vector<1x1x400x16xf32>
    %get3A_45 = vector.shape_cast %get3A_44 : vector<1x1x400x16xf32> to vector<400x16xf32>
    %get3A_46 = arith.constant 6 : index
    %get3A_47 = arith.constant 0 : index
    %get3A_48 = arith.constant 0 : index
    %get3A_49 = arith.constant 0 : index
    %get3A_50 = vector.load %arg6[%get3A_46, %get3A_47, %get3A_48, %get3A_49] : memref<16x1x400x16xf32, #tpu.memory_space<vmem>>, vector<1x1x400x16xf32>
    %get3A_51 = vector.shape_cast %get3A_50 : vector<1x1x400x16xf32> to vector<400x16xf32>
    %get3A_52 = arith.constant 7 : index
    %get3A_53 = arith.constant 0 : index
    %get3A_54 = arith.constant 0 : index
    %get3A_55 = arith.constant 0 : index
    %get3A_56 = vector.load %arg6[%get3A_52, %get3A_53, %get3A_54, %get3A_55] : memref<16x1x400x16xf32, #tpu.memory_space<vmem>>, vector<1x1x400x16xf32>
    %get3A_57 = vector.shape_cast %get3A_56 : vector<1x1x400x16xf32> to vector<400x16xf32>
    %get3A_58 = arith.constant 8 : index
    %get3A_59 = arith.constant 0 : index
    %get3A_60 = arith.constant 0 : index
    %get3A_61 = arith.constant 0 : index
    %get3A_62 = vector.load %arg6[%get3A_58, %get3A_59, %get3A_60, %get3A_61] : memref<16x1x400x16xf32, #tpu.memory_space<vmem>>, vector<1x1x400x16xf32>
    %get3A_63 = vector.shape_cast %get3A_62 : vector<1x1x400x16xf32> to vector<400x16xf32>
    %get3A_64 = arith.constant 9 : index
    %get3A_65 = arith.constant 0 : index
    %get3A_66 = arith.constant 0 : index
    %get3A_67 = arith.constant 0 : index
    %get3A_68 = vector.load %arg6[%get3A_64, %get3A_65, %get3A_66, %get3A_67] : memref<16x1x400x16xf32, #tpu.memory_space<vmem>>, vector<1x1x400x16xf32>
    %get3A_69 = vector.shape_cast %get3A_68 : vector<1x1x400x16xf32> to vector<400x16xf32>
    %get3A_70 = arith.constant 10 : index
    %get3A_71 = arith.constant 0 : index
    %get3A_72 = arith.constant 0 : index
    %get3A_73 = arith.constant 0 : index
    %get3A_74 = vector.load %arg6[%get3A_70, %get3A_71, %get3A_72, %get3A_73] : memref<16x1x400x16xf32, #tpu.memory_space<vmem>>, vector<1x1x400x16xf32>
    %get3A_75 = vector.shape_cast %get3A_74 : vector<1x1x400x16xf32> to vector<400x16xf32>
    %get3A_76 = arith.constant 11 : index
    %get3A_77 = arith.constant 0 : index
    %get3A_78 = arith.constant 0 : index
    %get3A_79 = arith.constant 0 : index
    %get3A_80 = vector.load %arg6[%get3A_76, %get3A_77, %get3A_78, %get3A_79] : memref<16x1x400x16xf32, #tpu.memory_space<vmem>>, vector<1x1x400x16xf32>
    %get3A_81 = vector.shape_cast %get3A_80 : vector<1x1x400x16xf32> to vector<400x16xf32>
    %get3A_82 = arith.constant 12 : index
    %get3A_83 = arith.constant 0 : index
    %get3A_84 = arith.constant 0 : index
    %get3A_85 = arith.constant 0 : index
    %get3A_86 = vector.load %arg6[%get3A_82, %get3A_83, %get3A_84, %get3A_85] : memref<16x1x400x16xf32, #tpu.memory_space<vmem>>, vector<1x1x400x16xf32>
    %get3A_87 = vector.shape_cast %get3A_86 : vector<1x1x400x16xf32> to vector<400x16xf32>
    %get3A_88 = arith.constant 13 : index
    %get3A_89 = arith.constant 0 : index
    %get3A_90 = arith.constant 0 : index
    %get3A_91 = arith.constant 0 : index
    %get3A_92 = vector.load %arg6[%get3A_88, %get3A_89, %get3A_90, %get3A_91] : memref<16x1x400x16xf32, #tpu.memory_space<vmem>>, vector<1x1x400x16xf32>
    %get3A_93 = vector.shape_cast %get3A_92 : vector<1x1x400x16xf32> to vector<400x16xf32>
    %get3A_94 = arith.constant 14 : index
    %get3A_95 = arith.constant 0 : index
    %get3A_96 = arith.constant 0 : index
    %get3A_97 = arith.constant 0 : index
    %get3A_98 = vector.load %arg6[%get3A_94, %get3A_95, %get3A_96, %get3A_97] : memref<16x1x400x16xf32, #tpu.memory_space<vmem>>, vector<1x1x400x16xf32>
    %get3A_99 = vector.shape_cast %get3A_98 : vector<1x1x400x16xf32> to vector<400x16xf32>
    %get3A_100 = arith.constant 15 : index
    %get3A_101 = arith.constant 0 : index
    %get3A_102 = arith.constant 0 : index
    %get3A_103 = arith.constant 0 : index
    %get3A_104 = vector.load %arg6[%get3A_100, %get3A_101, %get3A_102, %get3A_103] : memref<16x1x400x16xf32, #tpu.memory_space<vmem>>, vector<1x1x400x16xf32>
    %get3A_105 = vector.shape_cast %get3A_104 : vector<1x1x400x16xf32> to vector<400x16xf32>
    %concatenate3A = tpu.concatenate %get3A_15, %get3A_21, %get3A_27, %get3A_33, %get3A_39, %get3A_45, %get3A_51, %get3A_57, %get3A_63, %get3A_69, %get3A_75, %get3A_81, %get3A_87, %get3A_93, %get3A_99, %get3A_105 in 1 : vector<400x16xf32>, vector<400x16xf32>, vector<400x16xf32>, vector<400x16xf32>, vector<400x16xf32>, vector<400x16xf32>, vector<400x16xf32>, vector<400x16xf32>, vector<400x16xf32>, vector<400x16xf32>, vector<400x16xf32>, vector<400x16xf32>, vector<400x16xf32>, vector<400x16xf32>, vector<400x16xf32>, vector<400x16xf32> -> vector<400x256xf32>
    %get3A_106 = arith.constant 0 : index
    %get3A_107 = arith.constant 0 : index
    %get3A_108 = vector.load %arg8[%get3A_106, %get3A_107] : memref<400x16xf32, #tpu.memory_space<vmem>>, vector<400x16xf32>
    %mul3A_109 = vector.broadcast %broadcast_in_dim3A : vector<400x1xf32> to vector<400x256xf32>
    %mul3A_110 = arith.mulf %concatenate3A, %mul3A_109 : vector<400x256xf32>
    %get3A_111 = arith.constant 0 : index
    %get3A_112 = arith.constant 0 : index
    %get3A_113 = arith.constant 0 : index
    %get3A_114 = vector.load %arg5[%get3A_111, %get3A_112, %get3A_113] : memref<1x256x16xf32, #tpu.memory_space<vmem>>, vector<1x256x16xf32>
    %get3A_115 = vector.shape_cast %get3A_114 : vector<1x256x16xf32> to vector<256x16xf32>
    %dot_general3A = arith.constant dense<0.000000e+00> : vector<400x16xf32>
    %dot_general3A_116 = tpu.matmul %mul3A_110, %get3A_115, %dot_general3A {dimension_numbers = #tpu.dot_dimension_numbers<[1], [0], [0], [1], [0, 0, 1, 1], [], []>, transpose_lhs_hint = false} : vector<400x256xf32>, vector<256x16xf32>, vector<400x16xf32> -> vector<400x16xf32>
    %add3A = arith.addf %get3A_108, %dot_general3A_116 : vector<400x16xf32>
    %swap3A = arith.constant 0 : index
    %swap3A_117 = arith.constant 0 : index
    %swap3A_118 = vector.load %arg8[%swap3A, %swap3A_117] : memref<400x16xf32, #tpu.memory_space<vmem>>, vector<400x16xf32>
    tpu.vector_store %arg8[%swap3A, %swap3A_117], %add3A {strides = array<i32>} : memref<400x16xf32, #tpu.memory_space<vmem>>, vector<400x16xf32>,
    return
  }
  func.func @transform_0(%arg0: i32, %arg1: i32) -> (i32, i32) {
    %c0_i32 = arith.constant 0 : i32
    %c0_i32_0 = arith.constant 0 : i32
    return %arg0, %c0_i32 : i32, i32
  }
  func.func @transform_1(%arg0: i32, %arg1: i32) -> (i32, i32) {
    %c0_i32 = arith.constant 0 : i32
    %c0_i32_0 = arith.constant 0 : i32
    %c0_i32_1 = arith.constant 0 : i32
    return %c0_i32, %c0_i32_0 : i32, i32
  }
  func.func @transform_2(%arg0: i32, %arg1: i32) -> (i32, i32) {
    %c0_i32 = arith.constant 0 : i32
    %c0_i32_0 = arith.constant 0 : i32
    %c0_i32_1 = arith.constant 0 : i32
    return %c0_i32, %c0_i32_0 : i32, i32
  }
  func.func @transform_3(%arg0: i32, %arg1: i32) -> (i32, i32, i32) {
    %c0_i32 = arith.constant 0 : i32
    %c0_i32_0 = arith.constant 0 : i32
    %c0_i32_1 = arith.constant 0 : i32
    return %arg1, %c0_i32, %c0_i32_0 : i32, i32, i32
  }
  func.func @transform_4(%arg0: i32, %arg1: i32) -> (i32, i32, i32, i32) {
    %mul3A = arith.constant 26 : i32
    %mul3A_0 = arith.muli %arg1, %mul3A : i32
    %add3A = arith.addi %mul3A_0, %arg0 : i32
    %c0_i32 = arith.constant 0 : i32
    %c0_i32_1 = arith.constant 0 : i32
    %c0_i32_2 = arith.constant 0 : i32
    %c0_i32_3 = arith.constant 0 : i32
    return %c0_i32, %add3A, %c0_i32_1, %c0_i32_2 : i32, i32, i32, i32
  }
  func.func @transform_5(%arg0: i32, %arg1: i32) -> (i32, i32) {
    %c0_i32 = arith.constant 0 : i32
    %c0_i32_0 = arith.constant 0 : i32
    return %arg0, %c0_i32 : i32, i32
  }
  func.func @transform_6(%arg0: i32, %arg1: i32) -> (i32, i32) {
    %c0_i32 = arith.constant 0 : i32
    %c0_i32_0 = arith.constant 0 : i32
    return %arg0, %c0_i32 : i32, i32
  }
}

</mosaic_0001>

<sc_bundles>
// kernel: kernel.6.cloned.1.call-start
scs
__scs_entry_jumppad:
0x0: {  	(pc) =	sbr.rel $0x88, $3  }
0x1: {  	(tag) =	ssettag $0x0;
	lr =	simm.s32 $0x1  }
0x2: {  	[smem:$0x3F98] =	sst lr;
	_ =	strace $0xD0000000  }
0x3: {  	_ = 	snop  }
0x4: {  	_ = 	snop  }
0x5: {  	_ = 	snop  }
0x6: {  	_ = 	snop  }
0x7: {  	_ = 	snop  }
__scs_overlays_trampoline_lowered:
0x8: {  	[smem:$0x3FA7] =	sst s0  }
0x9: {  	[smem:$0x3FA8] =	sst s1  }
0xa: {  	[smem:$0x3FA9] =	sst s2  }
0xb: {  	[smem:$0x3FAA] =	sst s3  }
0xc: {  	[smem:$0x3FAB] =	sst s4  }
0xd: {  	[smem:$0x3FAC] =	sst s5  }
0xe: {  	[smem:$0x3FAD] =	sst s6  }
0xf: {  	[smem:$0x3FAE] =	sst s7  }
0x10: {  	[smem:$0x3FAF] =	sst s8  }
0x11: {  	[smem:$0x3FB0] =	sst s9;
	s0 =	simm.s32 @!p0 $0x0  }
0x12: {  	s1 =	sld [smem:$0x3F96];
	s0 =	simm.s32 @p0 $0x1  }
0x13: {  	[smem:$0x3FB1] =	sst s0;
	s0 =	simm.s32 @!p1 $0x0  }
0x14: {  	s2 =	sld [smem:$0x3F95];
	s0 =	simm.s32 @p1 $0x1  }
0x15: {  	[smem:$0x3FB2] =	sst s0;
	s0 =	simm.s32 @!p2 $0x0  }
0x16: {  	s3 =	sld [smem:$0x3FDB];
	s0 =	simm.s32 @p2 $0x1  }
0x17: {  	s4 =	simm.s32 $0x1BF5;
	[smem:$0x3FB4] =	sst s0  }
0x18: {  	s0 =	sld [smem:$0x3F97];
	_ =	swait.ge [sflag:s4], $0x0  }
0x19: {  	s7 =	sld [smem:$0x3F98]  }
0x1a: {  	s8 =	sadd.s32 $0xFFFFE003, lr  }
0x1b: {  	s9 =	sadd.s32 $0xFFFFFEF7, lr;
	s5 =	simm.s32 $0xFFFFFFFF;
	p2 =	slt.u32 s8, $0xFFFFF086  }
0x1c: {  	p1 =	slt.u32 s9, $0xF7A;
	s5 =	simm.s32 @!p2 $0x0  }
0x1d: {  	s5 =	simm.s32 @p1 $0x1;
	p0 =	seq.s32 s7, s2  }
0x1e: {  	s7 =	smul.u32 @!p0 $0xF7A, s2;
	p2 =	seq.s32 @!p0 s5, $0x0  }
0x1f: {  	s9 =	smul.u32 $0xF7A, s1;
	s8 =	simm.s32 @!p0 $0x1BF5;
	p2 =	por !p2, p0  }
0x20: {  	[sflag:s8] =	ssyncset.s32 @!p0 $0xFFFFF086;
	s6 =	sadd.s32 @!p0 s3, s7;
	s7 =	simm.s32 @!p0 $0x108  }
0x21: {  	s3 =	sadd.s32 s3, s9;
	s6 =	sadd.s32 @!p0 $0x88, s6;
	s7 =	simm.s32 @p2 $0x1082  }
0x22: {  	[simem:s7], [sflag:s8] =	dma.local @!p0 [hbm:s6], $0xF7A  }
0x23: {  	s9 =	sor.u32 $0xD0000000, s2;
	s6 =	simm.s32 $0x108;
	_ =	swait.ge @!p0 [sflag:s8], $0x0  }
0x24: {  	s3 =	sadd.s32 $0x88, s3;
	s6 =	simm.s32 @!p1 $0x1082;
	[sflag:s4] =	ssyncset.s32 $0xFFFFF086  }
0x25: {  	[simem:s6], [sflag:s4] =	dma.local [hbm:s3], $0xF7A  }
0x26: {  	[smem:$0x3F98] =	sst s1;
	(tag) =	ssettag s2;
	_ =	strace s9  }
0x27: {  	s1 =	sld [smem:$0x3FA8]  }
0x28: {  	s2 =	sld [smem:$0x3FA9]  }
0x29: {  	s4 =	sld [smem:$0x3FAB]  }
0x2a: {  	p0 =	seq.s32 s5, $0x0;
	s5 =	sld [smem:$0x3FAC]  }
0x2b: {  	s6 =	sld [smem:$0x3FAD]  }
0x2c: {  	s7 =	sld [smem:$0x3FAE]  }
0x2d: {  	s3 =	simm.s32 $0x108;
	s8 =	sld [smem:$0x3FAF]  }
0x2e: {  	s3 =	simm.s32 @!p0 $0x1082;
	s9 =	sld [smem:$0x3FB0]  }
0x2f: {  	lr =	sadd.s32 s0, s3;
	s0 =	sld [smem:$0x3FA7]  }
0x30: {  	s3 =	sld [smem:$0x3FAA]  }
0x31: {  	[smem:$0x3FB3] =	sst s10  }
0x32: {  	s10 =	sld [smem:$0x3FB1];
	_ =	sdelay $0x3  }
0x33: {  	p0 =	seq.s32 s10, $0x1;
	s10 =	sld [smem:$0x3FB3];
	_ =	sdelay $0x3  }
0x34: {  	[smem:$0x3FB3] =	sst s10  }
0x35: {  	s10 =	sld [smem:$0x3FB2];
	_ =	sdelay $0x3  }
0x36: {  	p1 =	seq.s32 s10, $0x1;
	s10 =	sld [smem:$0x3FB3];
	_ =	sdelay $0x3  }
0x37: {  	[smem:$0x3FB3] =	sst s10  }
0x38: {  	s10 =	sld [smem:$0x3FB4]  }
0x39: {  	_ = 	snop;
	(pc) =	sbr.ind lr, $3  }
0x3a: {  	_ = 	snop  }
0x3b: {  	_ = 	snop  }
0x3c: {  	p2 =	seq.s32 s10, $0x1;
	s10 =	sld [smem:$0x3FB3]  }
0x3d: {  	_ =	shalt  }
0x3e: {  	_ =	shalt  }
0x3f: {  	_ =	shalt  }
0x40: {  	_ =	shalt  }
0x41: {  	_ =	shalt  }
0x42: {  	_ =	shalt  }
0x43: {  	_ =	shalt  }
0x44: {  	_ =	shalt  }
0x45: {  	_ =	shalt  }
0x46: {  	_ =	shalt  }
0x47: {  	_ =	shalt  }
0x48: {  	_ =	shalt  }
0x49: {  	_ =	shalt  }
0x4a: {  	_ =	shalt  }
0x4b: {  	_ =	shalt  }
0x4c: {  	_ =	shalt  }
0x4d: {  	_ =	shalt  }
0x4e: {  	_ =	shalt  }
0x4f: {  	_ =	shalt  }
0x50: {  	_ =	shalt  }
0x51: {  	_ =	shalt  }
0x52: {  	_ =	shalt  }
0x53: {  	_ =	shalt  }
0x54: {  	_ =	shalt  }
0x55: {  	_ =	shalt  }
0x56: {  	_ =	shalt  }
0x57: {  	_ =	shalt  }
0x58: {  	_ =	shalt  }
0x59: {  	_ =	shalt  }
0x5a: {  	_ =	shalt  }
0x5b: {  	_ =	shalt  }
0x5c: {  	_ =	shalt  }
0x5d: {  	_ =	shalt  }
0x5e: {  	_ =	shalt  }
0x5f: {  	_ =	shalt  }
0x60: {  	_ =	shalt  }
0x61: {  	_ =	shalt  }
0x62: {  	_ =	shalt  }
0x63: {  	_ =	shalt  }
0x64: {  	_ =	shalt  }
0x65: {  	_ =	shalt  }
0x66: {  	_ =	shalt  }
0x67: {  	_ =	shalt  }
0x68: {  	_ =	shalt  }
0x69: {  	_ =	shalt  }
0x6a: {  	_ =	shalt  }
0x6b: {  	_ =	shalt  }
0x6c: {  	_ =	shalt  }
0x6d: {  	_ =	shalt  }
0x6e: {  	_ =	shalt  }
0x6f: {  	_ =	shalt  }
0x70: {  	_ =	shalt  }
0x71: {  	_ =	shalt  }
0x72: {  	_ =	shalt  }
0x73: {  	_ =	shalt  }
0x74: {  	_ =	shalt  }
0x75: {  	_ =	shalt  }
0x76: {  	_ =	shalt  }
0x77: {  	_ =	shalt  }
0x78: {  	_ =	shalt  }
0x79: {  	_ =	shalt  }
0x7a: {  	_ =	shalt  }
0x7b: {  	_ =	shalt  }
0x7c: {  	_ =	shalt  }
0x7d: {  	_ =	shalt  }
0x7e: {  	_ =	shalt  }
0x7f: {  	_ =	shalt  }
0x80: {  	_ =	shalt  }
0x81: {  	_ =	shalt  }
0x82: {  	_ =	shalt  }
0x83: {  	_ =	shalt  }
0x84: {  	_ =	shalt  }
0x85: {  	_ =	shalt  }
0x86: {  	_ =	shalt  }
0x87: {  	_ =	shalt  }
.Lfunc_end0:
.L_simem_size_0:
called_computation_lowered:
.L_overlay_start_0:
0x88: {  	s2 =	sld [smem:$0x3FD9]  }
0x89: {  	s3 =	sld [smem:$0x3FFE];
	_ =	sdelay $0x1  }
0x8a: {  	s1 =	srdreg.scid  }
0x8b: {  	s0 =	sand.u32 $0x1, s1  }
0x8c: {  	s16 =	sshll.u32 s0, $0xA;
	s2 =	sadd.s32 s3, s2  }
0x8d: {  	s2 =	sadd.s32 s2, s16  }
0x8e: {  	[smem:$0x3FBF] =	sst s2  }
0x8f: {  	_ = 	snop  }
0x90: {  	(tm) =	ssettm $0x1  }
0x91: {  	s17 =	sld [smem:$0x3FFB];
	_ =	sdelay $0x3  }
0x92: {  	_ =	strace s17  }
0x93: {  	s2 =	sld [smem:$0x3FFC];
	_ =	sdelay $0x3  }
0x94: {  	_ =	strace s2  }
0x95: {  	s2 =	sld [smem:$0x3FFD];
	_ =	sdelay $0x3  }
0x96: {  	_ =	strace s2  }
0x97: {  	_ =	strace $0x8FFFFFFF  }
0x98: {  	s18 =	sld [smem:$0x3FDB];
	_ =	sdelay $0x1  }
0x99: {  	s19 =	simm.s32 $_scs_section_size  }
0x9a: {  	s4 =	simm.s32 $_size__tile_overlayer_lowered;
	s5 =	simm.s32 $_tile_overlayer_lowered  }
0x9b: {  	s22 =	simm.s32 $0x1BFF;
	s21 =	sshll.u32 s5, $0x1;
	s2 =	sadd.s32 s19, s18  }
0x9c: {  	s6 =	simm.s32 $0x0;
	s20 =	sshll.u32 s4, $0x1;
	s4 =	sadd.s32 s21, s2  }
0x9d: {  	[timem:s6], [sflag:s22] =	dma.local [hbm:s4], s20  }
0x9e: {  	_ =	swait.ge [sflag:s22], s20  }
0x9f: {  	s3 =	ssub.s32 $0x0, s20;
	[sflag:s22] =	ssyncset.done $0x0  }
0xa0: {  	[sflag:s22] =	ssyncadd.s32 s3;
	_ =	sdelay $0x1  }
0xa1: {  	s23 =	simm.s32 $0x1B8B  }
0xa2: {  	_ =	swait.ge [sflag:s23], $0x1  }
0xa3: {  	[sflag:s23] =	ssyncset.done $0x0  }
0xa4: {  	s25 =	simm.s32 $0x1B8E;
	s24 =	sld [smem:$0x3FFE];
	[sflag:s23] =	ssyncadd.s32 $0xFFFFFFFF  }
0xa5: {  	s26 =	simm.s32 $execute0_lowered;
	[smem:$0x3FD2] =	sst s25  }
0xa6: {  	s4 =	sshll.u32 s26, $0x1;
	_ =	strace $0x80000046;
	[dreg:$0x1] =	wrdreg $0xFFFFFFFF  }
0xa7: {  	s28 =	simm.s32 $_size_execute0_lowered;
	s2 =	sadd.s32 s2, s4;
	[dreg:$0x0] =	wrdreg $0x0  }
0xa8: {  	s4 =	sshll.u32 s28, $0x1;
	[dreg:$0x2] =	wrdreg s2  }
0xa9: {  	[dreg:$0x3] =	wrdreg s4  }
0xaa: {  	[dreg:$0x4] =	wrdreg $0xC0  }
0xab: {  	_ =	task [dreg:s6], $0x5FFFF  }
0xac: {  	[dreg:$0x1] =	wrdreg $0xFFFFFFFF  }
0xad: {  	[dreg:$0x0] =	wrdreg $0x60  }
0xae: {  	[dreg:$0x2] =	wrdreg s24  }
0xaf: {  	[dreg:$0x3] =	wrdreg $0xAC800  }
0xb0: {  	[dreg:$0x4] =	wrdreg $0x9  }
0xb1: {  	_ =	task.clear_ibuf [dreg:s6], $0x5FFFF;
	_ =	strace $0x90000046  }
0xb2: {  	s29 =	simm.s32 $0x9;
	_ =	strace $0x80000048  }
0xb3: {  	_ =	swait.ge [sflag:s29], $0x1  }
0xb4: {  	[sflag:s29] =	ssyncadd.s32 $0xFFFFFFFF  }
0xb5: {  	_ =	strace $0x90000048  }
0xb6: {  	_ =	sfence  }
0xb7: {  	s30 =	sld [smem:$0x0];
	_ =	sdelay $0x2  }
0xb8: {  	s31 =	sshll.u32 s1, $0xD;
	s1 =	sshrl.u32 s1, $0x2  }
0xb9: {  	s3 =	sand.u32 $0x4000, s31;
	s1 =	sadd.s32 s1, s30  }
0xba: {  	s0 =	sor.u32 s3, s0;
	s1 =	sshll.u32 s1, $0x11  }
0xbb: {  	s0 =	sor.u32 s1, s0  }
0xbc: {  	s0 =	sadd.s32 $0x8F2B, s0  }
0xbd: {  	[sflag:s0] =	ssyncadd.remote.s32 $0x1  }
0xbe: {  	_ =	sfence.sel $0xFFFF  }
0xbf: {  	[dreg:$0x0] =	wrdreg $0xFFFFFFFF;
	(pc) =	sbr.abs _section_cstart, $3  }
0xc0: {  	[dreg:$0x1] =	wrdreg $0xFFFFFFFF  }
0xc1: {  	_ =	task.clear_ibuf [dreg:s6], $0x2FFFF;
	_ =	strace $0x9FFFFFFF  }
0xc2: {  	(tm) =	ssettm $0x7FFFFFFF  }
0xc3: {  	_ =	shalt  }
tec
execute0_lowered:
.L_overlay_start_1:
0x0: {  	(tag) =	ssettag $0x1  }
0x1: {  	s0 =	rddreg [dreg:$0x0]  }
0x2: {  	s2 =	rddreg [dreg:$0x1];
	s12 =	simm.s32 $0x0  }
0x3: {  	s9 =	stileid.u32;
	s3 =	srdreg.scid;
	s13 =	simm.s32 $0xA000  }
0x4: {  	s14 =	simm.s32 $0x6;
	s15 =	simm.s32 $0x80;
	s28 =	simm.s32 $0x4800  }
0x5: {  	s30 =	simm.s32 $0x5000;
	s10 =	simm.s32 $0x6800;
	s16 =	simm.s32 $0x7000  }
0x6: {  	s20 =	simm.s32 $0x7800;
	s29 =	simm.s32 $0x8800;
	s1 =	smul.u32 $0x28A0, s9  }
0x7: {  	s22 =	simm.s32 $0x2;
	[smem:$0x7FF] =	sst s12;
	s23 =	smul.u32 $0x1400, s9  }
0x8: {  	s18 =	sand.u32 $0x1, s3;
	s5 =	sadd.s32 $0x16000, s0;
	s7 =	smul.u32 $0x14, s9  }
0x9: {  	s6 =	sadd.s32 $0x2000, s0;
	s9 =	smul.u32 $0x51400, s9;
	s4 =	ssub.s32 $0x2, s18  }
0xa: {  	_ =	strace $0x80000047;
	[dreg:$0x4] =	wrdreg s18;
	s8 =	sshrl.u32 s4, $0x1  }
0xb: {  	s0 =	sadd.s32 s1, s0;
	s3 =	sadd.s32 s6, s23;
	s25 =	sor.u32 $0x2, s7  }
0xc: {  	s26 =	sshrl.u32 s9, $0x2;
	s1 =	simm.s32 $0x6000;
	s9 =	simm.s32 $0x9000  }
.Ltmp0:
0xd: {  	s24 =	ssub.s32 s4, s8;
	[dreg:$0x5] =	wrdreg s3;
	(pc) =	sbr.rel .LBB2_1-.Ltmp0, $4  }
0xe: {  	s8 =	sor.u32 $0x1, s7;
	[dreg:$0x6] =	wrdreg s25;
	s0 =	sadd.s32 $0x42000, s0  }
0xf: {  	s11 =	sadd.s32 s26, s2;
	s3 =	simm.s32 $0x9800;
	s7 =	simm.s32 $0x1  }
0x10: {  	s4 =	simm.s32 $0x3;
	[dreg:$0x7] =	wrdreg s0;
	s31 =	smax.u32 s24, $0x1  }
0x11: {  	v0 =	vimm.f32 $0.0e+00;
	s0 =	simm.s32 $0x5800;
	s24 =	simm.s32 $0x8000;
	[dreg:$0x8] =	wrdreg s31  }
.LBB2_19:
0x12: {  	s12 =	rddreg [dreg:$0x3]  }
0x13: {  	s17 =	rddreg [dreg:$0x8];
	s12 =	sadd.s32 $0x1, s12  }
0x14: {  	p0 =	sne.s32 s12, s17  }
.Ltmp1:
0x15: {  	_ = 	snop;
	(pc) =	sbr.rel @!p0 .LBB2_20-.Ltmp1, $1  }
0x16: {  	_ =	sdelay $0x3  }
.LBB2_1:
0x17: {  	[dreg:$0x3] =	wrdreg s12;
	s12 =	simm.s32 $0x0  }
.LBB2_2:
0x18: {  	p0 =	sne.s32 s12, $0x31C0  }
.Ltmp2:
0x19: {  	_ = 	snop;
	(pc) =	sbr.rel @p0 .LBB2_2-.Ltmp2, $3  }
0x1a: {  	_ =	sdelay $0x1  }
0x1b: {  	s17 =	sshra.s32 s12, $0x2  }
0x1c: {  	s12 =	sadd.s32 $0x40, s12;
	[tilespmem:s17+$0xA000] =	vst v0  }
.Ltmp3:
0x1d: {  	(pc) =	sbr.rel .LBB2_4-.Ltmp3, $2  }
0x1e: {  	_ =	sdelay $0x2  }
0x1f: {  	s17 =	simm.s32 $0x0  }
.LBB2_17:
0x20: {  	_ =	swait.ge [sflag:s4], $0x800  }
0x21: {  	[sflag:s4] =	ssyncset.done $0x0  }
0x22: {  	[sflag:s4] =	ssyncadd.s32 $0xFFFFF800  }
0x23: {  	_ =	swait.ge [sflag:s4], $0x800  }
0x24: {  	[sflag:s4] =	ssyncset.done $0x0  }
0x25: {  	[sflag:s4] =	ssyncadd.s32 $0xFFFFF800  }
0x26: {  	_ =	swait.ge [sflag:s4], $0x800  }
0x27: {  	[sflag:s4] =	ssyncset.done $0x0  }
0x28: {  	[sflag:s4] =	ssyncadd.s32 $0xFFFFF800  }
0x29: {  	_ =	swait.ge [sflag:s4], $0x800  }
0x2a: {  	[sflag:s4] =	ssyncset.done $0x0  }
0x2b: {  	[sflag:s4] =	ssyncadd.s32 $0xFFFFF800  }
0x2c: {  	_ =	swait.ge [sflag:s4], $0x800  }
0x2d: {  	[sflag:s4] =	ssyncset.done $0x0  }
0x2e: {  	[sflag:s4] =	ssyncadd.s32 $0xFFFFF800  }
0x2f: {  	_ =	swait.ge [sflag:s4], $0x800  }
0x30: {  	[sflag:s4] =	ssyncset.done $0x0  }
0x31: {  	[sflag:s4] =	ssyncadd.s32 $0xFFFFF800  }
0x32: {  	_ =	swait.ge [sflag:s4], $0x800  }
0x33: {  	[sflag:s4] =	ssyncset.done $0x0  }
0x34: {  	[sflag:s4] =	ssyncadd.s32 $0xFFFFF800  }
0x35: {  	_ =	swait.ge [sflag:s4], $0x800  }
0x36: {  	[sflag:s4] =	ssyncset.done $0x0  }
0x37: {  	s12 =	simm.s32 $0x4;
	[sflag:s4] =	ssyncadd.s32 $0xFFFFF800  }
0x38: {  	_ =	swait.ge [sflag:s12], $0x800  }
0x39: {  	[sflag:s12] =	ssyncset.done $0x0  }
0x3a: {  	[sflag:s12] =	ssyncadd.s32 $0xFFFFF800  }
0x3b: {  	_ =	swait.ge [sflag:s12], $0x800  }
0x3c: {  	[sflag:s12] =	ssyncset.done $0x0  }
0x3d: {  	[sflag:s12] =	ssyncadd.s32 $0xFFFFF800  }
0x3e: {  	_ =	swait.ge [sflag:s12], $0x800  }
0x3f: {  	[sflag:s12] =	ssyncset.done $0x0  }
0x40: {  	[sflag:s12] =	ssyncadd.s32 $0xFFFFF800  }
0x41: {  	_ =	swait.ge [sflag:s12], $0x800  }
0x42: {  	[sflag:s12] =	ssyncset.done $0x0  }
0x43: {  	[sflag:s12] =	ssyncadd.s32 $0xFFFFF800  }
0x44: {  	_ =	swait.ge [sflag:s12], $0x800  }
0x45: {  	[sflag:s12] =	ssyncset.done $0x0  }
0x46: {  	[sflag:s12] =	ssyncadd.s32 $0xFFFFF800  }
0x47: {  	_ =	swait.ge [sflag:s12], $0x800  }
0x48: {  	[sflag:s12] =	ssyncset.done $0x0  }
0x49: {  	[sflag:s12] =	ssyncadd.s32 $0xFFFFF800  }
0x4a: {  	_ =	swait.ge [sflag:s12], $0x800  }
0x4b: {  	[sflag:s12] =	ssyncset.done $0x0  }
0x4c: {  	[sflag:s12] =	ssyncadd.s32 $0xFFFFF800  }
0x4d: {  	_ =	swait.ge [sflag:s12], $0x800  }
0x4e: {  	[sflag:s12] =	ssyncset.done $0x0  }
0x4f: {  	s25 =	rddreg [dreg:$0xa];
	[sflag:s12] =	ssyncadd.s32 $0xFFFFF800  }
0x50: {  	s17 =	stileid.u32;
	s12 =	smul.u32 $0x28A00, s25;
	[bflag:$0x0] =	sbarrier.arrive $0xFFFF  }
0x51: {  	s26 =	sshrl.u32 s11, $0x3;
	s17 =	sshll.u32 s17, $0x6;
	s18 =	rddreg [dreg:$0x7]  }
0x52: {  	s31 =	simm.s32 $0x5;
	s17 =	sor.u32 $0x1C05, s17;
	s12 =	sadd.s32 s18, s12  }
0x53: {  	[hbm:s12], [sflag:s17] =	dma.local [spmem:s26], $0x28A0  }
0x54: {  	_ =	swait.ge [sflag:s31], $0x28A0  }
0x55: {  	[sflag:s31] =	ssyncset.done $0x0;
	s18 =	rddreg [dreg:$0x4]  }
0x56: {  	s17 =	rddreg [dreg:$0x9];
	[sflag:s31] =	ssyncadd.s32 $0xFFFFD760  }
.LBB2_18:
0x57: {  	s17 =	sadd.s32 $0x1, s17  }
0x58: {  	p0 =	sne.s32 s17, $0x5  }
.Ltmp4:
0x59: {  	_ = 	snop;
	(pc) =	sbr.rel @!p0 .LBB2_19-.Ltmp4, $1  }
0x5a: {  	_ =	sdelay $0x3  }
.LBB2_4:
0x5b: {  	s12 =	sshll.u32 s17, $0x1  }
0x5c: {  	s19 =	sor.u32 s18, s12  }
0x5d: {  	p0 =	sgt.u32 s19, $0x8  }
.Ltmp5:
0x5e: {  	_ = 	snop;
	(pc) =	sbr.rel @p0 .LBB2_18-.Ltmp5, $1  }
0x5f: {  	_ =	sdelay $0x3  }
0x60: {  	[dreg:$0x9] =	wrdreg s17;
	s12 =	sadd.s32 $0x0, s11  }
0x61: {  	[spmem:s12] =	stream.linear.scatter [tilespmem:s13], [sflag:$0x6], $0xC80, $0x38;
	[tilespmem:$0x1F180] =	vst v63  }
0x62: {  	s12 =	simm.s32 $0x3200;
	_ =	swait.ge [sflag:s14], $0xC80  }
.LBB2_6:
0x63: {  	s17 =	sshra.s32 s12, $0x2;
	[sflag:s14] =	ssyncset.done $0x0;
	p0 =	sne.s32 s12, $0x4E200  }
.Ltmp6:
0x64: {  	s17 =	sadd.s32 s17, s11;
	[sflag:s14] =	ssyncadd.s32 $0xFFFFF380;
	(pc) =	sbr.rel @p0 .LBB2_6-.Ltmp6, $3  }
0x65: {  	[spmem:s17] =	stream.linear.scatter [tilespmem:s13], [sflag:$0x6], $0xC80, $0x38;
	[tilespmem:$0x1F180] =	vst v63  }
0x66: {  	s12 =	sadd.s32 $0x3200, s12;
	_ =	sdelay $0x1  }
0x67: {  	_ =	swait.ge [sflag:s14], $0xC80  }
0x68: {  	[sflag:s14] =	ssyncset.done $0x0  }
0x69: {  	[sflag:s14] =	ssyncadd.s32 $0xFFFFF380  }
0x6a: {  	[bflag:$0x0] =	sbarrier.arrive $0xFFFF  }
0x6b: {  	s12 =	simm.s32 $0x0;
	s17 =	rddreg [dreg:$0x5]  }
0x6c: {  	[tilespmem:s12], [sflag:$0x6] =	stream.linear.gather [hbm4b:s17+s12], $0x800, $0x38;
	[tilespmem:$0x1F180] =	vst v63  }
0x6d: {  	s26 =	simm.s32 $0x0;
	_ =	swait.ge [sflag:s14], $0x800  }
0x6e: {  	s12 =	sand.u32 $0x70, s12;
	s17 =	sand.u32 $0x3FFFFF00, s26;
	[sflag:s14] =	ssyncset.done $0x0  }
0x6f: {  	s17 =	sor.u32 s12, s17;
	[sflag:s14] =	ssyncadd.s32 $0xFFFFF800  }
0x70: {  	v1 =	vld [tilespmem:s17+$0x80];
	_ =	sdelay $0x1  }
0x71: {  	s18 =	simm.s32 $0x0  }
0x72: {  	s18 =	sand.u32 $0xFFFFFF80, s18  }
0x73: {  	s18 =	sor.u32 s12, s18  }
0x74: {  	[tilespmem:s18+$0x1800] =	vst v1  }
0x75: {  	v2 =	vld [tilespmem:s17+$0x0];
	_ =	sdelay $0x1  }
0x76: {  	s31 =	smul.u32 $0x2710, s19  }
0x77: {  	s26 =	simm.s32 $0x10;
	[dreg:$0xa] =	wrdreg s19  }
0x78: {  	s12 =	simm.s32 $0x1;
	s19 =	simm.s32 $0x20;
	v1 =	vmov s31;
	s17 =	simm.s32 $0x2  }
.LBB2_8:
0x79: {  	p0 =	sne.s32 s17, $0x3F;
	s21 =	sand.u32 $0x70, s26;
	s19 =	sand.u32 $0x3FFFFF00, s19;
	v2 =	vadd.s32 v1, v2  }
0x7a: {  	s19 =	sor.u32 s21, s19;
	[tilespmem:s18+$0x1000] =	vst v2  }
0x7b: {  	v2 =	vld [tilespmem:s19+$0x80];
	_ =	sdelay $0x1  }
0x7c: {  	s18 =	sshll.u32 s12, $0x4;
	s12 =	smov.u32 s17  }
0x7d: {  	s18 =	sand.u32 $0xFFFFFF80, s18  }
0x7e: {  	s18 =	sor.u32 s21, s18  }
0x7f: {  	[tilespmem:s18+$0x1800] =	vst v2  }
.Ltmp7:
0x80: {  	v2 =	vld [tilespmem:s19+$0x0];
	(pc) =	sbr.rel @p0 .LBB2_8-.Ltmp7, $2  }
0x81: {  	_ =	sdelay $0x2  }
0x82: {  	s26 =	sadd.s32 $0x10, s26;
	s17 =	sadd.s32 $0x1, s17;
	s19 =	sshll.u32 s12, $0x5  }
0x83: {  	s17 =	sand.u32 $0x70, s26;
	s19 =	sand.u32 $0x3FFFFF00, s19;
	v2 =	vadd.s32 v1, v2  }
0x84: {  	s19 =	sor.u32 s17, s19;
	[tilespmem:s18+$0x1000] =	vst v2  }
0x85: {  	v2 =	vld [tilespmem:s19+$0x80];
	_ =	sdelay $0x1  }
0x86: {  	s12 =	sshll.u32 s12, $0x4  }
0x87: {  	s12 =	sand.u32 $0xFFFFFF80, s12  }
0x88: {  	s12 =	sor.u32 s17, s12  }
0x89: {  	[tilespmem:s12+$0x1800] =	vst v2  }
0x8a: {  	v2 =	vld [tilespmem:s19+$0x0];
	_ =	sdelay $0x4  }
0x8b: {  	v2 =	vadd.s32 v1, v2  }
0x8c: {  	s18 =	simm.s32 $0x1000;
	s19 =	simm.s32 $0x2000;
	[tilespmem:s12+$0x1000] =	vst v2  }
0x8d: {  	[tilespmem:s19], [sflag:$0x1] =	stream.indirect.gather [hbm4b:s5+s15], $0x10, s18, s15, $0xb8;
	[tilespmem:$0x1F180] =	vst v63  }
0x8e: {  	s21 =	simm.s32 $0x1080;
	s23 =	simm.s32 $0x2800  }
0x8f: {  	[tilespmem:s23], [sflag:$0x1] =	stream.indirect.gather [hbm4b:s5+s15], $0x10, s21, s15, $0xb8;
	[tilespmem:$0x1F180] =	vst v63  }
0x90: {  	s25 =	simm.s32 $0x1100;
	s26 =	simm.s32 $0x3000  }
0x91: {  	[tilespmem:s26], [sflag:$0x1] =	stream.indirect.gather [hbm4b:s5+s15], $0x10, s25, s15, $0xb8;
	[tilespmem:$0x1F180] =	vst v63  }
0x92: {  	s17 =	simm.s32 $0x1180;
	s18 =	simm.s32 $0x3800  }
0x93: {  	[tilespmem:s18], [sflag:$0x1] =	stream.indirect.gather [hbm4b:s5+s15], $0x10, s17, s15, $0xb8;
	[tilespmem:$0x1F180] =	vst v63  }
0x94: {  	s19 =	simm.s32 $0x1200;
	s21 =	simm.s32 $0x4000  }
0x95: {  	[tilespmem:s21], [sflag:$0x1] =	stream.indirect.gather [hbm4b:s5+s15], $0x10, s19, s15, $0xb8;
	[tilespmem:$0x1F180] =	vst v63  }
0x96: {  	s23 =	simm.s32 $0x1280  }
0x97: {  	[tilespmem:s28], [sflag:$0x1] =	stream.indirect.gather [hbm4b:s5+s15], $0x10, s23, s15, $0xb8;
	[tilespmem:$0x1F180] =	vst v63  }
.Ltmp8:
0x98: {  	s25 =	simm.s32 $0x1300;
	(pc) =	sbr.rel .LBB2_10-.Ltmp8, $4  }
0x99: {  	[tilespmem:s30], [sflag:$0x1] =	stream.indirect.gather [hbm4b:s5+s15], $0x10, s25, s15, $0xb8;
	[tilespmem:$0x1F180] =	vst v63  }
0x9a: {  	s26 =	simm.s32 $0x1380  }
0x9b: {  	[tilespmem:s0], [sflag:$0x1] =	stream.indirect.gather [hbm4b:s5+s15], $0x10, s26, s15, $0xb8;
	[tilespmem:$0x1F180] =	vst v63  }
0x9c: {  	s31 =	simm.s32 $0x0;
	s26 =	simm.s32 $0x0  }
.LBB2_15:
0x9d: {  	s17 =	sand.u32 $0x70, s17;
	s19 =	sand.u32 $0x3FFFFF00, s21;
	v2 =	vadd.s32 v1, v2  }
0x9e: {  	s19 =	sor.u32 s17, s19;
	[tilespmem:s18+$0x1000] =	vst v2  }
0x9f: {  	v2 =	vld [tilespmem:s19+$0x80];
	_ =	sdelay $0x1  }
0xa0: {  	s12 =	sshll.u32 s12, $0x4  }
0xa1: {  	s12 =	sand.u32 $0xFFFFFF80, s12  }
0xa2: {  	s12 =	sor.u32 s17, s12  }
0xa3: {  	[tilespmem:s12+$0x1800] =	vst v2  }
0xa4: {  	v2 =	vld [tilespmem:s19+$0x0];
	_ =	sdelay $0x4  }
0xa5: {  	v2 =	vadd.s32 v1, v2  }
0xa6: {  	s23 =	simm.s32 $0x1000;
	s25 =	simm.s32 $0x2000;
	[tilespmem:s12+$0x1000] =	vst v2  }
0xa7: {  	[tilespmem:s25], [sflag:$0x1] =	stream.indirect.gather [hbm4b:s5+s15], $0x10, s23, s15, $0xb8;
	[tilespmem:$0x1F180] =	vst v63  }
0xa8: {  	s18 =	simm.s32 $0x2800;
	s17 =	simm.s32 $0x1080  }
0xa9: {  	[tilespmem:s18], [sflag:$0x1] =	stream.indirect.gather [hbm4b:s5+s15], $0x10, s17, s15, $0xb8;
	[tilespmem:$0x1F180] =	vst v63  }
0xaa: {  	s21 =	simm.s32 $0x3000;
	s19 =	simm.s32 $0x1100  }
0xab: {  	[tilespmem:s21], [sflag:$0x1] =	stream.indirect.gather [hbm4b:s5+s15], $0x10, s19, s15, $0xb8;
	[tilespmem:$0x1F180] =	vst v63  }
0xac: {  	s23 =	simm.s32 $0x1180;
	s25 =	simm.s32 $0x3800  }
0xad: {  	[tilespmem:s25], [sflag:$0x1] =	stream.indirect.gather [hbm4b:s5+s15], $0x10, s23, s15, $0xb8;
	[tilespmem:$0x1F180] =	vst v63  }
0xae: {  	s18 =	simm.s32 $0x1200;
	s19 =	simm.s32 $0x4000  }
0xaf: {  	[tilespmem:s19], [sflag:$0x1] =	stream.indirect.gather [hbm4b:s5+s15], $0x10, s18, s15, $0xb8;
	[tilespmem:$0x1F180] =	vst v63  }
0xb0: {  	s21 =	simm.s32 $0x1280  }
0xb1: {  	[tilespmem:s28], [sflag:$0x1] =	stream.indirect.gather [hbm4b:s5+s15], $0x10, s21, s15, $0xb8;
	[tilespmem:$0x1F180] =	vst v63  }
0xb2: {  	s23 =	simm.s32 $0x1300  }
0xb3: {  	[tilespmem:s30], [sflag:$0x1] =	stream.indirect.gather [hbm4b:s5+s15], $0x10, s23, s15, $0xb8;
	[tilespmem:$0x1F180] =	vst v63  }
0xb4: {  	s25 =	simm.s32 $0x1380  }
0xb5: {  	[tilespmem:s0], [sflag:$0x1] =	stream.indirect.gather [hbm4b:s5+s15], $0x10, s25, s15, $0xb8;
	[tilespmem:$0x1F180] =	vst v63  }
.LBB2_16:
0xb6: {  	_ =	swait.ge [sflag:s22], $0x800  }
0xb7: {  	[sflag:s22] =	ssyncset.done $0x0  }
0xb8: {  	[sflag:s22] =	ssyncadd.s32 $0xFFFFF800  }
0xb9: {  	_ =	swait.ge [sflag:s22], $0x800  }
0xba: {  	[sflag:s22] =	ssyncset.done $0x0  }
0xbb: {  	[sflag:s22] =	ssyncadd.s32 $0xFFFFF800  }
0xbc: {  	_ =	swait.ge [sflag:s22], $0x800  }
0xbd: {  	[sflag:s22] =	ssyncset.done $0x0  }
0xbe: {  	[sflag:s22] =	ssyncadd.s32 $0xFFFFF800  }
0xbf: {  	_ =	swait.ge [sflag:s22], $0x800  }
0xc0: {  	[sflag:s22] =	ssyncset.done $0x0  }
0xc1: {  	[sflag:s22] =	ssyncadd.s32 $0xFFFFF800  }
0xc2: {  	_ =	swait.ge [sflag:s22], $0x800  }
0xc3: {  	[sflag:s22] =	ssyncset.done $0x0  }
0xc4: {  	[sflag:s22] =	ssyncadd.s32 $0xFFFFF800  }
0xc5: {  	_ =	swait.ge [sflag:s22], $0x800  }
0xc6: {  	[sflag:s22] =	ssyncset.done $0x0  }
0xc7: {  	[sflag:s22] =	ssyncadd.s32 $0xFFFFF800  }
0xc8: {  	_ =	swait.ge [sflag:s22], $0x800  }
0xc9: {  	[sflag:s22] =	ssyncset.done $0x0  }
0xca: {  	[sflag:s22] =	ssyncadd.s32 $0xFFFFF800  }
0xcb: {  	_ =	swait.ge [sflag:s22], $0x800  }
0xcc: {  	[sflag:s22] =	ssyncset.done $0x0  }
0xcd: {  	s12 =	simm.s32 $0x1C00;
	[sflag:s22] =	ssyncadd.s32 $0xFFFFF800  }
0xce: {  	[spmem:s2] =	stream.indirect.scatter.add.f32 [tilespmem:s1], [sflag:$0x4], $0x10, s12, s15, $0xb8;
	[tilespmem:$0x1F180] =	vst v63  }
0xcf: {  	s25 =	simm.s32 $0x1C80  }
0xd0: {  	[spmem:s2] =	stream.indirect.scatter.add.f32 [tilespmem:s10], [sflag:$0x4], $0x10, s25, s15, $0xb8;
	[tilespmem:$0x1F180] =	vst v63  }
0xd1: {  	s17 =	simm.s32 $0x1D00  }
0xd2: {  	[spmem:s2] =	stream.indirect.scatter.add.f32 [tilespmem:s16], [sflag:$0x4], $0x10, s17, s15, $0xb8;
	[tilespmem:$0x1F180] =	vst v63  }
0xd3: {  	s18 =	simm.s32 $0x1D80  }
0xd4: {  	[spmem:s2] =	stream.indirect.scatter.add.f32 [tilespmem:s20], [sflag:$0x4], $0x10, s18, s15, $0xb8;
	[tilespmem:$0x1F180] =	vst v63  }
0xd5: {  	s19 =	simm.s32 $0x1E00;
	s31 =	sadd.s32 $0x1, s31  }
0xd6: {  	[spmem:s2] =	stream.indirect.scatter.add.f32 [tilespmem:s24], [sflag:$0x4], $0x10, s19, s15, $0xb8;
	[tilespmem:$0x1F180] =	vst v63  }
0xd7: {  	s21 =	simm.s32 $0x1E80;
	p0 =	sne.s32 s31, $0xA  }
0xd8: {  	[spmem:s2] =	stream.indirect.scatter.add.f32 [tilespmem:s29], [sflag:$0x4], $0x10, s21, s15, $0xb8;
	[tilespmem:$0x1F180] =	vst v63  }
.Ltmp9:
0xd9: {  	_ = 	snop;
	(pc) =	sbr.rel @!p0 .LBB2_17-.Ltmp9, $4  }
0xda: {  	s23 =	simm.s32 $0x1F00  }
0xdb: {  	[spmem:s2] =	stream.indirect.scatter.add.f32 [tilespmem:s9], [sflag:$0x4], $0x10, s23, s15, $0xb8;
	[tilespmem:$0x1F180] =	vst v63  }
0xdc: {  	s25 =	simm.s32 $0x1F80  }
0xdd: {  	[spmem:s2] =	stream.indirect.scatter.add.f32 [tilespmem:s3], [sflag:$0x4], $0x10, s25, s15, $0xb8;
	[tilespmem:$0x1F180] =	vst v63  }
.LBB2_10:
0xde: {  	p0 =	seq.s32 s31, $0x0  }
0xdf: {  	s17 =	simm.s32 @!p0 $0x4  }
0xe0: {  	_ =	swait.ge @!p0 [sflag:s17], $0x800  }
0xe1: {  	[sflag:s17] =	ssyncset.done @!p0 $0x0  }
0xe2: {  	[sflag:s17] =	ssyncadd.s32 @!p0 $0xFFFFF800  }
0xe3: {  	_ =	swait.ge @!p0 [sflag:s17], $0x800  }
0xe4: {  	[sflag:s17] =	ssyncset.done @!p0 $0x0  }
0xe5: {  	[sflag:s17] =	ssyncadd.s32 @!p0 $0xFFFFF800  }
0xe6: {  	_ =	swait.ge @!p0 [sflag:s17], $0x800  }
0xe7: {  	[sflag:s17] =	ssyncset.done @!p0 $0x0  }
0xe8: {  	[sflag:s17] =	ssyncadd.s32 @!p0 $0xFFFFF800  }
0xe9: {  	_ =	swait.ge @!p0 [sflag:s17], $0x800  }
0xea: {  	[sflag:s17] =	ssyncset.done @!p0 $0x0  }
0xeb: {  	[sflag:s17] =	ssyncadd.s32 @!p0 $0xFFFFF800  }
0xec: {  	_ =	swait.ge @!p0 [sflag:s17], $0x800  }
0xed: {  	[sflag:s17] =	ssyncset.done @!p0 $0x0  }
0xee: {  	[sflag:s17] =	ssyncadd.s32 @!p0 $0xFFFFF800  }
0xef: {  	_ =	swait.ge @!p0 [sflag:s17], $0x800  }
0xf0: {  	[sflag:s17] =	ssyncset.done @!p0 $0x0  }
0xf1: {  	[sflag:s17] =	ssyncadd.s32 @!p0 $0xFFFFF800  }
0xf2: {  	_ =	swait.ge @!p0 [sflag:s17], $0x800  }
0xf3: {  	[sflag:s17] =	ssyncset.done @!p0 $0x0  }
0xf4: {  	s12 =	sshll.u32 s31, $0x1;
	[sflag:s17] =	ssyncadd.s32 @!p0 $0xFFFFF800  }
0xf5: {  	s18 =	sadd.s32 s12, s8;
	_ =	swait.ge @!p0 [sflag:s17], $0x800  }
0xf6: {  	s18 =	sshll.u32 s18, $0x8;
	[sflag:s17] =	ssyncset.done @!p0 $0x0  }
0xf7: {  	s21 =	simm.s32 $0x800;
	s19 =	sadd.s32 s6, s18;
	[sflag:s17] =	ssyncadd.s32 @!p0 $0xFFFFF800  }
0xf8: {  	[tilespmem:s21], [sflag:$0x6] =	stream.linear.gather [hbm4b:s19+s26], $0x800, $0x38;
	[tilespmem:$0x1F180] =	vst v63  }
0xf9: {  	s23 =	simm.s32 $0x0;
	_ =	swait.ge [sflag:s14], $0x800  }
0xfa: {  	s25 =	sand.u32 $0x70, s26;
	s17 =	sand.u32 $0x3FFFFF00, s23;
	[sflag:s14] =	ssyncset.done $0x0  }
0xfb: {  	s17 =	sor.u32 s25, s17;
	[sflag:s14] =	ssyncadd.s32 $0xFFFFF800  }
0xfc: {  	v2 =	vld [tilespmem:s17+$0x880];
	_ =	sdelay $0x1  }
0xfd: {  	s19 =	simm.s32 $0x0  }
0xfe: {  	s19 =	sand.u32 $0xFFFFFF80, s19  }
0xff: {  	s21 =	sor.u32 s25, s19  }
0x100: {  	[tilespmem:s21+$0x1C00] =	vst v2  }
0x101: {  	v2 =	vld [tilespmem:s17+$0x800];
	_ =	sdelay $0x2  }
0x102: {  	s18 =	simm.s32 $0x1  }
0x103: {  	s23 =	simm.s32 $0x20;
	s19 =	simm.s32 $0x2;
	s17 =	simm.s32 $0x10  }
.LBB2_11:
0x104: {  	p0 =	sne.s32 s19, $0x3F;
	s25 =	sand.u32 $0x70, s17;
	s23 =	sand.u32 $0x3FFFFF00, s23;
	v2 =	vadd.s32 v1, v2  }
0x105: {  	s23 =	sor.u32 s25, s23;
	[tilespmem:s21+$0x1400] =	vst v2  }
0x106: {  	v2 =	vld [tilespmem:s23+$0x880];
	_ =	sdelay $0x1  }
0x107: {  	s21 =	sshll.u32 s18, $0x4;
	s18 =	smov.u32 s19  }
0x108: {  	s21 =	sand.u32 $0xFFFFFF80, s21  }
0x109: {  	s21 =	sor.u32 s25, s21  }
0x10a: {  	[tilespmem:s21+$0x1C00] =	vst v2  }
.Ltmp10:
0x10b: {  	v2 =	vld [tilespmem:s23+$0x800];
	(pc) =	sbr.rel @p0 .LBB2_11-.Ltmp10, $2  }
0x10c: {  	_ =	sdelay $0x2  }
0x10d: {  	s17 =	sadd.s32 $0x10, s17;
	s19 =	sadd.s32 $0x1, s19;
	s23 =	sshll.u32 s18, $0x5  }
0x10e: {  	s17 =	sand.u32 $0x70, s17;
	s19 =	sand.u32 $0x3FFFFF00, s23;
	v2 =	vadd.s32 v1, v2  }
0x10f: {  	[tilespmem:s21+$0x1400] =	vst v2;
	s19 =	sor.u32 s17, s19  }
0x110: {  	v2 =	vld [tilespmem:s19+$0x880];
	_ =	sdelay $0x1  }
0x111: {  	s18 =	sshll.u32 s18, $0x4  }
0x112: {  	s18 =	sand.u32 $0xFFFFFF80, s18  }
0x113: {  	s17 =	sor.u32 s17, s18  }
0x114: {  	[tilespmem:s17+$0x1C00] =	vst v2  }
0x115: {  	v2 =	vld [tilespmem:s19+$0x800];
	_ =	sdelay $0x4  }
0x116: {  	v2 =	vadd.s32 v1, v2  }
0x117: {  	s23 =	simm.s32 $0x1400;
	[tilespmem:s17+$0x1400] =	vst v2  }
0x118: {  	[tilespmem:s1], [sflag:$0x2] =	stream.indirect.gather [hbm4b:s5+s15], $0x10, s23, s15, $0xb8;
	[tilespmem:$0x1F180] =	vst v63  }
0x119: {  	s25 =	simm.s32 $0x1480  }
0x11a: {  	[tilespmem:s10], [sflag:$0x2] =	stream.indirect.gather [hbm4b:s5+s15], $0x10, s25, s15, $0xb8;
	[tilespmem:$0x1F180] =	vst v63  }
0x11b: {  	s18 =	simm.s32 $0x1500  }
0x11c: {  	[tilespmem:s16], [sflag:$0x2] =	stream.indirect.gather [hbm4b:s5+s15], $0x10, s18, s15, $0xb8;
	[tilespmem:$0x1F180] =	vst v63  }
0x11d: {  	s19 =	simm.s32 $0x1580  }
0x11e: {  	[tilespmem:s20], [sflag:$0x2] =	stream.indirect.gather [hbm4b:s5+s15], $0x10, s19, s15, $0xb8;
	[tilespmem:$0x1F180] =	vst v63  }
0x11f: {  	s21 =	simm.s32 $0x1600  }
0x120: {  	[tilespmem:s24], [sflag:$0x2] =	stream.indirect.gather [hbm4b:s5+s15], $0x10, s21, s15, $0xb8;
	[tilespmem:$0x1F180] =	vst v63  }
0x121: {  	s23 =	simm.s32 $0x1680  }
0x122: {  	[tilespmem:s29], [sflag:$0x2] =	stream.indirect.gather [hbm4b:s5+s15], $0x10, s23, s15, $0xb8;
	[tilespmem:$0x1F180] =	vst v63  }
0x123: {  	s25 =	simm.s32 $0x1700  }
0x124: {  	[tilespmem:s9], [sflag:$0x2] =	stream.indirect.gather [hbm4b:s5+s15], $0x10, s25, s15, $0xb8;
	[tilespmem:$0x1F180] =	vst v63  }
0x125: {  	s18 =	simm.s32 $0x1780  }
0x126: {  	[tilespmem:s3], [sflag:$0x2] =	stream.indirect.gather [hbm4b:s5+s15], $0x10, s18, s15, $0xb8;
	[tilespmem:$0x1F180] =	vst v63  }
0x127: {  	_ =	swait.ge [sflag:s7], $0x800  }
0x128: {  	[sflag:s7] =	ssyncset.done $0x0  }
0x129: {  	[sflag:s7] =	ssyncadd.s32 $0xFFFFF800  }
0x12a: {  	_ =	swait.ge [sflag:s7], $0x800  }
0x12b: {  	[sflag:s7] =	ssyncset.done $0x0  }
0x12c: {  	[sflag:s7] =	ssyncadd.s32 $0xFFFFF800  }
0x12d: {  	_ =	swait.ge [sflag:s7], $0x800  }
0x12e: {  	[sflag:s7] =	ssyncset.done $0x0  }
0x12f: {  	[sflag:s7] =	ssyncadd.s32 $0xFFFFF800  }
0x130: {  	_ =	swait.ge [sflag:s7], $0x800  }
0x131: {  	[sflag:s7] =	ssyncset.done $0x0  }
0x132: {  	[sflag:s7] =	ssyncadd.s32 $0xFFFFF800  }
0x133: {  	_ =	swait.ge [sflag:s7], $0x800  }
0x134: {  	[sflag:s7] =	ssyncset.done $0x0  }
0x135: {  	[sflag:s7] =	ssyncadd.s32 $0xFFFFF800  }
0x136: {  	_ =	swait.ge [sflag:s7], $0x800  }
0x137: {  	[sflag:s7] =	ssyncset.done $0x0  }
0x138: {  	[sflag:s7] =	ssyncadd.s32 $0xFFFFF800  }
0x139: {  	_ =	swait.ge [sflag:s7], $0x800  }
0x13a: {  	[sflag:s7] =	ssyncset.done $0x0  }
0x13b: {  	[sflag:s7] =	ssyncadd.s32 $0xFFFFF800  }
0x13c: {  	_ =	swait.ge [sflag:s7], $0x800  }
0x13d: {  	[sflag:s7] =	ssyncset.done $0x0  }
0x13e: {  	s19 =	simm.s32 $0x2000;
	s21 =	simm.s32 $0x1800;
	[sflag:s7] =	ssyncadd.s32 $0xFFFFF800  }
0x13f: {  	[spmem:s2] =	stream.indirect.scatter.add.f32 [tilespmem:s19], [sflag:$0x3], $0x10, s21, s15, $0xb8;
	[tilespmem:$0x1F180] =	vst v63  }
0x140: {  	s23 =	simm.s32 $0x2800;
	s25 =	simm.s32 $0x1880  }
0x141: {  	[spmem:s2] =	stream.indirect.scatter.add.f32 [tilespmem:s23], [sflag:$0x3], $0x10, s25, s15, $0xb8;
	[tilespmem:$0x1F180] =	vst v63  }
0x142: {  	s19 =	simm.s32 $0x3000;
	s21 =	simm.s32 $0x1900  }
0x143: {  	[spmem:s2] =	stream.indirect.scatter.add.f32 [tilespmem:s19], [sflag:$0x3], $0x10, s21, s15, $0xb8;
	[tilespmem:$0x1F180] =	vst v63  }
0x144: {  	s23 =	simm.s32 $0x3800;
	s25 =	simm.s32 $0x1980  }
0x145: {  	[spmem:s2] =	stream.indirect.scatter.add.f32 [tilespmem:s23], [sflag:$0x3], $0x10, s25, s15, $0xb8;
	[tilespmem:$0x1F180] =	vst v63  }
0x146: {  	s18 =	simm.s32 $0x4000;
	s19 =	simm.s32 $0x1A00  }
0x147: {  	[spmem:s2] =	stream.indirect.scatter.add.f32 [tilespmem:s18], [sflag:$0x3], $0x10, s19, s15, $0xb8;
	[tilespmem:$0x1F180] =	vst v63  }
0x148: {  	p0 =	seq.s32 s31, $0x9;
	s21 =	simm.s32 $0x1A80  }
0x149: {  	[spmem:s2] =	stream.indirect.scatter.add.f32 [tilespmem:s28], [sflag:$0x3], $0x10, s21, s15, $0xb8;
	[tilespmem:$0x1F180] =	vst v63  }
.Ltmp11:
0x14a: {  	_ = 	snop;
	(pc) =	sbr.rel @p0 .LBB2_16-.Ltmp11, $4  }
0x14b: {  	s23 =	simm.s32 $0x1B00  }
0x14c: {  	[spmem:s2] =	stream.indirect.scatter.add.f32 [tilespmem:s30], [sflag:$0x3], $0x10, s23, s15, $0xb8;
	[tilespmem:$0x1F180] =	vst v63  }
0x14d: {  	s25 =	simm.s32 $0x1B80  }
0x14e: {  	[spmem:s2] =	stream.indirect.scatter.add.f32 [tilespmem:s0], [sflag:$0x3], $0x10, s25, s15, $0xb8;
	[tilespmem:$0x1F180] =	vst v63  }
0x14f: {  	_ =	swait.ge [sflag:s4], $0x800  }
0x150: {  	[sflag:s4] =	ssyncset.done $0x0  }
0x151: {  	[sflag:s4] =	ssyncadd.s32 $0xFFFFF800  }
0x152: {  	_ =	swait.ge [sflag:s4], $0x800  }
0x153: {  	[sflag:s4] =	ssyncset.done $0x0  }
0x154: {  	[sflag:s4] =	ssyncadd.s32 $0xFFFFF800  }
0x155: {  	_ =	swait.ge [sflag:s4], $0x800  }
0x156: {  	[sflag:s4] =	ssyncset.done $0x0  }
0x157: {  	[sflag:s4] =	ssyncadd.s32 $0xFFFFF800  }
0x158: {  	_ =	swait.ge [sflag:s4], $0x800  }
0x159: {  	[sflag:s4] =	ssyncset.done $0x0  }
0x15a: {  	[sflag:s4] =	ssyncadd.s32 $0xFFFFF800  }
0x15b: {  	_ =	swait.ge [sflag:s4], $0x800  }
0x15c: {  	[sflag:s4] =	ssyncset.done $0x0  }
0x15d: {  	[sflag:s4] =	ssyncadd.s32 $0xFFFFF800  }
0x15e: {  	_ =	swait.ge [sflag:s4], $0x800  }
0x15f: {  	[sflag:s4] =	ssyncset.done $0x0  }
0x160: {  	[sflag:s4] =	ssyncadd.s32 $0xFFFFF800  }
0x161: {  	_ =	swait.ge [sflag:s4], $0x800  }
0x162: {  	[sflag:s4] =	ssyncset.done $0x0  }
0x163: {  	[sflag:s4] =	ssyncadd.s32 $0xFFFFF800  }
0x164: {  	_ =	swait.ge [sflag:s4], $0x800  }
0x165: {  	s17 =	rddreg [dreg:$0x6]  }
0x166: {  	s12 =	sadd.s32 s12, s17  }
0x167: {  	[sflag:s4] =	ssyncset.done $0x0;
	s12 =	sshll.u32 s12, $0x8  }
0x168: {  	s21 =	simm.s32 $0x0;
	[sflag:s4] =	ssyncadd.s32 $0xFFFFF800;
	s12 =	sadd.s32 s6, s12  }
0x169: {  	[tilespmem:s21], [sflag:$0x6] =	stream.linear.gather [hbm4b:s12+s21], $0x800, $0x38;
	[tilespmem:$0x1F180] =	vst v63  }
0x16a: {  	s23 =	simm.s32 $0x0;
	_ =	swait.ge [sflag:s14], $0x800  }
0x16b: {  	s17 =	sand.u32 $0x70, s21;
	s12 =	sand.u32 $0x3FFFFF00, s23;
	[sflag:s14] =	ssyncset.done $0x0  }
0x16c: {  	s19 =	sor.u32 s17, s12;
	[sflag:s14] =	ssyncadd.s32 $0xFFFFF800  }
0x16d: {  	v2 =	vld [tilespmem:s19+$0x80];
	_ =	sdelay $0x1  }
0x16e: {  	s25 =	simm.s32 $0x0  }
0x16f: {  	s12 =	sand.u32 $0xFFFFFF80, s25  }
0x170: {  	s18 =	sor.u32 s17, s12  }
0x171: {  	[tilespmem:s18+$0x1800] =	vst v2  }
0x172: {  	v2 =	vld [tilespmem:s19+$0x0];
	_ =	sdelay $0x2  }
0x173: {  	s21 =	simm.s32 $0x20  }
0x174: {  	s12 =	simm.s32 $0x1;
	s17 =	simm.s32 $0x10;
	s19 =	simm.s32 $0x2  }
.LBB2_14:
0x175: {  	p0 =	sne.s32 s19, $0x3F;
	s23 =	sand.u32 $0x70, s17;
	s21 =	sand.u32 $0x3FFFFF00, s21;
	v2 =	vadd.s32 v1, v2  }
0x176: {  	s21 =	sor.u32 s23, s21;
	[tilespmem:s18+$0x1000] =	vst v2  }
0x177: {  	v2 =	vld [tilespmem:s21+$0x80];
	_ =	sdelay $0x1  }
0x178: {  	s18 =	sshll.u32 s12, $0x4;
	s12 =	smov.u32 s19  }
0x179: {  	s18 =	sand.u32 $0xFFFFFF80, s18  }
0x17a: {  	s18 =	sor.u32 s23, s18  }
0x17b: {  	[tilespmem:s18+$0x1800] =	vst v2  }
.Ltmp12:
0x17c: {  	v2 =	vld [tilespmem:s21+$0x0];
	(pc) =	sbr.rel @p0 .LBB2_14-.Ltmp12, $2  }
0x17d: {  	_ =	sdelay $0x2  }
0x17e: {  	s17 =	sadd.s32 $0x10, s17;
	s19 =	sadd.s32 $0x1, s19;
	s21 =	sshll.u32 s12, $0x5  }
.Ltmp13:
0x17f: {  	_ = 	snop;
	(pc) =	sbr.rel .LBB2_15-.Ltmp13, $1  }
0x180: {  	_ =	sdelay $0x3  }
.LBB2_20:
0x181: {  	_ =	sfence.sel $0x180000  }
0x182: {  	[bflag:$0x0] =	sbarrier.arrive $0xFFFF  }
0x183: {  	_ =	strace $0x90000047  }
0x184: {  	s0 =	stileid.u32;
	[bflag:$0x2] =	sbarrier.arrive $0xFFFF  }
0x185: {  	p0 =	sne.s32 s0, $0x0;
	s0 =	rddreg [dreg:$0x2]  }
0x186: {  	s0 =	sadd.s32 @!p0 $0x100000, s0  }
0x187: {  	[sflag:s0] =	ssyncadd.tile.s32 @!p0 $0x1;
	_ =	shalt  }
.Lfunc_end2:
_tile_overlayer_lowered:
.L_overlay_start_2:
0x188: {  	(tag) =	ssettag $0x2  }
0x189: {  	s0 =	rddreg [dreg:$0x0];
	s2 =	stileid.u32  }
0x18a: {  	s1 =	rddreg [dreg:$0x1];
	p0 =	sne.s32 s2, $0x0  }
0x18b: {  	s3 =	rddreg [dreg:$0x2];
	[bflag:$0x3] =	sbarrier.arrive $0xFFFF;
	s2 =	simm.s32 @!p0 $0x1C05  }
0x18c: {  	[timem:s3], [sflag:s2] =	dma.local @!p0 [hbm:s0], s1  }
0x18d: {  	s0 =	simm.s32 @!p0 $0x5  }
0x18e: {  	_ =	swait.ge @!p0 [sflag:s0], s1  }
0x18f: {  	s1 =	ssub.s32 @!p0 $0x0, s1;
	[sflag:s0] =	ssyncset.done @!p0 $0x0  }
0x190: {  	[sflag:s0] =	ssyncadd.s32 @!p0 s1  }
0x191: {  	[bflag:$0x3] =	sbarrier.arrive $0xFFFF  }
0x192: {  	_ =	shalt  }

// kernel: kernel.9.cloned.1.call-start
scs
__scs_entry_jumppad:
0x0: {  	(pc) =	sbr.rel $0x88, $3  }
0x1: {  	(tag) =	ssettag $0x0;
	lr =	simm.s32 $0x1  }
0x2: {  	[smem:$0x3F98] =	sst lr;
	_ =	strace $0xD0000000  }
0x3: {  	_ = 	snop  }
0x4: {  	_ = 	snop  }
0x5: {  	_ = 	snop  }
0x6: {  	_ = 	snop  }
0x7: {  	_ = 	snop  }
__scs_overlays_trampoline_lowered:
0x8: {  	[smem:$0x3FA7] =	sst s0  }
0x9: {  	[smem:$0x3FA8] =	sst s1  }
0xa: {  	[smem:$0x3FA9] =	sst s2  }
0xb: {  	[smem:$0x3FAA] =	sst s3  }
0xc: {  	[smem:$0x3FAB] =	sst s4  }
0xd: {  	[smem:$0x3FAC] =	sst s5  }
0xe: {  	[smem:$0x3FAD] =	sst s6  }
0xf: {  	[smem:$0x3FAE] =	sst s7  }
0x10: {  	[smem:$0x3FAF] =	sst s8  }
0x11: {  	[smem:$0x3FB0] =	sst s9;
	s0 =	simm.s32 @!p0 $0x0  }
0x12: {  	s1 =	sld [smem:$0x3F96];
	s0 =	simm.s32 @p0 $0x1  }
0x13: {  	[smem:$0x3FB1] =	sst s0;
	s0 =	simm.s32 @!p1 $0x0  }
0x14: {  	s2 =	sld [smem:$0x3F95];
	s0 =	simm.s32 @p1 $0x1  }
0x15: {  	[smem:$0x3FB2] =	sst s0;
	s0 =	simm.s32 @!p2 $0x0  }
0x16: {  	s3 =	sld [smem:$0x3FDB];
	s0 =	simm.s32 @p2 $0x1  }
0x17: {  	s4 =	simm.s32 $0x1BF5;
	[smem:$0x3FB4] =	sst s0  }
0x18: {  	s0 =	sld [smem:$0x3F97];
	_ =	swait.ge [sflag:s4], $0x0  }
0x19: {  	s7 =	sld [smem:$0x3F98]  }
0x1a: {  	s8 =	sadd.s32 $0xFFFFE003, lr  }
0x1b: {  	s9 =	sadd.s32 $0xFFFFFEF7, lr;
	s5 =	simm.s32 $0xFFFFFFFF;
	p2 =	slt.u32 s8, $0xFFFFF086  }
0x1c: {  	p1 =	slt.u32 s9, $0xF7A;
	s5 =	simm.s32 @!p2 $0x0  }
0x1d: {  	s5 =	simm.s32 @p1 $0x1;
	p0 =	seq.s32 s7, s2  }
0x1e: {  	s7 =	smul.u32 @!p0 $0xF7A, s2;
	p2 =	seq.s32 @!p0 s5, $0x0  }
0x1f: {  	s9 =	smul.u32 $0xF7A, s1;
	s8 =	simm.s32 @!p0 $0x1BF5;
	p2 =	por !p2, p0  }
0x20: {  	[sflag:s8] =	ssyncset.s32 @!p0 $0xFFFFF086;
	s6 =	sadd.s32 @!p0 s3, s7;
	s7 =	simm.s32 @!p0 $0x108  }
0x21: {  	s3 =	sadd.s32 s3, s9;
	s6 =	sadd.s32 @!p0 $0x88, s6;
	s7 =	simm.s32 @p2 $0x1082  }
0x22: {  	[simem:s7], [sflag:s8] =	dma.local @!p0 [hbm:s6], $0xF7A  }
0x23: {  	s9 =	sor.u32 $0xD0000000, s2;
	s6 =	simm.s32 $0x108;
	_ =	swait.ge @!p0 [sflag:s8], $0x0  }
0x24: {  	s3 =	sadd.s32 $0x88, s3;
	s6 =	simm.s32 @!p1 $0x1082;
	[sflag:s4] =	ssyncset.s32 $0xFFFFF086  }
0x25: {  	[simem:s6], [sflag:s4] =	dma.local [hbm:s3], $0xF7A  }
0x26: {  	[smem:$0x3F98] =	sst s1;
	(tag) =	ssettag s2;
	_ =	strace s9  }
0x27: {  	s1 =	sld [smem:$0x3FA8]  }
0x28: {  	s2 =	sld [smem:$0x3FA9]  }
0x29: {  	s4 =	sld [smem:$0x3FAB]  }
0x2a: {  	p0 =	seq.s32 s5, $0x0;
	s5 =	sld [smem:$0x3FAC]  }
0x2b: {  	s6 =	sld [smem:$0x3FAD]  }
0x2c: {  	s7 =	sld [smem:$0x3FAE]  }
0x2d: {  	s3 =	simm.s32 $0x108;
	s8 =	sld [smem:$0x3FAF]  }
0x2e: {  	s3 =	simm.s32 @!p0 $0x1082;
	s9 =	sld [smem:$0x3FB0]  }
0x2f: {  	lr =	sadd.s32 s0, s3;
	s0 =	sld [smem:$0x3FA7]  }
0x30: {  	s3 =	sld [smem:$0x3FAA]  }
0x31: {  	[smem:$0x3FB3] =	sst s10  }
0x32: {  	s10 =	sld [smem:$0x3FB1];
	_ =	sdelay $0x3  }
0x33: {  	p0 =	seq.s32 s10, $0x1;
	s10 =	sld [smem:$0x3FB3];
	_ =	sdelay $0x3  }
0x34: {  	[smem:$0x3FB3] =	sst s10  }
0x35: {  	s10 =	sld [smem:$0x3FB2];
	_ =	sdelay $0x3  }
0x36: {  	p1 =	seq.s32 s10, $0x1;
	s10 =	sld [smem:$0x3FB3];
	_ =	sdelay $0x3  }
0x37: {  	[smem:$0x3FB3] =	sst s10  }
0x38: {  	s10 =	sld [smem:$0x3FB4]  }
0x39: {  	_ = 	snop;
	(pc) =	sbr.ind lr, $3  }
0x3a: {  	_ = 	snop  }
0x3b: {  	_ = 	snop  }
0x3c: {  	p2 =	seq.s32 s10, $0x1;
	s10 =	sld [smem:$0x3FB3]  }
0x3d: {  	_ =	shalt  }
0x3e: {  	_ =	shalt  }
0x3f: {  	_ =	shalt  }
0x40: {  	_ =	shalt  }
0x41: {  	_ =	shalt  }
0x42: {  	_ =	shalt  }
0x43: {  	_ =	shalt  }
0x44: {  	_ =	shalt  }
0x45: {  	_ =	shalt  }
0x46: {  	_ =	shalt  }
0x47: {  	_ =	shalt  }
0x48: {  	_ =	shalt  }
0x49: {  	_ =	shalt  }
0x4a: {  	_ =	shalt  }
0x4b: {  	_ =	shalt  }
0x4c: {  	_ =	shalt  }
0x4d: {  	_ =	shalt  }
0x4e: {  	_ =	shalt  }
0x4f: {  	_ =	shalt  }
0x50: {  	_ =	shalt  }
0x51: {  	_ =	shalt  }
0x52: {  	_ =	shalt  }
0x53: {  	_ =	shalt  }
0x54: {  	_ =	shalt  }
0x55: {  	_ =	shalt  }
0x56: {  	_ =	shalt  }
0x57: {  	_ =	shalt  }
0x58: {  	_ =	shalt  }
0x59: {  	_ =	shalt  }
0x5a: {  	_ =	shalt  }
0x5b: {  	_ =	shalt  }
0x5c: {  	_ =	shalt  }
0x5d: {  	_ =	shalt  }
0x5e: {  	_ =	shalt  }
0x5f: {  	_ =	shalt  }
0x60: {  	_ =	shalt  }
0x61: {  	_ =	shalt  }
0x62: {  	_ =	shalt  }
0x63: {  	_ =	shalt  }
0x64: {  	_ =	shalt  }
0x65: {  	_ =	shalt  }
0x66: {  	_ =	shalt  }
0x67: {  	_ =	shalt  }
0x68: {  	_ =	shalt  }
0x69: {  	_ =	shalt  }
0x6a: {  	_ =	shalt  }
0x6b: {  	_ =	shalt  }
0x6c: {  	_ =	shalt  }
0x6d: {  	_ =	shalt  }
0x6e: {  	_ =	shalt  }
0x6f: {  	_ =	shalt  }
0x70: {  	_ =	shalt  }
0x71: {  	_ =	shalt  }
0x72: {  	_ =	shalt  }
0x73: {  	_ =	shalt  }
0x74: {  	_ =	shalt  }
0x75: {  	_ =	shalt  }
0x76: {  	_ =	shalt  }
0x77: {  	_ =	shalt  }
0x78: {  	_ =	shalt  }
0x79: {  	_ =	shalt  }
0x7a: {  	_ =	shalt  }
0x7b: {  	_ =	shalt  }
0x7c: {  	_ =	shalt  }
0x7d: {  	_ =	shalt  }
0x7e: {  	_ =	shalt  }
0x7f: {  	_ =	shalt  }
0x80: {  	_ =	shalt  }
0x81: {  	_ =	shalt  }
0x82: {  	_ =	shalt  }
0x83: {  	_ =	shalt  }
0x84: {  	_ =	shalt  }
0x85: {  	_ =	shalt  }
0x86: {  	_ =	shalt  }
0x87: {  	_ =	shalt  }
.Lfunc_end0:
.L_simem_size_0:
called_computation.1_lowered:
.L_overlay_start_0:
0x88: {  	s2 =	sld [smem:$0x3FD9]  }
0x89: {  	s3 =	sld [smem:$0x3FFE];
	_ =	sdelay $0x1  }
0x8a: {  	s1 =	srdreg.scid  }
0x8b: {  	s0 =	sand.u32 $0x1, s1  }
0x8c: {  	s16 =	sshll.u32 s0, $0xA;
	s2 =	sadd.s32 s3, s2  }
0x8d: {  	s2 =	sadd.s32 s2, s16  }
0x8e: {  	[smem:$0x3FBF] =	sst s2  }
0x8f: {  	_ = 	snop  }
0x90: {  	(tm) =	ssettm $0x1  }
0x91: {  	s17 =	sld [smem:$0x3FFB];
	_ =	sdelay $0x3  }
0x92: {  	_ =	strace s17  }
0x93: {  	s2 =	sld [smem:$0x3FFC];
	_ =	sdelay $0x3  }
0x94: {  	_ =	strace s2  }
0x95: {  	s2 =	sld [smem:$0x3FFD];
	_ =	sdelay $0x3  }
0x96: {  	_ =	strace s2  }
0x97: {  	_ =	strace $0x8FFFFFFF  }
0x98: {  	s18 =	sld [smem:$0x3FDB];
	_ =	sdelay $0x1  }
0x99: {  	s19 =	simm.s32 $_scs_section_size  }
0x9a: {  	s4 =	simm.s32 $_size__tile_overlayer_lowered;
	s5 =	simm.s32 $_tile_overlayer_lowered  }
0x9b: {  	s22 =	simm.s32 $0x1BFF;
	s21 =	sshll.u32 s5, $0x1;
	s2 =	sadd.s32 s19, s18  }
0x9c: {  	s6 =	simm.s32 $0x0;
	s20 =	sshll.u32 s4, $0x1;
	s4 =	sadd.s32 s21, s2  }
0x9d: {  	[timem:s6], [sflag:s22] =	dma.local [hbm:s4], s20  }
0x9e: {  	_ =	swait.ge [sflag:s22], s20  }
0x9f: {  	s3 =	ssub.s32 $0x0, s20;
	[sflag:s22] =	ssyncset.done $0x0  }
0xa0: {  	[sflag:s22] =	ssyncadd.s32 s3;
	_ =	sdelay $0x1  }
0xa1: {  	s23 =	simm.s32 $0x1B8B  }
0xa2: {  	_ =	swait.ge [sflag:s23], $0x1  }
0xa3: {  	[sflag:s23] =	ssyncset.done $0x0  }
0xa4: {  	s25 =	simm.s32 $0x1B8E;
	s24 =	sld [smem:$0x3FFE];
	[sflag:s23] =	ssyncadd.s32 $0xFFFFFFFF  }
0xa5: {  	s26 =	simm.s32 $execute0_lowered;
	[smem:$0x3FD2] =	sst s25  }
0xa6: {  	s4 =	sshll.u32 s26, $0x1;
	_ =	strace $0x80000049;
	[dreg:$0x1] =	wrdreg $0xFFFFFFFF  }
0xa7: {  	s28 =	simm.s32 $_size_execute0_lowered;
	s2 =	sadd.s32 s2, s4;
	[dreg:$0x0] =	wrdreg $0x0  }
0xa8: {  	s4 =	sshll.u32 s28, $0x1;
	[dreg:$0x2] =	wrdreg s2  }
0xa9: {  	[dreg:$0x3] =	wrdreg s4  }
0xaa: {  	[dreg:$0x4] =	wrdreg $0xC0  }
0xab: {  	_ =	task [dreg:s6], $0x5FFFF  }
0xac: {  	[dreg:$0x1] =	wrdreg $0xFFFFFFFF  }
0xad: {  	[dreg:$0x0] =	wrdreg $0x60  }
0xae: {  	[dreg:$0x2] =	wrdreg s24  }
0xaf: {  	[dreg:$0x3] =	wrdreg $0xAC800  }
0xb0: {  	[dreg:$0x4] =	wrdreg $0x9  }
0xb1: {  	_ =	task.clear_ibuf [dreg:s6], $0x5FFFF;
	_ =	strace $0x90000049  }
0xb2: {  	s29 =	simm.s32 $0x9;
	_ =	strace $0x8000004B  }
0xb3: {  	_ =	swait.ge [sflag:s29], $0x1  }
0xb4: {  	[sflag:s29] =	ssyncadd.s32 $0xFFFFFFFF  }
0xb5: {  	_ =	strace $0x9000004B  }
0xb6: {  	_ =	sfence  }
0xb7: {  	s30 =	sld [smem:$0x0];
	_ =	sdelay $0x2  }
0xb8: {  	s31 =	sshll.u32 s1, $0xD;
	s1 =	sshrl.u32 s1, $0x2  }
0xb9: {  	s3 =	sand.u32 $0x4000, s31;
	s1 =	sadd.s32 s1, s30  }
0xba: {  	s0 =	sor.u32 s3, s0;
	s1 =	sshll.u32 s1, $0x11  }
0xbb: {  	s0 =	sor.u32 s1, s0  }
0xbc: {  	s0 =	sadd.s32 $0x8F2B, s0  }
0xbd: {  	[sflag:s0] =	ssyncadd.remote.s32 $0x1  }
0xbe: {  	_ =	sfence.sel $0xFFFF  }
0xbf: {  	[dreg:$0x0] =	wrdreg $0xFFFFFFFF;
	(pc) =	sbr.abs _section_cstart, $3  }
0xc0: {  	[dreg:$0x1] =	wrdreg $0xFFFFFFFF  }
0xc1: {  	_ =	task.clear_ibuf [dreg:s6], $0x2FFFF;
	_ =	strace $0x9FFFFFFF  }
0xc2: {  	(tm) =	ssettm $0x7FFFFFFF  }
0xc3: {  	_ =	shalt  }
tec
execute0_lowered:
.L_overlay_start_1:
0x0: {  	(tag) =	ssettag $0x1  }
0x1: {  	s0 =	rddreg [dreg:$0x0]  }
0x2: {  	s1 =	rddreg [dreg:$0x1];
	s18 =	simm.s32 $0x0  }
0x3: {  	s2 =	srdreg.scid;
	s9 =	stileid.u32;
	s14 =	simm.s32 $0xA000  }
0x4: {  	s15 =	simm.s32 $0x6;
	s16 =	simm.s32 $0x80;
	s29 =	simm.s32 $0x4800  }
0x5: {  	s31 =	simm.s32 $0x5000;
	s13 =	simm.s32 $0x5800;
	s17 =	simm.s32 $0x7000  }
0x6: {  	s21 =	simm.s32 $0x7800;
	s30 =	simm.s32 $0x8800;
	s23 =	smul.u32 $0x1400, s9  }
0x7: {  	s11 =	simm.s32 $0x9000;
	[smem:$0x7FF] =	sst s18;
	s4 =	smul.u32 $0x14, s9  }
0x8: {  	s3 =	sand.u32 $0x1, s2;
	s5 =	sadd.s32 $0x2FDC00, s0;
	s8 =	smul.u32 $0x51400, s9  }
0x9: {  	s6 =	sadd.s32 $0x2000, s0;
	s0 =	sadd.s32 $0x34BE00, s0;
	s25 =	smul.u32 $0x1450, s9  }
0xa: {  	_ =	strace $0x8000004A;
	[dreg:$0x4] =	wrdreg s3;
	s3 =	ssub.s32 $0x2, s3  }
0xb: {  	s9 =	simm.s32 $0x3;
	[dreg:$0x5] =	wrdreg s0;
	s7 =	sshrl.u32 s3, $0x1  }
0xc: {  	[dreg:$0x6] =	wrdreg s25;
	s2 =	sadd.s32 s6, s23;
	s10 =	sor.u32 $0x1, s4  }
.Ltmp0:
0xd: {  	s26 =	sshrl.u32 s8, $0x2;
	s28 =	sor.u32 $0x2, s4;
	(pc) =	sbr.rel .LBB2_1-.Ltmp0, $4  }
0xe: {  	s4 =	simm.s32 $0x6000;
	s8 =	simm.s32 $0x6800;
	s25 =	simm.s32 $0x8000  }
0xf: {  	s23 =	simm.s32 $0x2;
	s24 =	ssub.s32 s3, s7;
	[dreg:$0x7] =	wrdreg s2  }
0x10: {  	[dreg:$0x8] =	wrdreg s28;
	s12 =	sadd.s32 s26, s1;
	s0 =	smax.u32 s24, $0x1  }
0x11: {  	v0 =	vimm.f32 $0.0e+00;
	s2 =	simm.s32 $0x9800;
	s7 =	simm.s32 $0x1;
	[dreg:$0x9] =	wrdreg s0  }
.LBB2_17:
0x12: {  	s18 =	rddreg [dreg:$0x3]  }
0x13: {  	s0 =	rddreg [dreg:$0x9];
	s18 =	sadd.s32 $0x1, s18  }
0x14: {  	p0 =	sne.s32 s18, s0  }
.Ltmp1:
0x15: {  	_ = 	snop;
	(pc) =	sbr.rel @!p0 .LBB2_18-.Ltmp1, $1  }
0x16: {  	_ =	sdelay $0x3  }
.LBB2_1:
0x17: {  	[dreg:$0x3] =	wrdreg s18;
	s0 =	simm.s32 $0x40;
	s3 =	simm.s32 $0x0  }
.LBB2_2:
0x18: {  	p0 =	sne.s32 s0, $0x31C0;
	[tilespmem:s3+$0xA000] =	vst v0;
	s3 =	smov.u32 s0;
	s0 =	sadd.s32 $0x40, s0  }
.Ltmp2:
0x19: {  	(pc) =	sbr.rel @p0 .LBB2_2-.Ltmp2, $2  }
0x1a: {  	_ =	sdelay $0x2  }
0x1b: {  	s3 =	sshra.s32 s3, $0x2  }
.Ltmp3:
0x1c: {  	(pc) =	sbr.rel .LBB2_4-.Ltmp3, $2  }
0x1d: {  	_ =	sdelay $0x2  }
0x1e: {  	[tilespmem:s3+$0xA000] =	vst v0;
	s19 =	simm.s32 $0x0  }
.LBB2_16:
0x1f: {  	_ =	swait.ge [sflag:s9], $0x800  }
0x20: {  	[sflag:s9] =	ssyncset.done $0x0  }
0x21: {  	[sflag:s9] =	ssyncadd.s32 $0xFFFFF800  }
0x22: {  	_ =	swait.ge [sflag:s9], $0x800  }
0x23: {  	[sflag:s9] =	ssyncset.done $0x0  }
0x24: {  	[sflag:s9] =	ssyncadd.s32 $0xFFFFF800  }
0x25: {  	_ =	swait.ge [sflag:s9], $0x800  }
0x26: {  	[sflag:s9] =	ssyncset.done $0x0  }
0x27: {  	[sflag:s9] =	ssyncadd.s32 $0xFFFFF800  }
0x28: {  	_ =	swait.ge [sflag:s9], $0x800  }
0x29: {  	[sflag:s9] =	ssyncset.done $0x0  }
0x2a: {  	[sflag:s9] =	ssyncadd.s32 $0xFFFFF800  }
0x2b: {  	_ =	swait.ge [sflag:s9], $0x800  }
0x2c: {  	[sflag:s9] =	ssyncset.done $0x0  }
0x2d: {  	[sflag:s9] =	ssyncadd.s32 $0xFFFFF800  }
0x2e: {  	_ =	swait.ge [sflag:s9], $0x800  }
0x2f: {  	[sflag:s9] =	ssyncset.done $0x0  }
0x30: {  	[sflag:s9] =	ssyncadd.s32 $0xFFFFF800  }
0x31: {  	_ =	swait.ge [sflag:s9], $0x800  }
0x32: {  	[sflag:s9] =	ssyncset.done $0x0  }
0x33: {  	[sflag:s9] =	ssyncadd.s32 $0xFFFFF800  }
0x34: {  	_ =	swait.ge [sflag:s9], $0x800  }
0x35: {  	[sflag:s9] =	ssyncset.done $0x0  }
0x36: {  	s3 =	simm.s32 $0x4;
	[sflag:s9] =	ssyncadd.s32 $0xFFFFF800  }
0x37: {  	_ =	swait.ge [sflag:s3], $0x800  }
0x38: {  	[sflag:s3] =	ssyncset.done $0x0  }
0x39: {  	[sflag:s3] =	ssyncadd.s32 $0xFFFFF800  }
0x3a: {  	_ =	swait.ge [sflag:s3], $0x800  }
0x3b: {  	[sflag:s3] =	ssyncset.done $0x0  }
0x3c: {  	[sflag:s3] =	ssyncadd.s32 $0xFFFFF800  }
0x3d: {  	_ =	swait.ge [sflag:s3], $0x800  }
0x3e: {  	[sflag:s3] =	ssyncset.done $0x0  }
0x3f: {  	[sflag:s3] =	ssyncadd.s32 $0xFFFFF800  }
0x40: {  	_ =	swait.ge [sflag:s3], $0x800  }
0x41: {  	[sflag:s3] =	ssyncset.done $0x0  }
0x42: {  	[sflag:s3] =	ssyncadd.s32 $0xFFFFF800  }
0x43: {  	_ =	swait.ge [sflag:s3], $0x800  }
0x44: {  	[sflag:s3] =	ssyncset.done $0x0  }
0x45: {  	[sflag:s3] =	ssyncadd.s32 $0xFFFFF800  }
0x46: {  	_ =	swait.ge [sflag:s3], $0x800  }
0x47: {  	[sflag:s3] =	ssyncset.done $0x0  }
0x48: {  	[sflag:s3] =	ssyncadd.s32 $0xFFFFF800  }
0x49: {  	_ =	swait.ge [sflag:s3], $0x800  }
0x4a: {  	[sflag:s3] =	ssyncset.done $0x0  }
0x4b: {  	[sflag:s3] =	ssyncadd.s32 $0xFFFFF800  }
0x4c: {  	_ =	swait.ge [sflag:s3], $0x800  }
0x4d: {  	s0 =	rddreg [dreg:$0xb]  }
0x4e: {  	[sflag:s3] =	ssyncset.done $0x0;
	s0 =	smul.u32 $0x14500, s0  }
0x4f: {  	s24 =	stileid.u32;
	s22 =	rddreg [dreg:$0x6];
	[sflag:s3] =	ssyncadd.s32 $0xFFFFF800  }
0x50: {  	s26 =	sshrl.u32 s12, $0x3;
	[bflag:$0x0] =	sbarrier.arrive $0xFFFF;
	s0 =	sadd.s32 s22, s0  }
0x51: {  	s3 =	sshll.u32 s24, $0x6;
	s18 =	rddreg [dreg:$0x5];
	s0 =	sshll.u32 s0, $0x1  }
0x52: {  	s28 =	simm.s32 $0x5;
	s3 =	sor.u32 $0x1C05, s3;
	s0 =	sadd.s32 s18, s0  }
0x53: {  	[hbm:s0], [sflag:s3] =	dma.local [spmem:s26], $0x28A0  }
0x54: {  	_ =	swait.ge [sflag:s28], $0x28A0  }
0x55: {  	s19 =	rddreg [dreg:$0xa]  }
0x56: {  	s19 =	sadd.s32 $0x1, s19  }
0x57: {  	p0 =	sne.s32 s19, $0x8  }
.Ltmp4:
0x58: {  	_ = 	snop;
	(pc) =	sbr.rel @!p0 .LBB2_17-.Ltmp4, $3  }
0x59: {  	_ =	sdelay $0x1  }
0x5a: {  	[sflag:s28] =	ssyncset.done $0x0  }
0x5b: {  	[sflag:s28] =	ssyncadd.s32 $0xFFFFD760  }
.LBB2_4:
0x5c: {  	s0 =	sadd.s32 $0x0, s12  }
0x5d: {  	[spmem:s0] =	stream.linear.scatter [tilespmem:s14], [sflag:$0x6], $0xC80, $0x38;
	[tilespmem:$0x1F180] =	vst v63  }
0x5e: {  	s0 =	simm.s32 $0x3200;
	_ =	swait.ge [sflag:s15], $0xC80  }
.LBB2_5:
0x5f: {  	s3 =	sshra.s32 s0, $0x2;
	[sflag:s15] =	ssyncset.done $0x0;
	p0 =	sne.s32 s0, $0x4E200  }
.Ltmp5:
0x60: {  	s3 =	sadd.s32 s3, s12;
	[sflag:s15] =	ssyncadd.s32 $0xFFFFF380;
	(pc) =	sbr.rel @p0 .LBB2_5-.Ltmp5, $3  }
0x61: {  	[spmem:s3] =	stream.linear.scatter [tilespmem:s14], [sflag:$0x6], $0xC80, $0x38;
	[tilespmem:$0x1F180] =	vst v63  }
0x62: {  	s0 =	sadd.s32 $0x3200, s0;
	_ =	sdelay $0x1  }
0x63: {  	_ =	swait.ge [sflag:s15], $0xC80  }
0x64: {  	[sflag:s15] =	ssyncset.done $0x0  }
0x65: {  	[sflag:s15] =	ssyncadd.s32 $0xFFFFF380  }
0x66: {  	[bflag:$0x0] =	sbarrier.arrive $0xFFFF  }
0x67: {  	s0 =	simm.s32 $0x0;
	s3 =	rddreg [dreg:$0x7]  }
0x68: {  	[tilespmem:s0], [sflag:$0x6] =	stream.linear.gather [hbm4b:s3+s0], $0x800, $0x38;
	[tilespmem:$0x1F180] =	vst v63  }
0x69: {  	s20 =	simm.s32 $0x0;
	_ =	swait.ge [sflag:s15], $0x800  }
0x6a: {  	s0 =	sand.u32 $0x70, s0;
	s3 =	sand.u32 $0x3FFFFF00, s20;
	[sflag:s15] =	ssyncset.done $0x0  }
0x6b: {  	s18 =	sor.u32 s0, s3;
	[sflag:s15] =	ssyncadd.s32 $0xFFFFF800  }
0x6c: {  	v1 =	vld [tilespmem:s18+$0x80];
	_ =	sdelay $0x1  }
0x6d: {  	s24 =	simm.s32 $0x0  }
0x6e: {  	s26 =	sand.u32 $0xFFFFFF80, s24  }
0x6f: {  	s3 =	sor.u32 s0, s26  }
0x70: {  	[tilespmem:s3+$0x1800] =	vst v1  }
0x71: {  	s22 =	sshll.u32 s19, $0x1;
	s20 =	rddreg [dreg:$0x4];
	v2 =	vld [tilespmem:s18+$0x0]  }
0x72: {  	s20 =	sor.u32 s20, s22  }
0x73: {  	s28 =	smul.u32 $0x2710, s20  }
0x74: {  	[dreg:$0xa] =	wrdreg s19;
	s0 =	simm.s32 $0x1;
	s19 =	simm.s32 $0x10  }
0x75: {  	[dreg:$0xb] =	wrdreg s20;
	s20 =	simm.s32 $0x20;
	v1 =	vmov s28;
	s18 =	simm.s32 $0x2  }
.LBB2_7:
0x76: {  	p0 =	sne.s32 s18, $0x3F;
	s22 =	sand.u32 $0x70, s19;
	s20 =	sand.u32 $0x3FFFFF00, s20;
	v2 =	vadd.s32 v1, v2  }
0x77: {  	s20 =	sor.u32 s22, s20;
	[tilespmem:s3+$0x1000] =	vst v2  }
0x78: {  	v2 =	vld [tilespmem:s20+$0x80];
	_ =	sdelay $0x1  }
0x79: {  	s3 =	sshll.u32 s0, $0x4;
	s0 =	smov.u32 s18  }
0x7a: {  	s3 =	sand.u32 $0xFFFFFF80, s3  }
0x7b: {  	s3 =	sor.u32 s22, s3  }
0x7c: {  	[tilespmem:s3+$0x1800] =	vst v2  }
.Ltmp6:
0x7d: {  	v2 =	vld [tilespmem:s20+$0x0];
	(pc) =	sbr.rel @p0 .LBB2_7-.Ltmp6, $2  }
0x7e: {  	_ =	sdelay $0x2  }
0x7f: {  	s19 =	sadd.s32 $0x10, s19;
	s18 =	sadd.s32 $0x1, s18;
	s20 =	sshll.u32 s0, $0x5  }
0x80: {  	s18 =	sand.u32 $0x70, s19;
	s26 =	sand.u32 $0x3FFFFF00, s20;
	v2 =	vadd.s32 v1, v2  }
0x81: {  	s19 =	sor.u32 s18, s26;
	[tilespmem:s3+$0x1000] =	vst v2  }
0x82: {  	v2 =	vld [tilespmem:s19+$0x80];
	_ =	sdelay $0x1  }
0x83: {  	s0 =	sshll.u32 s0, $0x4  }
0x84: {  	s0 =	sand.u32 $0xFFFFFF80, s0  }
0x85: {  	s0 =	sor.u32 s18, s0  }
0x86: {  	[tilespmem:s0+$0x1800] =	vst v2  }
0x87: {  	v2 =	vld [tilespmem:s19+$0x0];
	_ =	sdelay $0x4  }
0x88: {  	v2 =	vadd.s32 v1, v2  }
0x89: {  	s18 =	simm.s32 $0x1000;
	s19 =	simm.s32 $0x2000;
	[tilespmem:s0+$0x1000] =	vst v2  }
0x8a: {  	[tilespmem:s19], [sflag:$0x1] =	stream.indirect.gather [hbm4b:s5+s16], $0x10, s18, s16, $0xb8;
	[tilespmem:$0x1F180] =	vst v63  }
0x8b: {  	s20 =	simm.s32 $0x1080;
	s22 =	simm.s32 $0x2800  }
0x8c: {  	[tilespmem:s22], [sflag:$0x1] =	stream.indirect.gather [hbm4b:s5+s16], $0x10, s20, s16, $0xb8;
	[tilespmem:$0x1F180] =	vst v63  }
0x8d: {  	s24 =	simm.s32 $0x1100;
	s26 =	simm.s32 $0x3000  }
0x8e: {  	[tilespmem:s26], [sflag:$0x1] =	stream.indirect.gather [hbm4b:s5+s16], $0x10, s24, s16, $0xb8;
	[tilespmem:$0x1F180] =	vst v63  }
0x8f: {  	s3 =	simm.s32 $0x1180;
	s18 =	simm.s32 $0x3800  }
0x90: {  	[tilespmem:s18], [sflag:$0x1] =	stream.indirect.gather [hbm4b:s5+s16], $0x10, s3, s16, $0xb8;
	[tilespmem:$0x1F180] =	vst v63  }
0x91: {  	s19 =	simm.s32 $0x1200;
	s20 =	simm.s32 $0x4000  }
0x92: {  	[tilespmem:s20], [sflag:$0x1] =	stream.indirect.gather [hbm4b:s5+s16], $0x10, s19, s16, $0xb8;
	[tilespmem:$0x1F180] =	vst v63  }
0x93: {  	s22 =	simm.s32 $0x1280  }
0x94: {  	[tilespmem:s29], [sflag:$0x1] =	stream.indirect.gather [hbm4b:s5+s16], $0x10, s22, s16, $0xb8;
	[tilespmem:$0x1F180] =	vst v63  }
.Ltmp7:
0x95: {  	_ = 	snop;
	(pc) =	sbr.rel .LBB2_9-.Ltmp7, $4  }
0x96: {  	s24 =	simm.s32 $0x1300  }
0x97: {  	[tilespmem:s31], [sflag:$0x1] =	stream.indirect.gather [hbm4b:s5+s16], $0x10, s24, s16, $0xb8;
	[tilespmem:$0x1F180] =	vst v63  }
0x98: {  	s28 =	simm.s32 $0x0;
	s26 =	simm.s32 $0x1380;
	s19 =	simm.s32 $0x0  }
0x99: {  	[tilespmem:s13], [sflag:$0x1] =	stream.indirect.gather [hbm4b:s5+s16], $0x10, s26, s16, $0xb8;
	[tilespmem:$0x1F180] =	vst v63  }
.LBB2_14:
0x9a: {  	s3 =	sand.u32 $0x70, s3;
	s20 =	sand.u32 $0x3FFFFF00, s22;
	v2 =	vadd.s32 v1, v2  }
0x9b: {  	s20 =	sor.u32 s3, s20;
	[tilespmem:s18+$0x1000] =	vst v2  }
0x9c: {  	v2 =	vld [tilespmem:s20+$0x80];
	_ =	sdelay $0x1  }
0x9d: {  	s0 =	sshll.u32 s0, $0x4  }
0x9e: {  	s0 =	sand.u32 $0xFFFFFF80, s0  }
0x9f: {  	s0 =	sor.u32 s3, s0  }
0xa0: {  	[tilespmem:s0+$0x1800] =	vst v2  }
0xa1: {  	v2 =	vld [tilespmem:s20+$0x0];
	_ =	sdelay $0x4  }
0xa2: {  	v2 =	vadd.s32 v1, v2  }
0xa3: {  	s24 =	simm.s32 $0x1000;
	s26 =	simm.s32 $0x2000;
	[tilespmem:s0+$0x1000] =	vst v2  }
0xa4: {  	[tilespmem:s26], [sflag:$0x1] =	stream.indirect.gather [hbm4b:s5+s16], $0x10, s24, s16, $0xb8;
	[tilespmem:$0x1F180] =	vst v63  }
0xa5: {  	s18 =	simm.s32 $0x2800;
	s3 =	simm.s32 $0x1080  }
0xa6: {  	[tilespmem:s18], [sflag:$0x1] =	stream.indirect.gather [hbm4b:s5+s16], $0x10, s3, s16, $0xb8;
	[tilespmem:$0x1F180] =	vst v63  }
0xa7: {  	s22 =	simm.s32 $0x3000;
	s20 =	simm.s32 $0x1100  }
0xa8: {  	[tilespmem:s22], [sflag:$0x1] =	stream.indirect.gather [hbm4b:s5+s16], $0x10, s20, s16, $0xb8;
	[tilespmem:$0x1F180] =	vst v63  }
0xa9: {  	s24 =	simm.s32 $0x1180;
	s26 =	simm.s32 $0x3800  }
0xaa: {  	[tilespmem:s26], [sflag:$0x1] =	stream.indirect.gather [hbm4b:s5+s16], $0x10, s24, s16, $0xb8;
	[tilespmem:$0x1F180] =	vst v63  }
0xab: {  	s18 =	simm.s32 $0x1200;
	s20 =	simm.s32 $0x4000  }
0xac: {  	[tilespmem:s20], [sflag:$0x1] =	stream.indirect.gather [hbm4b:s5+s16], $0x10, s18, s16, $0xb8;
	[tilespmem:$0x1F180] =	vst v63  }
0xad: {  	s22 =	simm.s32 $0x1280  }
0xae: {  	[tilespmem:s29], [sflag:$0x1] =	stream.indirect.gather [hbm4b:s5+s16], $0x10, s22, s16, $0xb8;
	[tilespmem:$0x1F180] =	vst v63  }
0xaf: {  	s24 =	simm.s32 $0x1300  }
0xb0: {  	[tilespmem:s31], [sflag:$0x1] =	stream.indirect.gather [hbm4b:s5+s16], $0x10, s24, s16, $0xb8;
	[tilespmem:$0x1F180] =	vst v63  }
0xb1: {  	s26 =	simm.s32 $0x1380  }
0xb2: {  	[tilespmem:s13], [sflag:$0x1] =	stream.indirect.gather [hbm4b:s5+s16], $0x10, s26, s16, $0xb8;
	[tilespmem:$0x1F180] =	vst v63  }
.LBB2_15:
0xb3: {  	_ =	swait.ge [sflag:s23], $0x800  }
0xb4: {  	[sflag:s23] =	ssyncset.done $0x0  }
0xb5: {  	[sflag:s23] =	ssyncadd.s32 $0xFFFFF800  }
0xb6: {  	_ =	swait.ge [sflag:s23], $0x800  }
0xb7: {  	[sflag:s23] =	ssyncset.done $0x0  }
0xb8: {  	[sflag:s23] =	ssyncadd.s32 $0xFFFFF800  }
0xb9: {  	_ =	swait.ge [sflag:s23], $0x800  }
0xba: {  	[sflag:s23] =	ssyncset.done $0x0  }
0xbb: {  	[sflag:s23] =	ssyncadd.s32 $0xFFFFF800  }
0xbc: {  	_ =	swait.ge [sflag:s23], $0x800  }
0xbd: {  	[sflag:s23] =	ssyncset.done $0x0  }
0xbe: {  	[sflag:s23] =	ssyncadd.s32 $0xFFFFF800  }
0xbf: {  	_ =	swait.ge [sflag:s23], $0x800  }
0xc0: {  	[sflag:s23] =	ssyncset.done $0x0  }
0xc1: {  	[sflag:s23] =	ssyncadd.s32 $0xFFFFF800  }
0xc2: {  	_ =	swait.ge [sflag:s23], $0x800  }
0xc3: {  	[sflag:s23] =	ssyncset.done $0x0  }
0xc4: {  	[sflag:s23] =	ssyncadd.s32 $0xFFFFF800  }
0xc5: {  	_ =	swait.ge [sflag:s23], $0x800  }
0xc6: {  	[sflag:s23] =	ssyncset.done $0x0  }
0xc7: {  	[sflag:s23] =	ssyncadd.s32 $0xFFFFF800  }
0xc8: {  	_ =	swait.ge [sflag:s23], $0x800  }
0xc9: {  	[sflag:s23] =	ssyncset.done $0x0  }
0xca: {  	s0 =	simm.s32 $0x1C00;
	[sflag:s23] =	ssyncadd.s32 $0xFFFFF800  }
0xcb: {  	[spmem:s1] =	stream.indirect.scatter.add.f32 [tilespmem:s4], [sflag:$0x4], $0x10, s0, s16, $0xb8;
	[tilespmem:$0x1F180] =	vst v63  }
0xcc: {  	s26 =	simm.s32 $0x1C80  }
0xcd: {  	[spmem:s1] =	stream.indirect.scatter.add.f32 [tilespmem:s8], [sflag:$0x4], $0x10, s26, s16, $0xb8;
	[tilespmem:$0x1F180] =	vst v63  }
0xce: {  	s3 =	simm.s32 $0x1D00  }
0xcf: {  	[spmem:s1] =	stream.indirect.scatter.add.f32 [tilespmem:s17], [sflag:$0x4], $0x10, s3, s16, $0xb8;
	[tilespmem:$0x1F180] =	vst v63  }
0xd0: {  	s18 =	simm.s32 $0x1D80  }
0xd1: {  	[spmem:s1] =	stream.indirect.scatter.add.f32 [tilespmem:s21], [sflag:$0x4], $0x10, s18, s16, $0xb8;
	[tilespmem:$0x1F180] =	vst v63  }
0xd2: {  	s20 =	simm.s32 $0x1E00;
	s28 =	sadd.s32 $0x1, s28  }
0xd3: {  	[spmem:s1] =	stream.indirect.scatter.add.f32 [tilespmem:s25], [sflag:$0x4], $0x10, s20, s16, $0xb8;
	[tilespmem:$0x1F180] =	vst v63  }
0xd4: {  	s22 =	simm.s32 $0x1E80;
	p0 =	sne.s32 s28, $0xA  }
0xd5: {  	[spmem:s1] =	stream.indirect.scatter.add.f32 [tilespmem:s30], [sflag:$0x4], $0x10, s22, s16, $0xb8;
	[tilespmem:$0x1F180] =	vst v63  }
.Ltmp8:
0xd6: {  	_ = 	snop;
	(pc) =	sbr.rel @!p0 .LBB2_16-.Ltmp8, $4  }
0xd7: {  	s24 =	simm.s32 $0x1F00  }
0xd8: {  	[spmem:s1] =	stream.indirect.scatter.add.f32 [tilespmem:s11], [sflag:$0x4], $0x10, s24, s16, $0xb8;
	[tilespmem:$0x1F180] =	vst v63  }
0xd9: {  	s26 =	simm.s32 $0x1F80  }
0xda: {  	[spmem:s1] =	stream.indirect.scatter.add.f32 [tilespmem:s2], [sflag:$0x4], $0x10, s26, s16, $0xb8;
	[tilespmem:$0x1F180] =	vst v63  }
.LBB2_9:
0xdb: {  	p0 =	seq.s32 s28, $0x0  }
0xdc: {  	s3 =	simm.s32 @!p0 $0x4  }
0xdd: {  	_ =	swait.ge @!p0 [sflag:s3], $0x800  }
0xde: {  	[sflag:s3] =	ssyncset.done @!p0 $0x0  }
0xdf: {  	[sflag:s3] =	ssyncadd.s32 @!p0 $0xFFFFF800  }
0xe0: {  	_ =	swait.ge @!p0 [sflag:s3], $0x800  }
0xe1: {  	[sflag:s3] =	ssyncset.done @!p0 $0x0  }
0xe2: {  	[sflag:s3] =	ssyncadd.s32 @!p0 $0xFFFFF800  }
0xe3: {  	_ =	swait.ge @!p0 [sflag:s3], $0x800  }
0xe4: {  	[sflag:s3] =	ssyncset.done @!p0 $0x0  }
0xe5: {  	[sflag:s3] =	ssyncadd.s32 @!p0 $0xFFFFF800  }
0xe6: {  	_ =	swait.ge @!p0 [sflag:s3], $0x800  }
0xe7: {  	[sflag:s3] =	ssyncset.done @!p0 $0x0  }
0xe8: {  	[sflag:s3] =	ssyncadd.s32 @!p0 $0xFFFFF800  }
0xe9: {  	_ =	swait.ge @!p0 [sflag:s3], $0x800  }
0xea: {  	[sflag:s3] =	ssyncset.done @!p0 $0x0  }
0xeb: {  	[sflag:s3] =	ssyncadd.s32 @!p0 $0xFFFFF800  }
0xec: {  	_ =	swait.ge @!p0 [sflag:s3], $0x800  }
0xed: {  	[sflag:s3] =	ssyncset.done @!p0 $0x0  }
0xee: {  	[sflag:s3] =	ssyncadd.s32 @!p0 $0xFFFFF800  }
0xef: {  	_ =	swait.ge @!p0 [sflag:s3], $0x800  }
0xf0: {  	[sflag:s3] =	ssyncset.done @!p0 $0x0  }
0xf1: {  	s0 =	sshll.u32 s28, $0x1;
	[sflag:s3] =	ssyncadd.s32 @!p0 $0xFFFFF800  }
0xf2: {  	s18 =	sadd.s32 s0, s10;
	_ =	swait.ge @!p0 [sflag:s3], $0x800  }
0xf3: {  	s18 =	sshll.u32 s18, $0x8;
	[sflag:s3] =	ssyncset.done @!p0 $0x0  }
0xf4: {  	s20 =	simm.s32 $0x800;
	s18 =	sadd.s32 s6, s18;
	[sflag:s3] =	ssyncadd.s32 @!p0 $0xFFFFF800  }
0xf5: {  	[tilespmem:s20], [sflag:$0x6] =	stream.linear.gather [hbm4b:s18+s19], $0x800, $0x38;
	[tilespmem:$0x1F180] =	vst v63  }
0xf6: {  	s22 =	simm.s32 $0x0;
	_ =	swait.ge [sflag:s15], $0x800  }
0xf7: {  	s24 =	sand.u32 $0x70, s19;
	s3 =	sand.u32 $0x3FFFFF00, s22;
	[sflag:s15] =	ssyncset.done $0x0  }
0xf8: {  	s20 =	sor.u32 s24, s3;
	[sflag:s15] =	ssyncadd.s32 $0xFFFFF800  }
0xf9: {  	v2 =	vld [tilespmem:s20+$0x880];
	_ =	sdelay $0x1  }
0xfa: {  	s26 =	simm.s32 $0x0  }
0xfb: {  	s3 =	sand.u32 $0xFFFFFF80, s26  }
0xfc: {  	s22 =	sor.u32 s24, s3  }
0xfd: {  	[tilespmem:s22+$0x1C00] =	vst v2  }
0xfe: {  	v2 =	vld [tilespmem:s20+$0x800];
	_ =	sdelay $0x2  }
0xff: {  	s18 =	simm.s32 $0x10  }
0x100: {  	s3 =	simm.s32 $0x1;
	s24 =	simm.s32 $0x20;
	s20 =	simm.s32 $0x2  }
.LBB2_10:
0x101: {  	p0 =	sne.s32 s20, $0x3F;
	s26 =	sand.u32 $0x70, s18;
	s24 =	sand.u32 $0x3FFFFF00, s24;
	v2 =	vadd.s32 v1, v2  }
0x102: {  	s24 =	sor.u32 s26, s24;
	[tilespmem:s22+$0x1400] =	vst v2  }
0x103: {  	v2 =	vld [tilespmem:s24+$0x880];
	_ =	sdelay $0x1  }
0x104: {  	s22 =	sshll.u32 s3, $0x4;
	s3 =	smov.u32 s20  }
0x105: {  	s22 =	sand.u32 $0xFFFFFF80, s22  }
0x106: {  	s22 =	sor.u32 s26, s22  }
0x107: {  	[tilespmem:s22+$0x1C00] =	vst v2  }
.Ltmp9:
0x108: {  	v2 =	vld [tilespmem:s24+$0x800];
	(pc) =	sbr.rel @p0 .LBB2_10-.Ltmp9, $2  }
0x109: {  	_ =	sdelay $0x2  }
0x10a: {  	s18 =	sadd.s32 $0x10, s18;
	s20 =	sadd.s32 $0x1, s20;
	s24 =	sshll.u32 s3, $0x5  }
0x10b: {  	s18 =	sand.u32 $0x70, s18;
	s20 =	sand.u32 $0x3FFFFF00, s24;
	v2 =	vadd.s32 v1, v2  }
0x10c: {  	[tilespmem:s22+$0x1400] =	vst v2;
	s20 =	sor.u32 s18, s20  }
0x10d: {  	v2 =	vld [tilespmem:s20+$0x880];
	_ =	sdelay $0x1  }
0x10e: {  	s3 =	sshll.u32 s3, $0x4  }
0x10f: {  	s3 =	sand.u32 $0xFFFFFF80, s3  }
0x110: {  	s3 =	sor.u32 s18, s3  }
0x111: {  	[tilespmem:s3+$0x1C00] =	vst v2  }
0x112: {  	v2 =	vld [tilespmem:s20+$0x800];
	_ =	sdelay $0x4  }
0x113: {  	v2 =	vadd.s32 v1, v2  }
0x114: {  	s24 =	simm.s32 $0x1400;
	[tilespmem:s3+$0x1400] =	vst v2  }
0x115: {  	[tilespmem:s4], [sflag:$0x2] =	stream.indirect.gather [hbm4b:s5+s16], $0x10, s24, s16, $0xb8;
	[tilespmem:$0x1F180] =	vst v63  }
0x116: {  	s26 =	simm.s32 $0x1480  }
0x117: {  	[tilespmem:s8], [sflag:$0x2] =	stream.indirect.gather [hbm4b:s5+s16], $0x10, s26, s16, $0xb8;
	[tilespmem:$0x1F180] =	vst v63  }
0x118: {  	s18 =	simm.s32 $0x1500  }
0x119: {  	[tilespmem:s17], [sflag:$0x2] =	stream.indirect.gather [hbm4b:s5+s16], $0x10, s18, s16, $0xb8;
	[tilespmem:$0x1F180] =	vst v63  }
0x11a: {  	s20 =	simm.s32 $0x1580  }
0x11b: {  	[tilespmem:s21], [sflag:$0x2] =	stream.indirect.gather [hbm4b:s5+s16], $0x10, s20, s16, $0xb8;
	[tilespmem:$0x1F180] =	vst v63  }
0x11c: {  	s22 =	simm.s32 $0x1600  }
0x11d: {  	[tilespmem:s25], [sflag:$0x2] =	stream.indirect.gather [hbm4b:s5+s16], $0x10, s22, s16, $0xb8;
	[tilespmem:$0x1F180] =	vst v63  }
0x11e: {  	s24 =	simm.s32 $0x1680  }
0x11f: {  	[tilespmem:s30], [sflag:$0x2] =	stream.indirect.gather [hbm4b:s5+s16], $0x10, s24, s16, $0xb8;
	[tilespmem:$0x1F180] =	vst v63  }
0x120: {  	s26 =	simm.s32 $0x1700  }
0x121: {  	[tilespmem:s11], [sflag:$0x2] =	stream.indirect.gather [hbm4b:s5+s16], $0x10, s26, s16, $0xb8;
	[tilespmem:$0x1F180] =	vst v63  }
0x122: {  	s18 =	simm.s32 $0x1780  }
0x123: {  	[tilespmem:s2], [sflag:$0x2] =	stream.indirect.gather [hbm4b:s5+s16], $0x10, s18, s16, $0xb8;
	[tilespmem:$0x1F180] =	vst v63  }
0x124: {  	_ =	swait.ge [sflag:s7], $0x800  }
0x125: {  	[sflag:s7] =	ssyncset.done $0x0  }
0x126: {  	[sflag:s7] =	ssyncadd.s32 $0xFFFFF800  }
0x127: {  	_ =	swait.ge [sflag:s7], $0x800  }
0x128: {  	[sflag:s7] =	ssyncset.done $0x0  }
0x129: {  	[sflag:s7] =	ssyncadd.s32 $0xFFFFF800  }
0x12a: {  	_ =	swait.ge [sflag:s7], $0x800  }
0x12b: {  	[sflag:s7] =	ssyncset.done $0x0  }
0x12c: {  	[sflag:s7] =	ssyncadd.s32 $0xFFFFF800  }
0x12d: {  	_ =	swait.ge [sflag:s7], $0x800  }
0x12e: {  	[sflag:s7] =	ssyncset.done $0x0  }
0x12f: {  	[sflag:s7] =	ssyncadd.s32 $0xFFFFF800  }
0x130: {  	_ =	swait.ge [sflag:s7], $0x800  }
0x131: {  	[sflag:s7] =	ssyncset.done $0x0  }
0x132: {  	[sflag:s7] =	ssyncadd.s32 $0xFFFFF800  }
0x133: {  	_ =	swait.ge [sflag:s7], $0x800  }
0x134: {  	[sflag:s7] =	ssyncset.done $0x0  }
0x135: {  	[sflag:s7] =	ssyncadd.s32 $0xFFFFF800  }
0x136: {  	_ =	swait.ge [sflag:s7], $0x800  }
0x137: {  	[sflag:s7] =	ssyncset.done $0x0  }
0x138: {  	[sflag:s7] =	ssyncadd.s32 $0xFFFFF800  }
0x139: {  	_ =	swait.ge [sflag:s7], $0x800  }
0x13a: {  	[sflag:s7] =	ssyncset.done $0x0  }
0x13b: {  	s20 =	simm.s32 $0x2000;
	s22 =	simm.s32 $0x1800;
	[sflag:s7] =	ssyncadd.s32 $0xFFFFF800  }
0x13c: {  	[spmem:s1] =	stream.indirect.scatter.add.f32 [tilespmem:s20], [sflag:$0x3], $0x10, s22, s16, $0xb8;
	[tilespmem:$0x1F180] =	vst v63  }
0x13d: {  	s24 =	simm.s32 $0x2800;
	s26 =	simm.s32 $0x1880  }
0x13e: {  	[spmem:s1] =	stream.indirect.scatter.add.f32 [tilespmem:s24], [sflag:$0x3], $0x10, s26, s16, $0xb8;
	[tilespmem:$0x1F180] =	vst v63  }
0x13f: {  	s20 =	simm.s32 $0x3000;
	s22 =	simm.s32 $0x1900  }
0x140: {  	[spmem:s1] =	stream.indirect.scatter.add.f32 [tilespmem:s20], [sflag:$0x3], $0x10, s22, s16, $0xb8;
	[tilespmem:$0x1F180] =	vst v63  }
0x141: {  	s24 =	simm.s32 $0x3800;
	s26 =	simm.s32 $0x1980  }
0x142: {  	[spmem:s1] =	stream.indirect.scatter.add.f32 [tilespmem:s24], [sflag:$0x3], $0x10, s26, s16, $0xb8;
	[tilespmem:$0x1F180] =	vst v63  }
0x143: {  	s18 =	simm.s32 $0x4000;
	s20 =	simm.s32 $0x1A00  }
0x144: {  	[spmem:s1] =	stream.indirect.scatter.add.f32 [tilespmem:s18], [sflag:$0x3], $0x10, s20, s16, $0xb8;
	[tilespmem:$0x1F180] =	vst v63  }
0x145: {  	p0 =	seq.s32 s28, $0x9;
	s22 =	simm.s32 $0x1A80  }
0x146: {  	[spmem:s1] =	stream.indirect.scatter.add.f32 [tilespmem:s29], [sflag:$0x3], $0x10, s22, s16, $0xb8;
	[tilespmem:$0x1F180] =	vst v63  }
.Ltmp10:
0x147: {  	_ = 	snop;
	(pc) =	sbr.rel @p0 .LBB2_15-.Ltmp10, $4  }
0x148: {  	s24 =	simm.s32 $0x1B00  }
0x149: {  	[spmem:s1] =	stream.indirect.scatter.add.f32 [tilespmem:s31], [sflag:$0x3], $0x10, s24, s16, $0xb8;
	[tilespmem:$0x1F180] =	vst v63  }
0x14a: {  	s26 =	simm.s32 $0x1B80  }
0x14b: {  	[spmem:s1] =	stream.indirect.scatter.add.f32 [tilespmem:s13], [sflag:$0x3], $0x10, s26, s16, $0xb8;
	[tilespmem:$0x1F180] =	vst v63  }
0x14c: {  	_ =	swait.ge [sflag:s9], $0x800  }
0x14d: {  	[sflag:s9] =	ssyncset.done $0x0  }
0x14e: {  	[sflag:s9] =	ssyncadd.s32 $0xFFFFF800  }
0x14f: {  	_ =	swait.ge [sflag:s9], $0x800  }
0x150: {  	[sflag:s9] =	ssyncset.done $0x0  }
0x151: {  	[sflag:s9] =	ssyncadd.s32 $0xFFFFF800  }
0x152: {  	_ =	swait.ge [sflag:s9], $0x800  }
0x153: {  	[sflag:s9] =	ssyncset.done $0x0  }
0x154: {  	[sflag:s9] =	ssyncadd.s32 $0xFFFFF800  }
0x155: {  	_ =	swait.ge [sflag:s9], $0x800  }
0x156: {  	[sflag:s9] =	ssyncset.done $0x0  }
0x157: {  	[sflag:s9] =	ssyncadd.s32 $0xFFFFF800  }
0x158: {  	_ =	swait.ge [sflag:s9], $0x800  }
0x159: {  	[sflag:s9] =	ssyncset.done $0x0  }
0x15a: {  	[sflag:s9] =	ssyncadd.s32 $0xFFFFF800  }
0x15b: {  	_ =	swait.ge [sflag:s9], $0x800  }
0x15c: {  	[sflag:s9] =	ssyncset.done $0x0  }
0x15d: {  	[sflag:s9] =	ssyncadd.s32 $0xFFFFF800  }
0x15e: {  	_ =	swait.ge [sflag:s9], $0x800  }
0x15f: {  	[sflag:s9] =	ssyncset.done $0x0  }
0x160: {  	[sflag:s9] =	ssyncadd.s32 $0xFFFFF800  }
0x161: {  	_ =	swait.ge [sflag:s9], $0x800  }
0x162: {  	s3 =	rddreg [dreg:$0x8]  }
0x163: {  	s0 =	sadd.s32 s0, s3  }
0x164: {  	[sflag:s9] =	ssyncset.done $0x0;
	s0 =	sshll.u32 s0, $0x8  }
0x165: {  	s22 =	simm.s32 $0x0;
	[sflag:s9] =	ssyncadd.s32 $0xFFFFF800;
	s0 =	sadd.s32 s6, s0  }
0x166: {  	[tilespmem:s22], [sflag:$0x6] =	stream.linear.gather [hbm4b:s0+s22], $0x800, $0x38;
	[tilespmem:$0x1F180] =	vst v63  }
0x167: {  	s24 =	simm.s32 $0x0;
	_ =	swait.ge [sflag:s15], $0x800  }
0x168: {  	s3 =	sand.u32 $0x70, s22;
	s0 =	sand.u32 $0x3FFFFF00, s24;
	[sflag:s15] =	ssyncset.done $0x0  }
0x169: {  	s20 =	sor.u32 s3, s0;
	[sflag:s15] =	ssyncadd.s32 $0xFFFFF800  }
0x16a: {  	v2 =	vld [tilespmem:s20+$0x80];
	_ =	sdelay $0x1  }
0x16b: {  	s26 =	simm.s32 $0x0  }
0x16c: {  	s0 =	sand.u32 $0xFFFFFF80, s26  }
0x16d: {  	s18 =	sor.u32 s3, s0  }
0x16e: {  	[tilespmem:s18+$0x1800] =	vst v2  }
0x16f: {  	v2 =	vld [tilespmem:s20+$0x0];
	_ =	sdelay $0x2  }
0x170: {  	s22 =	simm.s32 $0x20  }
0x171: {  	s0 =	simm.s32 $0x1;
	s3 =	simm.s32 $0x10;
	s20 =	simm.s32 $0x2  }
.LBB2_13:
0x172: {  	p0 =	sne.s32 s20, $0x3F;
	s24 =	sand.u32 $0x70, s3;
	s22 =	sand.u32 $0x3FFFFF00, s22;
	v2 =	vadd.s32 v1, v2  }
0x173: {  	s22 =	sor.u32 s24, s22;
	[tilespmem:s18+$0x1000] =	vst v2  }
0x174: {  	v2 =	vld [tilespmem:s22+$0x80];
	_ =	sdelay $0x1  }
0x175: {  	s18 =	sshll.u32 s0, $0x4;
	s0 =	smov.u32 s20  }
0x176: {  	s18 =	sand.u32 $0xFFFFFF80, s18  }
0x177: {  	s18 =	sor.u32 s24, s18  }
0x178: {  	[tilespmem:s18+$0x1800] =	vst v2  }
.Ltmp11:
0x179: {  	v2 =	vld [tilespmem:s22+$0x0];
	(pc) =	sbr.rel @p0 .LBB2_13-.Ltmp11, $2  }
0x17a: {  	_ =	sdelay $0x2  }
0x17b: {  	s3 =	sadd.s32 $0x10, s3;
	s20 =	sadd.s32 $0x1, s20;
	s22 =	sshll.u32 s0, $0x5  }
.Ltmp12:
0x17c: {  	_ = 	snop;
	(pc) =	sbr.rel .LBB2_14-.Ltmp12, $1  }
0x17d: {  	_ =	sdelay $0x3  }
.LBB2_18:
0x17e: {  	_ =	sfence.sel $0x180000  }
0x17f: {  	[bflag:$0x0] =	sbarrier.arrive $0xFFFF  }
0x180: {  	_ =	strace $0x9000004A  }
0x181: {  	s0 =	stileid.u32;
	[bflag:$0x2] =	sbarrier.arrive $0xFFFF  }
0x182: {  	p0 =	sne.s32 s0, $0x0;
	s0 =	rddreg [dreg:$0x2]  }
0x183: {  	s0 =	sadd.s32 @!p0 $0x100000, s0  }
0x184: {  	[sflag:s0] =	ssyncadd.tile.s32 @!p0 $0x1;
	_ =	shalt  }
.Lfunc_end2:
_tile_overlayer_lowered:
.L_overlay_start_2:
0x185: {  	(tag) =	ssettag $0x2  }
0x186: {  	s0 =	rddreg [dreg:$0x0];
	s2 =	stileid.u32  }
0x187: {  	s1 =	rddreg [dreg:$0x1];
	p0 =	sne.s32 s2, $0x0  }
0x188: {  	s3 =	rddreg [dreg:$0x2];
	[bflag:$0x3] =	sbarrier.arrive $0xFFFF;
	s2 =	simm.s32 @!p0 $0x1C05  }
0x189: {  	[timem:s3], [sflag:s2] =	dma.local @!p0 [hbm:s0], s1  }
0x18a: {  	s0 =	simm.s32 @!p0 $0x5  }
0x18b: {  	_ =	swait.ge @!p0 [sflag:s0], s1  }
0x18c: {  	s1 =	ssub.s32 @!p0 $0x0, s1;
	[sflag:s0] =	ssyncset.done @!p0 $0x0  }
0x18d: {  	[sflag:s0] =	ssyncadd.s32 @!p0 s1  }
0x18e: {  	[bflag:$0x3] =	sbarrier.arrive $0xFFFF  }
0x18f: {  	_ =	shalt  }

</sc_bundles>
